<compile_context>
chip_gen: v7x
topology: tpu7x:2x2x1
jax: 0.10.2.dev20260603
libtpu: 0.0.44.dev20260713+nightly
codegen_flags: <defaults>
</compile_context>

<pallas_src>
import functools

import jax
import jax.numpy as jnp
from jax import lax
from jax.experimental import pallas as pl
from jax.experimental.pallas import tpu as pltpu
from jax.experimental.pallas import tpu_sc as plsc

N = 10000
E = 320000
X = 128
H = 128

NC = 2
NS = 16
NW = NC * NS
EPW = E // NW

G = 32

BCA = 100
CHA = EPW // BCA
PRA = (CHA + G - 1) // G * G + G - CHA

BCB = 40
CHB = EPW // BCB
PRB = (CHB + G - 1) // G * G + G - CHB

NP = 10112
RPT = NP // NS

ROWS = 1000
GRID = N // ROWS



def _tc1_body(x_ref, h_ref, w_ref, uf_ref, ufb_ref, ioux_ref, nfnode_ref,
              huf_ref):
  dn = (((1,), (1,)), ((), ()))
  res = lax.dot_general(x_ref[...], w_ref[...], dn,
                        preferred_element_type=jnp.float32)
  ioux_ref[...] = res[:, : 3 * H]
  nfnode_ref[...] = -res[:, 3 * H:]
  huf_ref[...] = lax.dot_general(h_ref[...], uf_ref[...], dn,
                                 preferred_element_type=jnp.float32) \
      + ufb_ref[...]


def _tc1(x, h, w_iouf, u_f_w, u_f_b):
  return pl.pallas_call(
      _tc1_body,
      grid=(GRID,),
      in_specs=[
          pl.BlockSpec((ROWS, X), lambda i: (i, 0)),
          pl.BlockSpec((ROWS, H), lambda i: (i, 0)),
          pl.BlockSpec((4 * H, X), lambda i: (0, 0)),
          pl.BlockSpec((H, H), lambda i: (0, 0)),
          pl.BlockSpec((1, H), lambda i: (0, 0)),
      ],
      out_specs=[
          pl.BlockSpec((ROWS, 3 * H), lambda i: (i, 0)),
          pl.BlockSpec((ROWS, H), lambda i: (i, 0)),
          pl.BlockSpec((ROWS, H), lambda i: (i, 0)),
      ],
      out_shape=[
          jax.ShapeDtypeStruct((N, 3 * H), jnp.float32),
          jax.ShapeDtypeStruct((N, H), jnp.float32),
          jax.ShapeDtypeStruct((N, H), jnp.float32),
      ],
  )(x, h, w_iouf, u_f_w, u_f_b)



_MESH = plsc.VectorSubcoreMesh(core_axis_name="c", subcore_axis_name="s")


@functools.partial(
    pl.kernel,
    out_type=jax.ShapeDtypeStruct((NC * NP, H), jnp.float32),
    mesh=_MESH,
    scratch_types=[
        pltpu.VMEM((2, G, BCA), jnp.int32),
        pltpu.VMEM((2, G, BCA), jnp.int32),
        pltpu.VMEM((2, BCA, H), jnp.float32),
        pltpu.VMEM_SHARED((NP, H), jnp.float32),
        pltpu.SemaphoreType.DMA,
        pltpu.SemaphoreType.DMA,
    ],
)
def _sc_htild(h_hbm, src_hbm, dst_hbm, zeros_hbm, out_hbm,
              sidx, didx, rows, acc, sem0, sem1):
  cid = lax.axis_index("c")
  sid = lax.axis_index("s")
  wid = sid * NC + cid
  src_w = src_hbm.at[wid]
  dst_w = dst_hbm.at[wid]
  pltpu.sync_copy(src_w.at[pl.ds(0, G)], sidx.at[0])
  pltpu.sync_copy(dst_w.at[pl.ds(0, G)], didx.at[0])
  pltpu.sync_copy(zeros_hbm.at[pl.ds(sid * RPT, RPT)],
                  acc.at[pl.ds(sid * RPT, RPT)])
  plsc.subcore_barrier()

  sems = (sem0, sem1)
  for b in (0, 1):
    pltpu.async_copy(h_hbm.at[sidx.at[0, b]], rows.at[b], sems[b])

  def body(j, carry):
    for b in (0, 1):
      i = 2 * j + b
      nxt = i + 2
      gn = lax.div(nxt, G)
      pltpu.make_async_copy(h_hbm.at[sidx.at[0, 0]], rows.at[b],
                            sems[b]).wait()

      @pl.when(lax.rem(nxt, G) == 0)
      def _load_group():
        sl = lax.rem(gn, 2)
        pltpu.sync_copy(src_w.at[pl.ds(gn * G, G)], sidx.at[sl])
        pltpu.sync_copy(dst_w.at[pl.ds(gn * G, G)], didx.at[sl])

      pltpu.async_copy(h_hbm.at[sidx.at[lax.rem(gn, 2), lax.rem(nxt, G)]],
                       rows.at[b], sems[b])
      pltpu.sync_copy(rows.at[b],
                      acc.at[didx.at[lax.rem(lax.div(i, G), 2),
                                     lax.rem(i, G)]], add=True)
    return carry

  lax.fori_loop(0, CHA // 2, body, 0)
  for b in (0, 1):
    pltpu.make_async_copy(h_hbm.at[sidx.at[0, 0]], rows.at[b],
                          sems[b]).wait()
  plsc.subcore_barrier()
  pltpu.sync_copy(acc.at[pl.ds(sid * RPT, RPT)],
                  out_hbm.at[pl.ds(cid * NP + sid * RPT, RPT)])



@functools.partial(
    pl.kernel,
    out_type=jax.ShapeDtypeStruct((NC * NP, H), jnp.float32),
    mesh=_MESH,
    scratch_types=[
        pltpu.VMEM((2, G, BCB), jnp.int32),
        pltpu.VMEM((2, G, BCB), jnp.int32),
        pltpu.VMEM((2, BCB, 2 * H), jnp.float32),
        pltpu.VMEM((2, BCB, H), jnp.float32),
        pltpu.VMEM_SHARED((NP, H), jnp.float32),
        pltpu.SemaphoreType.DMA,
        pltpu.SemaphoreType.DMA,
        pltpu.SemaphoreType.DMA,
        pltpu.SemaphoreType.DMA,
    ],
)
def _sc_cagg(cu_hbm, nf_hbm, src_hbm, dst_hbm, zeros_hbm, out_hbm,
             sidx, didx, cu_rows, f_rows, acc,
             semc0, semc1, semf0, semf1):
  cid = lax.axis_index("c")
  sid = lax.axis_index("s")
  wid = sid * NC + cid
  src_w = src_hbm.at[wid]
  dst_w = dst_hbm.at[wid]
  pltpu.sync_copy(src_w.at[pl.ds(0, G)], sidx.at[0])
  pltpu.sync_copy(dst_w.at[pl.ds(0, G)], didx.at[0])
  pltpu.sync_copy(zeros_hbm.at[pl.ds(sid * RPT, RPT)],
                  acc.at[pl.ds(sid * RPT, RPT)])
  plsc.subcore_barrier()

  semc = (semc0, semc1)
  semf = (semf0, semf1)
  for b in (0, 1):
    pltpu.async_copy(cu_hbm.at[sidx.at[0, b]], cu_rows.at[b], semc[b])
    pltpu.async_copy(nf_hbm.at[didx.at[0, b]], f_rows.at[b], semf[b])

  def body(j, carry):
    for b in (0, 1):
      i = 2 * j + b
      nxt = i + 2
      gn = lax.div(nxt, G)
      pltpu.make_async_copy(cu_hbm.at[sidx.at[0, 0]], cu_rows.at[b],
                            semc[b]).wait()
      pltpu.make_async_copy(nf_hbm.at[didx.at[0, 0]], f_rows.at[b],
                            semf[b]).wait()
      cu_b = cu_rows.at[b]
      f_b = f_rows.at[b]

      @plsc.parallel_loop(0, BCB, 1, unroll=4)
      def row(r):
        for k in range(H // 16):
          sl = pl.ds(k * 16, 16)
          t = f_b[r, sl] - cu_b[r, pl.ds(H + k * 16, 16)]
          f_b[r, sl] = cu_b[r, sl] / (1.0 + jnp.exp(t))

      @pl.when(lax.rem(nxt, G) == 0)
      def _load_group():
        sl = lax.rem(gn, 2)
        pltpu.sync_copy(src_w.at[pl.ds(gn * G, G)], sidx.at[sl])
        pltpu.sync_copy(dst_w.at[pl.ds(gn * G, G)], didx.at[sl])

      pltpu.async_copy(cu_hbm.at[sidx.at[lax.rem(gn, 2), lax.rem(nxt, G)]],
                       cu_rows.at[b], semc[b])
      pltpu.async_copy(nf_hbm.at[didx.at[lax.rem(gn, 2), lax.rem(nxt, G)]],
                       f_rows.at[b], semf[b])
      pltpu.sync_copy(f_rows.at[b],
                      acc.at[didx.at[lax.rem(lax.div(i, G), 2),
                                     lax.rem(i, G)]], add=True)
    return carry

  lax.fori_loop(0, CHB // 2, body, 0)
  for b in (0, 1):
    pltpu.make_async_copy(cu_hbm.at[sidx.at[0, 0]], cu_rows.at[b],
                          semc[b]).wait()
    pltpu.make_async_copy(nf_hbm.at[didx.at[0, 0]], f_rows.at[b],
                          semf[b]).wait()
  plsc.subcore_barrier()
  pltpu.sync_copy(acc.at[pl.ds(sid * RPT, RPT)],
                  out_hbm.at[pl.ds(cid * NP + sid * RPT, RPT)])



def _tc2_body(ioux_ref, hp_ref, cp_ref, uiou_ref, biou_ref,
              h_out_ref, c_out_ref):
  h_tild = hp_ref[0] + hp_ref[1]
  dn = (((1,), (1,)), ((), ()))
  sum_iou = lax.dot_general(h_tild, uiou_ref[...], dn,
                            preferred_element_type=jnp.float32)
  iou = ioux_ref[...] + sum_iou + biou_ref[...]
  i_g = jax.nn.sigmoid(iou[:, :H])
  o_g = jax.nn.sigmoid(iou[:, H:2 * H])
  u_g = jnp.tanh(iou[:, 2 * H:])
  c_agg = cp_ref[0] + cp_ref[1]
  c_out = i_g * u_g + c_agg
  c_out_ref[...] = c_out
  h_out_ref[...] = o_g * jnp.tanh(c_out)


def _tc2(iou_x, hp, cp, u_iou, b_iou):
  return pl.pallas_call(
      _tc2_body,
      grid=(GRID,),
      in_specs=[
          pl.BlockSpec((ROWS, 3 * H), lambda i: (i, 0)),
          pl.BlockSpec((NC, ROWS, H), lambda i: (0, i, 0)),
          pl.BlockSpec((NC, ROWS, H), lambda i: (0, i, 0)),
          pl.BlockSpec((3 * H, H), lambda i: (0, 0)),
          pl.BlockSpec((1, 3 * H), lambda i: (0, 0)),
      ],
      out_specs=[
          pl.BlockSpec((ROWS, H), lambda i: (i, 0)),
          pl.BlockSpec((ROWS, H), lambda i: (i, 0)),
      ],
      out_shape=[
          jax.ShapeDtypeStruct((N, H), jnp.float32),
          jax.ShapeDtypeStruct((N, H), jnp.float32),
      ],
  )(iou_x, hp, cp, u_iou, b_iou)



def kernel(x, h, c, edge_index, W_iouf, U_iou, U_f_w, U_f_b, b_iou):
  src = edge_index[0]
  dst = edge_index[1]
  srcA = jnp.pad(src.reshape(NW, CHA, BCA), ((0, 0), (0, PRA), (0, 0)))
  dstA = jnp.pad(dst.reshape(NW, CHA, BCA), ((0, 0), (0, PRA), (0, 0)))
  srcB = jnp.pad(src.reshape(NW, CHB, BCB), ((0, 0), (0, PRB), (0, 0)))
  dstB = jnp.pad(dst.reshape(NW, CHB, BCB), ((0, 0), (0, PRB), (0, 0)))

  iou_x, nf_node, huf = _tc1(x, h, W_iouf, U_f_w, U_f_b.reshape(1, H))
  cu = jnp.concatenate([c, huf], axis=1)
  zeros = jnp.zeros((NP, H), jnp.float32)
  hp = _sc_htild(h, srcA, dstA, zeros).reshape(NC, NP, H)
  cp = _sc_cagg(cu, nf_node, srcB, dstB, zeros).reshape(NC, NP, H)
  h_out, c_out = _tc2(iou_x, hp, cp, U_iou, b_iou.reshape(1, 3 * H))
  return (h_out, c_out)

# --- scband reference (transcript-rebuilt; emitter-appended) ---
"""Pipeline reference for scband-child-sum-tree-lstmop-25323127177890 (READ-ONLY COPY).

The authoritative reference and input builder live on the scoring server;
editing this copy changes nothing except your own understanding.
"""

import jax, jax.numpy as jnp
import numpy as np

N = 10000
E = 320000
X = 128
H = 128


def setup_inputs(seed: int = 0) -> dict:
    key = jax.random.key(seed)
    ks = jax.random.split(key, 8)
    x = jax.random.normal(ks[0], (N, X), dtype=jnp.float32)
    h = jax.random.normal(ks[1], (N, H), dtype=jnp.float32)
    c = jax.random.normal(ks[2], (N, H), dtype=jnp.float32)
    edge_index = jax.random.randint(ks[3], (2, E), 0, N, dtype=jnp.int32)
    # parameters (PyTorch Linear stores weight as [out, in])
    W_iouf = jax.random.normal(ks[4], (4 * H, X), dtype=jnp.float32) * 0.05
    U_iou = jax.random.normal(ks[5], (3 * H, H), dtype=jnp.float32) * 0.05
    U_f_w = jax.random.normal(ks[6], (H, H), dtype=jnp.float32) * 0.05
    U_f_b = jnp.zeros((H,), dtype=jnp.float32)
    b_iou = jnp.zeros((3 * H,), dtype=jnp.float32)
    return {"x": x, "h": h, "c": c, "edge_index": edge_index,
            "W_iouf": W_iouf, "U_iou": U_iou, "U_f_w": U_f_w,
            "U_f_b": U_f_b, "b_iou": b_iou}


def reference(x, h, c, edge_index, W_iouf, U_iou, U_f_w, U_f_b, b_iou):
    # node-level precompute: iouf = W_iouf(x); split into iou (3H) and f (H)
    iouf = x @ W_iouf.T
    iou_x = iouf[:, :3 * H]
    f_node = iouf[:, 3 * H:]
    src = edge_index[0]
    dst = edge_index[1]
    # message_func: gather src h, c along edges
    h_src = jnp.take(h, src, axis=0)
    c_src = jnp.take(c, src, axis=0)
    # reduce_func: f = sigmoid(f_dst + U_f(h_src)); c = sum_children f * c_src
    f_e = jax.nn.sigmoid(jnp.take(f_node, dst, axis=0) + h_src @ U_f_w.T + U_f_b)
    c_agg = jax.ops.segment_sum(f_e * c_src, dst, num_segments=N)
    # h_tild = sum_children h_src; sum = U_iou(h_tild)
    h_tild = jax.ops.segment_sum(h_src, dst, num_segments=N)
    sum_iou = h_tild @ U_iou.T
    # apply_node_func
    iou = iou_x + sum_iou + b_iou
    i, o, u = jnp.split(iou, 3, axis=-1)
    i = jax.nn.sigmoid(i)
    o = jax.nn.sigmoid(o)
    u = jnp.tanh(u)
    c_out = i * u + c_agg
    h_out = o * jnp.tanh(c_out)
    return (h_out, c_out)

if __name__ == "__main__":
    import jax
    _d = setup_inputs()
    print(jax.jit(kernel)(*tuple(_d.values())))

</pallas_src>

<mosaic_0001>
#map = affine_map<(d0, d1) -> (0, 0)>
#map1 = affine_map<(d0, d1) -> (0, 0, 0)>
module attributes {stable_mosaic.version = 14 : i64} {
  func.func @_sc_cagg(%arg0: i32, %arg1: i32, %arg2: memref<10000x256xf32, #tpu.memory_space<hbm>>, %arg3: memref<10000x128xf32, #tpu.memory_space<hbm>>, %arg4: memref<32x288x40xi32, #tpu.memory_space<hbm>>, %arg5: memref<32x288x40xi32, #tpu.memory_space<hbm>>, %arg6: memref<10112x128xf32, #tpu.memory_space<hbm>>, %arg7: memref<20224x128xf32, #tpu.memory_space<hbm>>, %arg8: memref<2x32x40xi32, #tpu.memory_space<vmem>>, %arg9: memref<2x32x40xi32, #tpu.memory_space<vmem>>, %arg10: memref<2x40x256xf32, #tpu.memory_space<vmem>>, %arg11: memref<2x40x128xf32, #tpu.memory_space<vmem>>, %arg12: memref<10112x128xf32, #tpu.memory_space<vmem_shared>>, %arg13: memref<!tpu.dma_semaphore, #tpu.memory_space<semaphore_mem>>, %arg14: memref<!tpu.dma_semaphore, #tpu.memory_space<semaphore_mem>>, %arg15: memref<!tpu.dma_semaphore, #tpu.memory_space<semaphore_mem>>, %arg16: memref<!tpu.dma_semaphore, #tpu.memory_space<semaphore_mem>>) attributes {dimension_semantics = [#tpu.dimension_semantics<core_parallel>, #tpu.dimension_semantics<subcore_parallel>], iteration_bounds = array<i64: 2, 16>, scalar_prefetch = 0 : i64, scratch_operands = 9 : i64, tpu.core_type = #tpu.core_type<sc_vector_subcore>, window_params = [{transform_indices = #map}, {transform_indices = #map}, {transform_indices = #map1}, {transform_indices = #map1}, {transform_indices = #map}, {transform_indices = #map}]} {
    %mul3A = arith.constant 2 : i32
    %mul3A_0 = arith.muli %arg1, %mul3A : i32
    %add3A = arith.addi %mul3A_0, %arg0 : i32
    %run_scoped3A = arith.constant 0 : i32
    "tpu.region"() ({
      %run_scoped3A_121 = tpu.sem_alloc : memref<!tpu.dma_semaphore, #tpu.memory_space<semaphore_mem>>
      %dma_start3A_122 = arith.constant 0 : i32
      %dma_start3A_123 = arith.constant 0 : i32
      %dma_start3A_124 = tpu.memref_slice %arg8[%run_scoped3A, %dma_start3A_122, %dma_start3A_123] : memref<2x32x40xi32, #tpu.memory_space<vmem>> -> memref<1x32x40xi32, #tpu.memory_space<vmem>>
      %dma_start3A_125 = tpu.memref_squeeze %dma_start3A_124 : memref<1x32x40xi32, #tpu.memory_space<vmem>> -> memref<32x40xi32, #tpu.memory_space<vmem>>
      %dma_start3A_126 = arith.constant 0 : i32
      %dma_start3A_127 = arith.constant 0 : i32
      %dma_start3A_128 = tpu.memref_slice %arg4[%add3A, %dma_start3A_126, %dma_start3A_127] : memref<32x288x40xi32, #tpu.memory_space<hbm>> -> memref<1x288x40xi32, #tpu.memory_space<hbm>>
      %dma_start3A_129 = tpu.memref_squeeze %dma_start3A_128 : memref<1x288x40xi32, #tpu.memory_space<hbm>> -> memref<288x40xi32, #tpu.memory_space<hbm>>
      %dma_start3A_130 = arith.constant 0 : i32
      %dma_start3A_131 = arith.constant 0 : i32
      %dma_start3A_132 = tpu.memref_slice %dma_start3A_129[%dma_start3A_130, %dma_start3A_131] : memref<288x40xi32, #tpu.memory_space<hbm>> -> memref<32x40xi32, #tpu.memory_space<hbm>>
      %dma_start3A_133 = arith.constant 0 : i32
      %dma_start3A_134 = arith.constant 0 : i32
      %dma_start3A_135 = tpu.memref_slice %arg8[%run_scoped3A, %dma_start3A_133, %dma_start3A_134] : memref<2x32x40xi32, #tpu.memory_space<vmem>> -> memref<1x32x40xi32, #tpu.memory_space<vmem>>
      %dma_start3A_136 = tpu.memref_squeeze %dma_start3A_135 : memref<1x32x40xi32, #tpu.memory_space<vmem>> -> memref<32x40xi32, #tpu.memory_space<vmem>>
      %dma_start3A_137 = arith.constant 0 : i32
      %dma_start3A_138 = arith.constant 0 : i32
      %dma_start3A_139 = tpu.memref_slice %arg4[%add3A, %dma_start3A_137, %dma_start3A_138] : memref<32x288x40xi32, #tpu.memory_space<hbm>> -> memref<1x288x40xi32, #tpu.memory_space<hbm>>
      %dma_start3A_140 = tpu.memref_squeeze %dma_start3A_139 : memref<1x288x40xi32, #tpu.memory_space<hbm>> -> memref<288x40xi32, #tpu.memory_space<hbm>>
      %dma_start3A_141 = arith.constant 0 : i32
      %dma_start3A_142 = arith.constant 0 : i32
      %dma_start3A_143 = tpu.memref_slice %dma_start3A_140[%dma_start3A_141, %dma_start3A_142] : memref<288x40xi32, #tpu.memory_space<hbm>> -> memref<32x40xi32, #tpu.memory_space<hbm>>
      tpu.enqueue_dma source(%dma_start3A_143 : memref<32x40xi32, #tpu.memory_space<hbm>>) target(%dma_start3A_136 : memref<32x40xi32, #tpu.memory_space<vmem>>) target_semaphore(%run_scoped3A_121 : memref<!tpu.dma_semaphore, #tpu.memory_space<semaphore_mem>>)
      %dma_wait3A_144 = arith.constant 0 : i32
      %dma_wait3A_145 = arith.constant 0 : i32
      %dma_wait3A_146 = tpu.memref_slice %arg8[%run_scoped3A, %dma_wait3A_144, %dma_wait3A_145] : memref<2x32x40xi32, #tpu.memory_space<vmem>> -> memref<1x32x40xi32, #tpu.memory_space<vmem>>
      %dma_wait3A_147 = tpu.memref_squeeze %dma_wait3A_146 : memref<1x32x40xi32, #tpu.memory_space<vmem>> -> memref<32x40xi32, #tpu.memory_space<vmem>>
      %dma_wait3A_148 = arith.constant 0 : i32
      %dma_wait3A_149 = arith.constant 0 : i32
      %dma_wait3A_150 = tpu.memref_slice %arg4[%add3A, %dma_wait3A_148, %dma_wait3A_149] : memref<32x288x40xi32, #tpu.memory_space<hbm>> -> memref<1x288x40xi32, #tpu.memory_space<hbm>>
      %dma_wait3A_151 = tpu.memref_squeeze %dma_wait3A_150 : memref<1x288x40xi32, #tpu.memory_space<hbm>> -> memref<288x40xi32, #tpu.memory_space<hbm>>
      %dma_wait3A_152 = arith.constant 0 : i32
      %dma_wait3A_153 = arith.constant 0 : i32
      %dma_wait3A_154 = tpu.memref_slice %dma_wait3A_151[%dma_wait3A_152, %dma_wait3A_153] : memref<288x40xi32, #tpu.memory_space<hbm>> -> memref<32x40xi32, #tpu.memory_space<hbm>>
      %dma_wait3A_155 = arith.constant 0 : i32
      %dma_wait3A_156 = arith.constant 0 : i32
      %dma_wait3A_157 = tpu.memref_slice %arg8[%run_scoped3A, %dma_wait3A_155, %dma_wait3A_156] : memref<2x32x40xi32, #tpu.memory_space<vmem>> -> memref<1x32x40xi32, #tpu.memory_space<vmem>>
      %dma_wait3A_158 = tpu.memref_squeeze %dma_wait3A_157 : memref<1x32x40xi32, #tpu.memory_space<vmem>> -> memref<32x40xi32, #tpu.memory_space<vmem>>
      %dma_wait3A_159 = arith.constant 0 : i32
      %dma_wait3A_160 = arith.constant 0 : i32
      %dma_wait3A_161 = tpu.memref_slice %arg4[%add3A, %dma_wait3A_159, %dma_wait3A_160] : memref<32x288x40xi32, #tpu.memory_space<hbm>> -> memref<1x288x40xi32, #tpu.memory_space<hbm>>
      %dma_wait3A_162 = tpu.memref_squeeze %dma_wait3A_161 : memref<1x288x40xi32, #tpu.memory_space<hbm>> -> memref<288x40xi32, #tpu.memory_space<hbm>>
      %dma_wait3A_163 = arith.constant 0 : i32
      %dma_wait3A_164 = arith.constant 0 : i32
      %dma_wait3A_165 = tpu.memref_slice %dma_wait3A_162[%dma_wait3A_163, %dma_wait3A_164] : memref<288x40xi32, #tpu.memory_space<hbm>> -> memref<32x40xi32, #tpu.memory_space<hbm>>
      tpu.wait_dma2 semaphore(%run_scoped3A_121 : memref<!tpu.dma_semaphore, #tpu.memory_space<semaphore_mem>>) src(%dma_wait3A_165 : memref<32x40xi32, #tpu.memory_space<hbm>>) dst(%dma_wait3A_158 : memref<32x40xi32, #tpu.memory_space<vmem>>)
      tpu.yield
    }) : () -> ()
    %run_scoped3A_1 = arith.constant 0 : i32
    "tpu.region"() ({
      %run_scoped3A_121 = tpu.sem_alloc : memref<!tpu.dma_semaphore, #tpu.memory_space<semaphore_mem>>
      %dma_start3A_122 = arith.constant 0 : i32
      %dma_start3A_123 = arith.constant 0 : i32
      %dma_start3A_124 = tpu.memref_slice %arg9[%run_scoped3A_1, %dma_start3A_122, %dma_start3A_123] : memref<2x32x40xi32, #tpu.memory_space<vmem>> -> memref<1x32x40xi32, #tpu.memory_space<vmem>>
      %dma_start3A_125 = tpu.memref_squeeze %dma_start3A_124 : memref<1x32x40xi32, #tpu.memory_space<vmem>> -> memref<32x40xi32, #tpu.memory_space<vmem>>
      %dma_start3A_126 = arith.constant 0 : i32
      %dma_start3A_127 = arith.constant 0 : i32
      %dma_start3A_128 = tpu.memref_slice %arg5[%add3A, %dma_start3A_126, %dma_start3A_127] : memref<32x288x40xi32, #tpu.memory_space<hbm>> -> memref<1x288x40xi32, #tpu.memory_space<hbm>>
      %dma_start3A_129 = tpu.memref_squeeze %dma_start3A_128 : memref<1x288x40xi32, #tpu.memory_space<hbm>> -> memref<288x40xi32, #tpu.memory_space<hbm>>
      %dma_start3A_130 = arith.constant 0 : i32
      %dma_start3A_131 = arith.constant 0 : i32
      %dma_start3A_132 = tpu.memref_slice %dma_start3A_129[%dma_start3A_130, %dma_start3A_131] : memref<288x40xi32, #tpu.memory_space<hbm>> -> memref<32x40xi32, #tpu.memory_space<hbm>>
      %dma_start3A_133 = arith.constant 0 : i32
      %dma_start3A_134 = arith.constant 0 : i32
      %dma_start3A_135 = tpu.memref_slice %arg9[%run_scoped3A_1, %dma_start3A_133, %dma_start3A_134] : memref<2x32x40xi32, #tpu.memory_space<vmem>> -> memref<1x32x40xi32, #tpu.memory_space<vmem>>
      %dma_start3A_136 = tpu.memref_squeeze %dma_start3A_135 : memref<1x32x40xi32, #tpu.memory_space<vmem>> -> memref<32x40xi32, #tpu.memory_space<vmem>>
      %dma_start3A_137 = arith.constant 0 : i32
      %dma_start3A_138 = arith.constant 0 : i32
      %dma_start3A_139 = tpu.memref_slice %arg5[%add3A, %dma_start3A_137, %dma_start3A_138] : memref<32x288x40xi32, #tpu.memory_space<hbm>> -> memref<1x288x40xi32, #tpu.memory_space<hbm>>
      %dma_start3A_140 = tpu.memref_squeeze %dma_start3A_139 : memref<1x288x40xi32, #tpu.memory_space<hbm>> -> memref<288x40xi32, #tpu.memory_space<hbm>>
      %dma_start3A_141 = arith.constant 0 : i32
      %dma_start3A_142 = arith.constant 0 : i32
      %dma_start3A_143 = tpu.memref_slice %dma_start3A_140[%dma_start3A_141, %dma_start3A_142] : memref<288x40xi32, #tpu.memory_space<hbm>> -> memref<32x40xi32, #tpu.memory_space<hbm>>
      tpu.enqueue_dma source(%dma_start3A_143 : memref<32x40xi32, #tpu.memory_space<hbm>>) target(%dma_start3A_136 : memref<32x40xi32, #tpu.memory_space<vmem>>) target_semaphore(%run_scoped3A_121 : memref<!tpu.dma_semaphore, #tpu.memory_space<semaphore_mem>>)
      %dma_wait3A_144 = arith.constant 0 : i32
      %dma_wait3A_145 = arith.constant 0 : i32
      %dma_wait3A_146 = tpu.memref_slice %arg9[%run_scoped3A_1, %dma_wait3A_144, %dma_wait3A_145] : memref<2x32x40xi32, #tpu.memory_space<vmem>> -> memref<1x32x40xi32, #tpu.memory_space<vmem>>
      %dma_wait3A_147 = tpu.memref_squeeze %dma_wait3A_146 : memref<1x32x40xi32, #tpu.memory_space<vmem>> -> memref<32x40xi32, #tpu.memory_space<vmem>>
      %dma_wait3A_148 = arith.constant 0 : i32
      %dma_wait3A_149 = arith.constant 0 : i32
      %dma_wait3A_150 = tpu.memref_slice %arg5[%add3A, %dma_wait3A_148, %dma_wait3A_149] : memref<32x288x40xi32, #tpu.memory_space<hbm>> -> memref<1x288x40xi32, #tpu.memory_space<hbm>>
      %dma_wait3A_151 = tpu.memref_squeeze %dma_wait3A_150 : memref<1x288x40xi32, #tpu.memory_space<hbm>> -> memref<288x40xi32, #tpu.memory_space<hbm>>
      %dma_wait3A_152 = arith.constant 0 : i32
      %dma_wait3A_153 = arith.constant 0 : i32
      %dma_wait3A_154 = tpu.memref_slice %dma_wait3A_151[%dma_wait3A_152, %dma_wait3A_153] : memref<288x40xi32, #tpu.memory_space<hbm>> -> memref<32x40xi32, #tpu.memory_space<hbm>>
      %dma_wait3A_155 = arith.constant 0 : i32
      %dma_wait3A_156 = arith.constant 0 : i32
      %dma_wait3A_157 = tpu.memref_slice %arg9[%run_scoped3A_1, %dma_wait3A_155, %dma_wait3A_156] : memref<2x32x40xi32, #tpu.memory_space<vmem>> -> memref<1x32x40xi32, #tpu.memory_space<vmem>>
      %dma_wait3A_158 = tpu.memref_squeeze %dma_wait3A_157 : memref<1x32x40xi32, #tpu.memory_space<vmem>> -> memref<32x40xi32, #tpu.memory_space<vmem>>
      %dma_wait3A_159 = arith.constant 0 : i32
      %dma_wait3A_160 = arith.constant 0 : i32
      %dma_wait3A_161 = tpu.memref_slice %arg5[%add3A, %dma_wait3A_159, %dma_wait3A_160] : memref<32x288x40xi32, #tpu.memory_space<hbm>> -> memref<1x288x40xi32, #tpu.memory_space<hbm>>
      %dma_wait3A_162 = tpu.memref_squeeze %dma_wait3A_161 : memref<1x288x40xi32, #tpu.memory_space<hbm>> -> memref<288x40xi32, #tpu.memory_space<hbm>>
      %dma_wait3A_163 = arith.constant 0 : i32
      %dma_wait3A_164 = arith.constant 0 : i32
      %dma_wait3A_165 = tpu.memref_slice %dma_wait3A_162[%dma_wait3A_163, %dma_wait3A_164] : memref<288x40xi32, #tpu.memory_space<hbm>> -> memref<32x40xi32, #tpu.memory_space<hbm>>
      tpu.wait_dma2 semaphore(%run_scoped3A_121 : memref<!tpu.dma_semaphore, #tpu.memory_space<semaphore_mem>>) src(%dma_wait3A_165 : memref<32x40xi32, #tpu.memory_space<hbm>>) dst(%dma_wait3A_158 : memref<32x40xi32, #tpu.memory_space<vmem>>)
      tpu.yield
    }) : () -> ()
    %mul3A_2 = arith.constant 632 : i32
    %mul3A_3 = arith.muli %arg1, %mul3A_2 : i32
    %mul3A_4 = arith.constant 632 : i32
    %mul3A_5 = arith.muli %arg1, %mul3A_4 : i32
    "tpu.region"() ({
      %run_scoped3A_121 = tpu.sem_alloc : memref<!tpu.dma_semaphore, #tpu.memory_space<semaphore_mem>>
      %dma_start3A_122 = arith.constant 0 : i32
      %dma_start3A_123 = tpu.memref_slice %arg12[%mul3A_5, %dma_start3A_122] : memref<10112x128xf32, #tpu.memory_space<vmem_shared>> -> memref<632x128xf32, #tpu.memory_space<vmem_shared>>
      %dma_start3A_124 = arith.constant 0 : i32
      %dma_start3A_125 = tpu.memref_slice %arg6[%mul3A_3, %dma_start3A_124] : memref<10112x128xf32, #tpu.memory_space<hbm>> -> memref<632x128xf32, #tpu.memory_space<hbm>>
      tpu.enqueue_dma source(%dma_start3A_125 : memref<632x128xf32, #tpu.memory_space<hbm>>) target(%dma_start3A_123 : memref<632x128xf32, #tpu.memory_space<vmem_shared>>) target_semaphore(%run_scoped3A_121 : memref<!tpu.dma_semaphore, #tpu.memory_space<semaphore_mem>>)
      %dma_wait3A_126 = arith.constant 0 : i32
      %dma_wait3A_127 = tpu.memref_slice %arg12[%mul3A_5, %dma_wait3A_126] : memref<10112x128xf32, #tpu.memory_space<vmem_shared>> -> memref<632x128xf32, #tpu.memory_space<vmem_shared>>
      %dma_wait3A_128 = arith.constant 0 : i32
      %dma_wait3A_129 = tpu.memref_slice %arg6[%mul3A_3, %dma_wait3A_128] : memref<10112x128xf32, #tpu.memory_space<hbm>> -> memref<632x128xf32, #tpu.memory_space<hbm>>
      tpu.wait_dma2 semaphore(%run_scoped3A_121 : memref<!tpu.dma_semaphore, #tpu.memory_space<semaphore_mem>>) src(%dma_wait3A_129 : memref<632x128xf32, #tpu.memory_space<hbm>>) dst(%dma_wait3A_127 : memref<632x128xf32, #tpu.memory_space<vmem_shared>>)
      tpu.yield
    }) : () -> ()
    %barrier3A = arith.constant 0 : index
    tpu.barrier barrier_id(%barrier3A)
    %dma_start3A = arith.constant 0 : i32
    %dma_start3A_6 = arith.constant 0 : i32
    %dma_start3A_7 = arith.constant 0 : i32
    %dma_start3A_8 = arith.constant 0 : i32
    %dma_start3A_9 = arith.constant 0 : i32
    %dma_start3A_10 = tpu.memref_slice %arg10[%dma_start3A_7, %dma_start3A_8, %dma_start3A_9] : memref<2x40x256xf32, #tpu.memory_space<vmem>> -> memref<1x40x256xf32, #tpu.memory_space<vmem>>
    %dma_start3A_11 = tpu.memref_squeeze %dma_start3A_10 : memref<1x40x256xf32, #tpu.memory_space<vmem>> -> memref<40x256xf32, #tpu.memory_space<vmem>>
    %dma_start3A_12 = arith.constant 0 : i32
    %dma_start3A_13 = tpu.memref_slice %arg8[%dma_start3A, %dma_start3A_6, %dma_start3A_12] : memref<2x32x40xi32, #tpu.memory_space<vmem>> -> memref<1x1x40xi32, #tpu.memory_space<vmem>>
    %dma_start3A_14 = tpu.memref_squeeze %dma_start3A_13 : memref<1x1x40xi32, #tpu.memory_space<vmem>> -> memref<40xi32, #tpu.memory_space<vmem>>
    %dma_start3A_15 = arith.constant 0 : i32
    %dma_start3A_16 = arith.constant 0 : i32
    %dma_start3A_17 = tpu.memref_slice %arg2[%dma_start3A_15, %dma_start3A_16] : memref<10000x256xf32, #tpu.memory_space<hbm>> -> memref<10000x256xf32, #tpu.memory_space<hbm>>
    tpu.enqueue_indirect_dma source(%dma_start3A_17 : memref<10000x256xf32, #tpu.memory_space<hbm>>) target(%dma_start3A_11 : memref<40x256xf32, #tpu.memory_space<vmem>>) offsets(%dma_start3A_14 : memref<40xi32, #tpu.memory_space<vmem>>) semaphore(%arg13 : memref<!tpu.dma_semaphore, #tpu.memory_space<semaphore_mem>>)
    %dma_start3A_18 = arith.constant 0 : i32
    %dma_start3A_19 = arith.constant 0 : i32
    %dma_start3A_20 = arith.constant 0 : i32
    %dma_start3A_21 = arith.constant 0 : i32
    %dma_start3A_22 = arith.constant 0 : i32
    %dma_start3A_23 = tpu.memref_slice %arg11[%dma_start3A_20, %dma_start3A_21, %dma_start3A_22] : memref<2x40x128xf32, #tpu.memory_space<vmem>> -> memref<1x40x128xf32, #tpu.memory_space<vmem>>
    %dma_start3A_24 = tpu.memref_squeeze %dma_start3A_23 : memref<1x40x128xf32, #tpu.memory_space<vmem>> -> memref<40x128xf32, #tpu.memory_space<vmem>>
    %dma_start3A_25 = arith.constant 0 : i32
    %dma_start3A_26 = tpu.memref_slice %arg9[%dma_start3A_18, %dma_start3A_19, %dma_start3A_25] : memref<2x32x40xi32, #tpu.memory_space<vmem>> -> memref<1x1x40xi32, #tpu.memory_space<vmem>>
    %dma_start3A_27 = tpu.memref_squeeze %dma_start3A_26 : memref<1x1x40xi32, #tpu.memory_space<vmem>> -> memref<40xi32, #tpu.memory_space<vmem>>
    %dma_start3A_28 = arith.constant 0 : i32
    %dma_start3A_29 = arith.constant 0 : i32
    %dma_start3A_30 = tpu.memref_slice %arg3[%dma_start3A_28, %dma_start3A_29] : memref<10000x128xf32, #tpu.memory_space<hbm>> -> memref<10000x128xf32, #tpu.memory_space<hbm>>
    tpu.enqueue_indirect_dma source(%dma_start3A_30 : memref<10000x128xf32, #tpu.memory_space<hbm>>) target(%dma_start3A_24 : memref<40x128xf32, #tpu.memory_space<vmem>>) offsets(%dma_start3A_27 : memref<40xi32, #tpu.memory_space<vmem>>) semaphore(%arg15 : memref<!tpu.dma_semaphore, #tpu.memory_space<semaphore_mem>>)
    %dma_start3A_31 = arith.constant 0 : i32
    %dma_start3A_32 = arith.constant 1 : i32
    %dma_start3A_33 = arith.constant 1 : i32
    %dma_start3A_34 = arith.constant 0 : i32
    %dma_start3A_35 = arith.constant 0 : i32
    %dma_start3A_36 = tpu.memref_slice %arg10[%dma_start3A_33, %dma_start3A_34, %dma_start3A_35] : memref<2x40x256xf32, #tpu.memory_space<vmem>> -> memref<1x40x256xf32, #tpu.memory_space<vmem>>
    %dma_start3A_37 = tpu.memref_squeeze %dma_start3A_36 : memref<1x40x256xf32, #tpu.memory_space<vmem>> -> memref<40x256xf32, #tpu.memory_space<vmem>>
    %dma_start3A_38 = arith.constant 0 : i32
    %dma_start3A_39 = tpu.memref_slice %arg8[%dma_start3A_31, %dma_start3A_32, %dma_start3A_38] : memref<2x32x40xi32, #tpu.memory_space<vmem>> -> memref<1x1x40xi32, #tpu.memory_space<vmem>>
    %dma_start3A_40 = tpu.memref_squeeze %dma_start3A_39 : memref<1x1x40xi32, #tpu.memory_space<vmem>> -> memref<40xi32, #tpu.memory_space<vmem>>
    %dma_start3A_41 = arith.constant 0 : i32
    %dma_start3A_42 = arith.constant 0 : i32
    %dma_start3A_43 = tpu.memref_slice %arg2[%dma_start3A_41, %dma_start3A_42] : memref<10000x256xf32, #tpu.memory_space<hbm>> -> memref<10000x256xf32, #tpu.memory_space<hbm>>
    tpu.enqueue_indirect_dma source(%dma_start3A_43 : memref<10000x256xf32, #tpu.memory_space<hbm>>) target(%dma_start3A_37 : memref<40x256xf32, #tpu.memory_space<vmem>>) offsets(%dma_start3A_40 : memref<40xi32, #tpu.memory_space<vmem>>) semaphore(%arg14 : memref<!tpu.dma_semaphore, #tpu.memory_space<semaphore_mem>>)
    %dma_start3A_44 = arith.constant 0 : i32
    %dma_start3A_45 = arith.constant 1 : i32
    %dma_start3A_46 = arith.constant 1 : i32
    %dma_start3A_47 = arith.constant 0 : i32
    %dma_start3A_48 = arith.constant 0 : i32
    %dma_start3A_49 = tpu.memref_slice %arg11[%dma_start3A_46, %dma_start3A_47, %dma_start3A_48] : memref<2x40x128xf32, #tpu.memory_space<vmem>> -> memref<1x40x128xf32, #tpu.memory_space<vmem>>
    %dma_start3A_50 = tpu.memref_squeeze %dma_start3A_49 : memref<1x40x128xf32, #tpu.memory_space<vmem>> -> memref<40x128xf32, #tpu.memory_space<vmem>>
    %dma_start3A_51 = arith.constant 0 : i32
    %dma_start3A_52 = tpu.memref_slice %arg9[%dma_start3A_44, %dma_start3A_45, %dma_start3A_51] : memref<2x32x40xi32, #tpu.memory_space<vmem>> -> memref<1x1x40xi32, #tpu.memory_space<vmem>>
    %dma_start3A_53 = tpu.memref_squeeze %dma_start3A_52 : memref<1x1x40xi32, #tpu.memory_space<vmem>> -> memref<40xi32, #tpu.memory_space<vmem>>
    %dma_start3A_54 = arith.constant 0 : i32
    %dma_start3A_55 = arith.constant 0 : i32
    %dma_start3A_56 = tpu.memref_slice %arg3[%dma_start3A_54, %dma_start3A_55] : memref<10000x128xf32, #tpu.memory_space<hbm>> -> memref<10000x128xf32, #tpu.memory_space<hbm>>
    tpu.enqueue_indirect_dma source(%dma_start3A_56 : memref<10000x128xf32, #tpu.memory_space<hbm>>) target(%dma_start3A_50 : memref<40x128xf32, #tpu.memory_space<vmem>>) offsets(%dma_start3A_53 : memref<40xi32, #tpu.memory_space<vmem>>) semaphore(%arg16 : memref<!tpu.dma_semaphore, #tpu.memory_space<semaphore_mem>>)
    %scan3A = arith.constant 0 : i32
    %scan3A_57 = arith.constant 0 : i32
    %scan3A_58 = arith.constant 125 : i32
    %scan3A_59 = arith.addi %scan3A_57, %scan3A_58 : i32
    %scan3A_60 = arith.constant 1 : i32
    scf.for %scan3A_121 = %scan3A_57 to %scan3A_59 step %scan3A_60  : i32 {
      %mul3A_122 = arith.constant 2 : i32
      %mul3A_123 = arith.muli %mul3A_122, %scan3A_121 : i32
      %add3A_124 = arith.constant 0 : i32
      %add3A_125 = arith.addi %mul3A_123, %add3A_124 : i32
      %add3A_126 = arith.constant 2 : i32
      %add3A_127 = arith.addi %add3A_125, %add3A_126 : i32
      %div3A = arith.constant 32 : i32
      %div3A_128 = arith.divsi %add3A_127, %div3A : i32
      %dma_wait3A_129 = arith.constant 0 : i32
      %dma_wait3A_130 = arith.constant 0 : i32
      %dma_wait3A_131 = arith.constant 0 : i32
      %dma_wait3A_132 = arith.constant 0 : i32
      %dma_wait3A_133 = arith.constant 0 : i32
      %dma_wait3A_134 = tpu.memref_slice %arg10[%dma_wait3A_131, %dma_wait3A_132, %dma_wait3A_133] : memref<2x40x256xf32, #tpu.memory_space<vmem>> -> memref<1x40x256xf32, #tpu.memory_space<vmem>>
      %dma_wait3A_135 = tpu.memref_squeeze %dma_wait3A_134 : memref<1x40x256xf32, #tpu.memory_space<vmem>> -> memref<40x256xf32, #tpu.memory_space<vmem>>
      %dma_wait3A_136 = arith.constant 0 : i32
      %dma_wait3A_137 = tpu.memref_slice %arg8[%dma_wait3A_129, %dma_wait3A_130, %dma_wait3A_136] : memref<2x32x40xi32, #tpu.memory_space<vmem>> -> memref<1x1x40xi32, #tpu.memory_space<vmem>>
      %dma_wait3A_138 = tpu.memref_squeeze %dma_wait3A_137 : memref<1x1x40xi32, #tpu.memory_space<vmem>> -> memref<40xi32, #tpu.memory_space<vmem>>
      %dma_wait3A_139 = arith.constant 0 : i32
      %dma_wait3A_140 = arith.constant 0 : i32
      %dma_wait3A_141 = tpu.memref_slice %arg2[%dma_wait3A_139, %dma_wait3A_140] : memref<10000x256xf32, #tpu.memory_space<hbm>> -> memref<10000x256xf32, #tpu.memory_space<hbm>>
      tpu.wait_indirect_dma semaphore(%arg13 : memref<!tpu.dma_semaphore, #tpu.memory_space<semaphore_mem>>) src(%dma_wait3A_141 : memref<10000x256xf32, #tpu.memory_space<hbm>>) dst(%dma_wait3A_135 : memref<40x256xf32, #tpu.memory_space<vmem>>)
      %dma_wait3A_142 = arith.constant 0 : i32
      %dma_wait3A_143 = arith.constant 0 : i32
      %dma_wait3A_144 = arith.constant 0 : i32
      %dma_wait3A_145 = arith.constant 0 : i32
      %dma_wait3A_146 = arith.constant 0 : i32
      %dma_wait3A_147 = tpu.memref_slice %arg11[%dma_wait3A_144, %dma_wait3A_145, %dma_wait3A_146] : memref<2x40x128xf32, #tpu.memory_space<vmem>> -> memref<1x40x128xf32, #tpu.memory_space<vmem>>
      %dma_wait3A_148 = tpu.memref_squeeze %dma_wait3A_147 : memref<1x40x128xf32, #tpu.memory_space<vmem>> -> memref<40x128xf32, #tpu.memory_space<vmem>>
      %dma_wait3A_149 = arith.constant 0 : i32
      %dma_wait3A_150 = tpu.memref_slice %arg9[%dma_wait3A_142, %dma_wait3A_143, %dma_wait3A_149] : memref<2x32x40xi32, #tpu.memory_space<vmem>> -> memref<1x1x40xi32, #tpu.memory_space<vmem>>
      %dma_wait3A_151 = tpu.memref_squeeze %dma_wait3A_150 : memref<1x1x40xi32, #tpu.memory_space<vmem>> -> memref<40xi32, #tpu.memory_space<vmem>>
      %dma_wait3A_152 = arith.constant 0 : i32
      %dma_wait3A_153 = arith.constant 0 : i32
      %dma_wait3A_154 = tpu.memref_slice %arg3[%dma_wait3A_152, %dma_wait3A_153] : memref<10000x128xf32, #tpu.memory_space<hbm>> -> memref<10000x128xf32, #tpu.memory_space<hbm>>
      tpu.wait_indirect_dma semaphore(%arg15 : memref<!tpu.dma_semaphore, #tpu.memory_space<semaphore_mem>>) src(%dma_wait3A_154 : memref<10000x128xf32, #tpu.memory_space<hbm>>) dst(%dma_wait3A_148 : memref<40x128xf32, #tpu.memory_space<vmem>>)
      %parallel_loop3A = arith.constant 0 : i32
      %parallel_loop3A_155 = arith.constant 40 : i32
      %parallel_loop3A_156 = arith.constant 1 : i32
      %parallel_loop3A_157 = arith.constant 0 : i32
      %parallel_loop3A_158 = arith.constant 0 : i32
      scf.for %parallel_loop3A_282 = %parallel_loop3A to %parallel_loop3A_155 step %parallel_loop3A_156  : i32 {
        %parallel_loop3A_283 = arith.constant 0 : i32
        %parallel_loop3A_284 = arith.constant 0 : i32
        %parallel_loop3A_285 = tpu.memref_slice %arg11[%parallel_loop3A_157, %parallel_loop3A_283, %parallel_loop3A_284] : memref<2x40x128xf32, #tpu.memory_space<vmem>> -> memref<1x40x128xf32, #tpu.memory_space<vmem>>
        %parallel_loop3A_286 = tpu.memref_squeeze %parallel_loop3A_285 : memref<1x40x128xf32, #tpu.memory_space<vmem>> -> memref<40x128xf32, #tpu.memory_space<vmem>>
        %parallel_loop3A_287 = arith.index_cast %parallel_loop3A_282 : i32 to index
        %parallel_loop3A_288 = arith.constant 0 : index
        %parallel_loop3A_289 = tpu.vector_load %parallel_loop3A_286[%parallel_loop3A_287, %parallel_loop3A_288] {strides = array<i32>} : memref<40x128xf32, #tpu.memory_space<vmem>>, vector<1x16xf32>,
        %parallel_loop3A_290 = vector.shape_cast %parallel_loop3A_289 : vector<1x16xf32> to vector<16xf32>
        %parallel_loop3A_291 = arith.constant 0 : i32
        %parallel_loop3A_292 = arith.constant 0 : i32
        %parallel_loop3A_293 = tpu.memref_slice %arg10[%parallel_loop3A_158, %parallel_loop3A_291, %parallel_loop3A_292] : memref<2x40x256xf32, #tpu.memory_space<vmem>> -> memref<1x40x256xf32, #tpu.memory_space<vmem>>
        %parallel_loop3A_294 = tpu.memref_squeeze %parallel_loop3A_293 : memref<1x40x256xf32, #tpu.memory_space<vmem>> -> memref<40x256xf32, #tpu.memory_space<vmem>>
        %parallel_loop3A_295 = arith.index_cast %parallel_loop3A_282 : i32 to index
        %parallel_loop3A_296 = arith.constant 128 : index
        %parallel_loop3A_297 = tpu.vector_load %parallel_loop3A_294[%parallel_loop3A_295, %parallel_loop3A_296] {strides = array<i32>} : memref<40x256xf32, #tpu.memory_space<vmem>>, vector<1x16xf32>,
        %parallel_loop3A_298 = vector.shape_cast %parallel_loop3A_297 : vector<1x16xf32> to vector<16xf32>
        %parallel_loop3A_299 = arith.subf %parallel_loop3A_290, %parallel_loop3A_298 : vector<16xf32>
        %parallel_loop3A_300 = arith.constant 0 : i32
        %parallel_loop3A_301 = arith.constant 0 : i32
        %parallel_loop3A_302 = tpu.memref_slice %arg10[%parallel_loop3A_158, %parallel_loop3A_300, %parallel_loop3A_301] : memref<2x40x256xf32, #tpu.memory_space<vmem>> -> memref<1x40x256xf32, #tpu.memory_space<vmem>>
        %parallel_loop3A_303 = tpu.memref_squeeze %parallel_loop3A_302 : memref<1x40x256xf32, #tpu.memory_space<vmem>> -> memref<40x256xf32, #tpu.memory_space<vmem>>
        %parallel_loop3A_304 = arith.index_cast %parallel_loop3A_282 : i32 to index
        %parallel_loop3A_305 = arith.constant 0 : index
        %parallel_loop3A_306 = tpu.vector_load %parallel_loop3A_303[%parallel_loop3A_304, %parallel_loop3A_305] {strides = array<i32>} : memref<40x256xf32, #tpu.memory_space<vmem>>, vector<1x16xf32>,
        %parallel_loop3A_307 = vector.shape_cast %parallel_loop3A_306 : vector<1x16xf32> to vector<16xf32>
        %parallel_loop3A_308 = math.exp %parallel_loop3A_299 : vector<16xf32>
        %parallel_loop3A_309 = arith.constant 1.000000e+00 : f32
        %parallel_loop3A_310 = vector.broadcast %parallel_loop3A_309 : f32 to vector<16xf32>
        %parallel_loop3A_311 = arith.addf %parallel_loop3A_310, %parallel_loop3A_308 : vector<16xf32>
        %parallel_loop3A_312 = arith.divf %parallel_loop3A_307, %parallel_loop3A_311 : vector<16xf32>
        %parallel_loop3A_313 = arith.constant 0 : i32
        %parallel_loop3A_314 = arith.constant 0 : i32
        %parallel_loop3A_315 = tpu.memref_slice %arg11[%parallel_loop3A_157, %parallel_loop3A_313, %parallel_loop3A_314] : memref<2x40x128xf32, #tpu.memory_space<vmem>> -> memref<1x40x128xf32, #tpu.memory_space<vmem>>
        %parallel_loop3A_316 = tpu.memref_squeeze %parallel_loop3A_315 : memref<1x40x128xf32, #tpu.memory_space<vmem>> -> memref<40x128xf32, #tpu.memory_space<vmem>>
        %parallel_loop3A_317 = arith.index_cast %parallel_loop3A_282 : i32 to index
        %parallel_loop3A_318 = arith.constant 0 : index
        %parallel_loop3A_319 = tpu.vector_load %parallel_loop3A_316[%parallel_loop3A_317, %parallel_loop3A_318] {strides = array<i32>} : memref<40x128xf32, #tpu.memory_space<vmem>>, vector<1x16xf32>,
        %parallel_loop3A_320 = vector.shape_cast %parallel_loop3A_319 : vector<1x16xf32> to vector<16xf32>
        %parallel_loop3A_321 = vector.shape_cast %parallel_loop3A_312 : vector<16xf32> to vector<1x16xf32>
        tpu.vector_store %parallel_loop3A_316[%parallel_loop3A_317, %parallel_loop3A_318], %parallel_loop3A_321 {strides = array<i32>} : memref<40x128xf32, #tpu.memory_space<vmem>>, vector<1x16xf32>,
        %parallel_loop3A_322 = arith.constant 0 : i32
        %parallel_loop3A_323 = arith.constant 0 : i32
        %parallel_loop3A_324 = tpu.memref_slice %arg11[%parallel_loop3A_157, %parallel_loop3A_322, %parallel_loop3A_323] : memref<2x40x128xf32, #tpu.memory_space<vmem>> -> memref<1x40x128xf32, #tpu.memory_space<vmem>>
        %parallel_loop3A_325 = tpu.memref_squeeze %parallel_loop3A_324 : memref<1x40x128xf32, #tpu.memory_space<vmem>> -> memref<40x128xf32, #tpu.memory_space<vmem>>
        %parallel_loop3A_326 = arith.index_cast %parallel_loop3A_282 : i32 to index
        %parallel_loop3A_327 = arith.constant 16 : index
        %parallel_loop3A_328 = tpu.vector_load %parallel_loop3A_325[%parallel_loop3A_326, %parallel_loop3A_327] {strides = array<i32>} : memref<40x128xf32, #tpu.memory_space<vmem>>, vector<1x16xf32>,
        %parallel_loop3A_329 = vector.shape_cast %parallel_loop3A_328 : vector<1x16xf32> to vector<16xf32>
        %parallel_loop3A_330 = arith.constant 0 : i32
        %parallel_loop3A_331 = arith.constant 0 : i32
        %parallel_loop3A_332 = tpu.memref_slice %arg10[%parallel_loop3A_158, %parallel_loop3A_330, %parallel_loop3A_331] : memref<2x40x256xf32, #tpu.memory_space<vmem>> -> memref<1x40x256xf32, #tpu.memory_space<vmem>>
        %parallel_loop3A_333 = tpu.memref_squeeze %parallel_loop3A_332 : memref<1x40x256xf32, #tpu.memory_space<vmem>> -> memref<40x256xf32, #tpu.memory_space<vmem>>
        %parallel_loop3A_334 = arith.index_cast %parallel_loop3A_282 : i32 to index
        %parallel_loop3A_335 = arith.constant 144 : index
        %parallel_loop3A_336 = tpu.vector_load %parallel_loop3A_333[%parallel_loop3A_334, %parallel_loop3A_335] {strides = array<i32>} : memref<40x256xf32, #tpu.memory_space<vmem>>, vector<1x16xf32>,
        %parallel_loop3A_337 = vector.shape_cast %parallel_loop3A_336 : vector<1x16xf32> to vector<16xf32>
        %parallel_loop3A_338 = arith.subf %parallel_loop3A_329, %parallel_loop3A_337 : vector<16xf32>
        %parallel_loop3A_339 = arith.constant 0 : i32
        %parallel_loop3A_340 = arith.constant 0 : i32
        %parallel_loop3A_341 = tpu.memref_slice %arg10[%parallel_loop3A_158, %parallel_loop3A_339, %parallel_loop3A_340] : memref<2x40x256xf32, #tpu.memory_space<vmem>> -> memref<1x40x256xf32, #tpu.memory_space<vmem>>
        %parallel_loop3A_342 = tpu.memref_squeeze %parallel_loop3A_341 : memref<1x40x256xf32, #tpu.memory_space<vmem>> -> memref<40x256xf32, #tpu.memory_space<vmem>>
        %parallel_loop3A_343 = arith.index_cast %parallel_loop3A_282 : i32 to index
        %parallel_loop3A_344 = arith.constant 16 : index
        %parallel_loop3A_345 = tpu.vector_load %parallel_loop3A_342[%parallel_loop3A_343, %parallel_loop3A_344] {strides = array<i32>} : memref<40x256xf32, #tpu.memory_space<vmem>>, vector<1x16xf32>,
        %parallel_loop3A_346 = vector.shape_cast %parallel_loop3A_345 : vector<1x16xf32> to vector<16xf32>
        %parallel_loop3A_347 = math.exp %parallel_loop3A_338 : vector<16xf32>
        %parallel_loop3A_348 = arith.constant 1.000000e+00 : f32
        %parallel_loop3A_349 = vector.broadcast %parallel_loop3A_348 : f32 to vector<16xf32>
        %parallel_loop3A_350 = arith.addf %parallel_loop3A_349, %parallel_loop3A_347 : vector<16xf32>
        %parallel_loop3A_351 = arith.divf %parallel_loop3A_346, %parallel_loop3A_350 : vector<16xf32>
        %parallel_loop3A_352 = arith.constant 0 : i32
        %parallel_loop3A_353 = arith.constant 0 : i32
        %parallel_loop3A_354 = tpu.memref_slice %arg11[%parallel_loop3A_157, %parallel_loop3A_352, %parallel_loop3A_353] : memref<2x40x128xf32, #tpu.memory_space<vmem>> -> memref<1x40x128xf32, #tpu.memory_space<vmem>>
        %parallel_loop3A_355 = tpu.memref_squeeze %parallel_loop3A_354 : memref<1x40x128xf32, #tpu.memory_space<vmem>> -> memref<40x128xf32, #tpu.memory_space<vmem>>
        %parallel_loop3A_356 = arith.index_cast %parallel_loop3A_282 : i32 to index
        %parallel_loop3A_357 = arith.constant 16 : index
        %parallel_loop3A_358 = tpu.vector_load %parallel_loop3A_355[%parallel_loop3A_356, %parallel_loop3A_357] {strides = array<i32>} : memref<40x128xf32, #tpu.memory_space<vmem>>, vector<1x16xf32>,
        %parallel_loop3A_359 = vector.shape_cast %parallel_loop3A_358 : vector<1x16xf32> to vector<16xf32>
        %parallel_loop3A_360 = vector.shape_cast %parallel_loop3A_351 : vector<16xf32> to vector<1x16xf32>
        tpu.vector_store %parallel_loop3A_355[%parallel_loop3A_356, %parallel_loop3A_357], %parallel_loop3A_360 {strides = array<i32>} : memref<40x128xf32, #tpu.memory_space<vmem>>, vector<1x16xf32>,
        %parallel_loop3A_361 = arith.constant 0 : i32
        %parallel_loop3A_362 = arith.constant 0 : i32
        %parallel_loop3A_363 = tpu.memref_slice %arg11[%parallel_loop3A_157, %parallel_loop3A_361, %parallel_loop3A_362] : memref<2x40x128xf32, #tpu.memory_space<vmem>> -> memref<1x40x128xf32, #tpu.memory_space<vmem>>
        %parallel_loop3A_364 = tpu.memref_squeeze %parallel_loop3A_363 : memref<1x40x128xf32, #tpu.memory_space<vmem>> -> memref<40x128xf32, #tpu.memory_space<vmem>>
        %parallel_loop3A_365 = arith.index_cast %parallel_loop3A_282 : i32 to index
        %parallel_loop3A_366 = arith.constant 32 : index
        %parallel_loop3A_367 = tpu.vector_load %parallel_loop3A_364[%parallel_loop3A_365, %parallel_loop3A_366] {strides = array<i32>} : memref<40x128xf32, #tpu.memory_space<vmem>>, vector<1x16xf32>,
        %parallel_loop3A_368 = vector.shape_cast %parallel_loop3A_367 : vector<1x16xf32> to vector<16xf32>
        %parallel_loop3A_369 = arith.constant 0 : i32
        %parallel_loop3A_370 = arith.constant 0 : i32
        %parallel_loop3A_371 = tpu.memref_slice %arg10[%parallel_loop3A_158, %parallel_loop3A_369, %parallel_loop3A_370] : memref<2x40x256xf32, #tpu.memory_space<vmem>> -> memref<1x40x256xf32, #tpu.memory_space<vmem>>
        %parallel_loop3A_372 = tpu.memref_squeeze %parallel_loop3A_371 : memref<1x40x256xf32, #tpu.memory_space<vmem>> -> memref<40x256xf32, #tpu.memory_space<vmem>>
        %parallel_loop3A_373 = arith.index_cast %parallel_loop3A_282 : i32 to index
        %parallel_loop3A_374 = arith.constant 160 : index
        %parallel_loop3A_375 = tpu.vector_load %parallel_loop3A_372[%parallel_loop3A_373, %parallel_loop3A_374] {strides = array<i32>} : memref<40x256xf32, #tpu.memory_space<vmem>>, vector<1x16xf32>,
        %parallel_loop3A_376 = vector.shape_cast %parallel_loop3A_375 : vector<1x16xf32> to vector<16xf32>
        %parallel_loop3A_377 = arith.subf %parallel_loop3A_368, %parallel_loop3A_376 : vector<16xf32>
        %parallel_loop3A_378 = arith.constant 0 : i32
        %parallel_loop3A_379 = arith.constant 0 : i32
        %parallel_loop3A_380 = tpu.memref_slice %arg10[%parallel_loop3A_158, %parallel_loop3A_378, %parallel_loop3A_379] : memref<2x40x256xf32, #tpu.memory_space<vmem>> -> memref<1x40x256xf32, #tpu.memory_space<vmem>>
        %parallel_loop3A_381 = tpu.memref_squeeze %parallel_loop3A_380 : memref<1x40x256xf32, #tpu.memory_space<vmem>> -> memref<40x256xf32, #tpu.memory_space<vmem>>
        %parallel_loop3A_382 = arith.index_cast %parallel_loop3A_282 : i32 to index
        %parallel_loop3A_383 = arith.constant 32 : index
        %parallel_loop3A_384 = tpu.vector_load %parallel_loop3A_381[%parallel_loop3A_382, %parallel_loop3A_383] {strides = array<i32>} : memref<40x256xf32, #tpu.memory_space<vmem>>, vector<1x16xf32>,
        %parallel_loop3A_385 = vector.shape_cast %parallel_loop3A_384 : vector<1x16xf32> to vector<16xf32>
        %parallel_loop3A_386 = math.exp %parallel_loop3A_377 : vector<16xf32>
        %parallel_loop3A_387 = arith.constant 1.000000e+00 : f32
        %parallel_loop3A_388 = vector.broadcast %parallel_loop3A_387 : f32 to vector<16xf32>
        %parallel_loop3A_389 = arith.addf %parallel_loop3A_388, %parallel_loop3A_386 : vector<16xf32>
        %parallel_loop3A_390 = arith.divf %parallel_loop3A_385, %parallel_loop3A_389 : vector<16xf32>
        %parallel_loop3A_391 = arith.constant 0 : i32
        %parallel_loop3A_392 = arith.constant 0 : i32
        %parallel_loop3A_393 = tpu.memref_slice %arg11[%parallel_loop3A_157, %parallel_loop3A_391, %parallel_loop3A_392] : memref<2x40x128xf32, #tpu.memory_space<vmem>> -> memref<1x40x128xf32, #tpu.memory_space<vmem>>
        %parallel_loop3A_394 = tpu.memref_squeeze %parallel_loop3A_393 : memref<1x40x128xf32, #tpu.memory_space<vmem>> -> memref<40x128xf32, #tpu.memory_space<vmem>>
        %parallel_loop3A_395 = arith.index_cast %parallel_loop3A_282 : i32 to index
        %parallel_loop3A_396 = arith.constant 32 : index
        %parallel_loop3A_397 = tpu.vector_load %parallel_loop3A_394[%parallel_loop3A_395, %parallel_loop3A_396] {strides = array<i32>} : memref<40x128xf32, #tpu.memory_space<vmem>>, vector<1x16xf32>,
        %parallel_loop3A_398 = vector.shape_cast %parallel_loop3A_397 : vector<1x16xf32> to vector<16xf32>
        %parallel_loop3A_399 = vector.shape_cast %parallel_loop3A_390 : vector<16xf32> to vector<1x16xf32>
        tpu.vector_store %parallel_loop3A_394[%parallel_loop3A_395, %parallel_loop3A_396], %parallel_loop3A_399 {strides = array<i32>} : memref<40x128xf32, #tpu.memory_space<vmem>>, vector<1x16xf32>,
        %parallel_loop3A_400 = arith.constant 0 : i32
        %parallel_loop3A_401 = arith.constant 0 : i32
        %parallel_loop3A_402 = tpu.memref_slice %arg11[%parallel_loop3A_157, %parallel_loop3A_400, %parallel_loop3A_401] : memref<2x40x128xf32, #tpu.memory_space<vmem>> -> memref<1x40x128xf32, #tpu.memory_space<vmem>>
        %parallel_loop3A_403 = tpu.memref_squeeze %parallel_loop3A_402 : memref<1x40x128xf32, #tpu.memory_space<vmem>> -> memref<40x128xf32, #tpu.memory_space<vmem>>
        %parallel_loop3A_404 = arith.index_cast %parallel_loop3A_282 : i32 to index
        %parallel_loop3A_405 = arith.constant 48 : index
        %parallel_loop3A_406 = tpu.vector_load %parallel_loop3A_403[%parallel_loop3A_404, %parallel_loop3A_405] {strides = array<i32>} : memref<40x128xf32, #tpu.memory_space<vmem>>, vector<1x16xf32>,
        %parallel_loop3A_407 = vector.shape_cast %parallel_loop3A_406 : vector<1x16xf32> to vector<16xf32>
        %parallel_loop3A_408 = arith.constant 0 : i32
        %parallel_loop3A_409 = arith.constant 0 : i32
        %parallel_loop3A_410 = tpu.memref_slice %arg10[%parallel_loop3A_158, %parallel_loop3A_408, %parallel_loop3A_409] : memref<2x40x256xf32, #tpu.memory_space<vmem>> -> memref<1x40x256xf32, #tpu.memory_space<vmem>>
        %parallel_loop3A_411 = tpu.memref_squeeze %parallel_loop3A_410 : memref<1x40x256xf32, #tpu.memory_space<vmem>> -> memref<40x256xf32, #tpu.memory_space<vmem>>
        %parallel_loop3A_412 = arith.index_cast %parallel_loop3A_282 : i32 to index
        %parallel_loop3A_413 = arith.constant 176 : index
        %parallel_loop3A_414 = tpu.vector_load %parallel_loop3A_411[%parallel_loop3A_412, %parallel_loop3A_413] {strides = array<i32>} : memref<40x256xf32, #tpu.memory_space<vmem>>, vector<1x16xf32>,
        %parallel_loop3A_415 = vector.shape_cast %parallel_loop3A_414 : vector<1x16xf32> to vector<16xf32>
        %parallel_loop3A_416 = arith.subf %parallel_loop3A_407, %parallel_loop3A_415 : vector<16xf32>
        %parallel_loop3A_417 = arith.constant 0 : i32
        %parallel_loop3A_418 = arith.constant 0 : i32
        %parallel_loop3A_419 = tpu.memref_slice %arg10[%parallel_loop3A_158, %parallel_loop3A_417, %parallel_loop3A_418] : memref<2x40x256xf32, #tpu.memory_space<vmem>> -> memref<1x40x256xf32, #tpu.memory_space<vmem>>
        %parallel_loop3A_420 = tpu.memref_squeeze %parallel_loop3A_419 : memref<1x40x256xf32, #tpu.memory_space<vmem>> -> memref<40x256xf32, #tpu.memory_space<vmem>>
        %parallel_loop3A_421 = arith.index_cast %parallel_loop3A_282 : i32 to index
        %parallel_loop3A_422 = arith.constant 48 : index
        %parallel_loop3A_423 = tpu.vector_load %parallel_loop3A_420[%parallel_loop3A_421, %parallel_loop3A_422] {strides = array<i32>} : memref<40x256xf32, #tpu.memory_space<vmem>>, vector<1x16xf32>,
        %parallel_loop3A_424 = vector.shape_cast %parallel_loop3A_423 : vector<1x16xf32> to vector<16xf32>
        %parallel_loop3A_425 = math.exp %parallel_loop3A_416 : vector<16xf32>
        %parallel_loop3A_426 = arith.constant 1.000000e+00 : f32
        %parallel_loop3A_427 = vector.broadcast %parallel_loop3A_426 : f32 to vector<16xf32>
        %parallel_loop3A_428 = arith.addf %parallel_loop3A_427, %parallel_loop3A_425 : vector<16xf32>
        %parallel_loop3A_429 = arith.divf %parallel_loop3A_424, %parallel_loop3A_428 : vector<16xf32>
        %parallel_loop3A_430 = arith.constant 0 : i32
        %parallel_loop3A_431 = arith.constant 0 : i32
        %parallel_loop3A_432 = tpu.memref_slice %arg11[%parallel_loop3A_157, %parallel_loop3A_430, %parallel_loop3A_431] : memref<2x40x128xf32, #tpu.memory_space<vmem>> -> memref<1x40x128xf32, #tpu.memory_space<vmem>>
        %parallel_loop3A_433 = tpu.memref_squeeze %parallel_loop3A_432 : memref<1x40x128xf32, #tpu.memory_space<vmem>> -> memref<40x128xf32, #tpu.memory_space<vmem>>
        %parallel_loop3A_434 = arith.index_cast %parallel_loop3A_282 : i32 to index
        %parallel_loop3A_435 = arith.constant 48 : index
        %parallel_loop3A_436 = tpu.vector_load %parallel_loop3A_433[%parallel_loop3A_434, %parallel_loop3A_435] {strides = array<i32>} : memref<40x128xf32, #tpu.memory_space<vmem>>, vector<1x16xf32>,
        %parallel_loop3A_437 = vector.shape_cast %parallel_loop3A_436 : vector<1x16xf32> to vector<16xf32>
        %parallel_loop3A_438 = vector.shape_cast %parallel_loop3A_429 : vector<16xf32> to vector<1x16xf32>
        tpu.vector_store %parallel_loop3A_433[%parallel_loop3A_434, %parallel_loop3A_435], %parallel_loop3A_438 {strides = array<i32>} : memref<40x128xf32, #tpu.memory_space<vmem>>, vector<1x16xf32>,
        %parallel_loop3A_439 = arith.constant 0 : i32
        %parallel_loop3A_440 = arith.constant 0 : i32
        %parallel_loop3A_441 = tpu.memref_slice %arg11[%parallel_loop3A_157, %parallel_loop3A_439, %parallel_loop3A_440] : memref<2x40x128xf32, #tpu.memory_space<vmem>> -> memref<1x40x128xf32, #tpu.memory_space<vmem>>
        %parallel_loop3A_442 = tpu.memref_squeeze %parallel_loop3A_441 : memref<1x40x128xf32, #tpu.memory_space<vmem>> -> memref<40x128xf32, #tpu.memory_space<vmem>>
        %parallel_loop3A_443 = arith.index_cast %parallel_loop3A_282 : i32 to index
        %parallel_loop3A_444 = arith.constant 64 : index
        %parallel_loop3A_445 = tpu.vector_load %parallel_loop3A_442[%parallel_loop3A_443, %parallel_loop3A_444] {strides = array<i32>} : memref<40x128xf32, #tpu.memory_space<vmem>>, vector<1x16xf32>,
        %parallel_loop3A_446 = vector.shape_cast %parallel_loop3A_445 : vector<1x16xf32> to vector<16xf32>
        %parallel_loop3A_447 = arith.constant 0 : i32
        %parallel_loop3A_448 = arith.constant 0 : i32
        %parallel_loop3A_449 = tpu.memref_slice %arg10[%parallel_loop3A_158, %parallel_loop3A_447, %parallel_loop3A_448] : memref<2x40x256xf32, #tpu.memory_space<vmem>> -> memref<1x40x256xf32, #tpu.memory_space<vmem>>
        %parallel_loop3A_450 = tpu.memref_squeeze %parallel_loop3A_449 : memref<1x40x256xf32, #tpu.memory_space<vmem>> -> memref<40x256xf32, #tpu.memory_space<vmem>>
        %parallel_loop3A_451 = arith.index_cast %parallel_loop3A_282 : i32 to index
        %parallel_loop3A_452 = arith.constant 192 : index
        %parallel_loop3A_453 = tpu.vector_load %parallel_loop3A_450[%parallel_loop3A_451, %parallel_loop3A_452] {strides = array<i32>} : memref<40x256xf32, #tpu.memory_space<vmem>>, vector<1x16xf32>,
        %parallel_loop3A_454 = vector.shape_cast %parallel_loop3A_453 : vector<1x16xf32> to vector<16xf32>
        %parallel_loop3A_455 = arith.subf %parallel_loop3A_446, %parallel_loop3A_454 : vector<16xf32>
        %parallel_loop3A_456 = arith.constant 0 : i32
        %parallel_loop3A_457 = arith.constant 0 : i32
        %parallel_loop3A_458 = tpu.memref_slice %arg10[%parallel_loop3A_158, %parallel_loop3A_456, %parallel_loop3A_457] : memref<2x40x256xf32, #tpu.memory_space<vmem>> -> memref<1x40x256xf32, #tpu.memory_space<vmem>>
        %parallel_loop3A_459 = tpu.memref_squeeze %parallel_loop3A_458 : memref<1x40x256xf32, #tpu.memory_space<vmem>> -> memref<40x256xf32, #tpu.memory_space<vmem>>
        %parallel_loop3A_460 = arith.index_cast %parallel_loop3A_282 : i32 to index
        %parallel_loop3A_461 = arith.constant 64 : index
        %parallel_loop3A_462 = tpu.vector_load %parallel_loop3A_459[%parallel_loop3A_460, %parallel_loop3A_461] {strides = array<i32>} : memref<40x256xf32, #tpu.memory_space<vmem>>, vector<1x16xf32>,
        %parallel_loop3A_463 = vector.shape_cast %parallel_loop3A_462 : vector<1x16xf32> to vector<16xf32>
        %parallel_loop3A_464 = math.exp %parallel_loop3A_455 : vector<16xf32>
        %parallel_loop3A_465 = arith.constant 1.000000e+00 : f32
        %parallel_loop3A_466 = vector.broadcast %parallel_loop3A_465 : f32 to vector<16xf32>
        %parallel_loop3A_467 = arith.addf %parallel_loop3A_466, %parallel_loop3A_464 : vector<16xf32>
        %parallel_loop3A_468 = arith.divf %parallel_loop3A_463, %parallel_loop3A_467 : vector<16xf32>
        %parallel_loop3A_469 = arith.constant 0 : i32
        %parallel_loop3A_470 = arith.constant 0 : i32
        %parallel_loop3A_471 = tpu.memref_slice %arg11[%parallel_loop3A_157, %parallel_loop3A_469, %parallel_loop3A_470] : memref<2x40x128xf32, #tpu.memory_space<vmem>> -> memref<1x40x128xf32, #tpu.memory_space<vmem>>
        %parallel_loop3A_472 = tpu.memref_squeeze %parallel_loop3A_471 : memref<1x40x128xf32, #tpu.memory_space<vmem>> -> memref<40x128xf32, #tpu.memory_space<vmem>>
        %parallel_loop3A_473 = arith.index_cast %parallel_loop3A_282 : i32 to index
        %parallel_loop3A_474 = arith.constant 64 : index
        %parallel_loop3A_475 = tpu.vector_load %parallel_loop3A_472[%parallel_loop3A_473, %parallel_loop3A_474] {strides = array<i32>} : memref<40x128xf32, #tpu.memory_space<vmem>>, vector<1x16xf32>,
        %parallel_loop3A_476 = vector.shape_cast %parallel_loop3A_475 : vector<1x16xf32> to vector<16xf32>
        %parallel_loop3A_477 = vector.shape_cast %parallel_loop3A_468 : vector<16xf32> to vector<1x16xf32>
        tpu.vector_store %parallel_loop3A_472[%parallel_loop3A_473, %parallel_loop3A_474], %parallel_loop3A_477 {strides = array<i32>} : memref<40x128xf32, #tpu.memory_space<vmem>>, vector<1x16xf32>,
        %parallel_loop3A_478 = arith.constant 0 : i32
        %parallel_loop3A_479 = arith.constant 0 : i32
        %parallel_loop3A_480 = tpu.memref_slice %arg11[%parallel_loop3A_157, %parallel_loop3A_478, %parallel_loop3A_479] : memref<2x40x128xf32, #tpu.memory_space<vmem>> -> memref<1x40x128xf32, #tpu.memory_space<vmem>>
        %parallel_loop3A_481 = tpu.memref_squeeze %parallel_loop3A_480 : memref<1x40x128xf32, #tpu.memory_space<vmem>> -> memref<40x128xf32, #tpu.memory_space<vmem>>
        %parallel_loop3A_482 = arith.index_cast %parallel_loop3A_282 : i32 to index
        %parallel_loop3A_483 = arith.constant 80 : index
        %parallel_loop3A_484 = tpu.vector_load %parallel_loop3A_481[%parallel_loop3A_482, %parallel_loop3A_483] {strides = array<i32>} : memref<40x128xf32, #tpu.memory_space<vmem>>, vector<1x16xf32>,
        %parallel_loop3A_485 = vector.shape_cast %parallel_loop3A_484 : vector<1x16xf32> to vector<16xf32>
        %parallel_loop3A_486 = arith.constant 0 : i32
        %parallel_loop3A_487 = arith.constant 0 : i32
        %parallel_loop3A_488 = tpu.memref_slice %arg10[%parallel_loop3A_158, %parallel_loop3A_486, %parallel_loop3A_487] : memref<2x40x256xf32, #tpu.memory_space<vmem>> -> memref<1x40x256xf32, #tpu.memory_space<vmem>>
        %parallel_loop3A_489 = tpu.memref_squeeze %parallel_loop3A_488 : memref<1x40x256xf32, #tpu.memory_space<vmem>> -> memref<40x256xf32, #tpu.memory_space<vmem>>
        %parallel_loop3A_490 = arith.index_cast %parallel_loop3A_282 : i32 to index
        %parallel_loop3A_491 = arith.constant 208 : index
        %parallel_loop3A_492 = tpu.vector_load %parallel_loop3A_489[%parallel_loop3A_490, %parallel_loop3A_491] {strides = array<i32>} : memref<40x256xf32, #tpu.memory_space<vmem>>, vector<1x16xf32>,
        %parallel_loop3A_493 = vector.shape_cast %parallel_loop3A_492 : vector<1x16xf32> to vector<16xf32>
        %parallel_loop3A_494 = arith.subf %parallel_loop3A_485, %parallel_loop3A_493 : vector<16xf32>
        %parallel_loop3A_495 = arith.constant 0 : i32
        %parallel_loop3A_496 = arith.constant 0 : i32
        %parallel_loop3A_497 = tpu.memref_slice %arg10[%parallel_loop3A_158, %parallel_loop3A_495, %parallel_loop3A_496] : memref<2x40x256xf32, #tpu.memory_space<vmem>> -> memref<1x40x256xf32, #tpu.memory_space<vmem>>
        %parallel_loop3A_498 = tpu.memref_squeeze %parallel_loop3A_497 : memref<1x40x256xf32, #tpu.memory_space<vmem>> -> memref<40x256xf32, #tpu.memory_space<vmem>>
        %parallel_loop3A_499 = arith.index_cast %parallel_loop3A_282 : i32 to index
        %parallel_loop3A_500 = arith.constant 80 : index
        %parallel_loop3A_501 = tpu.vector_load %parallel_loop3A_498[%parallel_loop3A_499, %parallel_loop3A_500] {strides = array<i32>} : memref<40x256xf32, #tpu.memory_space<vmem>>, vector<1x16xf32>,
        %parallel_loop3A_502 = vector.shape_cast %parallel_loop3A_501 : vector<1x16xf32> to vector<16xf32>
        %parallel_loop3A_503 = math.exp %parallel_loop3A_494 : vector<16xf32>
        %parallel_loop3A_504 = arith.constant 1.000000e+00 : f32
        %parallel_loop3A_505 = vector.broadcast %parallel_loop3A_504 : f32 to vector<16xf32>
        %parallel_loop3A_506 = arith.addf %parallel_loop3A_505, %parallel_loop3A_503 : vector<16xf32>
        %parallel_loop3A_507 = arith.divf %parallel_loop3A_502, %parallel_loop3A_506 : vector<16xf32>
        %parallel_loop3A_508 = arith.constant 0 : i32
        %parallel_loop3A_509 = arith.constant 0 : i32
        %parallel_loop3A_510 = tpu.memref_slice %arg11[%parallel_loop3A_157, %parallel_loop3A_508, %parallel_loop3A_509] : memref<2x40x128xf32, #tpu.memory_space<vmem>> -> memref<1x40x128xf32, #tpu.memory_space<vmem>>
        %parallel_loop3A_511 = tpu.memref_squeeze %parallel_loop3A_510 : memref<1x40x128xf32, #tpu.memory_space<vmem>> -> memref<40x128xf32, #tpu.memory_space<vmem>>
        %parallel_loop3A_512 = arith.index_cast %parallel_loop3A_282 : i32 to index
        %parallel_loop3A_513 = arith.constant 80 : index
        %parallel_loop3A_514 = tpu.vector_load %parallel_loop3A_511[%parallel_loop3A_512, %parallel_loop3A_513] {strides = array<i32>} : memref<40x128xf32, #tpu.memory_space<vmem>>, vector<1x16xf32>,
        %parallel_loop3A_515 = vector.shape_cast %parallel_loop3A_514 : vector<1x16xf32> to vector<16xf32>
        %parallel_loop3A_516 = vector.shape_cast %parallel_loop3A_507 : vector<16xf32> to vector<1x16xf32>
        tpu.vector_store %parallel_loop3A_511[%parallel_loop3A_512, %parallel_loop3A_513], %parallel_loop3A_516 {strides = array<i32>} : memref<40x128xf32, #tpu.memory_space<vmem>>, vector<1x16xf32>,
        %parallel_loop3A_517 = arith.constant 0 : i32
        %parallel_loop3A_518 = arith.constant 0 : i32
        %parallel_loop3A_519 = tpu.memref_slice %arg11[%parallel_loop3A_157, %parallel_loop3A_517, %parallel_loop3A_518] : memref<2x40x128xf32, #tpu.memory_space<vmem>> -> memref<1x40x128xf32, #tpu.memory_space<vmem>>
        %parallel_loop3A_520 = tpu.memref_squeeze %parallel_loop3A_519 : memref<1x40x128xf32, #tpu.memory_space<vmem>> -> memref<40x128xf32, #tpu.memory_space<vmem>>
        %parallel_loop3A_521 = arith.index_cast %parallel_loop3A_282 : i32 to index
        %parallel_loop3A_522 = arith.constant 96 : index
        %parallel_loop3A_523 = tpu.vector_load %parallel_loop3A_520[%parallel_loop3A_521, %parallel_loop3A_522] {strides = array<i32>} : memref<40x128xf32, #tpu.memory_space<vmem>>, vector<1x16xf32>,
        %parallel_loop3A_524 = vector.shape_cast %parallel_loop3A_523 : vector<1x16xf32> to vector<16xf32>
        %parallel_loop3A_525 = arith.constant 0 : i32
        %parallel_loop3A_526 = arith.constant 0 : i32
        %parallel_loop3A_527 = tpu.memref_slice %arg10[%parallel_loop3A_158, %parallel_loop3A_525, %parallel_loop3A_526] : memref<2x40x256xf32, #tpu.memory_space<vmem>> -> memref<1x40x256xf32, #tpu.memory_space<vmem>>
        %parallel_loop3A_528 = tpu.memref_squeeze %parallel_loop3A_527 : memref<1x40x256xf32, #tpu.memory_space<vmem>> -> memref<40x256xf32, #tpu.memory_space<vmem>>
        %parallel_loop3A_529 = arith.index_cast %parallel_loop3A_282 : i32 to index
        %parallel_loop3A_530 = arith.constant 224 : index
        %parallel_loop3A_531 = tpu.vector_load %parallel_loop3A_528[%parallel_loop3A_529, %parallel_loop3A_530] {strides = array<i32>} : memref<40x256xf32, #tpu.memory_space<vmem>>, vector<1x16xf32>,
        %parallel_loop3A_532 = vector.shape_cast %parallel_loop3A_531 : vector<1x16xf32> to vector<16xf32>
        %parallel_loop3A_533 = arith.subf %parallel_loop3A_524, %parallel_loop3A_532 : vector<16xf32>
        %parallel_loop3A_534 = arith.constant 0 : i32
        %parallel_loop3A_535 = arith.constant 0 : i32
        %parallel_loop3A_536 = tpu.memref_slice %arg10[%parallel_loop3A_158, %parallel_loop3A_534, %parallel_loop3A_535] : memref<2x40x256xf32, #tpu.memory_space<vmem>> -> memref<1x40x256xf32, #tpu.memory_space<vmem>>
        %parallel_loop3A_537 = tpu.memref_squeeze %parallel_loop3A_536 : memref<1x40x256xf32, #tpu.memory_space<vmem>> -> memref<40x256xf32, #tpu.memory_space<vmem>>
        %parallel_loop3A_538 = arith.index_cast %parallel_loop3A_282 : i32 to index
        %parallel_loop3A_539 = arith.constant 96 : index
        %parallel_loop3A_540 = tpu.vector_load %parallel_loop3A_537[%parallel_loop3A_538, %parallel_loop3A_539] {strides = array<i32>} : memref<40x256xf32, #tpu.memory_space<vmem>>, vector<1x16xf32>,
        %parallel_loop3A_541 = vector.shape_cast %parallel_loop3A_540 : vector<1x16xf32> to vector<16xf32>
        %parallel_loop3A_542 = math.exp %parallel_loop3A_533 : vector<16xf32>
        %parallel_loop3A_543 = arith.constant 1.000000e+00 : f32
        %parallel_loop3A_544 = vector.broadcast %parallel_loop3A_543 : f32 to vector<16xf32>
        %parallel_loop3A_545 = arith.addf %parallel_loop3A_544, %parallel_loop3A_542 : vector<16xf32>
        %parallel_loop3A_546 = arith.divf %parallel_loop3A_541, %parallel_loop3A_545 : vector<16xf32>
        %parallel_loop3A_547 = arith.constant 0 : i32
        %parallel_loop3A_548 = arith.constant 0 : i32
        %parallel_loop3A_549 = tpu.memref_slice %arg11[%parallel_loop3A_157, %parallel_loop3A_547, %parallel_loop3A_548] : memref<2x40x128xf32, #tpu.memory_space<vmem>> -> memref<1x40x128xf32, #tpu.memory_space<vmem>>
        %parallel_loop3A_550 = tpu.memref_squeeze %parallel_loop3A_549 : memref<1x40x128xf32, #tpu.memory_space<vmem>> -> memref<40x128xf32, #tpu.memory_space<vmem>>
        %parallel_loop3A_551 = arith.index_cast %parallel_loop3A_282 : i32 to index
        %parallel_loop3A_552 = arith.constant 96 : index
        %parallel_loop3A_553 = tpu.vector_load %parallel_loop3A_550[%parallel_loop3A_551, %parallel_loop3A_552] {strides = array<i32>} : memref<40x128xf32, #tpu.memory_space<vmem>>, vector<1x16xf32>,
        %parallel_loop3A_554 = vector.shape_cast %parallel_loop3A_553 : vector<1x16xf32> to vector<16xf32>
        %parallel_loop3A_555 = vector.shape_cast %parallel_loop3A_546 : vector<16xf32> to vector<1x16xf32>
        tpu.vector_store %parallel_loop3A_550[%parallel_loop3A_551, %parallel_loop3A_552], %parallel_loop3A_555 {strides = array<i32>} : memref<40x128xf32, #tpu.memory_space<vmem>>, vector<1x16xf32>,
        %parallel_loop3A_556 = arith.constant 0 : i32
        %parallel_loop3A_557 = arith.constant 0 : i32
        %parallel_loop3A_558 = tpu.memref_slice %arg11[%parallel_loop3A_157, %parallel_loop3A_556, %parallel_loop3A_557] : memref<2x40x128xf32, #tpu.memory_space<vmem>> -> memref<1x40x128xf32, #tpu.memory_space<vmem>>
        %parallel_loop3A_559 = tpu.memref_squeeze %parallel_loop3A_558 : memref<1x40x128xf32, #tpu.memory_space<vmem>> -> memref<40x128xf32, #tpu.memory_space<vmem>>
        %parallel_loop3A_560 = arith.index_cast %parallel_loop3A_282 : i32 to index
        %parallel_loop3A_561 = arith.constant 112 : index
        %parallel_loop3A_562 = tpu.vector_load %parallel_loop3A_559[%parallel_loop3A_560, %parallel_loop3A_561] {strides = array<i32>} : memref<40x128xf32, #tpu.memory_space<vmem>>, vector<1x16xf32>,
        %parallel_loop3A_563 = vector.shape_cast %parallel_loop3A_562 : vector<1x16xf32> to vector<16xf32>
        %parallel_loop3A_564 = arith.constant 0 : i32
        %parallel_loop3A_565 = arith.constant 0 : i32
        %parallel_loop3A_566 = tpu.memref_slice %arg10[%parallel_loop3A_158, %parallel_loop3A_564, %parallel_loop3A_565] : memref<2x40x256xf32, #tpu.memory_space<vmem>> -> memref<1x40x256xf32, #tpu.memory_space<vmem>>
        %parallel_loop3A_567 = tpu.memref_squeeze %parallel_loop3A_566 : memref<1x40x256xf32, #tpu.memory_space<vmem>> -> memref<40x256xf32, #tpu.memory_space<vmem>>
        %parallel_loop3A_568 = arith.index_cast %parallel_loop3A_282 : i32 to index
        %parallel_loop3A_569 = arith.constant 240 : index
        %parallel_loop3A_570 = tpu.vector_load %parallel_loop3A_567[%parallel_loop3A_568, %parallel_loop3A_569] {strides = array<i32>} : memref<40x256xf32, #tpu.memory_space<vmem>>, vector<1x16xf32>,
        %parallel_loop3A_571 = vector.shape_cast %parallel_loop3A_570 : vector<1x16xf32> to vector<16xf32>
        %parallel_loop3A_572 = arith.subf %parallel_loop3A_563, %parallel_loop3A_571 : vector<16xf32>
        %parallel_loop3A_573 = arith.constant 0 : i32
        %parallel_loop3A_574 = arith.constant 0 : i32
        %parallel_loop3A_575 = tpu.memref_slice %arg10[%parallel_loop3A_158, %parallel_loop3A_573, %parallel_loop3A_574] : memref<2x40x256xf32, #tpu.memory_space<vmem>> -> memref<1x40x256xf32, #tpu.memory_space<vmem>>
        %parallel_loop3A_576 = tpu.memref_squeeze %parallel_loop3A_575 : memref<1x40x256xf32, #tpu.memory_space<vmem>> -> memref<40x256xf32, #tpu.memory_space<vmem>>
        %parallel_loop3A_577 = arith.index_cast %parallel_loop3A_282 : i32 to index
        %parallel_loop3A_578 = arith.constant 112 : index
        %parallel_loop3A_579 = tpu.vector_load %parallel_loop3A_576[%parallel_loop3A_577, %parallel_loop3A_578] {strides = array<i32>} : memref<40x256xf32, #tpu.memory_space<vmem>>, vector<1x16xf32>,
        %parallel_loop3A_580 = vector.shape_cast %parallel_loop3A_579 : vector<1x16xf32> to vector<16xf32>
        %parallel_loop3A_581 = math.exp %parallel_loop3A_572 : vector<16xf32>
        %parallel_loop3A_582 = arith.constant 1.000000e+00 : f32
        %parallel_loop3A_583 = vector.broadcast %parallel_loop3A_582 : f32 to vector<16xf32>
        %parallel_loop3A_584 = arith.addf %parallel_loop3A_583, %parallel_loop3A_581 : vector<16xf32>
        %parallel_loop3A_585 = arith.divf %parallel_loop3A_580, %parallel_loop3A_584 : vector<16xf32>
        %parallel_loop3A_586 = arith.constant 0 : i32
        %parallel_loop3A_587 = arith.constant 0 : i32
        %parallel_loop3A_588 = tpu.memref_slice %arg11[%parallel_loop3A_157, %parallel_loop3A_586, %parallel_loop3A_587] : memref<2x40x128xf32, #tpu.memory_space<vmem>> -> memref<1x40x128xf32, #tpu.memory_space<vmem>>
        %parallel_loop3A_589 = tpu.memref_squeeze %parallel_loop3A_588 : memref<1x40x128xf32, #tpu.memory_space<vmem>> -> memref<40x128xf32, #tpu.memory_space<vmem>>
        %parallel_loop3A_590 = arith.index_cast %parallel_loop3A_282 : i32 to index
        %parallel_loop3A_591 = arith.constant 112 : index
        %parallel_loop3A_592 = tpu.vector_load %parallel_loop3A_589[%parallel_loop3A_590, %parallel_loop3A_591] {strides = array<i32>} : memref<40x128xf32, #tpu.memory_space<vmem>>, vector<1x16xf32>,
        %parallel_loop3A_593 = vector.shape_cast %parallel_loop3A_592 : vector<1x16xf32> to vector<16xf32>
        %parallel_loop3A_594 = vector.shape_cast %parallel_loop3A_585 : vector<16xf32> to vector<1x16xf32>
        tpu.vector_store %parallel_loop3A_589[%parallel_loop3A_590, %parallel_loop3A_591], %parallel_loop3A_594 {strides = array<i32>} : memref<40x128xf32, #tpu.memory_space<vmem>>, vector<1x16xf32>,
      } {sc.loop_unroll_factor = 4 : i64, sc.parallel_access}
      %rem3A = arith.constant 32 : i32
      %rem3A_159 = arith.remsi %add3A_127, %rem3A : i32
      %eq3A = arith.constant 0 : i32
      %eq3A_160 = arith.cmpi eq, %rem3A_159, %eq3A : i32
      %convert_element_type3A = arith.extui %eq3A_160 : i1 to i32
      %cond3A = arith.constant 0 : i32
      %cond3A_161 = arith.cmpi ne, %convert_element_type3A, %cond3A : i32
      scf.if %cond3A_161 {
        %rem3A_282 = arith.constant 2 : i32
        %rem3A_283 = arith.remsi %div3A_128, %rem3A_282 : i32
        %mul3A_284 = arith.constant 32 : i32
        %mul3A_285 = arith.muli %div3A_128, %mul3A_284 : i32
        "tpu.region"() ({
          %run_scoped3A_288 = tpu.sem_alloc : memref<!tpu.dma_semaphore, #tpu.memory_space<semaphore_mem>>
          %dma_start3A_289 = arith.constant 0 : i32
          %dma_start3A_290 = arith.constant 0 : i32
          %dma_start3A_291 = tpu.memref_slice %arg8[%rem3A_283, %dma_start3A_289, %dma_start3A_290] : memref<2x32x40xi32, #tpu.memory_space<vmem>> -> memref<1x32x40xi32, #tpu.memory_space<vmem>>
          %dma_start3A_292 = tpu.memref_squeeze %dma_start3A_291 : memref<1x32x40xi32, #tpu.memory_space<vmem>> -> memref<32x40xi32, #tpu.memory_space<vmem>>
          %dma_start3A_293 = arith.constant 0 : i32
          %dma_start3A_294 = arith.constant 0 : i32
          %dma_start3A_295 = tpu.memref_slice %arg4[%add3A, %dma_start3A_293, %dma_start3A_294] : memref<32x288x40xi32, #tpu.memory_space<hbm>> -> memref<1x288x40xi32, #tpu.memory_space<hbm>>
          %dma_start3A_296 = tpu.memref_squeeze %dma_start3A_295 : memref<1x288x40xi32, #tpu.memory_space<hbm>> -> memref<288x40xi32, #tpu.memory_space<hbm>>
          %dma_start3A_297 = arith.constant 0 : i32
          %dma_start3A_298 = tpu.memref_slice %dma_start3A_296[%mul3A_285, %dma_start3A_297] : memref<288x40xi32, #tpu.memory_space<hbm>> -> memref<32x40xi32, #tpu.memory_space<hbm>>
          %dma_start3A_299 = arith.constant 0 : i32
          %dma_start3A_300 = arith.constant 0 : i32
          %dma_start3A_301 = tpu.memref_slice %arg8[%rem3A_283, %dma_start3A_299, %dma_start3A_300] : memref<2x32x40xi32, #tpu.memory_space<vmem>> -> memref<1x32x40xi32, #tpu.memory_space<vmem>>
          %dma_start3A_302 = tpu.memref_squeeze %dma_start3A_301 : memref<1x32x40xi32, #tpu.memory_space<vmem>> -> memref<32x40xi32, #tpu.memory_space<vmem>>
          %dma_start3A_303 = arith.constant 0 : i32
          %dma_start3A_304 = arith.constant 0 : i32
          %dma_start3A_305 = tpu.memref_slice %arg4[%add3A, %dma_start3A_303, %dma_start3A_304] : memref<32x288x40xi32, #tpu.memory_space<hbm>> -> memref<1x288x40xi32, #tpu.memory_space<hbm>>
          %dma_start3A_306 = tpu.memref_squeeze %dma_start3A_305 : memref<1x288x40xi32, #tpu.memory_space<hbm>> -> memref<288x40xi32, #tpu.memory_space<hbm>>
          %dma_start3A_307 = arith.constant 0 : i32
          %dma_start3A_308 = tpu.memref_slice %dma_start3A_306[%mul3A_285, %dma_start3A_307] : memref<288x40xi32, #tpu.memory_space<hbm>> -> memref<32x40xi32, #tpu.memory_space<hbm>>
          tpu.enqueue_dma source(%dma_start3A_308 : memref<32x40xi32, #tpu.memory_space<hbm>>) target(%dma_start3A_302 : memref<32x40xi32, #tpu.memory_space<vmem>>) target_semaphore(%run_scoped3A_288 : memref<!tpu.dma_semaphore, #tpu.memory_space<semaphore_mem>>)
          %dma_wait3A_309 = arith.constant 0 : i32
          %dma_wait3A_310 = arith.constant 0 : i32
          %dma_wait3A_311 = tpu.memref_slice %arg8[%rem3A_283, %dma_wait3A_309, %dma_wait3A_310] : memref<2x32x40xi32, #tpu.memory_space<vmem>> -> memref<1x32x40xi32, #tpu.memory_space<vmem>>
          %dma_wait3A_312 = tpu.memref_squeeze %dma_wait3A_311 : memref<1x32x40xi32, #tpu.memory_space<vmem>> -> memref<32x40xi32, #tpu.memory_space<vmem>>
          %dma_wait3A_313 = arith.constant 0 : i32
          %dma_wait3A_314 = arith.constant 0 : i32
          %dma_wait3A_315 = tpu.memref_slice %arg4[%add3A, %dma_wait3A_313, %dma_wait3A_314] : memref<32x288x40xi32, #tpu.memory_space<hbm>> -> memref<1x288x40xi32, #tpu.memory_space<hbm>>
          %dma_wait3A_316 = tpu.memref_squeeze %dma_wait3A_315 : memref<1x288x40xi32, #tpu.memory_space<hbm>> -> memref<288x40xi32, #tpu.memory_space<hbm>>
          %dma_wait3A_317 = arith.constant 0 : i32
          %dma_wait3A_318 = tpu.memref_slice %dma_wait3A_316[%mul3A_285, %dma_wait3A_317] : memref<288x40xi32, #tpu.memory_space<hbm>> -> memref<32x40xi32, #tpu.memory_space<hbm>>
          %dma_wait3A_319 = arith.constant 0 : i32
          %dma_wait3A_320 = arith.constant 0 : i32
          %dma_wait3A_321 = tpu.memref_slice %arg8[%rem3A_283, %dma_wait3A_319, %dma_wait3A_320] : memref<2x32x40xi32, #tpu.memory_space<vmem>> -> memref<1x32x40xi32, #tpu.memory_space<vmem>>
          %dma_wait3A_322 = tpu.memref_squeeze %dma_wait3A_321 : memref<1x32x40xi32, #tpu.memory_space<vmem>> -> memref<32x40xi32, #tpu.memory_space<vmem>>
          %dma_wait3A_323 = arith.constant 0 : i32
          %dma_wait3A_324 = arith.constant 0 : i32
          %dma_wait3A_325 = tpu.memref_slice %arg4[%add3A, %dma_wait3A_323, %dma_wait3A_324] : memref<32x288x40xi32, #tpu.memory_space<hbm>> -> memref<1x288x40xi32, #tpu.memory_space<hbm>>
          %dma_wait3A_326 = tpu.memref_squeeze %dma_wait3A_325 : memref<1x288x40xi32, #tpu.memory_space<hbm>> -> memref<288x40xi32, #tpu.memory_space<hbm>>
          %dma_wait3A_327 = arith.constant 0 : i32
          %dma_wait3A_328 = tpu.memref_slice %dma_wait3A_326[%mul3A_285, %dma_wait3A_327] : memref<288x40xi32, #tpu.memory_space<hbm>> -> memref<32x40xi32, #tpu.memory_space<hbm>>
          tpu.wait_dma2 semaphore(%run_scoped3A_288 : memref<!tpu.dma_semaphore, #tpu.memory_space<semaphore_mem>>) src(%dma_wait3A_328 : memref<32x40xi32, #tpu.memory_space<hbm>>) dst(%dma_wait3A_322 : memref<32x40xi32, #tpu.memory_space<vmem>>)
          tpu.yield
        }) : () -> ()
        %mul3A_286 = arith.constant 32 : i32
        %mul3A_287 = arith.muli %div3A_128, %mul3A_286 : i32
        "tpu.region"() ({
          %run_scoped3A_288 = tpu.sem_alloc : memref<!tpu.dma_semaphore, #tpu.memory_space<semaphore_mem>>
          %dma_start3A_289 = arith.constant 0 : i32
          %dma_start3A_290 = arith.constant 0 : i32
          %dma_start3A_291 = tpu.memref_slice %arg9[%rem3A_283, %dma_start3A_289, %dma_start3A_290] : memref<2x32x40xi32, #tpu.memory_space<vmem>> -> memref<1x32x40xi32, #tpu.memory_space<vmem>>
          %dma_start3A_292 = tpu.memref_squeeze %dma_start3A_291 : memref<1x32x40xi32, #tpu.memory_space<vmem>> -> memref<32x40xi32, #tpu.memory_space<vmem>>
          %dma_start3A_293 = arith.constant 0 : i32
          %dma_start3A_294 = arith.constant 0 : i32
          %dma_start3A_295 = tpu.memref_slice %arg5[%add3A, %dma_start3A_293, %dma_start3A_294] : memref<32x288x40xi32, #tpu.memory_space<hbm>> -> memref<1x288x40xi32, #tpu.memory_space<hbm>>
          %dma_start3A_296 = tpu.memref_squeeze %dma_start3A_295 : memref<1x288x40xi32, #tpu.memory_space<hbm>> -> memref<288x40xi32, #tpu.memory_space<hbm>>
          %dma_start3A_297 = arith.constant 0 : i32
          %dma_start3A_298 = tpu.memref_slice %dma_start3A_296[%mul3A_287, %dma_start3A_297] : memref<288x40xi32, #tpu.memory_space<hbm>> -> memref<32x40xi32, #tpu.memory_space<hbm>>
          %dma_start3A_299 = arith.constant 0 : i32
          %dma_start3A_300 = arith.constant 0 : i32
          %dma_start3A_301 = tpu.memref_slice %arg9[%rem3A_283, %dma_start3A_299, %dma_start3A_300] : memref<2x32x40xi32, #tpu.memory_space<vmem>> -> memref<1x32x40xi32, #tpu.memory_space<vmem>>
          %dma_start3A_302 = tpu.memref_squeeze %dma_start3A_301 : memref<1x32x40xi32, #tpu.memory_space<vmem>> -> memref<32x40xi32, #tpu.memory_space<vmem>>
          %dma_start3A_303 = arith.constant 0 : i32
          %dma_start3A_304 = arith.constant 0 : i32
          %dma_start3A_305 = tpu.memref_slice %arg5[%add3A, %dma_start3A_303, %dma_start3A_304] : memref<32x288x40xi32, #tpu.memory_space<hbm>> -> memref<1x288x40xi32, #tpu.memory_space<hbm>>
          %dma_start3A_306 = tpu.memref_squeeze %dma_start3A_305 : memref<1x288x40xi32, #tpu.memory_space<hbm>> -> memref<288x40xi32, #tpu.memory_space<hbm>>
          %dma_start3A_307 = arith.constant 0 : i32
          %dma_start3A_308 = tpu.memref_slice %dma_start3A_306[%mul3A_287, %dma_start3A_307] : memref<288x40xi32, #tpu.memory_space<hbm>> -> memref<32x40xi32, #tpu.memory_space<hbm>>
          tpu.enqueue_dma source(%dma_start3A_308 : memref<32x40xi32, #tpu.memory_space<hbm>>) target(%dma_start3A_302 : memref<32x40xi32, #tpu.memory_space<vmem>>) target_semaphore(%run_scoped3A_288 : memref<!tpu.dma_semaphore, #tpu.memory_space<semaphore_mem>>)
          %dma_wait3A_309 = arith.constant 0 : i32
          %dma_wait3A_310 = arith.constant 0 : i32
          %dma_wait3A_311 = tpu.memref_slice %arg9[%rem3A_283, %dma_wait3A_309, %dma_wait3A_310] : memref<2x32x40xi32, #tpu.memory_space<vmem>> -> memref<1x32x40xi32, #tpu.memory_space<vmem>>
          %dma_wait3A_312 = tpu.memref_squeeze %dma_wait3A_311 : memref<1x32x40xi32, #tpu.memory_space<vmem>> -> memref<32x40xi32, #tpu.memory_space<vmem>>
          %dma_wait3A_313 = arith.constant 0 : i32
          %dma_wait3A_314 = arith.constant 0 : i32
          %dma_wait3A_315 = tpu.memref_slice %arg5[%add3A, %dma_wait3A_313, %dma_wait3A_314] : memref<32x288x40xi32, #tpu.memory_space<hbm>> -> memref<1x288x40xi32, #tpu.memory_space<hbm>>
          %dma_wait3A_316 = tpu.memref_squeeze %dma_wait3A_315 : memref<1x288x40xi32, #tpu.memory_space<hbm>> -> memref<288x40xi32, #tpu.memory_space<hbm>>
          %dma_wait3A_317 = arith.constant 0 : i32
          %dma_wait3A_318 = tpu.memref_slice %dma_wait3A_316[%mul3A_287, %dma_wait3A_317] : memref<288x40xi32, #tpu.memory_space<hbm>> -> memref<32x40xi32, #tpu.memory_space<hbm>>
          %dma_wait3A_319 = arith.constant 0 : i32
          %dma_wait3A_320 = arith.constant 0 : i32
          %dma_wait3A_321 = tpu.memref_slice %arg9[%rem3A_283, %dma_wait3A_319, %dma_wait3A_320] : memref<2x32x40xi32, #tpu.memory_space<vmem>> -> memref<1x32x40xi32, #tpu.memory_space<vmem>>
          %dma_wait3A_322 = tpu.memref_squeeze %dma_wait3A_321 : memref<1x32x40xi32, #tpu.memory_space<vmem>> -> memref<32x40xi32, #tpu.memory_space<vmem>>
          %dma_wait3A_323 = arith.constant 0 : i32
          %dma_wait3A_324 = arith.constant 0 : i32
          %dma_wait3A_325 = tpu.memref_slice %arg5[%add3A, %dma_wait3A_323, %dma_wait3A_324] : memref<32x288x40xi32, #tpu.memory_space<hbm>> -> memref<1x288x40xi32, #tpu.memory_space<hbm>>
          %dma_wait3A_326 = tpu.memref_squeeze %dma_wait3A_325 : memref<1x288x40xi32, #tpu.memory_space<hbm>> -> memref<288x40xi32, #tpu.memory_space<hbm>>
          %dma_wait3A_327 = arith.constant 0 : i32
          %dma_wait3A_328 = tpu.memref_slice %dma_wait3A_326[%mul3A_287, %dma_wait3A_327] : memref<288x40xi32, #tpu.memory_space<hbm>> -> memref<32x40xi32, #tpu.memory_space<hbm>>
          tpu.wait_dma2 semaphore(%run_scoped3A_288 : memref<!tpu.dma_semaphore, #tpu.memory_space<semaphore_mem>>) src(%dma_wait3A_328 : memref<32x40xi32, #tpu.memory_space<hbm>>) dst(%dma_wait3A_322 : memref<32x40xi32, #tpu.memory_space<vmem>>)
          tpu.yield
        }) : () -> ()
      } else {
      }
      %rem3A_162 = arith.constant 2 : i32
      %rem3A_163 = arith.remsi %div3A_128, %rem3A_162 : i32
      %rem3A_164 = arith.constant 32 : i32
      %rem3A_165 = arith.remsi %add3A_127, %rem3A_164 : i32
      %dma_start3A_166 = arith.constant 0 : i32
      %dma_start3A_167 = arith.constant 0 : i32
      %dma_start3A_168 = arith.constant 0 : i32
      %dma_start3A_169 = tpu.memref_slice %arg10[%dma_start3A_166, %dma_start3A_167, %dma_start3A_168] : memref<2x40x256xf32, #tpu.memory_space<vmem>> -> memref<1x40x256xf32, #tpu.memory_space<vmem>>
      %dma_start3A_170 = tpu.memref_squeeze %dma_start3A_169 : memref<1x40x256xf32, #tpu.memory_space<vmem>> -> memref<40x256xf32, #tpu.memory_space<vmem>>
      %dma_start3A_171 = arith.constant 0 : i32
      %dma_start3A_172 = tpu.memref_slice %arg8[%rem3A_163, %rem3A_165, %dma_start3A_171] : memref<2x32x40xi32, #tpu.memory_space<vmem>> -> memref<1x1x40xi32, #tpu.memory_space<vmem>>
      %dma_start3A_173 = tpu.memref_squeeze %dma_start3A_172 : memref<1x1x40xi32, #tpu.memory_space<vmem>> -> memref<40xi32, #tpu.memory_space<vmem>>
      %dma_start3A_174 = arith.constant 0 : i32
      %dma_start3A_175 = arith.constant 0 : i32
      %dma_start3A_176 = tpu.memref_slice %arg2[%dma_start3A_174, %dma_start3A_175] : memref<10000x256xf32, #tpu.memory_space<hbm>> -> memref<10000x256xf32, #tpu.memory_space<hbm>>
      tpu.enqueue_indirect_dma source(%dma_start3A_176 : memref<10000x256xf32, #tpu.memory_space<hbm>>) target(%dma_start3A_170 : memref<40x256xf32, #tpu.memory_space<vmem>>) offsets(%dma_start3A_173 : memref<40xi32, #tpu.memory_space<vmem>>) semaphore(%arg13 : memref<!tpu.dma_semaphore, #tpu.memory_space<semaphore_mem>>)
      %rem3A_177 = arith.constant 2 : i32
      %rem3A_178 = arith.remsi %div3A_128, %rem3A_177 : i32
      %rem3A_179 = arith.constant 32 : i32
      %rem3A_180 = arith.remsi %add3A_127, %rem3A_179 : i32
      %dma_start3A_181 = arith.constant 0 : i32
      %dma_start3A_182 = arith.constant 0 : i32
      %dma_start3A_183 = arith.constant 0 : i32
      %dma_start3A_184 = tpu.memref_slice %arg11[%dma_start3A_181, %dma_start3A_182, %dma_start3A_183] : memref<2x40x128xf32, #tpu.memory_space<vmem>> -> memref<1x40x128xf32, #tpu.memory_space<vmem>>
      %dma_start3A_185 = tpu.memref_squeeze %dma_start3A_184 : memref<1x40x128xf32, #tpu.memory_space<vmem>> -> memref<40x128xf32, #tpu.memory_space<vmem>>
      %dma_start3A_186 = arith.constant 0 : i32
      %dma_start3A_187 = tpu.memref_slice %arg9[%rem3A_178, %rem3A_180, %dma_start3A_186] : memref<2x32x40xi32, #tpu.memory_space<vmem>> -> memref<1x1x40xi32, #tpu.memory_space<vmem>>
      %dma_start3A_188 = tpu.memref_squeeze %dma_start3A_187 : memref<1x1x40xi32, #tpu.memory_space<vmem>> -> memref<40xi32, #tpu.memory_space<vmem>>
      %dma_start3A_189 = arith.constant 0 : i32
      %dma_start3A_190 = arith.constant 0 : i32
      %dma_start3A_191 = tpu.memref_slice %arg3[%dma_start3A_189, %dma_start3A_190] : memref<10000x128xf32, #tpu.memory_space<hbm>> -> memref<10000x128xf32, #tpu.memory_space<hbm>>
      tpu.enqueue_indirect_dma source(%dma_start3A_191 : memref<10000x128xf32, #tpu.memory_space<hbm>>) target(%dma_start3A_185 : memref<40x128xf32, #tpu.memory_space<vmem>>) offsets(%dma_start3A_188 : memref<40xi32, #tpu.memory_space<vmem>>) semaphore(%arg15 : memref<!tpu.dma_semaphore, #tpu.memory_space<semaphore_mem>>)
      %div3A_192 = arith.constant 32 : i32
      %div3A_193 = arith.divsi %add3A_125, %div3A_192 : i32
      %rem3A_194 = arith.constant 2 : i32
      %rem3A_195 = arith.remsi %div3A_193, %rem3A_194 : i32
      %rem3A_196 = arith.constant 32 : i32
      %rem3A_197 = arith.remsi %add3A_125, %rem3A_196 : i32
      %run_scoped3A_198 = arith.constant 0 : i32
      "tpu.region"() ({
        %run_scoped3A_282 = tpu.sem_alloc : memref<!tpu.dma_semaphore, #tpu.memory_space<semaphore_mem>>
        %dma_start3A_283 = arith.constant 0 : i32
        %dma_start3A_284 = arith.constant 0 : i32
        %dma_start3A_285 = tpu.memref_slice %arg11[%run_scoped3A_198, %dma_start3A_283, %dma_start3A_284] : memref<2x40x128xf32, #tpu.memory_space<vmem>> -> memref<1x40x128xf32, #tpu.memory_space<vmem>>
        %dma_start3A_286 = tpu.memref_squeeze %dma_start3A_285 : memref<1x40x128xf32, #tpu.memory_space<vmem>> -> memref<40x128xf32, #tpu.memory_space<vmem>>
        %dma_start3A_287 = arith.constant 0 : i32
        %dma_start3A_288 = tpu.memref_slice %arg9[%rem3A_195, %rem3A_197, %dma_start3A_287] : memref<2x32x40xi32, #tpu.memory_space<vmem>> -> memref<1x1x40xi32, #tpu.memory_space<vmem>>
        %dma_start3A_289 = tpu.memref_squeeze %dma_start3A_288 : memref<1x1x40xi32, #tpu.memory_space<vmem>> -> memref<40xi32, #tpu.memory_space<vmem>>
        %dma_start3A_290 = arith.constant 0 : i32
        %dma_start3A_291 = arith.constant 0 : i32
        %dma_start3A_292 = tpu.memref_slice %arg12[%dma_start3A_290, %dma_start3A_291] : memref<10112x128xf32, #tpu.memory_space<vmem_shared>> -> memref<10112x128xf32, #tpu.memory_space<vmem_shared>>
        tpu.enqueue_indirect_dma source(%dma_start3A_286 : memref<40x128xf32, #tpu.memory_space<vmem>>) target(%dma_start3A_292 : memref<10112x128xf32, #tpu.memory_space<vmem_shared>>) offsets(%dma_start3A_289 : memref<40xi32, #tpu.memory_space<vmem>>) semaphore(%run_scoped3A_282 : memref<!tpu.dma_semaphore, #tpu.memory_space<semaphore_mem>>) {add = true}
        %dma_wait3A_293 = arith.constant 0 : i32
        %dma_wait3A_294 = arith.constant 0 : i32
        %dma_wait3A_295 = tpu.memref_slice %arg11[%run_scoped3A_198, %dma_wait3A_293, %dma_wait3A_294] : memref<2x40x128xf32, #tpu.memory_space<vmem>> -> memref<1x40x128xf32, #tpu.memory_space<vmem>>
        %dma_wait3A_296 = tpu.memref_squeeze %dma_wait3A_295 : memref<1x40x128xf32, #tpu.memory_space<vmem>> -> memref<40x128xf32, #tpu.memory_space<vmem>>
        %dma_wait3A_297 = arith.constant 0 : i32
        %dma_wait3A_298 = tpu.memref_slice %arg9[%rem3A_195, %rem3A_197, %dma_wait3A_297] : memref<2x32x40xi32, #tpu.memory_space<vmem>> -> memref<1x1x40xi32, #tpu.memory_space<vmem>>
        %dma_wait3A_299 = tpu.memref_squeeze %dma_wait3A_298 : memref<1x1x40xi32, #tpu.memory_space<vmem>> -> memref<40xi32, #tpu.memory_space<vmem>>
        %dma_wait3A_300 = arith.constant 0 : i32
        %dma_wait3A_301 = arith.constant 0 : i32
        %dma_wait3A_302 = tpu.memref_slice %arg12[%dma_wait3A_300, %dma_wait3A_301] : memref<10112x128xf32, #tpu.memory_space<vmem_shared>> -> memref<10112x128xf32, #tpu.memory_space<vmem_shared>>
        tpu.wait_indirect_dma semaphore(%run_scoped3A_282 : memref<!tpu.dma_semaphore, #tpu.memory_space<semaphore_mem>>) src(%dma_wait3A_296 : memref<40x128xf32, #tpu.memory_space<vmem>>) dst(%dma_wait3A_302 : memref<10112x128xf32, #tpu.memory_space<vmem_shared>>)
        tpu.yield
      }) : () -> ()
      %mul3A_199 = arith.constant 2 : i32
      %mul3A_200 = arith.muli %mul3A_199, %scan3A_121 : i32
      %add3A_201 = arith.constant 1 : i32
      %add3A_202 = arith.addi %mul3A_200, %add3A_201 : i32
      %add3A_203 = arith.constant 2 : i32
      %add3A_204 = arith.addi %add3A_202, %add3A_203 : i32
      %div3A_205 = arith.constant 32 : i32
      %div3A_206 = arith.divsi %add3A_204, %div3A_205 : i32
      %dma_wait3A_207 = arith.constant 0 : i32
      %dma_wait3A_208 = arith.constant 0 : i32
      %dma_wait3A_209 = arith.constant 1 : i32
      %dma_wait3A_210 = arith.constant 0 : i32
      %dma_wait3A_211 = arith.constant 0 : i32
      %dma_wait3A_212 = tpu.memref_slice %arg10[%dma_wait3A_209, %dma_wait3A_210, %dma_wait3A_211] : memref<2x40x256xf32, #tpu.memory_space<vmem>> -> memref<1x40x256xf32, #tpu.memory_space<vmem>>
      %dma_wait3A_213 = tpu.memref_squeeze %dma_wait3A_212 : memref<1x40x256xf32, #tpu.memory_space<vmem>> -> memref<40x256xf32, #tpu.memory_space<vmem>>
      %dma_wait3A_214 = arith.constant 0 : i32
      %dma_wait3A_215 = tpu.memref_slice %arg8[%dma_wait3A_207, %dma_wait3A_208, %dma_wait3A_214] : memref<2x32x40xi32, #tpu.memory_space<vmem>> -> memref<1x1x40xi32, #tpu.memory_space<vmem>>
      %dma_wait3A_216 = tpu.memref_squeeze %dma_wait3A_215 : memref<1x1x40xi32, #tpu.memory_space<vmem>> -> memref<40xi32, #tpu.memory_space<vmem>>
      %dma_wait3A_217 = arith.constant 0 : i32
      %dma_wait3A_218 = arith.constant 0 : i32
      %dma_wait3A_219 = tpu.memref_slice %arg2[%dma_wait3A_217, %dma_wait3A_218] : memref<10000x256xf32, #tpu.memory_space<hbm>> -> memref<10000x256xf32, #tpu.memory_space<hbm>>
      tpu.wait_indirect_dma semaphore(%arg14 : memref<!tpu.dma_semaphore, #tpu.memory_space<semaphore_mem>>) src(%dma_wait3A_219 : memref<10000x256xf32, #tpu.memory_space<hbm>>) dst(%dma_wait3A_213 : memref<40x256xf32, #tpu.memory_space<vmem>>)
      %dma_wait3A_220 = arith.constant 0 : i32
      %dma_wait3A_221 = arith.constant 0 : i32
      %dma_wait3A_222 = arith.constant 1 : i32
      %dma_wait3A_223 = arith.constant 0 : i32
      %dma_wait3A_224 = arith.constant 0 : i32
      %dma_wait3A_225 = tpu.memref_slice %arg11[%dma_wait3A_222, %dma_wait3A_223, %dma_wait3A_224] : memref<2x40x128xf32, #tpu.memory_space<vmem>> -> memref<1x40x128xf32, #tpu.memory_space<vmem>>
      %dma_wait3A_226 = tpu.memref_squeeze %dma_wait3A_225 : memref<1x40x128xf32, #tpu.memory_space<vmem>> -> memref<40x128xf32, #tpu.memory_space<vmem>>
      %dma_wait3A_227 = arith.constant 0 : i32
      %dma_wait3A_228 = tpu.memref_slice %arg9[%dma_wait3A_220, %dma_wait3A_221, %dma_wait3A_227] : memref<2x32x40xi32, #tpu.memory_space<vmem>> -> memref<1x1x40xi32, #tpu.memory_space<vmem>>
      %dma_wait3A_229 = tpu.memref_squeeze %dma_wait3A_228 : memref<1x1x40xi32, #tpu.memory_space<vmem>> -> memref<40xi32, #tpu.memory_space<vmem>>
      %dma_wait3A_230 = arith.constant 0 : i32
      %dma_wait3A_231 = arith.constant 0 : i32
      %dma_wait3A_232 = tpu.memref_slice %arg3[%dma_wait3A_230, %dma_wait3A_231] : memref<10000x128xf32, #tpu.memory_space<hbm>> -> memref<10000x128xf32, #tpu.memory_space<hbm>>
      tpu.wait_indirect_dma semaphore(%arg16 : memref<!tpu.dma_semaphore, #tpu.memory_space<semaphore_mem>>) src(%dma_wait3A_232 : memref<10000x128xf32, #tpu.memory_space<hbm>>) dst(%dma_wait3A_226 : memref<40x128xf32, #tpu.memory_space<vmem>>)
      %parallel_loop3A_233 = arith.constant 0 : i32
      %parallel_loop3A_234 = arith.constant 40 : i32
      %parallel_loop3A_235 = arith.constant 1 : i32
      %parallel_loop3A_236 = arith.constant 1 : i32
      %parallel_loop3A_237 = arith.constant 1 : i32
      scf.for %parallel_loop3A_282 = %parallel_loop3A_233 to %parallel_loop3A_234 step %parallel_loop3A_235  : i32 {
        %parallel_loop3A_283 = arith.constant 0 : i32
        %parallel_loop3A_284 = arith.constant 0 : i32
        %parallel_loop3A_285 = tpu.memref_slice %arg11[%parallel_loop3A_236, %parallel_loop3A_283, %parallel_loop3A_284] : memref<2x40x128xf32, #tpu.memory_space<vmem>> -> memref<1x40x128xf32, #tpu.memory_space<vmem>>
        %parallel_loop3A_286 = tpu.memref_squeeze %parallel_loop3A_285 : memref<1x40x128xf32, #tpu.memory_space<vmem>> -> memref<40x128xf32, #tpu.memory_space<vmem>>
        %parallel_loop3A_287 = arith.index_cast %parallel_loop3A_282 : i32 to index
        %parallel_loop3A_288 = arith.constant 0 : index
        %parallel_loop3A_289 = tpu.vector_load %parallel_loop3A_286[%parallel_loop3A_287, %parallel_loop3A_288] {strides = array<i32>} : memref<40x128xf32, #tpu.memory_space<vmem>>, vector<1x16xf32>,
        %parallel_loop3A_290 = vector.shape_cast %parallel_loop3A_289 : vector<1x16xf32> to vector<16xf32>
        %parallel_loop3A_291 = arith.constant 0 : i32
        %parallel_loop3A_292 = arith.constant 0 : i32
        %parallel_loop3A_293 = tpu.memref_slice %arg10[%parallel_loop3A_237, %parallel_loop3A_291, %parallel_loop3A_292] : memref<2x40x256xf32, #tpu.memory_space<vmem>> -> memref<1x40x256xf32, #tpu.memory_space<vmem>>
        %parallel_loop3A_294 = tpu.memref_squeeze %parallel_loop3A_293 : memref<1x40x256xf32, #tpu.memory_space<vmem>> -> memref<40x256xf32, #tpu.memory_space<vmem>>
        %parallel_loop3A_295 = arith.index_cast %parallel_loop3A_282 : i32 to index
        %parallel_loop3A_296 = arith.constant 128 : index
        %parallel_loop3A_297 = tpu.vector_load %parallel_loop3A_294[%parallel_loop3A_295, %parallel_loop3A_296] {strides = array<i32>} : memref<40x256xf32, #tpu.memory_space<vmem>>, vector<1x16xf32>,
        %parallel_loop3A_298 = vector.shape_cast %parallel_loop3A_297 : vector<1x16xf32> to vector<16xf32>
        %parallel_loop3A_299 = arith.subf %parallel_loop3A_290, %parallel_loop3A_298 : vector<16xf32>
        %parallel_loop3A_300 = arith.constant 0 : i32
        %parallel_loop3A_301 = arith.constant 0 : i32
        %parallel_loop3A_302 = tpu.memref_slice %arg10[%parallel_loop3A_237, %parallel_loop3A_300, %parallel_loop3A_301] : memref<2x40x256xf32, #tpu.memory_space<vmem>> -> memref<1x40x256xf32, #tpu.memory_space<vmem>>
        %parallel_loop3A_303 = tpu.memref_squeeze %parallel_loop3A_302 : memref<1x40x256xf32, #tpu.memory_space<vmem>> -> memref<40x256xf32, #tpu.memory_space<vmem>>
        %parallel_loop3A_304 = arith.index_cast %parallel_loop3A_282 : i32 to index
        %parallel_loop3A_305 = arith.constant 0 : index
        %parallel_loop3A_306 = tpu.vector_load %parallel_loop3A_303[%parallel_loop3A_304, %parallel_loop3A_305] {strides = array<i32>} : memref<40x256xf32, #tpu.memory_space<vmem>>, vector<1x16xf32>,
        %parallel_loop3A_307 = vector.shape_cast %parallel_loop3A_306 : vector<1x16xf32> to vector<16xf32>
        %parallel_loop3A_308 = math.exp %parallel_loop3A_299 : vector<16xf32>
        %parallel_loop3A_309 = arith.constant 1.000000e+00 : f32
        %parallel_loop3A_310 = vector.broadcast %parallel_loop3A_309 : f32 to vector<16xf32>
        %parallel_loop3A_311 = arith.addf %parallel_loop3A_310, %parallel_loop3A_308 : vector<16xf32>
        %parallel_loop3A_312 = arith.divf %parallel_loop3A_307, %parallel_loop3A_311 : vector<16xf32>
        %parallel_loop3A_313 = arith.constant 0 : i32
        %parallel_loop3A_314 = arith.constant 0 : i32
        %parallel_loop3A_315 = tpu.memref_slice %arg11[%parallel_loop3A_236, %parallel_loop3A_313, %parallel_loop3A_314] : memref<2x40x128xf32, #tpu.memory_space<vmem>> -> memref<1x40x128xf32, #tpu.memory_space<vmem>>
        %parallel_loop3A_316 = tpu.memref_squeeze %parallel_loop3A_315 : memref<1x40x128xf32, #tpu.memory_space<vmem>> -> memref<40x128xf32, #tpu.memory_space<vmem>>
        %parallel_loop3A_317 = arith.index_cast %parallel_loop3A_282 : i32 to index
        %parallel_loop3A_318 = arith.constant 0 : index
        %parallel_loop3A_319 = tpu.vector_load %parallel_loop3A_316[%parallel_loop3A_317, %parallel_loop3A_318] {strides = array<i32>} : memref<40x128xf32, #tpu.memory_space<vmem>>, vector<1x16xf32>,
        %parallel_loop3A_320 = vector.shape_cast %parallel_loop3A_319 : vector<1x16xf32> to vector<16xf32>
        %parallel_loop3A_321 = vector.shape_cast %parallel_loop3A_312 : vector<16xf32> to vector<1x16xf32>
        tpu.vector_store %parallel_loop3A_316[%parallel_loop3A_317, %parallel_loop3A_318], %parallel_loop3A_321 {strides = array<i32>} : memref<40x128xf32, #tpu.memory_space<vmem>>, vector<1x16xf32>,
        %parallel_loop3A_322 = arith.constant 0 : i32
        %parallel_loop3A_323 = arith.constant 0 : i32
        %parallel_loop3A_324 = tpu.memref_slice %arg11[%parallel_loop3A_236, %parallel_loop3A_322, %parallel_loop3A_323] : memref<2x40x128xf32, #tpu.memory_space<vmem>> -> memref<1x40x128xf32, #tpu.memory_space<vmem>>
        %parallel_loop3A_325 = tpu.memref_squeeze %parallel_loop3A_324 : memref<1x40x128xf32, #tpu.memory_space<vmem>> -> memref<40x128xf32, #tpu.memory_space<vmem>>
        %parallel_loop3A_326 = arith.index_cast %parallel_loop3A_282 : i32 to index
        %parallel_loop3A_327 = arith.constant 16 : index
        %parallel_loop3A_328 = tpu.vector_load %parallel_loop3A_325[%parallel_loop3A_326, %parallel_loop3A_327] {strides = array<i32>} : memref<40x128xf32, #tpu.memory_space<vmem>>, vector<1x16xf32>,
        %parallel_loop3A_329 = vector.shape_cast %parallel_loop3A_328 : vector<1x16xf32> to vector<16xf32>
        %parallel_loop3A_330 = arith.constant 0 : i32
        %parallel_loop3A_331 = arith.constant 0 : i32
        %parallel_loop3A_332 = tpu.memref_slice %arg10[%parallel_loop3A_237, %parallel_loop3A_330, %parallel_loop3A_331] : memref<2x40x256xf32, #tpu.memory_space<vmem>> -> memref<1x40x256xf32, #tpu.memory_space<vmem>>
        %parallel_loop3A_333 = tpu.memref_squeeze %parallel_loop3A_332 : memref<1x40x256xf32, #tpu.memory_space<vmem>> -> memref<40x256xf32, #tpu.memory_space<vmem>>
        %parallel_loop3A_334 = arith.index_cast %parallel_loop3A_282 : i32 to index
        %parallel_loop3A_335 = arith.constant 144 : index
        %parallel_loop3A_336 = tpu.vector_load %parallel_loop3A_333[%parallel_loop3A_334, %parallel_loop3A_335] {strides = array<i32>} : memref<40x256xf32, #tpu.memory_space<vmem>>, vector<1x16xf32>,
        %parallel_loop3A_337 = vector.shape_cast %parallel_loop3A_336 : vector<1x16xf32> to vector<16xf32>
        %parallel_loop3A_338 = arith.subf %parallel_loop3A_329, %parallel_loop3A_337 : vector<16xf32>
        %parallel_loop3A_339 = arith.constant 0 : i32
        %parallel_loop3A_340 = arith.constant 0 : i32
        %parallel_loop3A_341 = tpu.memref_slice %arg10[%parallel_loop3A_237, %parallel_loop3A_339, %parallel_loop3A_340] : memref<2x40x256xf32, #tpu.memory_space<vmem>> -> memref<1x40x256xf32, #tpu.memory_space<vmem>>
        %parallel_loop3A_342 = tpu.memref_squeeze %parallel_loop3A_341 : memref<1x40x256xf32, #tpu.memory_space<vmem>> -> memref<40x256xf32, #tpu.memory_space<vmem>>
        %parallel_loop3A_343 = arith.index_cast %parallel_loop3A_282 : i32 to index
        %parallel_loop3A_344 = arith.constant 16 : index
        %parallel_loop3A_345 = tpu.vector_load %parallel_loop3A_342[%parallel_loop3A_343, %parallel_loop3A_344] {strides = array<i32>} : memref<40x256xf32, #tpu.memory_space<vmem>>, vector<1x16xf32>,
        %parallel_loop3A_346 = vector.shape_cast %parallel_loop3A_345 : vector<1x16xf32> to vector<16xf32>
        %parallel_loop3A_347 = math.exp %parallel_loop3A_338 : vector<16xf32>
        %parallel_loop3A_348 = arith.constant 1.000000e+00 : f32
        %parallel_loop3A_349 = vector.broadcast %parallel_loop3A_348 : f32 to vector<16xf32>
        %parallel_loop3A_350 = arith.addf %parallel_loop3A_349, %parallel_loop3A_347 : vector<16xf32>
        %parallel_loop3A_351 = arith.divf %parallel_loop3A_346, %parallel_loop3A_350 : vector<16xf32>
        %parallel_loop3A_352 = arith.constant 0 : i32
        %parallel_loop3A_353 = arith.constant 0 : i32
        %parallel_loop3A_354 = tpu.memref_slice %arg11[%parallel_loop3A_236, %parallel_loop3A_352, %parallel_loop3A_353] : memref<2x40x128xf32, #tpu.memory_space<vmem>> -> memref<1x40x128xf32, #tpu.memory_space<vmem>>
        %parallel_loop3A_355 = tpu.memref_squeeze %parallel_loop3A_354 : memref<1x40x128xf32, #tpu.memory_space<vmem>> -> memref<40x128xf32, #tpu.memory_space<vmem>>
        %parallel_loop3A_356 = arith.index_cast %parallel_loop3A_282 : i32 to index
        %parallel_loop3A_357 = arith.constant 16 : index
        %parallel_loop3A_358 = tpu.vector_load %parallel_loop3A_355[%parallel_loop3A_356, %parallel_loop3A_357] {strides = array<i32>} : memref<40x128xf32, #tpu.memory_space<vmem>>, vector<1x16xf32>,
        %parallel_loop3A_359 = vector.shape_cast %parallel_loop3A_358 : vector<1x16xf32> to vector<16xf32>
        %parallel_loop3A_360 = vector.shape_cast %parallel_loop3A_351 : vector<16xf32> to vector<1x16xf32>
        tpu.vector_store %parallel_loop3A_355[%parallel_loop3A_356, %parallel_loop3A_357], %parallel_loop3A_360 {strides = array<i32>} : memref<40x128xf32, #tpu.memory_space<vmem>>, vector<1x16xf32>,
        %parallel_loop3A_361 = arith.constant 0 : i32
        %parallel_loop3A_362 = arith.constant 0 : i32
        %parallel_loop3A_363 = tpu.memref_slice %arg11[%parallel_loop3A_236, %parallel_loop3A_361, %parallel_loop3A_362] : memref<2x40x128xf32, #tpu.memory_space<vmem>> -> memref<1x40x128xf32, #tpu.memory_space<vmem>>
        %parallel_loop3A_364 = tpu.memref_squeeze %parallel_loop3A_363 : memref<1x40x128xf32, #tpu.memory_space<vmem>> -> memref<40x128xf32, #tpu.memory_space<vmem>>
        %parallel_loop3A_365 = arith.index_cast %parallel_loop3A_282 : i32 to index
        %parallel_loop3A_366 = arith.constant 32 : index
        %parallel_loop3A_367 = tpu.vector_load %parallel_loop3A_364[%parallel_loop3A_365, %parallel_loop3A_366] {strides = array<i32>} : memref<40x128xf32, #tpu.memory_space<vmem>>, vector<1x16xf32>,
        %parallel_loop3A_368 = vector.shape_cast %parallel_loop3A_367 : vector<1x16xf32> to vector<16xf32>
        %parallel_loop3A_369 = arith.constant 0 : i32
        %parallel_loop3A_370 = arith.constant 0 : i32
        %parallel_loop3A_371 = tpu.memref_slice %arg10[%parallel_loop3A_237, %parallel_loop3A_369, %parallel_loop3A_370] : memref<2x40x256xf32, #tpu.memory_space<vmem>> -> memref<1x40x256xf32, #tpu.memory_space<vmem>>
        %parallel_loop3A_372 = tpu.memref_squeeze %parallel_loop3A_371 : memref<1x40x256xf32, #tpu.memory_space<vmem>> -> memref<40x256xf32, #tpu.memory_space<vmem>>
        %parallel_loop3A_373 = arith.index_cast %parallel_loop3A_282 : i32 to index
        %parallel_loop3A_374 = arith.constant 160 : index
        %parallel_loop3A_375 = tpu.vector_load %parallel_loop3A_372[%parallel_loop3A_373, %parallel_loop3A_374] {strides = array<i32>} : memref<40x256xf32, #tpu.memory_space<vmem>>, vector<1x16xf32>,
        %parallel_loop3A_376 = vector.shape_cast %parallel_loop3A_375 : vector<1x16xf32> to vector<16xf32>
        %parallel_loop3A_377 = arith.subf %parallel_loop3A_368, %parallel_loop3A_376 : vector<16xf32>
        %parallel_loop3A_378 = arith.constant 0 : i32
        %parallel_loop3A_379 = arith.constant 0 : i32
        %parallel_loop3A_380 = tpu.memref_slice %arg10[%parallel_loop3A_237, %parallel_loop3A_378, %parallel_loop3A_379] : memref<2x40x256xf32, #tpu.memory_space<vmem>> -> memref<1x40x256xf32, #tpu.memory_space<vmem>>
        %parallel_loop3A_381 = tpu.memref_squeeze %parallel_loop3A_380 : memref<1x40x256xf32, #tpu.memory_space<vmem>> -> memref<40x256xf32, #tpu.memory_space<vmem>>
        %parallel_loop3A_382 = arith.index_cast %parallel_loop3A_282 : i32 to index
        %parallel_loop3A_383 = arith.constant 32 : index
        %parallel_loop3A_384 = tpu.vector_load %parallel_loop3A_381[%parallel_loop3A_382, %parallel_loop3A_383] {strides = array<i32>} : memref<40x256xf32, #tpu.memory_space<vmem>>, vector<1x16xf32>,
        %parallel_loop3A_385 = vector.shape_cast %parallel_loop3A_384 : vector<1x16xf32> to vector<16xf32>
        %parallel_loop3A_386 = math.exp %parallel_loop3A_377 : vector<16xf32>
        %parallel_loop3A_387 = arith.constant 1.000000e+00 : f32
        %parallel_loop3A_388 = vector.broadcast %parallel_loop3A_387 : f32 to vector<16xf32>
        %parallel_loop3A_389 = arith.addf %parallel_loop3A_388, %parallel_loop3A_386 : vector<16xf32>
        %parallel_loop3A_390 = arith.divf %parallel_loop3A_385, %parallel_loop3A_389 : vector<16xf32>
        %parallel_loop3A_391 = arith.constant 0 : i32
        %parallel_loop3A_392 = arith.constant 0 : i32
        %parallel_loop3A_393 = tpu.memref_slice %arg11[%parallel_loop3A_236, %parallel_loop3A_391, %parallel_loop3A_392] : memref<2x40x128xf32, #tpu.memory_space<vmem>> -> memref<1x40x128xf32, #tpu.memory_space<vmem>>
        %parallel_loop3A_394 = tpu.memref_squeeze %parallel_loop3A_393 : memref<1x40x128xf32, #tpu.memory_space<vmem>> -> memref<40x128xf32, #tpu.memory_space<vmem>>
        %parallel_loop3A_395 = arith.index_cast %parallel_loop3A_282 : i32 to index
        %parallel_loop3A_396 = arith.constant 32 : index
        %parallel_loop3A_397 = tpu.vector_load %parallel_loop3A_394[%parallel_loop3A_395, %parallel_loop3A_396] {strides = array<i32>} : memref<40x128xf32, #tpu.memory_space<vmem>>, vector<1x16xf32>,
        %parallel_loop3A_398 = vector.shape_cast %parallel_loop3A_397 : vector<1x16xf32> to vector<16xf32>
        %parallel_loop3A_399 = vector.shape_cast %parallel_loop3A_390 : vector<16xf32> to vector<1x16xf32>
        tpu.vector_store %parallel_loop3A_394[%parallel_loop3A_395, %parallel_loop3A_396], %parallel_loop3A_399 {strides = array<i32>} : memref<40x128xf32, #tpu.memory_space<vmem>>, vector<1x16xf32>,
        %parallel_loop3A_400 = arith.constant 0 : i32
        %parallel_loop3A_401 = arith.constant 0 : i32
        %parallel_loop3A_402 = tpu.memref_slice %arg11[%parallel_loop3A_236, %parallel_loop3A_400, %parallel_loop3A_401] : memref<2x40x128xf32, #tpu.memory_space<vmem>> -> memref<1x40x128xf32, #tpu.memory_space<vmem>>
        %parallel_loop3A_403 = tpu.memref_squeeze %parallel_loop3A_402 : memref<1x40x128xf32, #tpu.memory_space<vmem>> -> memref<40x128xf32, #tpu.memory_space<vmem>>
        %parallel_loop3A_404 = arith.index_cast %parallel_loop3A_282 : i32 to index
        %parallel_loop3A_405 = arith.constant 48 : index
        %parallel_loop3A_406 = tpu.vector_load %parallel_loop3A_403[%parallel_loop3A_404, %parallel_loop3A_405] {strides = array<i32>} : memref<40x128xf32, #tpu.memory_space<vmem>>, vector<1x16xf32>,
        %parallel_loop3A_407 = vector.shape_cast %parallel_loop3A_406 : vector<1x16xf32> to vector<16xf32>
        %parallel_loop3A_408 = arith.constant 0 : i32
        %parallel_loop3A_409 = arith.constant 0 : i32
        %parallel_loop3A_410 = tpu.memref_slice %arg10[%parallel_loop3A_237, %parallel_loop3A_408, %parallel_loop3A_409] : memref<2x40x256xf32, #tpu.memory_space<vmem>> -> memref<1x40x256xf32, #tpu.memory_space<vmem>>
        %parallel_loop3A_411 = tpu.memref_squeeze %parallel_loop3A_410 : memref<1x40x256xf32, #tpu.memory_space<vmem>> -> memref<40x256xf32, #tpu.memory_space<vmem>>
        %parallel_loop3A_412 = arith.index_cast %parallel_loop3A_282 : i32 to index
        %parallel_loop3A_413 = arith.constant 176 : index
        %parallel_loop3A_414 = tpu.vector_load %parallel_loop3A_411[%parallel_loop3A_412, %parallel_loop3A_413] {strides = array<i32>} : memref<40x256xf32, #tpu.memory_space<vmem>>, vector<1x16xf32>,
        %parallel_loop3A_415 = vector.shape_cast %parallel_loop3A_414 : vector<1x16xf32> to vector<16xf32>
        %parallel_loop3A_416 = arith.subf %parallel_loop3A_407, %parallel_loop3A_415 : vector<16xf32>
        %parallel_loop3A_417 = arith.constant 0 : i32
        %parallel_loop3A_418 = arith.constant 0 : i32
        %parallel_loop3A_419 = tpu.memref_slice %arg10[%parallel_loop3A_237, %parallel_loop3A_417, %parallel_loop3A_418] : memref<2x40x256xf32, #tpu.memory_space<vmem>> -> memref<1x40x256xf32, #tpu.memory_space<vmem>>
        %parallel_loop3A_420 = tpu.memref_squeeze %parallel_loop3A_419 : memref<1x40x256xf32, #tpu.memory_space<vmem>> -> memref<40x256xf32, #tpu.memory_space<vmem>>
        %parallel_loop3A_421 = arith.index_cast %parallel_loop3A_282 : i32 to index
        %parallel_loop3A_422 = arith.constant 48 : index
        %parallel_loop3A_423 = tpu.vector_load %parallel_loop3A_420[%parallel_loop3A_421, %parallel_loop3A_422] {strides = array<i32>} : memref<40x256xf32, #tpu.memory_space<vmem>>, vector<1x16xf32>,
        %parallel_loop3A_424 = vector.shape_cast %parallel_loop3A_423 : vector<1x16xf32> to vector<16xf32>
        %parallel_loop3A_425 = math.exp %parallel_loop3A_416 : vector<16xf32>
        %parallel_loop3A_426 = arith.constant 1.000000e+00 : f32
        %parallel_loop3A_427 = vector.broadcast %parallel_loop3A_426 : f32 to vector<16xf32>
        %parallel_loop3A_428 = arith.addf %parallel_loop3A_427, %parallel_loop3A_425 : vector<16xf32>
        %parallel_loop3A_429 = arith.divf %parallel_loop3A_424, %parallel_loop3A_428 : vector<16xf32>
        %parallel_loop3A_430 = arith.constant 0 : i32
        %parallel_loop3A_431 = arith.constant 0 : i32
        %parallel_loop3A_432 = tpu.memref_slice %arg11[%parallel_loop3A_236, %parallel_loop3A_430, %parallel_loop3A_431] : memref<2x40x128xf32, #tpu.memory_space<vmem>> -> memref<1x40x128xf32, #tpu.memory_space<vmem>>
        %parallel_loop3A_433 = tpu.memref_squeeze %parallel_loop3A_432 : memref<1x40x128xf32, #tpu.memory_space<vmem>> -> memref<40x128xf32, #tpu.memory_space<vmem>>
        %parallel_loop3A_434 = arith.index_cast %parallel_loop3A_282 : i32 to index
        %parallel_loop3A_435 = arith.constant 48 : index
        %parallel_loop3A_436 = tpu.vector_load %parallel_loop3A_433[%parallel_loop3A_434, %parallel_loop3A_435] {strides = array<i32>} : memref<40x128xf32, #tpu.memory_space<vmem>>, vector<1x16xf32>,
        %parallel_loop3A_437 = vector.shape_cast %parallel_loop3A_436 : vector<1x16xf32> to vector<16xf32>
        %parallel_loop3A_438 = vector.shape_cast %parallel_loop3A_429 : vector<16xf32> to vector<1x16xf32>
        tpu.vector_store %parallel_loop3A_433[%parallel_loop3A_434, %parallel_loop3A_435], %parallel_loop3A_438 {strides = array<i32>} : memref<40x128xf32, #tpu.memory_space<vmem>>, vector<1x16xf32>,
        %parallel_loop3A_439 = arith.constant 0 : i32
        %parallel_loop3A_440 = arith.constant 0 : i32
        %parallel_loop3A_441 = tpu.memref_slice %arg11[%parallel_loop3A_236, %parallel_loop3A_439, %parallel_loop3A_440] : memref<2x40x128xf32, #tpu.memory_space<vmem>> -> memref<1x40x128xf32, #tpu.memory_space<vmem>>
        %parallel_loop3A_442 = tpu.memref_squeeze %parallel_loop3A_441 : memref<1x40x128xf32, #tpu.memory_space<vmem>> -> memref<40x128xf32, #tpu.memory_space<vmem>>
        %parallel_loop3A_443 = arith.index_cast %parallel_loop3A_282 : i32 to index
        %parallel_loop3A_444 = arith.constant 64 : index
        %parallel_loop3A_445 = tpu.vector_load %parallel_loop3A_442[%parallel_loop3A_443, %parallel_loop3A_444] {strides = array<i32>} : memref<40x128xf32, #tpu.memory_space<vmem>>, vector<1x16xf32>,
        %parallel_loop3A_446 = vector.shape_cast %parallel_loop3A_445 : vector<1x16xf32> to vector<16xf32>
        %parallel_loop3A_447 = arith.constant 0 : i32
        %parallel_loop3A_448 = arith.constant 0 : i32
        %parallel_loop3A_449 = tpu.memref_slice %arg10[%parallel_loop3A_237, %parallel_loop3A_447, %parallel_loop3A_448] : memref<2x40x256xf32, #tpu.memory_space<vmem>> -> memref<1x40x256xf32, #tpu.memory_space<vmem>>
        %parallel_loop3A_450 = tpu.memref_squeeze %parallel_loop3A_449 : memref<1x40x256xf32, #tpu.memory_space<vmem>> -> memref<40x256xf32, #tpu.memory_space<vmem>>
        %parallel_loop3A_451 = arith.index_cast %parallel_loop3A_282 : i32 to index
        %parallel_loop3A_452 = arith.constant 192 : index
        %parallel_loop3A_453 = tpu.vector_load %parallel_loop3A_450[%parallel_loop3A_451, %parallel_loop3A_452] {strides = array<i32>} : memref<40x256xf32, #tpu.memory_space<vmem>>, vector<1x16xf32>,
        %parallel_loop3A_454 = vector.shape_cast %parallel_loop3A_453 : vector<1x16xf32> to vector<16xf32>
        %parallel_loop3A_455 = arith.subf %parallel_loop3A_446, %parallel_loop3A_454 : vector<16xf32>
        %parallel_loop3A_456 = arith.constant 0 : i32
        %parallel_loop3A_457 = arith.constant 0 : i32
        %parallel_loop3A_458 = tpu.memref_slice %arg10[%parallel_loop3A_237, %parallel_loop3A_456, %parallel_loop3A_457] : memref<2x40x256xf32, #tpu.memory_space<vmem>> -> memref<1x40x256xf32, #tpu.memory_space<vmem>>
        %parallel_loop3A_459 = tpu.memref_squeeze %parallel_loop3A_458 : memref<1x40x256xf32, #tpu.memory_space<vmem>> -> memref<40x256xf32, #tpu.memory_space<vmem>>
        %parallel_loop3A_460 = arith.index_cast %parallel_loop3A_282 : i32 to index
        %parallel_loop3A_461 = arith.constant 64 : index
        %parallel_loop3A_462 = tpu.vector_load %parallel_loop3A_459[%parallel_loop3A_460, %parallel_loop3A_461] {strides = array<i32>} : memref<40x256xf32, #tpu.memory_space<vmem>>, vector<1x16xf32>,
        %parallel_loop3A_463 = vector.shape_cast %parallel_loop3A_462 : vector<1x16xf32> to vector<16xf32>
        %parallel_loop3A_464 = math.exp %parallel_loop3A_455 : vector<16xf32>
        %parallel_loop3A_465 = arith.constant 1.000000e+00 : f32
        %parallel_loop3A_466 = vector.broadcast %parallel_loop3A_465 : f32 to vector<16xf32>
        %parallel_loop3A_467 = arith.addf %parallel_loop3A_466, %parallel_loop3A_464 : vector<16xf32>
        %parallel_loop3A_468 = arith.divf %parallel_loop3A_463, %parallel_loop3A_467 : vector<16xf32>
        %parallel_loop3A_469 = arith.constant 0 : i32
        %parallel_loop3A_470 = arith.constant 0 : i32
        %parallel_loop3A_471 = tpu.memref_slice %arg11[%parallel_loop3A_236, %parallel_loop3A_469, %parallel_loop3A_470] : memref<2x40x128xf32, #tpu.memory_space<vmem>> -> memref<1x40x128xf32, #tpu.memory_space<vmem>>
        %parallel_loop3A_472 = tpu.memref_squeeze %parallel_loop3A_471 : memref<1x40x128xf32, #tpu.memory_space<vmem>> -> memref<40x128xf32, #tpu.memory_space<vmem>>
        %parallel_loop3A_473 = arith.index_cast %parallel_loop3A_282 : i32 to index
        %parallel_loop3A_474 = arith.constant 64 : index
        %parallel_loop3A_475 = tpu.vector_load %parallel_loop3A_472[%parallel_loop3A_473, %parallel_loop3A_474] {strides = array<i32>} : memref<40x128xf32, #tpu.memory_space<vmem>>, vector<1x16xf32>,
        %parallel_loop3A_476 = vector.shape_cast %parallel_loop3A_475 : vector<1x16xf32> to vector<16xf32>
        %parallel_loop3A_477 = vector.shape_cast %parallel_loop3A_468 : vector<16xf32> to vector<1x16xf32>
        tpu.vector_store %parallel_loop3A_472[%parallel_loop3A_473, %parallel_loop3A_474], %parallel_loop3A_477 {strides = array<i32>} : memref<40x128xf32, #tpu.memory_space<vmem>>, vector<1x16xf32>,
        %parallel_loop3A_478 = arith.constant 0 : i32
        %parallel_loop3A_479 = arith.constant 0 : i32
        %parallel_loop3A_480 = tpu.memref_slice %arg11[%parallel_loop3A_236, %parallel_loop3A_478, %parallel_loop3A_479] : memref<2x40x128xf32, #tpu.memory_space<vmem>> -> memref<1x40x128xf32, #tpu.memory_space<vmem>>
        %parallel_loop3A_481 = tpu.memref_squeeze %parallel_loop3A_480 : memref<1x40x128xf32, #tpu.memory_space<vmem>> -> memref<40x128xf32, #tpu.memory_space<vmem>>
        %parallel_loop3A_482 = arith.index_cast %parallel_loop3A_282 : i32 to index
        %parallel_loop3A_483 = arith.constant 80 : index
        %parallel_loop3A_484 = tpu.vector_load %parallel_loop3A_481[%parallel_loop3A_482, %parallel_loop3A_483] {strides = array<i32>} : memref<40x128xf32, #tpu.memory_space<vmem>>, vector<1x16xf32>,
        %parallel_loop3A_485 = vector.shape_cast %parallel_loop3A_484 : vector<1x16xf32> to vector<16xf32>
        %parallel_loop3A_486 = arith.constant 0 : i32
        %parallel_loop3A_487 = arith.constant 0 : i32
        %parallel_loop3A_488 = tpu.memref_slice %arg10[%parallel_loop3A_237, %parallel_loop3A_486, %parallel_loop3A_487] : memref<2x40x256xf32, #tpu.memory_space<vmem>> -> memref<1x40x256xf32, #tpu.memory_space<vmem>>
        %parallel_loop3A_489 = tpu.memref_squeeze %parallel_loop3A_488 : memref<1x40x256xf32, #tpu.memory_space<vmem>> -> memref<40x256xf32, #tpu.memory_space<vmem>>
        %parallel_loop3A_490 = arith.index_cast %parallel_loop3A_282 : i32 to index
        %parallel_loop3A_491 = arith.constant 208 : index
        %parallel_loop3A_492 = tpu.vector_load %parallel_loop3A_489[%parallel_loop3A_490, %parallel_loop3A_491] {strides = array<i32>} : memref<40x256xf32, #tpu.memory_space<vmem>>, vector<1x16xf32>,
        %parallel_loop3A_493 = vector.shape_cast %parallel_loop3A_492 : vector<1x16xf32> to vector<16xf32>
        %parallel_loop3A_494 = arith.subf %parallel_loop3A_485, %parallel_loop3A_493 : vector<16xf32>
        %parallel_loop3A_495 = arith.constant 0 : i32
        %parallel_loop3A_496 = arith.constant 0 : i32
        %parallel_loop3A_497 = tpu.memref_slice %arg10[%parallel_loop3A_237, %parallel_loop3A_495, %parallel_loop3A_496] : memref<2x40x256xf32, #tpu.memory_space<vmem>> -> memref<1x40x256xf32, #tpu.memory_space<vmem>>
        %parallel_loop3A_498 = tpu.memref_squeeze %parallel_loop3A_497 : memref<1x40x256xf32, #tpu.memory_space<vmem>> -> memref<40x256xf32, #tpu.memory_space<vmem>>
        %parallel_loop3A_499 = arith.index_cast %parallel_loop3A_282 : i32 to index
        %parallel_loop3A_500 = arith.constant 80 : index
        %parallel_loop3A_501 = tpu.vector_load %parallel_loop3A_498[%parallel_loop3A_499, %parallel_loop3A_500] {strides = array<i32>} : memref<40x256xf32, #tpu.memory_space<vmem>>, vector<1x16xf32>,
        %parallel_loop3A_502 = vector.shape_cast %parallel_loop3A_501 : vector<1x16xf32> to vector<16xf32>
        %parallel_loop3A_503 = math.exp %parallel_loop3A_494 : vector<16xf32>
        %parallel_loop3A_504 = arith.constant 1.000000e+00 : f32
        %parallel_loop3A_505 = vector.broadcast %parallel_loop3A_504 : f32 to vector<16xf32>
        %parallel_loop3A_506 = arith.addf %parallel_loop3A_505, %parallel_loop3A_503 : vector<16xf32>
        %parallel_loop3A_507 = arith.divf %parallel_loop3A_502, %parallel_loop3A_506 : vector<16xf32>
        %parallel_loop3A_508 = arith.constant 0 : i32
        %parallel_loop3A_509 = arith.constant 0 : i32
        %parallel_loop3A_510 = tpu.memref_slice %arg11[%parallel_loop3A_236, %parallel_loop3A_508, %parallel_loop3A_509] : memref<2x40x128xf32, #tpu.memory_space<vmem>> -> memref<1x40x128xf32, #tpu.memory_space<vmem>>
        %parallel_loop3A_511 = tpu.memref_squeeze %parallel_loop3A_510 : memref<1x40x128xf32, #tpu.memory_space<vmem>> -> memref<40x128xf32, #tpu.memory_space<vmem>>
        %parallel_loop3A_512 = arith.index_cast %parallel_loop3A_282 : i32 to index
        %parallel_loop3A_513 = arith.constant 80 : index
        %parallel_loop3A_514 = tpu.vector_load %parallel_loop3A_511[%parallel_loop3A_512, %parallel_loop3A_513] {strides = array<i32>} : memref<40x128xf32, #tpu.memory_space<vmem>>, vector<1x16xf32>,
        %parallel_loop3A_515 = vector.shape_cast %parallel_loop3A_514 : vector<1x16xf32> to vector<16xf32>
        %parallel_loop3A_516 = vector.shape_cast %parallel_loop3A_507 : vector<16xf32> to vector<1x16xf32>
        tpu.vector_store %parallel_loop3A_511[%parallel_loop3A_512, %parallel_loop3A_513], %parallel_loop3A_516 {strides = array<i32>} : memref<40x128xf32, #tpu.memory_space<vmem>>, vector<1x16xf32>,
        %parallel_loop3A_517 = arith.constant 0 : i32
        %parallel_loop3A_518 = arith.constant 0 : i32
        %parallel_loop3A_519 = tpu.memref_slice %arg11[%parallel_loop3A_236, %parallel_loop3A_517, %parallel_loop3A_518] : memref<2x40x128xf32, #tpu.memory_space<vmem>> -> memref<1x40x128xf32, #tpu.memory_space<vmem>>
        %parallel_loop3A_520 = tpu.memref_squeeze %parallel_loop3A_519 : memref<1x40x128xf32, #tpu.memory_space<vmem>> -> memref<40x128xf32, #tpu.memory_space<vmem>>
        %parallel_loop3A_521 = arith.index_cast %parallel_loop3A_282 : i32 to index
        %parallel_loop3A_522 = arith.constant 96 : index
        %parallel_loop3A_523 = tpu.vector_load %parallel_loop3A_520[%parallel_loop3A_521, %parallel_loop3A_522] {strides = array<i32>} : memref<40x128xf32, #tpu.memory_space<vmem>>, vector<1x16xf32>,
        %parallel_loop3A_524 = vector.shape_cast %parallel_loop3A_523 : vector<1x16xf32> to vector<16xf32>
        %parallel_loop3A_525 = arith.constant 0 : i32
        %parallel_loop3A_526 = arith.constant 0 : i32
        %parallel_loop3A_527 = tpu.memref_slice %arg10[%parallel_loop3A_237, %parallel_loop3A_525, %parallel_loop3A_526] : memref<2x40x256xf32, #tpu.memory_space<vmem>> -> memref<1x40x256xf32, #tpu.memory_space<vmem>>
        %parallel_loop3A_528 = tpu.memref_squeeze %parallel_loop3A_527 : memref<1x40x256xf32, #tpu.memory_space<vmem>> -> memref<40x256xf32, #tpu.memory_space<vmem>>
        %parallel_loop3A_529 = arith.index_cast %parallel_loop3A_282 : i32 to index
        %parallel_loop3A_530 = arith.constant 224 : index
        %parallel_loop3A_531 = tpu.vector_load %parallel_loop3A_528[%parallel_loop3A_529, %parallel_loop3A_530] {strides = array<i32>} : memref<40x256xf32, #tpu.memory_space<vmem>>, vector<1x16xf32>,
        %parallel_loop3A_532 = vector.shape_cast %parallel_loop3A_531 : vector<1x16xf32> to vector<16xf32>
        %parallel_loop3A_533 = arith.subf %parallel_loop3A_524, %parallel_loop3A_532 : vector<16xf32>
        %parallel_loop3A_534 = arith.constant 0 : i32
        %parallel_loop3A_535 = arith.constant 0 : i32
        %parallel_loop3A_536 = tpu.memref_slice %arg10[%parallel_loop3A_237, %parallel_loop3A_534, %parallel_loop3A_535] : memref<2x40x256xf32, #tpu.memory_space<vmem>> -> memref<1x40x256xf32, #tpu.memory_space<vmem>>
        %parallel_loop3A_537 = tpu.memref_squeeze %parallel_loop3A_536 : memref<1x40x256xf32, #tpu.memory_space<vmem>> -> memref<40x256xf32, #tpu.memory_space<vmem>>
        %parallel_loop3A_538 = arith.index_cast %parallel_loop3A_282 : i32 to index
        %parallel_loop3A_539 = arith.constant 96 : index
        %parallel_loop3A_540 = tpu.vector_load %parallel_loop3A_537[%parallel_loop3A_538, %parallel_loop3A_539] {strides = array<i32>} : memref<40x256xf32, #tpu.memory_space<vmem>>, vector<1x16xf32>,
        %parallel_loop3A_541 = vector.shape_cast %parallel_loop3A_540 : vector<1x16xf32> to vector<16xf32>
        %parallel_loop3A_542 = math.exp %parallel_loop3A_533 : vector<16xf32>
        %parallel_loop3A_543 = arith.constant 1.000000e+00 : f32
        %parallel_loop3A_544 = vector.broadcast %parallel_loop3A_543 : f32 to vector<16xf32>
        %parallel_loop3A_545 = arith.addf %parallel_loop3A_544, %parallel_loop3A_542 : vector<16xf32>
        %parallel_loop3A_546 = arith.divf %parallel_loop3A_541, %parallel_loop3A_545 : vector<16xf32>
        %parallel_loop3A_547 = arith.constant 0 : i32
        %parallel_loop3A_548 = arith.constant 0 : i32
        %parallel_loop3A_549 = tpu.memref_slice %arg11[%parallel_loop3A_236, %parallel_loop3A_547, %parallel_loop3A_548] : memref<2x40x128xf32, #tpu.memory_space<vmem>> -> memref<1x40x128xf32, #tpu.memory_space<vmem>>
        %parallel_loop3A_550 = tpu.memref_squeeze %parallel_loop3A_549 : memref<1x40x128xf32, #tpu.memory_space<vmem>> -> memref<40x128xf32, #tpu.memory_space<vmem>>
        %parallel_loop3A_551 = arith.index_cast %parallel_loop3A_282 : i32 to index
        %parallel_loop3A_552 = arith.constant 96 : index
        %parallel_loop3A_553 = tpu.vector_load %parallel_loop3A_550[%parallel_loop3A_551, %parallel_loop3A_552] {strides = array<i32>} : memref<40x128xf32, #tpu.memory_space<vmem>>, vector<1x16xf32>,
        %parallel_loop3A_554 = vector.shape_cast %parallel_loop3A_553 : vector<1x16xf32> to vector<16xf32>
        %parallel_loop3A_555 = vector.shape_cast %parallel_loop3A_546 : vector<16xf32> to vector<1x16xf32>
        tpu.vector_store %parallel_loop3A_550[%parallel_loop3A_551, %parallel_loop3A_552], %parallel_loop3A_555 {strides = array<i32>} : memref<40x128xf32, #tpu.memory_space<vmem>>, vector<1x16xf32>,
        %parallel_loop3A_556 = arith.constant 0 : i32
        %parallel_loop3A_557 = arith.constant 0 : i32
        %parallel_loop3A_558 = tpu.memref_slice %arg11[%parallel_loop3A_236, %parallel_loop3A_556, %parallel_loop3A_557] : memref<2x40x128xf32, #tpu.memory_space<vmem>> -> memref<1x40x128xf32, #tpu.memory_space<vmem>>
        %parallel_loop3A_559 = tpu.memref_squeeze %parallel_loop3A_558 : memref<1x40x128xf32, #tpu.memory_space<vmem>> -> memref<40x128xf32, #tpu.memory_space<vmem>>
        %parallel_loop3A_560 = arith.index_cast %parallel_loop3A_282 : i32 to index
        %parallel_loop3A_561 = arith.constant 112 : index
        %parallel_loop3A_562 = tpu.vector_load %parallel_loop3A_559[%parallel_loop3A_560, %parallel_loop3A_561] {strides = array<i32>} : memref<40x128xf32, #tpu.memory_space<vmem>>, vector<1x16xf32>,
        %parallel_loop3A_563 = vector.shape_cast %parallel_loop3A_562 : vector<1x16xf32> to vector<16xf32>
        %parallel_loop3A_564 = arith.constant 0 : i32
        %parallel_loop3A_565 = arith.constant 0 : i32
        %parallel_loop3A_566 = tpu.memref_slice %arg10[%parallel_loop3A_237, %parallel_loop3A_564, %parallel_loop3A_565] : memref<2x40x256xf32, #tpu.memory_space<vmem>> -> memref<1x40x256xf32, #tpu.memory_space<vmem>>
        %parallel_loop3A_567 = tpu.memref_squeeze %parallel_loop3A_566 : memref<1x40x256xf32, #tpu.memory_space<vmem>> -> memref<40x256xf32, #tpu.memory_space<vmem>>
        %parallel_loop3A_568 = arith.index_cast %parallel_loop3A_282 : i32 to index
        %parallel_loop3A_569 = arith.constant 240 : index
        %parallel_loop3A_570 = tpu.vector_load %parallel_loop3A_567[%parallel_loop3A_568, %parallel_loop3A_569] {strides = array<i32>} : memref<40x256xf32, #tpu.memory_space<vmem>>, vector<1x16xf32>,
        %parallel_loop3A_571 = vector.shape_cast %parallel_loop3A_570 : vector<1x16xf32> to vector<16xf32>
        %parallel_loop3A_572 = arith.subf %parallel_loop3A_563, %parallel_loop3A_571 : vector<16xf32>
        %parallel_loop3A_573 = arith.constant 0 : i32
        %parallel_loop3A_574 = arith.constant 0 : i32
        %parallel_loop3A_575 = tpu.memref_slice %arg10[%parallel_loop3A_237, %parallel_loop3A_573, %parallel_loop3A_574] : memref<2x40x256xf32, #tpu.memory_space<vmem>> -> memref<1x40x256xf32, #tpu.memory_space<vmem>>
        %parallel_loop3A_576 = tpu.memref_squeeze %parallel_loop3A_575 : memref<1x40x256xf32, #tpu.memory_space<vmem>> -> memref<40x256xf32, #tpu.memory_space<vmem>>
        %parallel_loop3A_577 = arith.index_cast %parallel_loop3A_282 : i32 to index
        %parallel_loop3A_578 = arith.constant 112 : index
        %parallel_loop3A_579 = tpu.vector_load %parallel_loop3A_576[%parallel_loop3A_577, %parallel_loop3A_578] {strides = array<i32>} : memref<40x256xf32, #tpu.memory_space<vmem>>, vector<1x16xf32>,
        %parallel_loop3A_580 = vector.shape_cast %parallel_loop3A_579 : vector<1x16xf32> to vector<16xf32>
        %parallel_loop3A_581 = math.exp %parallel_loop3A_572 : vector<16xf32>
        %parallel_loop3A_582 = arith.constant 1.000000e+00 : f32
        %parallel_loop3A_583 = vector.broadcast %parallel_loop3A_582 : f32 to vector<16xf32>
        %parallel_loop3A_584 = arith.addf %parallel_loop3A_583, %parallel_loop3A_581 : vector<16xf32>
        %parallel_loop3A_585 = arith.divf %parallel_loop3A_580, %parallel_loop3A_584 : vector<16xf32>
        %parallel_loop3A_586 = arith.constant 0 : i32
        %parallel_loop3A_587 = arith.constant 0 : i32
        %parallel_loop3A_588 = tpu.memref_slice %arg11[%parallel_loop3A_236, %parallel_loop3A_586, %parallel_loop3A_587] : memref<2x40x128xf32, #tpu.memory_space<vmem>> -> memref<1x40x128xf32, #tpu.memory_space<vmem>>
        %parallel_loop3A_589 = tpu.memref_squeeze %parallel_loop3A_588 : memref<1x40x128xf32, #tpu.memory_space<vmem>> -> memref<40x128xf32, #tpu.memory_space<vmem>>
        %parallel_loop3A_590 = arith.index_cast %parallel_loop3A_282 : i32 to index
        %parallel_loop3A_591 = arith.constant 112 : index
        %parallel_loop3A_592 = tpu.vector_load %parallel_loop3A_589[%parallel_loop3A_590, %parallel_loop3A_591] {strides = array<i32>} : memref<40x128xf32, #tpu.memory_space<vmem>>, vector<1x16xf32>,
        %parallel_loop3A_593 = vector.shape_cast %parallel_loop3A_592 : vector<1x16xf32> to vector<16xf32>
        %parallel_loop3A_594 = vector.shape_cast %parallel_loop3A_585 : vector<16xf32> to vector<1x16xf32>
        tpu.vector_store %parallel_loop3A_589[%parallel_loop3A_590, %parallel_loop3A_591], %parallel_loop3A_594 {strides = array<i32>} : memref<40x128xf32, #tpu.memory_space<vmem>>, vector<1x16xf32>,
      } {sc.loop_unroll_factor = 4 : i64, sc.parallel_access}
      %rem3A_238 = arith.constant 32 : i32
      %rem3A_239 = arith.remsi %add3A_204, %rem3A_238 : i32
      %eq3A_240 = arith.constant 0 : i32
      %eq3A_241 = arith.cmpi eq, %rem3A_239, %eq3A_240 : i32
      %convert_element_type3A_242 = arith.extui %eq3A_241 : i1 to i32
      %cond3A_243 = arith.constant 0 : i32
      %cond3A_244 = arith.cmpi ne, %convert_element_type3A_242, %cond3A_243 : i32
      scf.if %cond3A_244 {
        %rem3A_282 = arith.constant 2 : i32
        %rem3A_283 = arith.remsi %div3A_206, %rem3A_282 : i32
        %mul3A_284 = arith.constant 32 : i32
        %mul3A_285 = arith.muli %div3A_206, %mul3A_284 : i32
        "tpu.region"() ({
          %run_scoped3A_288 = tpu.sem_alloc : memref<!tpu.dma_semaphore, #tpu.memory_space<semaphore_mem>>
          %dma_start3A_289 = arith.constant 0 : i32
          %dma_start3A_290 = arith.constant 0 : i32
          %dma_start3A_291 = tpu.memref_slice %arg8[%rem3A_283, %dma_start3A_289, %dma_start3A_290] : memref<2x32x40xi32, #tpu.memory_space<vmem>> -> memref<1x32x40xi32, #tpu.memory_space<vmem>>
          %dma_start3A_292 = tpu.memref_squeeze %dma_start3A_291 : memref<1x32x40xi32, #tpu.memory_space<vmem>> -> memref<32x40xi32, #tpu.memory_space<vmem>>
          %dma_start3A_293 = arith.constant 0 : i32
          %dma_start3A_294 = arith.constant 0 : i32
          %dma_start3A_295 = tpu.memref_slice %arg4[%add3A, %dma_start3A_293, %dma_start3A_294] : memref<32x288x40xi32, #tpu.memory_space<hbm>> -> memref<1x288x40xi32, #tpu.memory_space<hbm>>
          %dma_start3A_296 = tpu.memref_squeeze %dma_start3A_295 : memref<1x288x40xi32, #tpu.memory_space<hbm>> -> memref<288x40xi32, #tpu.memory_space<hbm>>
          %dma_start3A_297 = arith.constant 0 : i32
          %dma_start3A_298 = tpu.memref_slice %dma_start3A_296[%mul3A_285, %dma_start3A_297] : memref<288x40xi32, #tpu.memory_space<hbm>> -> memref<32x40xi32, #tpu.memory_space<hbm>>
          %dma_start3A_299 = arith.constant 0 : i32
          %dma_start3A_300 = arith.constant 0 : i32
          %dma_start3A_301 = tpu.memref_slice %arg8[%rem3A_283, %dma_start3A_299, %dma_start3A_300] : memref<2x32x40xi32, #tpu.memory_space<vmem>> -> memref<1x32x40xi32, #tpu.memory_space<vmem>>
          %dma_start3A_302 = tpu.memref_squeeze %dma_start3A_301 : memref<1x32x40xi32, #tpu.memory_space<vmem>> -> memref<32x40xi32, #tpu.memory_space<vmem>>
          %dma_start3A_303 = arith.constant 0 : i32
          %dma_start3A_304 = arith.constant 0 : i32
          %dma_start3A_305 = tpu.memref_slice %arg4[%add3A, %dma_start3A_303, %dma_start3A_304] : memref<32x288x40xi32, #tpu.memory_space<hbm>> -> memref<1x288x40xi32, #tpu.memory_space<hbm>>
          %dma_start3A_306 = tpu.memref_squeeze %dma_start3A_305 : memref<1x288x40xi32, #tpu.memory_space<hbm>> -> memref<288x40xi32, #tpu.memory_space<hbm>>
          %dma_start3A_307 = arith.constant 0 : i32
          %dma_start3A_308 = tpu.memref_slice %dma_start3A_306[%mul3A_285, %dma_start3A_307] : memref<288x40xi32, #tpu.memory_space<hbm>> -> memref<32x40xi32, #tpu.memory_space<hbm>>
          tpu.enqueue_dma source(%dma_start3A_308 : memref<32x40xi32, #tpu.memory_space<hbm>>) target(%dma_start3A_302 : memref<32x40xi32, #tpu.memory_space<vmem>>) target_semaphore(%run_scoped3A_288 : memref<!tpu.dma_semaphore, #tpu.memory_space<semaphore_mem>>)
          %dma_wait3A_309 = arith.constant 0 : i32
          %dma_wait3A_310 = arith.constant 0 : i32
          %dma_wait3A_311 = tpu.memref_slice %arg8[%rem3A_283, %dma_wait3A_309, %dma_wait3A_310] : memref<2x32x40xi32, #tpu.memory_space<vmem>> -> memref<1x32x40xi32, #tpu.memory_space<vmem>>
          %dma_wait3A_312 = tpu.memref_squeeze %dma_wait3A_311 : memref<1x32x40xi32, #tpu.memory_space<vmem>> -> memref<32x40xi32, #tpu.memory_space<vmem>>
          %dma_wait3A_313 = arith.constant 0 : i32
          %dma_wait3A_314 = arith.constant 0 : i32
          %dma_wait3A_315 = tpu.memref_slice %arg4[%add3A, %dma_wait3A_313, %dma_wait3A_314] : memref<32x288x40xi32, #tpu.memory_space<hbm>> -> memref<1x288x40xi32, #tpu.memory_space<hbm>>
          %dma_wait3A_316 = tpu.memref_squeeze %dma_wait3A_315 : memref<1x288x40xi32, #tpu.memory_space<hbm>> -> memref<288x40xi32, #tpu.memory_space<hbm>>
          %dma_wait3A_317 = arith.constant 0 : i32
          %dma_wait3A_318 = tpu.memref_slice %dma_wait3A_316[%mul3A_285, %dma_wait3A_317] : memref<288x40xi32, #tpu.memory_space<hbm>> -> memref<32x40xi32, #tpu.memory_space<hbm>>
          %dma_wait3A_319 = arith.constant 0 : i32
          %dma_wait3A_320 = arith.constant 0 : i32
          %dma_wait3A_321 = tpu.memref_slice %arg8[%rem3A_283, %dma_wait3A_319, %dma_wait3A_320] : memref<2x32x40xi32, #tpu.memory_space<vmem>> -> memref<1x32x40xi32, #tpu.memory_space<vmem>>
          %dma_wait3A_322 = tpu.memref_squeeze %dma_wait3A_321 : memref<1x32x40xi32, #tpu.memory_space<vmem>> -> memref<32x40xi32, #tpu.memory_space<vmem>>
          %dma_wait3A_323 = arith.constant 0 : i32
          %dma_wait3A_324 = arith.constant 0 : i32
          %dma_wait3A_325 = tpu.memref_slice %arg4[%add3A, %dma_wait3A_323, %dma_wait3A_324] : memref<32x288x40xi32, #tpu.memory_space<hbm>> -> memref<1x288x40xi32, #tpu.memory_space<hbm>>
          %dma_wait3A_326 = tpu.memref_squeeze %dma_wait3A_325 : memref<1x288x40xi32, #tpu.memory_space<hbm>> -> memref<288x40xi32, #tpu.memory_space<hbm>>
          %dma_wait3A_327 = arith.constant 0 : i32
          %dma_wait3A_328 = tpu.memref_slice %dma_wait3A_326[%mul3A_285, %dma_wait3A_327] : memref<288x40xi32, #tpu.memory_space<hbm>> -> memref<32x40xi32, #tpu.memory_space<hbm>>
          tpu.wait_dma2 semaphore(%run_scoped3A_288 : memref<!tpu.dma_semaphore, #tpu.memory_space<semaphore_mem>>) src(%dma_wait3A_328 : memref<32x40xi32, #tpu.memory_space<hbm>>) dst(%dma_wait3A_322 : memref<32x40xi32, #tpu.memory_space<vmem>>)
          tpu.yield
        }) : () -> ()
        %mul3A_286 = arith.constant 32 : i32
        %mul3A_287 = arith.muli %div3A_206, %mul3A_286 : i32
        "tpu.region"() ({
          %run_scoped3A_288 = tpu.sem_alloc : memref<!tpu.dma_semaphore, #tpu.memory_space<semaphore_mem>>
          %dma_start3A_289 = arith.constant 0 : i32
          %dma_start3A_290 = arith.constant 0 : i32
          %dma_start3A_291 = tpu.memref_slice %arg9[%rem3A_283, %dma_start3A_289, %dma_start3A_290] : memref<2x32x40xi32, #tpu.memory_space<vmem>> -> memref<1x32x40xi32, #tpu.memory_space<vmem>>
          %dma_start3A_292 = tpu.memref_squeeze %dma_start3A_291 : memref<1x32x40xi32, #tpu.memory_space<vmem>> -> memref<32x40xi32, #tpu.memory_space<vmem>>
          %dma_start3A_293 = arith.constant 0 : i32
          %dma_start3A_294 = arith.constant 0 : i32
          %dma_start3A_295 = tpu.memref_slice %arg5[%add3A, %dma_start3A_293, %dma_start3A_294] : memref<32x288x40xi32, #tpu.memory_space<hbm>> -> memref<1x288x40xi32, #tpu.memory_space<hbm>>
          %dma_start3A_296 = tpu.memref_squeeze %dma_start3A_295 : memref<1x288x40xi32, #tpu.memory_space<hbm>> -> memref<288x40xi32, #tpu.memory_space<hbm>>
          %dma_start3A_297 = arith.constant 0 : i32
          %dma_start3A_298 = tpu.memref_slice %dma_start3A_296[%mul3A_287, %dma_start3A_297] : memref<288x40xi32, #tpu.memory_space<hbm>> -> memref<32x40xi32, #tpu.memory_space<hbm>>
          %dma_start3A_299 = arith.constant 0 : i32
          %dma_start3A_300 = arith.constant 0 : i32
          %dma_start3A_301 = tpu.memref_slice %arg9[%rem3A_283, %dma_start3A_299, %dma_start3A_300] : memref<2x32x40xi32, #tpu.memory_space<vmem>> -> memref<1x32x40xi32, #tpu.memory_space<vmem>>
          %dma_start3A_302 = tpu.memref_squeeze %dma_start3A_301 : memref<1x32x40xi32, #tpu.memory_space<vmem>> -> memref<32x40xi32, #tpu.memory_space<vmem>>
          %dma_start3A_303 = arith.constant 0 : i32
          %dma_start3A_304 = arith.constant 0 : i32
          %dma_start3A_305 = tpu.memref_slice %arg5[%add3A, %dma_start3A_303, %dma_start3A_304] : memref<32x288x40xi32, #tpu.memory_space<hbm>> -> memref<1x288x40xi32, #tpu.memory_space<hbm>>
          %dma_start3A_306 = tpu.memref_squeeze %dma_start3A_305 : memref<1x288x40xi32, #tpu.memory_space<hbm>> -> memref<288x40xi32, #tpu.memory_space<hbm>>
          %dma_start3A_307 = arith.constant 0 : i32
          %dma_start3A_308 = tpu.memref_slice %dma_start3A_306[%mul3A_287, %dma_start3A_307] : memref<288x40xi32, #tpu.memory_space<hbm>> -> memref<32x40xi32, #tpu.memory_space<hbm>>
          tpu.enqueue_dma source(%dma_start3A_308 : memref<32x40xi32, #tpu.memory_space<hbm>>) target(%dma_start3A_302 : memref<32x40xi32, #tpu.memory_space<vmem>>) target_semaphore(%run_scoped3A_288 : memref<!tpu.dma_semaphore, #tpu.memory_space<semaphore_mem>>)
          %dma_wait3A_309 = arith.constant 0 : i32
          %dma_wait3A_310 = arith.constant 0 : i32
          %dma_wait3A_311 = tpu.memref_slice %arg9[%rem3A_283, %dma_wait3A_309, %dma_wait3A_310] : memref<2x32x40xi32, #tpu.memory_space<vmem>> -> memref<1x32x40xi32, #tpu.memory_space<vmem>>
          %dma_wait3A_312 = tpu.memref_squeeze %dma_wait3A_311 : memref<1x32x40xi32, #tpu.memory_space<vmem>> -> memref<32x40xi32, #tpu.memory_space<vmem>>
          %dma_wait3A_313 = arith.constant 0 : i32
          %dma_wait3A_314 = arith.constant 0 : i32
          %dma_wait3A_315 = tpu.memref_slice %arg5[%add3A, %dma_wait3A_313, %dma_wait3A_314] : memref<32x288x40xi32, #tpu.memory_space<hbm>> -> memref<1x288x40xi32, #tpu.memory_space<hbm>>
          %dma_wait3A_316 = tpu.memref_squeeze %dma_wait3A_315 : memref<1x288x40xi32, #tpu.memory_space<hbm>> -> memref<288x40xi32, #tpu.memory_space<hbm>>
          %dma_wait3A_317 = arith.constant 0 : i32
          %dma_wait3A_318 = tpu.memref_slice %dma_wait3A_316[%mul3A_287, %dma_wait3A_317] : memref<288x40xi32, #tpu.memory_space<hbm>> -> memref<32x40xi32, #tpu.memory_space<hbm>>
          %dma_wait3A_319 = arith.constant 0 : i32
          %dma_wait3A_320 = arith.constant 0 : i32
          %dma_wait3A_321 = tpu.memref_slice %arg9[%rem3A_283, %dma_wait3A_319, %dma_wait3A_320] : memref<2x32x40xi32, #tpu.memory_space<vmem>> -> memref<1x32x40xi32, #tpu.memory_space<vmem>>
          %dma_wait3A_322 = tpu.memref_squeeze %dma_wait3A_321 : memref<1x32x40xi32, #tpu.memory_space<vmem>> -> memref<32x40xi32, #tpu.memory_space<vmem>>
          %dma_wait3A_323 = arith.constant 0 : i32
          %dma_wait3A_324 = arith.constant 0 : i32
          %dma_wait3A_325 = tpu.memref_slice %arg5[%add3A, %dma_wait3A_323, %dma_wait3A_324] : memref<32x288x40xi32, #tpu.memory_space<hbm>> -> memref<1x288x40xi32, #tpu.memory_space<hbm>>
          %dma_wait3A_326 = tpu.memref_squeeze %dma_wait3A_325 : memref<1x288x40xi32, #tpu.memory_space<hbm>> -> memref<288x40xi32, #tpu.memory_space<hbm>>
          %dma_wait3A_327 = arith.constant 0 : i32
          %dma_wait3A_328 = tpu.memref_slice %dma_wait3A_326[%mul3A_287, %dma_wait3A_327] : memref<288x40xi32, #tpu.memory_space<hbm>> -> memref<32x40xi32, #tpu.memory_space<hbm>>
          tpu.wait_dma2 semaphore(%run_scoped3A_288 : memref<!tpu.dma_semaphore, #tpu.memory_space<semaphore_mem>>) src(%dma_wait3A_328 : memref<32x40xi32, #tpu.memory_space<hbm>>) dst(%dma_wait3A_322 : memref<32x40xi32, #tpu.memory_space<vmem>>)
          tpu.yield
        }) : () -> ()
      } else {
      }
      %rem3A_245 = arith.constant 2 : i32
      %rem3A_246 = arith.remsi %div3A_206, %rem3A_245 : i32
      %rem3A_247 = arith.constant 32 : i32
      %rem3A_248 = arith.remsi %add3A_204, %rem3A_247 : i32
      %dma_start3A_249 = arith.constant 1 : i32
      %dma_start3A_250 = arith.constant 0 : i32
      %dma_start3A_251 = arith.constant 0 : i32
      %dma_start3A_252 = tpu.memref_slice %arg10[%dma_start3A_249, %dma_start3A_250, %dma_start3A_251] : memref<2x40x256xf32, #tpu.memory_space<vmem>> -> memref<1x40x256xf32, #tpu.memory_space<vmem>>
      %dma_start3A_253 = tpu.memref_squeeze %dma_start3A_252 : memref<1x40x256xf32, #tpu.memory_space<vmem>> -> memref<40x256xf32, #tpu.memory_space<vmem>>
      %dma_start3A_254 = arith.constant 0 : i32
      %dma_start3A_255 = tpu.memref_slice %arg8[%rem3A_246, %rem3A_248, %dma_start3A_254] : memref<2x32x40xi32, #tpu.memory_space<vmem>> -> memref<1x1x40xi32, #tpu.memory_space<vmem>>
      %dma_start3A_256 = tpu.memref_squeeze %dma_start3A_255 : memref<1x1x40xi32, #tpu.memory_space<vmem>> -> memref<40xi32, #tpu.memory_space<vmem>>
      %dma_start3A_257 = arith.constant 0 : i32
      %dma_start3A_258 = arith.constant 0 : i32
      %dma_start3A_259 = tpu.memref_slice %arg2[%dma_start3A_257, %dma_start3A_258] : memref<10000x256xf32, #tpu.memory_space<hbm>> -> memref<10000x256xf32, #tpu.memory_space<hbm>>
      tpu.enqueue_indirect_dma source(%dma_start3A_259 : memref<10000x256xf32, #tpu.memory_space<hbm>>) target(%dma_start3A_253 : memref<40x256xf32, #tpu.memory_space<vmem>>) offsets(%dma_start3A_256 : memref<40xi32, #tpu.memory_space<vmem>>) semaphore(%arg14 : memref<!tpu.dma_semaphore, #tpu.memory_space<semaphore_mem>>)
      %rem3A_260 = arith.constant 2 : i32
      %rem3A_261 = arith.remsi %div3A_206, %rem3A_260 : i32
      %rem3A_262 = arith.constant 32 : i32
      %rem3A_263 = arith.remsi %add3A_204, %rem3A_262 : i32
      %dma_start3A_264 = arith.constant 1 : i32
      %dma_start3A_265 = arith.constant 0 : i32
      %dma_start3A_266 = arith.constant 0 : i32
      %dma_start3A_267 = tpu.memref_slice %arg11[%dma_start3A_264, %dma_start3A_265, %dma_start3A_266] : memref<2x40x128xf32, #tpu.memory_space<vmem>> -> memref<1x40x128xf32, #tpu.memory_space<vmem>>
      %dma_start3A_268 = tpu.memref_squeeze %dma_start3A_267 : memref<1x40x128xf32, #tpu.memory_space<vmem>> -> memref<40x128xf32, #tpu.memory_space<vmem>>
      %dma_start3A_269 = arith.constant 0 : i32
      %dma_start3A_270 = tpu.memref_slice %arg9[%rem3A_261, %rem3A_263, %dma_start3A_269] : memref<2x32x40xi32, #tpu.memory_space<vmem>> -> memref<1x1x40xi32, #tpu.memory_space<vmem>>
      %dma_start3A_271 = tpu.memref_squeeze %dma_start3A_270 : memref<1x1x40xi32, #tpu.memory_space<vmem>> -> memref<40xi32, #tpu.memory_space<vmem>>
      %dma_start3A_272 = arith.constant 0 : i32
      %dma_start3A_273 = arith.constant 0 : i32
      %dma_start3A_274 = tpu.memref_slice %arg3[%dma_start3A_272, %dma_start3A_273] : memref<10000x128xf32, #tpu.memory_space<hbm>> -> memref<10000x128xf32, #tpu.memory_space<hbm>>
      tpu.enqueue_indirect_dma source(%dma_start3A_274 : memref<10000x128xf32, #tpu.memory_space<hbm>>) target(%dma_start3A_268 : memref<40x128xf32, #tpu.memory_space<vmem>>) offsets(%dma_start3A_271 : memref<40xi32, #tpu.memory_space<vmem>>) semaphore(%arg16 : memref<!tpu.dma_semaphore, #tpu.memory_space<semaphore_mem>>)
      %div3A_275 = arith.constant 32 : i32
      %div3A_276 = arith.divsi %add3A_202, %div3A_275 : i32
      %rem3A_277 = arith.constant 2 : i32
      %rem3A_278 = arith.remsi %div3A_276, %rem3A_277 : i32
      %rem3A_279 = arith.constant 32 : i32
      %rem3A_280 = arith.remsi %add3A_202, %rem3A_279 : i32
      %run_scoped3A_281 = arith.constant 1 : i32
      "tpu.region"() ({
        %run_scoped3A_282 = tpu.sem_alloc : memref<!tpu.dma_semaphore, #tpu.memory_space<semaphore_mem>>
        %dma_start3A_283 = arith.constant 0 : i32
        %dma_start3A_284 = arith.constant 0 : i32
        %dma_start3A_285 = tpu.memref_slice %arg11[%run_scoped3A_281, %dma_start3A_283, %dma_start3A_284] : memref<2x40x128xf32, #tpu.memory_space<vmem>> -> memref<1x40x128xf32, #tpu.memory_space<vmem>>
        %dma_start3A_286 = tpu.memref_squeeze %dma_start3A_285 : memref<1x40x128xf32, #tpu.memory_space<vmem>> -> memref<40x128xf32, #tpu.memory_space<vmem>>
        %dma_start3A_287 = arith.constant 0 : i32
        %dma_start3A_288 = tpu.memref_slice %arg9[%rem3A_278, %rem3A_280, %dma_start3A_287] : memref<2x32x40xi32, #tpu.memory_space<vmem>> -> memref<1x1x40xi32, #tpu.memory_space<vmem>>
        %dma_start3A_289 = tpu.memref_squeeze %dma_start3A_288 : memref<1x1x40xi32, #tpu.memory_space<vmem>> -> memref<40xi32, #tpu.memory_space<vmem>>
        %dma_start3A_290 = arith.constant 0 : i32
        %dma_start3A_291 = arith.constant 0 : i32
        %dma_start3A_292 = tpu.memref_slice %arg12[%dma_start3A_290, %dma_start3A_291] : memref<10112x128xf32, #tpu.memory_space<vmem_shared>> -> memref<10112x128xf32, #tpu.memory_space<vmem_shared>>
        tpu.enqueue_indirect_dma source(%dma_start3A_286 : memref<40x128xf32, #tpu.memory_space<vmem>>) target(%dma_start3A_292 : memref<10112x128xf32, #tpu.memory_space<vmem_shared>>) offsets(%dma_start3A_289 : memref<40xi32, #tpu.memory_space<vmem>>) semaphore(%run_scoped3A_282 : memref<!tpu.dma_semaphore, #tpu.memory_space<semaphore_mem>>) {add = true}
        %dma_wait3A_293 = arith.constant 0 : i32
        %dma_wait3A_294 = arith.constant 0 : i32
        %dma_wait3A_295 = tpu.memref_slice %arg11[%run_scoped3A_281, %dma_wait3A_293, %dma_wait3A_294] : memref<2x40x128xf32, #tpu.memory_space<vmem>> -> memref<1x40x128xf32, #tpu.memory_space<vmem>>
        %dma_wait3A_296 = tpu.memref_squeeze %dma_wait3A_295 : memref<1x40x128xf32, #tpu.memory_space<vmem>> -> memref<40x128xf32, #tpu.memory_space<vmem>>
        %dma_wait3A_297 = arith.constant 0 : i32
        %dma_wait3A_298 = tpu.memref_slice %arg9[%rem3A_278, %rem3A_280, %dma_wait3A_297] : memref<2x32x40xi32, #tpu.memory_space<vmem>> -> memref<1x1x40xi32, #tpu.memory_space<vmem>>
        %dma_wait3A_299 = tpu.memref_squeeze %dma_wait3A_298 : memref<1x1x40xi32, #tpu.memory_space<vmem>> -> memref<40xi32, #tpu.memory_space<vmem>>
        %dma_wait3A_300 = arith.constant 0 : i32
        %dma_wait3A_301 = arith.constant 0 : i32
        %dma_wait3A_302 = tpu.memref_slice %arg12[%dma_wait3A_300, %dma_wait3A_301] : memref<10112x128xf32, #tpu.memory_space<vmem_shared>> -> memref<10112x128xf32, #tpu.memory_space<vmem_shared>>
        tpu.wait_indirect_dma semaphore(%run_scoped3A_282 : memref<!tpu.dma_semaphore, #tpu.memory_space<semaphore_mem>>) src(%dma_wait3A_296 : memref<40x128xf32, #tpu.memory_space<vmem>>) dst(%dma_wait3A_302 : memref<10112x128xf32, #tpu.memory_space<vmem_shared>>)
        tpu.yield
      }) : () -> ()
    }
    %scan3A_61 = arith.constant 125 : i32
    %dma_wait3A = arith.constant 0 : i32
    %dma_wait3A_62 = arith.constant 0 : i32
    %dma_wait3A_63 = arith.constant 0 : i32
    %dma_wait3A_64 = arith.constant 0 : i32
    %dma_wait3A_65 = arith.constant 0 : i32
    %dma_wait3A_66 = tpu.memref_slice %arg10[%dma_wait3A_63, %dma_wait3A_64, %dma_wait3A_65] : memref<2x40x256xf32, #tpu.memory_space<vmem>> -> memref<1x40x256xf32, #tpu.memory_space<vmem>>
    %dma_wait3A_67 = tpu.memref_squeeze %dma_wait3A_66 : memref<1x40x256xf32, #tpu.memory_space<vmem>> -> memref<40x256xf32, #tpu.memory_space<vmem>>
    %dma_wait3A_68 = arith.constant 0 : i32
    %dma_wait3A_69 = tpu.memref_slice %arg8[%dma_wait3A, %dma_wait3A_62, %dma_wait3A_68] : memref<2x32x40xi32, #tpu.memory_space<vmem>> -> memref<1x1x40xi32, #tpu.memory_space<vmem>>
    %dma_wait3A_70 = tpu.memref_squeeze %dma_wait3A_69 : memref<1x1x40xi32, #tpu.memory_space<vmem>> -> memref<40xi32, #tpu.memory_space<vmem>>
    %dma_wait3A_71 = arith.constant 0 : i32
    %dma_wait3A_72 = arith.constant 0 : i32
    %dma_wait3A_73 = tpu.memref_slice %arg2[%dma_wait3A_71, %dma_wait3A_72] : memref<10000x256xf32, #tpu.memory_space<hbm>> -> memref<10000x256xf32, #tpu.memory_space<hbm>>
    tpu.wait_indirect_dma semaphore(%arg13 : memref<!tpu.dma_semaphore, #tpu.memory_space<semaphore_mem>>) src(%dma_wait3A_73 : memref<10000x256xf32, #tpu.memory_space<hbm>>) dst(%dma_wait3A_67 : memref<40x256xf32, #tpu.memory_space<vmem>>)
    %dma_wait3A_74 = arith.constant 0 : i32
    %dma_wait3A_75 = arith.constant 0 : i32
    %dma_wait3A_76 = arith.constant 0 : i32
    %dma_wait3A_77 = arith.constant 0 : i32
    %dma_wait3A_78 = arith.constant 0 : i32
    %dma_wait3A_79 = tpu.memref_slice %arg11[%dma_wait3A_76, %dma_wait3A_77, %dma_wait3A_78] : memref<2x40x128xf32, #tpu.memory_space<vmem>> -> memref<1x40x128xf32, #tpu.memory_space<vmem>>
    %dma_wait3A_80 = tpu.memref_squeeze %dma_wait3A_79 : memref<1x40x128xf32, #tpu.memory_space<vmem>> -> memref<40x128xf32, #tpu.memory_space<vmem>>
    %dma_wait3A_81 = arith.constant 0 : i32
    %dma_wait3A_82 = tpu.memref_slice %arg9[%dma_wait3A_74, %dma_wait3A_75, %dma_wait3A_81] : memref<2x32x40xi32, #tpu.memory_space<vmem>> -> memref<1x1x40xi32, #tpu.memory_space<vmem>>
    %dma_wait3A_83 = tpu.memref_squeeze %dma_wait3A_82 : memref<1x1x40xi32, #tpu.memory_space<vmem>> -> memref<40xi32, #tpu.memory_space<vmem>>
    %dma_wait3A_84 = arith.constant 0 : i32
    %dma_wait3A_85 = arith.constant 0 : i32
    %dma_wait3A_86 = tpu.memref_slice %arg3[%dma_wait3A_84, %dma_wait3A_85] : memref<10000x128xf32, #tpu.memory_space<hbm>> -> memref<10000x128xf32, #tpu.memory_space<hbm>>
    tpu.wait_indirect_dma semaphore(%arg15 : memref<!tpu.dma_semaphore, #tpu.memory_space<semaphore_mem>>) src(%dma_wait3A_86 : memref<10000x128xf32, #tpu.memory_space<hbm>>) dst(%dma_wait3A_80 : memref<40x128xf32, #tpu.memory_space<vmem>>)
    %dma_wait3A_87 = arith.constant 0 : i32
    %dma_wait3A_88 = arith.constant 0 : i32
    %dma_wait3A_89 = arith.constant 1 : i32
    %dma_wait3A_90 = arith.constant 0 : i32
    %dma_wait3A_91 = arith.constant 0 : i32
    %dma_wait3A_92 = tpu.memref_slice %arg10[%dma_wait3A_89, %dma_wait3A_90, %dma_wait3A_91] : memref<2x40x256xf32, #tpu.memory_space<vmem>> -> memref<1x40x256xf32, #tpu.memory_space<vmem>>
    %dma_wait3A_93 = tpu.memref_squeeze %dma_wait3A_92 : memref<1x40x256xf32, #tpu.memory_space<vmem>> -> memref<40x256xf32, #tpu.memory_space<vmem>>
    %dma_wait3A_94 = arith.constant 0 : i32
    %dma_wait3A_95 = tpu.memref_slice %arg8[%dma_wait3A_87, %dma_wait3A_88, %dma_wait3A_94] : memref<2x32x40xi32, #tpu.memory_space<vmem>> -> memref<1x1x40xi32, #tpu.memory_space<vmem>>
    %dma_wait3A_96 = tpu.memref_squeeze %dma_wait3A_95 : memref<1x1x40xi32, #tpu.memory_space<vmem>> -> memref<40xi32, #tpu.memory_space<vmem>>
    %dma_wait3A_97 = arith.constant 0 : i32
    %dma_wait3A_98 = arith.constant 0 : i32
    %dma_wait3A_99 = tpu.memref_slice %arg2[%dma_wait3A_97, %dma_wait3A_98] : memref<10000x256xf32, #tpu.memory_space<hbm>> -> memref<10000x256xf32, #tpu.memory_space<hbm>>
    tpu.wait_indirect_dma semaphore(%arg14 : memref<!tpu.dma_semaphore, #tpu.memory_space<semaphore_mem>>) src(%dma_wait3A_99 : memref<10000x256xf32, #tpu.memory_space<hbm>>) dst(%dma_wait3A_93 : memref<40x256xf32, #tpu.memory_space<vmem>>)
    %dma_wait3A_100 = arith.constant 0 : i32
    %dma_wait3A_101 = arith.constant 0 : i32
    %dma_wait3A_102 = arith.constant 1 : i32
    %dma_wait3A_103 = arith.constant 0 : i32
    %dma_wait3A_104 = arith.constant 0 : i32
    %dma_wait3A_105 = tpu.memref_slice %arg11[%dma_wait3A_102, %dma_wait3A_103, %dma_wait3A_104] : memref<2x40x128xf32, #tpu.memory_space<vmem>> -> memref<1x40x128xf32, #tpu.memory_space<vmem>>
    %dma_wait3A_106 = tpu.memref_squeeze %dma_wait3A_105 : memref<1x40x128xf32, #tpu.memory_space<vmem>> -> memref<40x128xf32, #tpu.memory_space<vmem>>
    %dma_wait3A_107 = arith.constant 0 : i32
    %dma_wait3A_108 = tpu.memref_slice %arg9[%dma_wait3A_100, %dma_wait3A_101, %dma_wait3A_107] : memref<2x32x40xi32, #tpu.memory_space<vmem>> -> memref<1x1x40xi32, #tpu.memory_space<vmem>>
    %dma_wait3A_109 = tpu.memref_squeeze %dma_wait3A_108 : memref<1x1x40xi32, #tpu.memory_space<vmem>> -> memref<40xi32, #tpu.memory_space<vmem>>
    %dma_wait3A_110 = arith.constant 0 : i32
    %dma_wait3A_111 = arith.constant 0 : i32
    %dma_wait3A_112 = tpu.memref_slice %arg3[%dma_wait3A_110, %dma_wait3A_111] : memref<10000x128xf32, #tpu.memory_space<hbm>> -> memref<10000x128xf32, #tpu.memory_space<hbm>>
    tpu.wait_indirect_dma semaphore(%arg16 : memref<!tpu.dma_semaphore, #tpu.memory_space<semaphore_mem>>) src(%dma_wait3A_112 : memref<10000x128xf32, #tpu.memory_space<hbm>>) dst(%dma_wait3A_106 : memref<40x128xf32, #tpu.memory_space<vmem>>)
    %barrier3A_113 = arith.constant 0 : index
    tpu.barrier barrier_id(%barrier3A_113)
    %mul3A_114 = arith.constant 632 : i32
    %mul3A_115 = arith.muli %arg1, %mul3A_114 : i32
    %mul3A_116 = arith.constant 10112 : i32
    %mul3A_117 = arith.muli %arg0, %mul3A_116 : i32
    %mul3A_118 = arith.constant 632 : i32
    %mul3A_119 = arith.muli %arg1, %mul3A_118 : i32
    %add3A_120 = arith.addi %mul3A_117, %mul3A_119 : i32
    "tpu.region"() ({
      %run_scoped3A_121 = tpu.sem_alloc : memref<!tpu.dma_semaphore, #tpu.memory_space<semaphore_mem>>
      %dma_start3A_122 = arith.constant 0 : i32
      %dma_start3A_123 = tpu.memref_slice %arg7[%add3A_120, %dma_start3A_122] : memref<20224x128xf32, #tpu.memory_space<hbm>> -> memref<632x128xf32, #tpu.memory_space<hbm>>
      %dma_start3A_124 = arith.constant 0 : i32
      %dma_start3A_125 = tpu.memref_slice %arg12[%mul3A_115, %dma_start3A_124] : memref<10112x128xf32, #tpu.memory_space<vmem_shared>> -> memref<632x128xf32, #tpu.memory_space<vmem_shared>>
      tpu.enqueue_dma source(%dma_start3A_125 : memref<632x128xf32, #tpu.memory_space<vmem_shared>>) target(%dma_start3A_123 : memref<632x128xf32, #tpu.memory_space<hbm>>) target_semaphore(%run_scoped3A_121 : memref<!tpu.dma_semaphore, #tpu.memory_space<semaphore_mem>>)
      %dma_wait3A_126 = arith.constant 0 : i32
      %dma_wait3A_127 = tpu.memref_slice %arg7[%add3A_120, %dma_wait3A_126] : memref<20224x128xf32, #tpu.memory_space<hbm>> -> memref<632x128xf32, #tpu.memory_space<hbm>>
      %dma_wait3A_128 = arith.constant 0 : i32
      %dma_wait3A_129 = tpu.memref_slice %arg12[%mul3A_115, %dma_wait3A_128] : memref<10112x128xf32, #tpu.memory_space<vmem_shared>> -> memref<632x128xf32, #tpu.memory_space<vmem_shared>>
      tpu.wait_dma2 semaphore(%run_scoped3A_121 : memref<!tpu.dma_semaphore, #tpu.memory_space<semaphore_mem>>) src(%dma_wait3A_129 : memref<632x128xf32, #tpu.memory_space<vmem_shared>>) dst(%dma_wait3A_127 : memref<632x128xf32, #tpu.memory_space<hbm>>)
      tpu.yield
    }) : () -> ()
    return
  }
}

#map = affine_map<(d0, d1) -> (0, 0)>
#map1 = affine_map<(d0, d1) -> (0, 0, 0)>
module attributes {stable_mosaic.version = 14 : i64} {
  func.func @_sc_htild(%arg0: i32, %arg1: i32, %arg2: memref<10000x128xf32, #tpu.memory_space<hbm>>, %arg3: memref<32x160x100xi32, #tpu.memory_space<hbm>>, %arg4: memref<32x160x100xi32, #tpu.memory_space<hbm>>, %arg5: memref<10112x128xf32, #tpu.memory_space<hbm>>, %arg6: memref<20224x128xf32, #tpu.memory_space<hbm>>, %arg7: memref<2x32x100xi32, #tpu.memory_space<vmem>>, %arg8: memref<2x32x100xi32, #tpu.memory_space<vmem>>, %arg9: memref<2x100x128xf32, #tpu.memory_space<vmem>>, %arg10: memref<10112x128xf32, #tpu.memory_space<vmem_shared>>, %arg11: memref<!tpu.dma_semaphore, #tpu.memory_space<semaphore_mem>>, %arg12: memref<!tpu.dma_semaphore, #tpu.memory_space<semaphore_mem>>) attributes {dimension_semantics = [#tpu.dimension_semantics<core_parallel>, #tpu.dimension_semantics<subcore_parallel>], iteration_bounds = array<i64: 2, 16>, scalar_prefetch = 0 : i64, scratch_operands = 6 : i64, tpu.core_type = #tpu.core_type<sc_vector_subcore>, window_params = [{transform_indices = #map}, {transform_indices = #map1}, {transform_indices = #map1}, {transform_indices = #map}, {transform_indices = #map}]} {
    %mul3A = arith.constant 2 : i32
    %mul3A_0 = arith.muli %arg1, %mul3A : i32
    %add3A = arith.addi %mul3A_0, %arg0 : i32
    %run_scoped3A = arith.constant 0 : i32
    "tpu.region"() ({
      %run_scoped3A_69 = tpu.sem_alloc : memref<!tpu.dma_semaphore, #tpu.memory_space<semaphore_mem>>
      %dma_start3A_70 = arith.constant 0 : i32
      %dma_start3A_71 = arith.constant 0 : i32
      %dma_start3A_72 = tpu.memref_slice %arg7[%run_scoped3A, %dma_start3A_70, %dma_start3A_71] : memref<2x32x100xi32, #tpu.memory_space<vmem>> -> memref<1x32x100xi32, #tpu.memory_space<vmem>>
      %dma_start3A_73 = tpu.memref_squeeze %dma_start3A_72 : memref<1x32x100xi32, #tpu.memory_space<vmem>> -> memref<32x100xi32, #tpu.memory_space<vmem>>
      %dma_start3A_74 = arith.constant 0 : i32
      %dma_start3A_75 = arith.constant 0 : i32
      %dma_start3A_76 = tpu.memref_slice %arg3[%add3A, %dma_start3A_74, %dma_start3A_75] : memref<32x160x100xi32, #tpu.memory_space<hbm>> -> memref<1x160x100xi32, #tpu.memory_space<hbm>>
      %dma_start3A_77 = tpu.memref_squeeze %dma_start3A_76 : memref<1x160x100xi32, #tpu.memory_space<hbm>> -> memref<160x100xi32, #tpu.memory_space<hbm>>
      %dma_start3A_78 = arith.constant 0 : i32
      %dma_start3A_79 = arith.constant 0 : i32
      %dma_start3A_80 = tpu.memref_slice %dma_start3A_77[%dma_start3A_78, %dma_start3A_79] : memref<160x100xi32, #tpu.memory_space<hbm>> -> memref<32x100xi32, #tpu.memory_space<hbm>>
      %dma_start3A_81 = arith.constant 0 : i32
      %dma_start3A_82 = arith.constant 0 : i32
      %dma_start3A_83 = tpu.memref_slice %arg7[%run_scoped3A, %dma_start3A_81, %dma_start3A_82] : memref<2x32x100xi32, #tpu.memory_space<vmem>> -> memref<1x32x100xi32, #tpu.memory_space<vmem>>
      %dma_start3A_84 = tpu.memref_squeeze %dma_start3A_83 : memref<1x32x100xi32, #tpu.memory_space<vmem>> -> memref<32x100xi32, #tpu.memory_space<vmem>>
      %dma_start3A_85 = arith.constant 0 : i32
      %dma_start3A_86 = arith.constant 0 : i32
      %dma_start3A_87 = tpu.memref_slice %arg3[%add3A, %dma_start3A_85, %dma_start3A_86] : memref<32x160x100xi32, #tpu.memory_space<hbm>> -> memref<1x160x100xi32, #tpu.memory_space<hbm>>
      %dma_start3A_88 = tpu.memref_squeeze %dma_start3A_87 : memref<1x160x100xi32, #tpu.memory_space<hbm>> -> memref<160x100xi32, #tpu.memory_space<hbm>>
      %dma_start3A_89 = arith.constant 0 : i32
      %dma_start3A_90 = arith.constant 0 : i32
      %dma_start3A_91 = tpu.memref_slice %dma_start3A_88[%dma_start3A_89, %dma_start3A_90] : memref<160x100xi32, #tpu.memory_space<hbm>> -> memref<32x100xi32, #tpu.memory_space<hbm>>
      tpu.enqueue_dma source(%dma_start3A_91 : memref<32x100xi32, #tpu.memory_space<hbm>>) target(%dma_start3A_84 : memref<32x100xi32, #tpu.memory_space<vmem>>) target_semaphore(%run_scoped3A_69 : memref<!tpu.dma_semaphore, #tpu.memory_space<semaphore_mem>>)
      %dma_wait3A_92 = arith.constant 0 : i32
      %dma_wait3A_93 = arith.constant 0 : i32
      %dma_wait3A_94 = tpu.memref_slice %arg7[%run_scoped3A, %dma_wait3A_92, %dma_wait3A_93] : memref<2x32x100xi32, #tpu.memory_space<vmem>> -> memref<1x32x100xi32, #tpu.memory_space<vmem>>
      %dma_wait3A_95 = tpu.memref_squeeze %dma_wait3A_94 : memref<1x32x100xi32, #tpu.memory_space<vmem>> -> memref<32x100xi32, #tpu.memory_space<vmem>>
      %dma_wait3A_96 = arith.constant 0 : i32
      %dma_wait3A_97 = arith.constant 0 : i32
      %dma_wait3A_98 = tpu.memref_slice %arg3[%add3A, %dma_wait3A_96, %dma_wait3A_97] : memref<32x160x100xi32, #tpu.memory_space<hbm>> -> memref<1x160x100xi32, #tpu.memory_space<hbm>>
      %dma_wait3A_99 = tpu.memref_squeeze %dma_wait3A_98 : memref<1x160x100xi32, #tpu.memory_space<hbm>> -> memref<160x100xi32, #tpu.memory_space<hbm>>
      %dma_wait3A_100 = arith.constant 0 : i32
      %dma_wait3A_101 = arith.constant 0 : i32
      %dma_wait3A_102 = tpu.memref_slice %dma_wait3A_99[%dma_wait3A_100, %dma_wait3A_101] : memref<160x100xi32, #tpu.memory_space<hbm>> -> memref<32x100xi32, #tpu.memory_space<hbm>>
      %dma_wait3A_103 = arith.constant 0 : i32
      %dma_wait3A_104 = arith.constant 0 : i32
      %dma_wait3A_105 = tpu.memref_slice %arg7[%run_scoped3A, %dma_wait3A_103, %dma_wait3A_104] : memref<2x32x100xi32, #tpu.memory_space<vmem>> -> memref<1x32x100xi32, #tpu.memory_space<vmem>>
      %dma_wait3A_106 = tpu.memref_squeeze %dma_wait3A_105 : memref<1x32x100xi32, #tpu.memory_space<vmem>> -> memref<32x100xi32, #tpu.memory_space<vmem>>
      %dma_wait3A_107 = arith.constant 0 : i32
      %dma_wait3A_108 = arith.constant 0 : i32
      %dma_wait3A_109 = tpu.memref_slice %arg3[%add3A, %dma_wait3A_107, %dma_wait3A_108] : memref<32x160x100xi32, #tpu.memory_space<hbm>> -> memref<1x160x100xi32, #tpu.memory_space<hbm>>
      %dma_wait3A_110 = tpu.memref_squeeze %dma_wait3A_109 : memref<1x160x100xi32, #tpu.memory_space<hbm>> -> memref<160x100xi32, #tpu.memory_space<hbm>>
      %dma_wait3A_111 = arith.constant 0 : i32
      %dma_wait3A_112 = arith.constant 0 : i32
      %dma_wait3A_113 = tpu.memref_slice %dma_wait3A_110[%dma_wait3A_111, %dma_wait3A_112] : memref<160x100xi32, #tpu.memory_space<hbm>> -> memref<32x100xi32, #tpu.memory_space<hbm>>
      tpu.wait_dma2 semaphore(%run_scoped3A_69 : memref<!tpu.dma_semaphore, #tpu.memory_space<semaphore_mem>>) src(%dma_wait3A_113 : memref<32x100xi32, #tpu.memory_space<hbm>>) dst(%dma_wait3A_106 : memref<32x100xi32, #tpu.memory_space<vmem>>)
      tpu.yield
    }) : () -> ()
    %run_scoped3A_1 = arith.constant 0 : i32
    "tpu.region"() ({
      %run_scoped3A_69 = tpu.sem_alloc : memref<!tpu.dma_semaphore, #tpu.memory_space<semaphore_mem>>
      %dma_start3A_70 = arith.constant 0 : i32
      %dma_start3A_71 = arith.constant 0 : i32
      %dma_start3A_72 = tpu.memref_slice %arg8[%run_scoped3A_1, %dma_start3A_70, %dma_start3A_71] : memref<2x32x100xi32, #tpu.memory_space<vmem>> -> memref<1x32x100xi32, #tpu.memory_space<vmem>>
      %dma_start3A_73 = tpu.memref_squeeze %dma_start3A_72 : memref<1x32x100xi32, #tpu.memory_space<vmem>> -> memref<32x100xi32, #tpu.memory_space<vmem>>
      %dma_start3A_74 = arith.constant 0 : i32
      %dma_start3A_75 = arith.constant 0 : i32
      %dma_start3A_76 = tpu.memref_slice %arg4[%add3A, %dma_start3A_74, %dma_start3A_75] : memref<32x160x100xi32, #tpu.memory_space<hbm>> -> memref<1x160x100xi32, #tpu.memory_space<hbm>>
      %dma_start3A_77 = tpu.memref_squeeze %dma_start3A_76 : memref<1x160x100xi32, #tpu.memory_space<hbm>> -> memref<160x100xi32, #tpu.memory_space<hbm>>
      %dma_start3A_78 = arith.constant 0 : i32
      %dma_start3A_79 = arith.constant 0 : i32
      %dma_start3A_80 = tpu.memref_slice %dma_start3A_77[%dma_start3A_78, %dma_start3A_79] : memref<160x100xi32, #tpu.memory_space<hbm>> -> memref<32x100xi32, #tpu.memory_space<hbm>>
      %dma_start3A_81 = arith.constant 0 : i32
      %dma_start3A_82 = arith.constant 0 : i32
      %dma_start3A_83 = tpu.memref_slice %arg8[%run_scoped3A_1, %dma_start3A_81, %dma_start3A_82] : memref<2x32x100xi32, #tpu.memory_space<vmem>> -> memref<1x32x100xi32, #tpu.memory_space<vmem>>
      %dma_start3A_84 = tpu.memref_squeeze %dma_start3A_83 : memref<1x32x100xi32, #tpu.memory_space<vmem>> -> memref<32x100xi32, #tpu.memory_space<vmem>>
      %dma_start3A_85 = arith.constant 0 : i32
      %dma_start3A_86 = arith.constant 0 : i32
      %dma_start3A_87 = tpu.memref_slice %arg4[%add3A, %dma_start3A_85, %dma_start3A_86] : memref<32x160x100xi32, #tpu.memory_space<hbm>> -> memref<1x160x100xi32, #tpu.memory_space<hbm>>
      %dma_start3A_88 = tpu.memref_squeeze %dma_start3A_87 : memref<1x160x100xi32, #tpu.memory_space<hbm>> -> memref<160x100xi32, #tpu.memory_space<hbm>>
      %dma_start3A_89 = arith.constant 0 : i32
      %dma_start3A_90 = arith.constant 0 : i32
      %dma_start3A_91 = tpu.memref_slice %dma_start3A_88[%dma_start3A_89, %dma_start3A_90] : memref<160x100xi32, #tpu.memory_space<hbm>> -> memref<32x100xi32, #tpu.memory_space<hbm>>
      tpu.enqueue_dma source(%dma_start3A_91 : memref<32x100xi32, #tpu.memory_space<hbm>>) target(%dma_start3A_84 : memref<32x100xi32, #tpu.memory_space<vmem>>) target_semaphore(%run_scoped3A_69 : memref<!tpu.dma_semaphore, #tpu.memory_space<semaphore_mem>>)
      %dma_wait3A_92 = arith.constant 0 : i32
      %dma_wait3A_93 = arith.constant 0 : i32
      %dma_wait3A_94 = tpu.memref_slice %arg8[%run_scoped3A_1, %dma_wait3A_92, %dma_wait3A_93] : memref<2x32x100xi32, #tpu.memory_space<vmem>> -> memref<1x32x100xi32, #tpu.memory_space<vmem>>
      %dma_wait3A_95 = tpu.memref_squeeze %dma_wait3A_94 : memref<1x32x100xi32, #tpu.memory_space<vmem>> -> memref<32x100xi32, #tpu.memory_space<vmem>>
      %dma_wait3A_96 = arith.constant 0 : i32
      %dma_wait3A_97 = arith.constant 0 : i32
      %dma_wait3A_98 = tpu.memref_slice %arg4[%add3A, %dma_wait3A_96, %dma_wait3A_97] : memref<32x160x100xi32, #tpu.memory_space<hbm>> -> memref<1x160x100xi32, #tpu.memory_space<hbm>>
      %dma_wait3A_99 = tpu.memref_squeeze %dma_wait3A_98 : memref<1x160x100xi32, #tpu.memory_space<hbm>> -> memref<160x100xi32, #tpu.memory_space<hbm>>
      %dma_wait3A_100 = arith.constant 0 : i32
      %dma_wait3A_101 = arith.constant 0 : i32
      %dma_wait3A_102 = tpu.memref_slice %dma_wait3A_99[%dma_wait3A_100, %dma_wait3A_101] : memref<160x100xi32, #tpu.memory_space<hbm>> -> memref<32x100xi32, #tpu.memory_space<hbm>>
      %dma_wait3A_103 = arith.constant 0 : i32
      %dma_wait3A_104 = arith.constant 0 : i32
      %dma_wait3A_105 = tpu.memref_slice %arg8[%run_scoped3A_1, %dma_wait3A_103, %dma_wait3A_104] : memref<2x32x100xi32, #tpu.memory_space<vmem>> -> memref<1x32x100xi32, #tpu.memory_space<vmem>>
      %dma_wait3A_106 = tpu.memref_squeeze %dma_wait3A_105 : memref<1x32x100xi32, #tpu.memory_space<vmem>> -> memref<32x100xi32, #tpu.memory_space<vmem>>
      %dma_wait3A_107 = arith.constant 0 : i32
      %dma_wait3A_108 = arith.constant 0 : i32
      %dma_wait3A_109 = tpu.memref_slice %arg4[%add3A, %dma_wait3A_107, %dma_wait3A_108] : memref<32x160x100xi32, #tpu.memory_space<hbm>> -> memref<1x160x100xi32, #tpu.memory_space<hbm>>
      %dma_wait3A_110 = tpu.memref_squeeze %dma_wait3A_109 : memref<1x160x100xi32, #tpu.memory_space<hbm>> -> memref<160x100xi32, #tpu.memory_space<hbm>>
      %dma_wait3A_111 = arith.constant 0 : i32
      %dma_wait3A_112 = arith.constant 0 : i32
      %dma_wait3A_113 = tpu.memref_slice %dma_wait3A_110[%dma_wait3A_111, %dma_wait3A_112] : memref<160x100xi32, #tpu.memory_space<hbm>> -> memref<32x100xi32, #tpu.memory_space<hbm>>
      tpu.wait_dma2 semaphore(%run_scoped3A_69 : memref<!tpu.dma_semaphore, #tpu.memory_space<semaphore_mem>>) src(%dma_wait3A_113 : memref<32x100xi32, #tpu.memory_space<hbm>>) dst(%dma_wait3A_106 : memref<32x100xi32, #tpu.memory_space<vmem>>)
      tpu.yield
    }) : () -> ()
    %mul3A_2 = arith.constant 632 : i32
    %mul3A_3 = arith.muli %arg1, %mul3A_2 : i32
    %mul3A_4 = arith.constant 632 : i32
    %mul3A_5 = arith.muli %arg1, %mul3A_4 : i32
    "tpu.region"() ({
      %run_scoped3A_69 = tpu.sem_alloc : memref<!tpu.dma_semaphore, #tpu.memory_space<semaphore_mem>>
      %dma_start3A_70 = arith.constant 0 : i32
      %dma_start3A_71 = tpu.memref_slice %arg10[%mul3A_5, %dma_start3A_70] : memref<10112x128xf32, #tpu.memory_space<vmem_shared>> -> memref<632x128xf32, #tpu.memory_space<vmem_shared>>
      %dma_start3A_72 = arith.constant 0 : i32
      %dma_start3A_73 = tpu.memref_slice %arg5[%mul3A_3, %dma_start3A_72] : memref<10112x128xf32, #tpu.memory_space<hbm>> -> memref<632x128xf32, #tpu.memory_space<hbm>>
      tpu.enqueue_dma source(%dma_start3A_73 : memref<632x128xf32, #tpu.memory_space<hbm>>) target(%dma_start3A_71 : memref<632x128xf32, #tpu.memory_space<vmem_shared>>) target_semaphore(%run_scoped3A_69 : memref<!tpu.dma_semaphore, #tpu.memory_space<semaphore_mem>>)
      %dma_wait3A_74 = arith.constant 0 : i32
      %dma_wait3A_75 = tpu.memref_slice %arg10[%mul3A_5, %dma_wait3A_74] : memref<10112x128xf32, #tpu.memory_space<vmem_shared>> -> memref<632x128xf32, #tpu.memory_space<vmem_shared>>
      %dma_wait3A_76 = arith.constant 0 : i32
      %dma_wait3A_77 = tpu.memref_slice %arg5[%mul3A_3, %dma_wait3A_76] : memref<10112x128xf32, #tpu.memory_space<hbm>> -> memref<632x128xf32, #tpu.memory_space<hbm>>
      tpu.wait_dma2 semaphore(%run_scoped3A_69 : memref<!tpu.dma_semaphore, #tpu.memory_space<semaphore_mem>>) src(%dma_wait3A_77 : memref<632x128xf32, #tpu.memory_space<hbm>>) dst(%dma_wait3A_75 : memref<632x128xf32, #tpu.memory_space<vmem_shared>>)
      tpu.yield
    }) : () -> ()
    %barrier3A = arith.constant 0 : index
    tpu.barrier barrier_id(%barrier3A)
    %dma_start3A = arith.constant 0 : i32
    %dma_start3A_6 = arith.constant 0 : i32
    %dma_start3A_7 = arith.constant 0 : i32
    %dma_start3A_8 = arith.constant 0 : i32
    %dma_start3A_9 = arith.constant 0 : i32
    %dma_start3A_10 = tpu.memref_slice %arg9[%dma_start3A_7, %dma_start3A_8, %dma_start3A_9] : memref<2x100x128xf32, #tpu.memory_space<vmem>> -> memref<1x100x128xf32, #tpu.memory_space<vmem>>
    %dma_start3A_11 = tpu.memref_squeeze %dma_start3A_10 : memref<1x100x128xf32, #tpu.memory_space<vmem>> -> memref<100x128xf32, #tpu.memory_space<vmem>>
    %dma_start3A_12 = arith.constant 0 : i32
    %dma_start3A_13 = tpu.memref_slice %arg7[%dma_start3A, %dma_start3A_6, %dma_start3A_12] : memref<2x32x100xi32, #tpu.memory_space<vmem>> -> memref<1x1x100xi32, #tpu.memory_space<vmem>>
    %dma_start3A_14 = tpu.memref_squeeze %dma_start3A_13 : memref<1x1x100xi32, #tpu.memory_space<vmem>> -> memref<100xi32, #tpu.memory_space<vmem>>
    %dma_start3A_15 = arith.constant 0 : i32
    %dma_start3A_16 = arith.constant 0 : i32
    %dma_start3A_17 = tpu.memref_slice %arg2[%dma_start3A_15, %dma_start3A_16] : memref<10000x128xf32, #tpu.memory_space<hbm>> -> memref<10000x128xf32, #tpu.memory_space<hbm>>
    tpu.enqueue_indirect_dma source(%dma_start3A_17 : memref<10000x128xf32, #tpu.memory_space<hbm>>) target(%dma_start3A_11 : memref<100x128xf32, #tpu.memory_space<vmem>>) offsets(%dma_start3A_14 : memref<100xi32, #tpu.memory_space<vmem>>) semaphore(%arg11 : memref<!tpu.dma_semaphore, #tpu.memory_space<semaphore_mem>>)
    %dma_start3A_18 = arith.constant 0 : i32
    %dma_start3A_19 = arith.constant 1 : i32
    %dma_start3A_20 = arith.constant 1 : i32
    %dma_start3A_21 = arith.constant 0 : i32
    %dma_start3A_22 = arith.constant 0 : i32
    %dma_start3A_23 = tpu.memref_slice %arg9[%dma_start3A_20, %dma_start3A_21, %dma_start3A_22] : memref<2x100x128xf32, #tpu.memory_space<vmem>> -> memref<1x100x128xf32, #tpu.memory_space<vmem>>
    %dma_start3A_24 = tpu.memref_squeeze %dma_start3A_23 : memref<1x100x128xf32, #tpu.memory_space<vmem>> -> memref<100x128xf32, #tpu.memory_space<vmem>>
    %dma_start3A_25 = arith.constant 0 : i32
    %dma_start3A_26 = tpu.memref_slice %arg7[%dma_start3A_18, %dma_start3A_19, %dma_start3A_25] : memref<2x32x100xi32, #tpu.memory_space<vmem>> -> memref<1x1x100xi32, #tpu.memory_space<vmem>>
    %dma_start3A_27 = tpu.memref_squeeze %dma_start3A_26 : memref<1x1x100xi32, #tpu.memory_space<vmem>> -> memref<100xi32, #tpu.memory_space<vmem>>
    %dma_start3A_28 = arith.constant 0 : i32
    %dma_start3A_29 = arith.constant 0 : i32
    %dma_start3A_30 = tpu.memref_slice %arg2[%dma_start3A_28, %dma_start3A_29] : memref<10000x128xf32, #tpu.memory_space<hbm>> -> memref<10000x128xf32, #tpu.memory_space<hbm>>
    tpu.enqueue_indirect_dma source(%dma_start3A_30 : memref<10000x128xf32, #tpu.memory_space<hbm>>) target(%dma_start3A_24 : memref<100x128xf32, #tpu.memory_space<vmem>>) offsets(%dma_start3A_27 : memref<100xi32, #tpu.memory_space<vmem>>) semaphore(%arg12 : memref<!tpu.dma_semaphore, #tpu.memory_space<semaphore_mem>>)
    %scan3A = arith.constant 0 : i32
    %scan3A_31 = arith.constant 0 : i32
    %scan3A_32 = arith.constant 50 : i32
    %scan3A_33 = arith.addi %scan3A_31, %scan3A_32 : i32
    %scan3A_34 = arith.constant 1 : i32
    scf.for %scan3A_69 = %scan3A_31 to %scan3A_33 step %scan3A_34  : i32 {
      %mul3A_70 = arith.constant 2 : i32
      %mul3A_71 = arith.muli %mul3A_70, %scan3A_69 : i32
      %add3A_72 = arith.constant 0 : i32
      %add3A_73 = arith.addi %mul3A_71, %add3A_72 : i32
      %add3A_74 = arith.constant 2 : i32
      %add3A_75 = arith.addi %add3A_73, %add3A_74 : i32
      %div3A = arith.constant 32 : i32
      %div3A_76 = arith.divsi %add3A_75, %div3A : i32
      %dma_wait3A_77 = arith.constant 0 : i32
      %dma_wait3A_78 = arith.constant 0 : i32
      %dma_wait3A_79 = arith.constant 0 : i32
      %dma_wait3A_80 = arith.constant 0 : i32
      %dma_wait3A_81 = arith.constant 0 : i32
      %dma_wait3A_82 = tpu.memref_slice %arg9[%dma_wait3A_79, %dma_wait3A_80, %dma_wait3A_81] : memref<2x100x128xf32, #tpu.memory_space<vmem>> -> memref<1x100x128xf32, #tpu.memory_space<vmem>>
      %dma_wait3A_83 = tpu.memref_squeeze %dma_wait3A_82 : memref<1x100x128xf32, #tpu.memory_space<vmem>> -> memref<100x128xf32, #tpu.memory_space<vmem>>
      %dma_wait3A_84 = arith.constant 0 : i32
      %dma_wait3A_85 = tpu.memref_slice %arg7[%dma_wait3A_77, %dma_wait3A_78, %dma_wait3A_84] : memref<2x32x100xi32, #tpu.memory_space<vmem>> -> memref<1x1x100xi32, #tpu.memory_space<vmem>>
      %dma_wait3A_86 = tpu.memref_squeeze %dma_wait3A_85 : memref<1x1x100xi32, #tpu.memory_space<vmem>> -> memref<100xi32, #tpu.memory_space<vmem>>
      %dma_wait3A_87 = arith.constant 0 : i32
      %dma_wait3A_88 = arith.constant 0 : i32
      %dma_wait3A_89 = tpu.memref_slice %arg2[%dma_wait3A_87, %dma_wait3A_88] : memref<10000x128xf32, #tpu.memory_space<hbm>> -> memref<10000x128xf32, #tpu.memory_space<hbm>>
      tpu.wait_indirect_dma semaphore(%arg11 : memref<!tpu.dma_semaphore, #tpu.memory_space<semaphore_mem>>) src(%dma_wait3A_89 : memref<10000x128xf32, #tpu.memory_space<hbm>>) dst(%dma_wait3A_83 : memref<100x128xf32, #tpu.memory_space<vmem>>)
      %rem3A = arith.constant 32 : i32
      %rem3A_90 = arith.remsi %add3A_75, %rem3A : i32
      %eq3A = arith.constant 0 : i32
      %eq3A_91 = arith.cmpi eq, %rem3A_90, %eq3A : i32
      %convert_element_type3A = arith.extui %eq3A_91 : i1 to i32
      %cond3A = arith.constant 0 : i32
      %cond3A_92 = arith.cmpi ne, %convert_element_type3A, %cond3A : i32
      scf.if %cond3A_92 {
        %rem3A_165 = arith.constant 2 : i32
        %rem3A_166 = arith.remsi %div3A_76, %rem3A_165 : i32
        %mul3A_167 = arith.constant 32 : i32
        %mul3A_168 = arith.muli %div3A_76, %mul3A_167 : i32
        "tpu.region"() ({
          %run_scoped3A_171 = tpu.sem_alloc : memref<!tpu.dma_semaphore, #tpu.memory_space<semaphore_mem>>
          %dma_start3A_172 = arith.constant 0 : i32
          %dma_start3A_173 = arith.constant 0 : i32
          %dma_start3A_174 = tpu.memref_slice %arg7[%rem3A_166, %dma_start3A_172, %dma_start3A_173] : memref<2x32x100xi32, #tpu.memory_space<vmem>> -> memref<1x32x100xi32, #tpu.memory_space<vmem>>
          %dma_start3A_175 = tpu.memref_squeeze %dma_start3A_174 : memref<1x32x100xi32, #tpu.memory_space<vmem>> -> memref<32x100xi32, #tpu.memory_space<vmem>>
          %dma_start3A_176 = arith.constant 0 : i32
          %dma_start3A_177 = arith.constant 0 : i32
          %dma_start3A_178 = tpu.memref_slice %arg3[%add3A, %dma_start3A_176, %dma_start3A_177] : memref<32x160x100xi32, #tpu.memory_space<hbm>> -> memref<1x160x100xi32, #tpu.memory_space<hbm>>
          %dma_start3A_179 = tpu.memref_squeeze %dma_start3A_178 : memref<1x160x100xi32, #tpu.memory_space<hbm>> -> memref<160x100xi32, #tpu.memory_space<hbm>>
          %dma_start3A_180 = arith.constant 0 : i32
          %dma_start3A_181 = tpu.memref_slice %dma_start3A_179[%mul3A_168, %dma_start3A_180] : memref<160x100xi32, #tpu.memory_space<hbm>> -> memref<32x100xi32, #tpu.memory_space<hbm>>
          %dma_start3A_182 = arith.constant 0 : i32
          %dma_start3A_183 = arith.constant 0 : i32
          %dma_start3A_184 = tpu.memref_slice %arg7[%rem3A_166, %dma_start3A_182, %dma_start3A_183] : memref<2x32x100xi32, #tpu.memory_space<vmem>> -> memref<1x32x100xi32, #tpu.memory_space<vmem>>
          %dma_start3A_185 = tpu.memref_squeeze %dma_start3A_184 : memref<1x32x100xi32, #tpu.memory_space<vmem>> -> memref<32x100xi32, #tpu.memory_space<vmem>>
          %dma_start3A_186 = arith.constant 0 : i32
          %dma_start3A_187 = arith.constant 0 : i32
          %dma_start3A_188 = tpu.memref_slice %arg3[%add3A, %dma_start3A_186, %dma_start3A_187] : memref<32x160x100xi32, #tpu.memory_space<hbm>> -> memref<1x160x100xi32, #tpu.memory_space<hbm>>
          %dma_start3A_189 = tpu.memref_squeeze %dma_start3A_188 : memref<1x160x100xi32, #tpu.memory_space<hbm>> -> memref<160x100xi32, #tpu.memory_space<hbm>>
          %dma_start3A_190 = arith.constant 0 : i32
          %dma_start3A_191 = tpu.memref_slice %dma_start3A_189[%mul3A_168, %dma_start3A_190] : memref<160x100xi32, #tpu.memory_space<hbm>> -> memref<32x100xi32, #tpu.memory_space<hbm>>
          tpu.enqueue_dma source(%dma_start3A_191 : memref<32x100xi32, #tpu.memory_space<hbm>>) target(%dma_start3A_185 : memref<32x100xi32, #tpu.memory_space<vmem>>) target_semaphore(%run_scoped3A_171 : memref<!tpu.dma_semaphore, #tpu.memory_space<semaphore_mem>>)
          %dma_wait3A_192 = arith.constant 0 : i32
          %dma_wait3A_193 = arith.constant 0 : i32
          %dma_wait3A_194 = tpu.memref_slice %arg7[%rem3A_166, %dma_wait3A_192, %dma_wait3A_193] : memref<2x32x100xi32, #tpu.memory_space<vmem>> -> memref<1x32x100xi32, #tpu.memory_space<vmem>>
          %dma_wait3A_195 = tpu.memref_squeeze %dma_wait3A_194 : memref<1x32x100xi32, #tpu.memory_space<vmem>> -> memref<32x100xi32, #tpu.memory_space<vmem>>
          %dma_wait3A_196 = arith.constant 0 : i32
          %dma_wait3A_197 = arith.constant 0 : i32
          %dma_wait3A_198 = tpu.memref_slice %arg3[%add3A, %dma_wait3A_196, %dma_wait3A_197] : memref<32x160x100xi32, #tpu.memory_space<hbm>> -> memref<1x160x100xi32, #tpu.memory_space<hbm>>
          %dma_wait3A_199 = tpu.memref_squeeze %dma_wait3A_198 : memref<1x160x100xi32, #tpu.memory_space<hbm>> -> memref<160x100xi32, #tpu.memory_space<hbm>>
          %dma_wait3A_200 = arith.constant 0 : i32
          %dma_wait3A_201 = tpu.memref_slice %dma_wait3A_199[%mul3A_168, %dma_wait3A_200] : memref<160x100xi32, #tpu.memory_space<hbm>> -> memref<32x100xi32, #tpu.memory_space<hbm>>
          %dma_wait3A_202 = arith.constant 0 : i32
          %dma_wait3A_203 = arith.constant 0 : i32
          %dma_wait3A_204 = tpu.memref_slice %arg7[%rem3A_166, %dma_wait3A_202, %dma_wait3A_203] : memref<2x32x100xi32, #tpu.memory_space<vmem>> -> memref<1x32x100xi32, #tpu.memory_space<vmem>>
          %dma_wait3A_205 = tpu.memref_squeeze %dma_wait3A_204 : memref<1x32x100xi32, #tpu.memory_space<vmem>> -> memref<32x100xi32, #tpu.memory_space<vmem>>
          %dma_wait3A_206 = arith.constant 0 : i32
          %dma_wait3A_207 = arith.constant 0 : i32
          %dma_wait3A_208 = tpu.memref_slice %arg3[%add3A, %dma_wait3A_206, %dma_wait3A_207] : memref<32x160x100xi32, #tpu.memory_space<hbm>> -> memref<1x160x100xi32, #tpu.memory_space<hbm>>
          %dma_wait3A_209 = tpu.memref_squeeze %dma_wait3A_208 : memref<1x160x100xi32, #tpu.memory_space<hbm>> -> memref<160x100xi32, #tpu.memory_space<hbm>>
          %dma_wait3A_210 = arith.constant 0 : i32
          %dma_wait3A_211 = tpu.memref_slice %dma_wait3A_209[%mul3A_168, %dma_wait3A_210] : memref<160x100xi32, #tpu.memory_space<hbm>> -> memref<32x100xi32, #tpu.memory_space<hbm>>
          tpu.wait_dma2 semaphore(%run_scoped3A_171 : memref<!tpu.dma_semaphore, #tpu.memory_space<semaphore_mem>>) src(%dma_wait3A_211 : memref<32x100xi32, #tpu.memory_space<hbm>>) dst(%dma_wait3A_205 : memref<32x100xi32, #tpu.memory_space<vmem>>)
          tpu.yield
        }) : () -> ()
        %mul3A_169 = arith.constant 32 : i32
        %mul3A_170 = arith.muli %div3A_76, %mul3A_169 : i32
        "tpu.region"() ({
          %run_scoped3A_171 = tpu.sem_alloc : memref<!tpu.dma_semaphore, #tpu.memory_space<semaphore_mem>>
          %dma_start3A_172 = arith.constant 0 : i32
          %dma_start3A_173 = arith.constant 0 : i32
          %dma_start3A_174 = tpu.memref_slice %arg8[%rem3A_166, %dma_start3A_172, %dma_start3A_173] : memref<2x32x100xi32, #tpu.memory_space<vmem>> -> memref<1x32x100xi32, #tpu.memory_space<vmem>>
          %dma_start3A_175 = tpu.memref_squeeze %dma_start3A_174 : memref<1x32x100xi32, #tpu.memory_space<vmem>> -> memref<32x100xi32, #tpu.memory_space<vmem>>
          %dma_start3A_176 = arith.constant 0 : i32
          %dma_start3A_177 = arith.constant 0 : i32
          %dma_start3A_178 = tpu.memref_slice %arg4[%add3A, %dma_start3A_176, %dma_start3A_177] : memref<32x160x100xi32, #tpu.memory_space<hbm>> -> memref<1x160x100xi32, #tpu.memory_space<hbm>>
          %dma_start3A_179 = tpu.memref_squeeze %dma_start3A_178 : memref<1x160x100xi32, #tpu.memory_space<hbm>> -> memref<160x100xi32, #tpu.memory_space<hbm>>
          %dma_start3A_180 = arith.constant 0 : i32
          %dma_start3A_181 = tpu.memref_slice %dma_start3A_179[%mul3A_170, %dma_start3A_180] : memref<160x100xi32, #tpu.memory_space<hbm>> -> memref<32x100xi32, #tpu.memory_space<hbm>>
          %dma_start3A_182 = arith.constant 0 : i32
          %dma_start3A_183 = arith.constant 0 : i32
          %dma_start3A_184 = tpu.memref_slice %arg8[%rem3A_166, %dma_start3A_182, %dma_start3A_183] : memref<2x32x100xi32, #tpu.memory_space<vmem>> -> memref<1x32x100xi32, #tpu.memory_space<vmem>>
          %dma_start3A_185 = tpu.memref_squeeze %dma_start3A_184 : memref<1x32x100xi32, #tpu.memory_space<vmem>> -> memref<32x100xi32, #tpu.memory_space<vmem>>
          %dma_start3A_186 = arith.constant 0 : i32
          %dma_start3A_187 = arith.constant 0 : i32
          %dma_start3A_188 = tpu.memref_slice %arg4[%add3A, %dma_start3A_186, %dma_start3A_187] : memref<32x160x100xi32, #tpu.memory_space<hbm>> -> memref<1x160x100xi32, #tpu.memory_space<hbm>>
          %dma_start3A_189 = tpu.memref_squeeze %dma_start3A_188 : memref<1x160x100xi32, #tpu.memory_space<hbm>> -> memref<160x100xi32, #tpu.memory_space<hbm>>
          %dma_start3A_190 = arith.constant 0 : i32
          %dma_start3A_191 = tpu.memref_slice %dma_start3A_189[%mul3A_170, %dma_start3A_190] : memref<160x100xi32, #tpu.memory_space<hbm>> -> memref<32x100xi32, #tpu.memory_space<hbm>>
          tpu.enqueue_dma source(%dma_start3A_191 : memref<32x100xi32, #tpu.memory_space<hbm>>) target(%dma_start3A_185 : memref<32x100xi32, #tpu.memory_space<vmem>>) target_semaphore(%run_scoped3A_171 : memref<!tpu.dma_semaphore, #tpu.memory_space<semaphore_mem>>)
          %dma_wait3A_192 = arith.constant 0 : i32
          %dma_wait3A_193 = arith.constant 0 : i32
          %dma_wait3A_194 = tpu.memref_slice %arg8[%rem3A_166, %dma_wait3A_192, %dma_wait3A_193] : memref<2x32x100xi32, #tpu.memory_space<vmem>> -> memref<1x32x100xi32, #tpu.memory_space<vmem>>
          %dma_wait3A_195 = tpu.memref_squeeze %dma_wait3A_194 : memref<1x32x100xi32, #tpu.memory_space<vmem>> -> memref<32x100xi32, #tpu.memory_space<vmem>>
          %dma_wait3A_196 = arith.constant 0 : i32
          %dma_wait3A_197 = arith.constant 0 : i32
          %dma_wait3A_198 = tpu.memref_slice %arg4[%add3A, %dma_wait3A_196, %dma_wait3A_197] : memref<32x160x100xi32, #tpu.memory_space<hbm>> -> memref<1x160x100xi32, #tpu.memory_space<hbm>>
          %dma_wait3A_199 = tpu.memref_squeeze %dma_wait3A_198 : memref<1x160x100xi32, #tpu.memory_space<hbm>> -> memref<160x100xi32, #tpu.memory_space<hbm>>
          %dma_wait3A_200 = arith.constant 0 : i32
          %dma_wait3A_201 = tpu.memref_slice %dma_wait3A_199[%mul3A_170, %dma_wait3A_200] : memref<160x100xi32, #tpu.memory_space<hbm>> -> memref<32x100xi32, #tpu.memory_space<hbm>>
          %dma_wait3A_202 = arith.constant 0 : i32
          %dma_wait3A_203 = arith.constant 0 : i32
          %dma_wait3A_204 = tpu.memref_slice %arg8[%rem3A_166, %dma_wait3A_202, %dma_wait3A_203] : memref<2x32x100xi32, #tpu.memory_space<vmem>> -> memref<1x32x100xi32, #tpu.memory_space<vmem>>
          %dma_wait3A_205 = tpu.memref_squeeze %dma_wait3A_204 : memref<1x32x100xi32, #tpu.memory_space<vmem>> -> memref<32x100xi32, #tpu.memory_space<vmem>>
          %dma_wait3A_206 = arith.constant 0 : i32
          %dma_wait3A_207 = arith.constant 0 : i32
          %dma_wait3A_208 = tpu.memref_slice %arg4[%add3A, %dma_wait3A_206, %dma_wait3A_207] : memref<32x160x100xi32, #tpu.memory_space<hbm>> -> memref<1x160x100xi32, #tpu.memory_space<hbm>>
          %dma_wait3A_209 = tpu.memref_squeeze %dma_wait3A_208 : memref<1x160x100xi32, #tpu.memory_space<hbm>> -> memref<160x100xi32, #tpu.memory_space<hbm>>
          %dma_wait3A_210 = arith.constant 0 : i32
          %dma_wait3A_211 = tpu.memref_slice %dma_wait3A_209[%mul3A_170, %dma_wait3A_210] : memref<160x100xi32, #tpu.memory_space<hbm>> -> memref<32x100xi32, #tpu.memory_space<hbm>>
          tpu.wait_dma2 semaphore(%run_scoped3A_171 : memref<!tpu.dma_semaphore, #tpu.memory_space<semaphore_mem>>) src(%dma_wait3A_211 : memref<32x100xi32, #tpu.memory_space<hbm>>) dst(%dma_wait3A_205 : memref<32x100xi32, #tpu.memory_space<vmem>>)
          tpu.yield
        }) : () -> ()
      } else {
      }
      %rem3A_93 = arith.constant 2 : i32
      %rem3A_94 = arith.remsi %div3A_76, %rem3A_93 : i32
      %rem3A_95 = arith.constant 32 : i32
      %rem3A_96 = arith.remsi %add3A_75, %rem3A_95 : i32
      %dma_start3A_97 = arith.constant 0 : i32
      %dma_start3A_98 = arith.constant 0 : i32
      %dma_start3A_99 = arith.constant 0 : i32
      %dma_start3A_100 = tpu.memref_slice %arg9[%dma_start3A_97, %dma_start3A_98, %dma_start3A_99] : memref<2x100x128xf32, #tpu.memory_space<vmem>> -> memref<1x100x128xf32, #tpu.memory_space<vmem>>
      %dma_start3A_101 = tpu.memref_squeeze %dma_start3A_100 : memref<1x100x128xf32, #tpu.memory_space<vmem>> -> memref<100x128xf32, #tpu.memory_space<vmem>>
      %dma_start3A_102 = arith.constant 0 : i32
      %dma_start3A_103 = tpu.memref_slice %arg7[%rem3A_94, %rem3A_96, %dma_start3A_102] : memref<2x32x100xi32, #tpu.memory_space<vmem>> -> memref<1x1x100xi32, #tpu.memory_space<vmem>>
      %dma_start3A_104 = tpu.memref_squeeze %dma_start3A_103 : memref<1x1x100xi32, #tpu.memory_space<vmem>> -> memref<100xi32, #tpu.memory_space<vmem>>
      %dma_start3A_105 = arith.constant 0 : i32
      %dma_start3A_106 = arith.constant 0 : i32
      %dma_start3A_107 = tpu.memref_slice %arg2[%dma_start3A_105, %dma_start3A_106] : memref<10000x128xf32, #tpu.memory_space<hbm>> -> memref<10000x128xf32, #tpu.memory_space<hbm>>
      tpu.enqueue_indirect_dma source(%dma_start3A_107 : memref<10000x128xf32, #tpu.memory_space<hbm>>) target(%dma_start3A_101 : memref<100x128xf32, #tpu.memory_space<vmem>>) offsets(%dma_start3A_104 : memref<100xi32, #tpu.memory_space<vmem>>) semaphore(%arg11 : memref<!tpu.dma_semaphore, #tpu.memory_space<semaphore_mem>>)
      %div3A_108 = arith.constant 32 : i32
      %div3A_109 = arith.divsi %add3A_73, %div3A_108 : i32
      %rem3A_110 = arith.constant 2 : i32
      %rem3A_111 = arith.remsi %div3A_109, %rem3A_110 : i32
      %rem3A_112 = arith.constant 32 : i32
      %rem3A_113 = arith.remsi %add3A_73, %rem3A_112 : i32
      %run_scoped3A_114 = arith.constant 0 : i32
      "tpu.region"() ({
        %run_scoped3A_165 = tpu.sem_alloc : memref<!tpu.dma_semaphore, #tpu.memory_space<semaphore_mem>>
        %dma_start3A_166 = arith.constant 0 : i32
        %dma_start3A_167 = arith.constant 0 : i32
        %dma_start3A_168 = tpu.memref_slice %arg9[%run_scoped3A_114, %dma_start3A_166, %dma_start3A_167] : memref<2x100x128xf32, #tpu.memory_space<vmem>> -> memref<1x100x128xf32, #tpu.memory_space<vmem>>
        %dma_start3A_169 = tpu.memref_squeeze %dma_start3A_168 : memref<1x100x128xf32, #tpu.memory_space<vmem>> -> memref<100x128xf32, #tpu.memory_space<vmem>>
        %dma_start3A_170 = arith.constant 0 : i32
        %dma_start3A_171 = tpu.memref_slice %arg8[%rem3A_111, %rem3A_113, %dma_start3A_170] : memref<2x32x100xi32, #tpu.memory_space<vmem>> -> memref<1x1x100xi32, #tpu.memory_space<vmem>>
        %dma_start3A_172 = tpu.memref_squeeze %dma_start3A_171 : memref<1x1x100xi32, #tpu.memory_space<vmem>> -> memref<100xi32, #tpu.memory_space<vmem>>
        %dma_start3A_173 = arith.constant 0 : i32
        %dma_start3A_174 = arith.constant 0 : i32
        %dma_start3A_175 = tpu.memref_slice %arg10[%dma_start3A_173, %dma_start3A_174] : memref<10112x128xf32, #tpu.memory_space<vmem_shared>> -> memref<10112x128xf32, #tpu.memory_space<vmem_shared>>
        tpu.enqueue_indirect_dma source(%dma_start3A_169 : memref<100x128xf32, #tpu.memory_space<vmem>>) target(%dma_start3A_175 : memref<10112x128xf32, #tpu.memory_space<vmem_shared>>) offsets(%dma_start3A_172 : memref<100xi32, #tpu.memory_space<vmem>>) semaphore(%run_scoped3A_165 : memref<!tpu.dma_semaphore, #tpu.memory_space<semaphore_mem>>) {add = true}
        %dma_wait3A_176 = arith.constant 0 : i32
        %dma_wait3A_177 = arith.constant 0 : i32
        %dma_wait3A_178 = tpu.memref_slice %arg9[%run_scoped3A_114, %dma_wait3A_176, %dma_wait3A_177] : memref<2x100x128xf32, #tpu.memory_space<vmem>> -> memref<1x100x128xf32, #tpu.memory_space<vmem>>
        %dma_wait3A_179 = tpu.memref_squeeze %dma_wait3A_178 : memref<1x100x128xf32, #tpu.memory_space<vmem>> -> memref<100x128xf32, #tpu.memory_space<vmem>>
        %dma_wait3A_180 = arith.constant 0 : i32
        %dma_wait3A_181 = tpu.memref_slice %arg8[%rem3A_111, %rem3A_113, %dma_wait3A_180] : memref<2x32x100xi32, #tpu.memory_space<vmem>> -> memref<1x1x100xi32, #tpu.memory_space<vmem>>
        %dma_wait3A_182 = tpu.memref_squeeze %dma_wait3A_181 : memref<1x1x100xi32, #tpu.memory_space<vmem>> -> memref<100xi32, #tpu.memory_space<vmem>>
        %dma_wait3A_183 = arith.constant 0 : i32
        %dma_wait3A_184 = arith.constant 0 : i32
        %dma_wait3A_185 = tpu.memref_slice %arg10[%dma_wait3A_183, %dma_wait3A_184] : memref<10112x128xf32, #tpu.memory_space<vmem_shared>> -> memref<10112x128xf32, #tpu.memory_space<vmem_shared>>
        tpu.wait_indirect_dma semaphore(%run_scoped3A_165 : memref<!tpu.dma_semaphore, #tpu.memory_space<semaphore_mem>>) src(%dma_wait3A_179 : memref<100x128xf32, #tpu.memory_space<vmem>>) dst(%dma_wait3A_185 : memref<10112x128xf32, #tpu.memory_space<vmem_shared>>)
        tpu.yield
      }) : () -> ()
      %mul3A_115 = arith.constant 2 : i32
      %mul3A_116 = arith.muli %mul3A_115, %scan3A_69 : i32
      %add3A_117 = arith.constant 1 : i32
      %add3A_118 = arith.addi %mul3A_116, %add3A_117 : i32
      %add3A_119 = arith.constant 2 : i32
      %add3A_120 = arith.addi %add3A_118, %add3A_119 : i32
      %div3A_121 = arith.constant 32 : i32
      %div3A_122 = arith.divsi %add3A_120, %div3A_121 : i32
      %dma_wait3A_123 = arith.constant 0 : i32
      %dma_wait3A_124 = arith.constant 0 : i32
      %dma_wait3A_125 = arith.constant 1 : i32
      %dma_wait3A_126 = arith.constant 0 : i32
      %dma_wait3A_127 = arith.constant 0 : i32
      %dma_wait3A_128 = tpu.memref_slice %arg9[%dma_wait3A_125, %dma_wait3A_126, %dma_wait3A_127] : memref<2x100x128xf32, #tpu.memory_space<vmem>> -> memref<1x100x128xf32, #tpu.memory_space<vmem>>
      %dma_wait3A_129 = tpu.memref_squeeze %dma_wait3A_128 : memref<1x100x128xf32, #tpu.memory_space<vmem>> -> memref<100x128xf32, #tpu.memory_space<vmem>>
      %dma_wait3A_130 = arith.constant 0 : i32
      %dma_wait3A_131 = tpu.memref_slice %arg7[%dma_wait3A_123, %dma_wait3A_124, %dma_wait3A_130] : memref<2x32x100xi32, #tpu.memory_space<vmem>> -> memref<1x1x100xi32, #tpu.memory_space<vmem>>
      %dma_wait3A_132 = tpu.memref_squeeze %dma_wait3A_131 : memref<1x1x100xi32, #tpu.memory_space<vmem>> -> memref<100xi32, #tpu.memory_space<vmem>>
      %dma_wait3A_133 = arith.constant 0 : i32
      %dma_wait3A_134 = arith.constant 0 : i32
      %dma_wait3A_135 = tpu.memref_slice %arg2[%dma_wait3A_133, %dma_wait3A_134] : memref<10000x128xf32, #tpu.memory_space<hbm>> -> memref<10000x128xf32, #tpu.memory_space<hbm>>
      tpu.wait_indirect_dma semaphore(%arg12 : memref<!tpu.dma_semaphore, #tpu.memory_space<semaphore_mem>>) src(%dma_wait3A_135 : memref<10000x128xf32, #tpu.memory_space<hbm>>) dst(%dma_wait3A_129 : memref<100x128xf32, #tpu.memory_space<vmem>>)
      %rem3A_136 = arith.constant 32 : i32
      %rem3A_137 = arith.remsi %add3A_120, %rem3A_136 : i32
      %eq3A_138 = arith.constant 0 : i32
      %eq3A_139 = arith.cmpi eq, %rem3A_137, %eq3A_138 : i32
      %convert_element_type3A_140 = arith.extui %eq3A_139 : i1 to i32
      %cond3A_141 = arith.constant 0 : i32
      %cond3A_142 = arith.cmpi ne, %convert_element_type3A_140, %cond3A_141 : i32
      scf.if %cond3A_142 {
        %rem3A_165 = arith.constant 2 : i32
        %rem3A_166 = arith.remsi %div3A_122, %rem3A_165 : i32
        %mul3A_167 = arith.constant 32 : i32
        %mul3A_168 = arith.muli %div3A_122, %mul3A_167 : i32
        "tpu.region"() ({
          %run_scoped3A_171 = tpu.sem_alloc : memref<!tpu.dma_semaphore, #tpu.memory_space<semaphore_mem>>
          %dma_start3A_172 = arith.constant 0 : i32
          %dma_start3A_173 = arith.constant 0 : i32
          %dma_start3A_174 = tpu.memref_slice %arg7[%rem3A_166, %dma_start3A_172, %dma_start3A_173] : memref<2x32x100xi32, #tpu.memory_space<vmem>> -> memref<1x32x100xi32, #tpu.memory_space<vmem>>
          %dma_start3A_175 = tpu.memref_squeeze %dma_start3A_174 : memref<1x32x100xi32, #tpu.memory_space<vmem>> -> memref<32x100xi32, #tpu.memory_space<vmem>>
          %dma_start3A_176 = arith.constant 0 : i32
          %dma_start3A_177 = arith.constant 0 : i32
          %dma_start3A_178 = tpu.memref_slice %arg3[%add3A, %dma_start3A_176, %dma_start3A_177] : memref<32x160x100xi32, #tpu.memory_space<hbm>> -> memref<1x160x100xi32, #tpu.memory_space<hbm>>
          %dma_start3A_179 = tpu.memref_squeeze %dma_start3A_178 : memref<1x160x100xi32, #tpu.memory_space<hbm>> -> memref<160x100xi32, #tpu.memory_space<hbm>>
          %dma_start3A_180 = arith.constant 0 : i32
          %dma_start3A_181 = tpu.memref_slice %dma_start3A_179[%mul3A_168, %dma_start3A_180] : memref<160x100xi32, #tpu.memory_space<hbm>> -> memref<32x100xi32, #tpu.memory_space<hbm>>
          %dma_start3A_182 = arith.constant 0 : i32
          %dma_start3A_183 = arith.constant 0 : i32
          %dma_start3A_184 = tpu.memref_slice %arg7[%rem3A_166, %dma_start3A_182, %dma_start3A_183] : memref<2x32x100xi32, #tpu.memory_space<vmem>> -> memref<1x32x100xi32, #tpu.memory_space<vmem>>
          %dma_start3A_185 = tpu.memref_squeeze %dma_start3A_184 : memref<1x32x100xi32, #tpu.memory_space<vmem>> -> memref<32x100xi32, #tpu.memory_space<vmem>>
          %dma_start3A_186 = arith.constant 0 : i32
          %dma_start3A_187 = arith.constant 0 : i32
          %dma_start3A_188 = tpu.memref_slice %arg3[%add3A, %dma_start3A_186, %dma_start3A_187] : memref<32x160x100xi32, #tpu.memory_space<hbm>> -> memref<1x160x100xi32, #tpu.memory_space<hbm>>
          %dma_start3A_189 = tpu.memref_squeeze %dma_start3A_188 : memref<1x160x100xi32, #tpu.memory_space<hbm>> -> memref<160x100xi32, #tpu.memory_space<hbm>>
          %dma_start3A_190 = arith.constant 0 : i32
          %dma_start3A_191 = tpu.memref_slice %dma_start3A_189[%mul3A_168, %dma_start3A_190] : memref<160x100xi32, #tpu.memory_space<hbm>> -> memref<32x100xi32, #tpu.memory_space<hbm>>
          tpu.enqueue_dma source(%dma_start3A_191 : memref<32x100xi32, #tpu.memory_space<hbm>>) target(%dma_start3A_185 : memref<32x100xi32, #tpu.memory_space<vmem>>) target_semaphore(%run_scoped3A_171 : memref<!tpu.dma_semaphore, #tpu.memory_space<semaphore_mem>>)
          %dma_wait3A_192 = arith.constant 0 : i32
          %dma_wait3A_193 = arith.constant 0 : i32
          %dma_wait3A_194 = tpu.memref_slice %arg7[%rem3A_166, %dma_wait3A_192, %dma_wait3A_193] : memref<2x32x100xi32, #tpu.memory_space<vmem>> -> memref<1x32x100xi32, #tpu.memory_space<vmem>>
          %dma_wait3A_195 = tpu.memref_squeeze %dma_wait3A_194 : memref<1x32x100xi32, #tpu.memory_space<vmem>> -> memref<32x100xi32, #tpu.memory_space<vmem>>
          %dma_wait3A_196 = arith.constant 0 : i32
          %dma_wait3A_197 = arith.constant 0 : i32
          %dma_wait3A_198 = tpu.memref_slice %arg3[%add3A, %dma_wait3A_196, %dma_wait3A_197] : memref<32x160x100xi32, #tpu.memory_space<hbm>> -> memref<1x160x100xi32, #tpu.memory_space<hbm>>
          %dma_wait3A_199 = tpu.memref_squeeze %dma_wait3A_198 : memref<1x160x100xi32, #tpu.memory_space<hbm>> -> memref<160x100xi32, #tpu.memory_space<hbm>>
          %dma_wait3A_200 = arith.constant 0 : i32
          %dma_wait3A_201 = tpu.memref_slice %dma_wait3A_199[%mul3A_168, %dma_wait3A_200] : memref<160x100xi32, #tpu.memory_space<hbm>> -> memref<32x100xi32, #tpu.memory_space<hbm>>
          %dma_wait3A_202 = arith.constant 0 : i32
          %dma_wait3A_203 = arith.constant 0 : i32
          %dma_wait3A_204 = tpu.memref_slice %arg7[%rem3A_166, %dma_wait3A_202, %dma_wait3A_203] : memref<2x32x100xi32, #tpu.memory_space<vmem>> -> memref<1x32x100xi32, #tpu.memory_space<vmem>>
          %dma_wait3A_205 = tpu.memref_squeeze %dma_wait3A_204 : memref<1x32x100xi32, #tpu.memory_space<vmem>> -> memref<32x100xi32, #tpu.memory_space<vmem>>
          %dma_wait3A_206 = arith.constant 0 : i32
          %dma_wait3A_207 = arith.constant 0 : i32
          %dma_wait3A_208 = tpu.memref_slice %arg3[%add3A, %dma_wait3A_206, %dma_wait3A_207] : memref<32x160x100xi32, #tpu.memory_space<hbm>> -> memref<1x160x100xi32, #tpu.memory_space<hbm>>
          %dma_wait3A_209 = tpu.memref_squeeze %dma_wait3A_208 : memref<1x160x100xi32, #tpu.memory_space<hbm>> -> memref<160x100xi32, #tpu.memory_space<hbm>>
          %dma_wait3A_210 = arith.constant 0 : i32
          %dma_wait3A_211 = tpu.memref_slice %dma_wait3A_209[%mul3A_168, %dma_wait3A_210] : memref<160x100xi32, #tpu.memory_space<hbm>> -> memref<32x100xi32, #tpu.memory_space<hbm>>
          tpu.wait_dma2 semaphore(%run_scoped3A_171 : memref<!tpu.dma_semaphore, #tpu.memory_space<semaphore_mem>>) src(%dma_wait3A_211 : memref<32x100xi32, #tpu.memory_space<hbm>>) dst(%dma_wait3A_205 : memref<32x100xi32, #tpu.memory_space<vmem>>)
          tpu.yield
        }) : () -> ()
        %mul3A_169 = arith.constant 32 : i32
        %mul3A_170 = arith.muli %div3A_122, %mul3A_169 : i32
        "tpu.region"() ({
          %run_scoped3A_171 = tpu.sem_alloc : memref<!tpu.dma_semaphore, #tpu.memory_space<semaphore_mem>>
          %dma_start3A_172 = arith.constant 0 : i32
          %dma_start3A_173 = arith.constant 0 : i32
          %dma_start3A_174 = tpu.memref_slice %arg8[%rem3A_166, %dma_start3A_172, %dma_start3A_173] : memref<2x32x100xi32, #tpu.memory_space<vmem>> -> memref<1x32x100xi32, #tpu.memory_space<vmem>>
          %dma_start3A_175 = tpu.memref_squeeze %dma_start3A_174 : memref<1x32x100xi32, #tpu.memory_space<vmem>> -> memref<32x100xi32, #tpu.memory_space<vmem>>
          %dma_start3A_176 = arith.constant 0 : i32
          %dma_start3A_177 = arith.constant 0 : i32
          %dma_start3A_178 = tpu.memref_slice %arg4[%add3A, %dma_start3A_176, %dma_start3A_177] : memref<32x160x100xi32, #tpu.memory_space<hbm>> -> memref<1x160x100xi32, #tpu.memory_space<hbm>>
          %dma_start3A_179 = tpu.memref_squeeze %dma_start3A_178 : memref<1x160x100xi32, #tpu.memory_space<hbm>> -> memref<160x100xi32, #tpu.memory_space<hbm>>
          %dma_start3A_180 = arith.constant 0 : i32
          %dma_start3A_181 = tpu.memref_slice %dma_start3A_179[%mul3A_170, %dma_start3A_180] : memref<160x100xi32, #tpu.memory_space<hbm>> -> memref<32x100xi32, #tpu.memory_space<hbm>>
          %dma_start3A_182 = arith.constant 0 : i32
          %dma_start3A_183 = arith.constant 0 : i32
          %dma_start3A_184 = tpu.memref_slice %arg8[%rem3A_166, %dma_start3A_182, %dma_start3A_183] : memref<2x32x100xi32, #tpu.memory_space<vmem>> -> memref<1x32x100xi32, #tpu.memory_space<vmem>>
          %dma_start3A_185 = tpu.memref_squeeze %dma_start3A_184 : memref<1x32x100xi32, #tpu.memory_space<vmem>> -> memref<32x100xi32, #tpu.memory_space<vmem>>
          %dma_start3A_186 = arith.constant 0 : i32
          %dma_start3A_187 = arith.constant 0 : i32
          %dma_start3A_188 = tpu.memref_slice %arg4[%add3A, %dma_start3A_186, %dma_start3A_187] : memref<32x160x100xi32, #tpu.memory_space<hbm>> -> memref<1x160x100xi32, #tpu.memory_space<hbm>>
          %dma_start3A_189 = tpu.memref_squeeze %dma_start3A_188 : memref<1x160x100xi32, #tpu.memory_space<hbm>> -> memref<160x100xi32, #tpu.memory_space<hbm>>
          %dma_start3A_190 = arith.constant 0 : i32
          %dma_start3A_191 = tpu.memref_slice %dma_start3A_189[%mul3A_170, %dma_start3A_190] : memref<160x100xi32, #tpu.memory_space<hbm>> -> memref<32x100xi32, #tpu.memory_space<hbm>>
          tpu.enqueue_dma source(%dma_start3A_191 : memref<32x100xi32, #tpu.memory_space<hbm>>) target(%dma_start3A_185 : memref<32x100xi32, #tpu.memory_space<vmem>>) target_semaphore(%run_scoped3A_171 : memref<!tpu.dma_semaphore, #tpu.memory_space<semaphore_mem>>)
          %dma_wait3A_192 = arith.constant 0 : i32
          %dma_wait3A_193 = arith.constant 0 : i32
          %dma_wait3A_194 = tpu.memref_slice %arg8[%rem3A_166, %dma_wait3A_192, %dma_wait3A_193] : memref<2x32x100xi32, #tpu.memory_space<vmem>> -> memref<1x32x100xi32, #tpu.memory_space<vmem>>
          %dma_wait3A_195 = tpu.memref_squeeze %dma_wait3A_194 : memref<1x32x100xi32, #tpu.memory_space<vmem>> -> memref<32x100xi32, #tpu.memory_space<vmem>>
          %dma_wait3A_196 = arith.constant 0 : i32
          %dma_wait3A_197 = arith.constant 0 : i32
          %dma_wait3A_198 = tpu.memref_slice %arg4[%add3A, %dma_wait3A_196, %dma_wait3A_197] : memref<32x160x100xi32, #tpu.memory_space<hbm>> -> memref<1x160x100xi32, #tpu.memory_space<hbm>>
          %dma_wait3A_199 = tpu.memref_squeeze %dma_wait3A_198 : memref<1x160x100xi32, #tpu.memory_space<hbm>> -> memref<160x100xi32, #tpu.memory_space<hbm>>
          %dma_wait3A_200 = arith.constant 0 : i32
          %dma_wait3A_201 = tpu.memref_slice %dma_wait3A_199[%mul3A_170, %dma_wait3A_200] : memref<160x100xi32, #tpu.memory_space<hbm>> -> memref<32x100xi32, #tpu.memory_space<hbm>>
          %dma_wait3A_202 = arith.constant 0 : i32
          %dma_wait3A_203 = arith.constant 0 : i32
          %dma_wait3A_204 = tpu.memref_slice %arg8[%rem3A_166, %dma_wait3A_202, %dma_wait3A_203] : memref<2x32x100xi32, #tpu.memory_space<vmem>> -> memref<1x32x100xi32, #tpu.memory_space<vmem>>
          %dma_wait3A_205 = tpu.memref_squeeze %dma_wait3A_204 : memref<1x32x100xi32, #tpu.memory_space<vmem>> -> memref<32x100xi32, #tpu.memory_space<vmem>>
          %dma_wait3A_206 = arith.constant 0 : i32
          %dma_wait3A_207 = arith.constant 0 : i32
          %dma_wait3A_208 = tpu.memref_slice %arg4[%add3A, %dma_wait3A_206, %dma_wait3A_207] : memref<32x160x100xi32, #tpu.memory_space<hbm>> -> memref<1x160x100xi32, #tpu.memory_space<hbm>>
          %dma_wait3A_209 = tpu.memref_squeeze %dma_wait3A_208 : memref<1x160x100xi32, #tpu.memory_space<hbm>> -> memref<160x100xi32, #tpu.memory_space<hbm>>
          %dma_wait3A_210 = arith.constant 0 : i32
          %dma_wait3A_211 = tpu.memref_slice %dma_wait3A_209[%mul3A_170, %dma_wait3A_210] : memref<160x100xi32, #tpu.memory_space<hbm>> -> memref<32x100xi32, #tpu.memory_space<hbm>>
          tpu.wait_dma2 semaphore(%run_scoped3A_171 : memref<!tpu.dma_semaphore, #tpu.memory_space<semaphore_mem>>) src(%dma_wait3A_211 : memref<32x100xi32, #tpu.memory_space<hbm>>) dst(%dma_wait3A_205 : memref<32x100xi32, #tpu.memory_space<vmem>>)
          tpu.yield
        }) : () -> ()
      } else {
      }
      %rem3A_143 = arith.constant 2 : i32
      %rem3A_144 = arith.remsi %div3A_122, %rem3A_143 : i32
      %rem3A_145 = arith.constant 32 : i32
      %rem3A_146 = arith.remsi %add3A_120, %rem3A_145 : i32
      %dma_start3A_147 = arith.constant 1 : i32
      %dma_start3A_148 = arith.constant 0 : i32
      %dma_start3A_149 = arith.constant 0 : i32
      %dma_start3A_150 = tpu.memref_slice %arg9[%dma_start3A_147, %dma_start3A_148, %dma_start3A_149] : memref<2x100x128xf32, #tpu.memory_space<vmem>> -> memref<1x100x128xf32, #tpu.memory_space<vmem>>
      %dma_start3A_151 = tpu.memref_squeeze %dma_start3A_150 : memref<1x100x128xf32, #tpu.memory_space<vmem>> -> memref<100x128xf32, #tpu.memory_space<vmem>>
      %dma_start3A_152 = arith.constant 0 : i32
      %dma_start3A_153 = tpu.memref_slice %arg7[%rem3A_144, %rem3A_146, %dma_start3A_152] : memref<2x32x100xi32, #tpu.memory_space<vmem>> -> memref<1x1x100xi32, #tpu.memory_space<vmem>>
      %dma_start3A_154 = tpu.memref_squeeze %dma_start3A_153 : memref<1x1x100xi32, #tpu.memory_space<vmem>> -> memref<100xi32, #tpu.memory_space<vmem>>
      %dma_start3A_155 = arith.constant 0 : i32
      %dma_start3A_156 = arith.constant 0 : i32
      %dma_start3A_157 = tpu.memref_slice %arg2[%dma_start3A_155, %dma_start3A_156] : memref<10000x128xf32, #tpu.memory_space<hbm>> -> memref<10000x128xf32, #tpu.memory_space<hbm>>
      tpu.enqueue_indirect_dma source(%dma_start3A_157 : memref<10000x128xf32, #tpu.memory_space<hbm>>) target(%dma_start3A_151 : memref<100x128xf32, #tpu.memory_space<vmem>>) offsets(%dma_start3A_154 : memref<100xi32, #tpu.memory_space<vmem>>) semaphore(%arg12 : memref<!tpu.dma_semaphore, #tpu.memory_space<semaphore_mem>>)
      %div3A_158 = arith.constant 32 : i32
      %div3A_159 = arith.divsi %add3A_118, %div3A_158 : i32
      %rem3A_160 = arith.constant 2 : i32
      %rem3A_161 = arith.remsi %div3A_159, %rem3A_160 : i32
      %rem3A_162 = arith.constant 32 : i32
      %rem3A_163 = arith.remsi %add3A_118, %rem3A_162 : i32
      %run_scoped3A_164 = arith.constant 1 : i32
      "tpu.region"() ({
        %run_scoped3A_165 = tpu.sem_alloc : memref<!tpu.dma_semaphore, #tpu.memory_space<semaphore_mem>>
        %dma_start3A_166 = arith.constant 0 : i32
        %dma_start3A_167 = arith.constant 0 : i32
        %dma_start3A_168 = tpu.memref_slice %arg9[%run_scoped3A_164, %dma_start3A_166, %dma_start3A_167] : memref<2x100x128xf32, #tpu.memory_space<vmem>> -> memref<1x100x128xf32, #tpu.memory_space<vmem>>
        %dma_start3A_169 = tpu.memref_squeeze %dma_start3A_168 : memref<1x100x128xf32, #tpu.memory_space<vmem>> -> memref<100x128xf32, #tpu.memory_space<vmem>>
        %dma_start3A_170 = arith.constant 0 : i32
        %dma_start3A_171 = tpu.memref_slice %arg8[%rem3A_161, %rem3A_163, %dma_start3A_170] : memref<2x32x100xi32, #tpu.memory_space<vmem>> -> memref<1x1x100xi32, #tpu.memory_space<vmem>>
        %dma_start3A_172 = tpu.memref_squeeze %dma_start3A_171 : memref<1x1x100xi32, #tpu.memory_space<vmem>> -> memref<100xi32, #tpu.memory_space<vmem>>
        %dma_start3A_173 = arith.constant 0 : i32
        %dma_start3A_174 = arith.constant 0 : i32
        %dma_start3A_175 = tpu.memref_slice %arg10[%dma_start3A_173, %dma_start3A_174] : memref<10112x128xf32, #tpu.memory_space<vmem_shared>> -> memref<10112x128xf32, #tpu.memory_space<vmem_shared>>
        tpu.enqueue_indirect_dma source(%dma_start3A_169 : memref<100x128xf32, #tpu.memory_space<vmem>>) target(%dma_start3A_175 : memref<10112x128xf32, #tpu.memory_space<vmem_shared>>) offsets(%dma_start3A_172 : memref<100xi32, #tpu.memory_space<vmem>>) semaphore(%run_scoped3A_165 : memref<!tpu.dma_semaphore, #tpu.memory_space<semaphore_mem>>) {add = true}
        %dma_wait3A_176 = arith.constant 0 : i32
        %dma_wait3A_177 = arith.constant 0 : i32
        %dma_wait3A_178 = tpu.memref_slice %arg9[%run_scoped3A_164, %dma_wait3A_176, %dma_wait3A_177] : memref<2x100x128xf32, #tpu.memory_space<vmem>> -> memref<1x100x128xf32, #tpu.memory_space<vmem>>
        %dma_wait3A_179 = tpu.memref_squeeze %dma_wait3A_178 : memref<1x100x128xf32, #tpu.memory_space<vmem>> -> memref<100x128xf32, #tpu.memory_space<vmem>>
        %dma_wait3A_180 = arith.constant 0 : i32
        %dma_wait3A_181 = tpu.memref_slice %arg8[%rem3A_161, %rem3A_163, %dma_wait3A_180] : memref<2x32x100xi32, #tpu.memory_space<vmem>> -> memref<1x1x100xi32, #tpu.memory_space<vmem>>
        %dma_wait3A_182 = tpu.memref_squeeze %dma_wait3A_181 : memref<1x1x100xi32, #tpu.memory_space<vmem>> -> memref<100xi32, #tpu.memory_space<vmem>>
        %dma_wait3A_183 = arith.constant 0 : i32
        %dma_wait3A_184 = arith.constant 0 : i32
        %dma_wait3A_185 = tpu.memref_slice %arg10[%dma_wait3A_183, %dma_wait3A_184] : memref<10112x128xf32, #tpu.memory_space<vmem_shared>> -> memref<10112x128xf32, #tpu.memory_space<vmem_shared>>
        tpu.wait_indirect_dma semaphore(%run_scoped3A_165 : memref<!tpu.dma_semaphore, #tpu.memory_space<semaphore_mem>>) src(%dma_wait3A_179 : memref<100x128xf32, #tpu.memory_space<vmem>>) dst(%dma_wait3A_185 : memref<10112x128xf32, #tpu.memory_space<vmem_shared>>)
        tpu.yield
      }) : () -> ()
    }
    %scan3A_35 = arith.constant 50 : i32
    %dma_wait3A = arith.constant 0 : i32
    %dma_wait3A_36 = arith.constant 0 : i32
    %dma_wait3A_37 = arith.constant 0 : i32
    %dma_wait3A_38 = arith.constant 0 : i32
    %dma_wait3A_39 = arith.constant 0 : i32
    %dma_wait3A_40 = tpu.memref_slice %arg9[%dma_wait3A_37, %dma_wait3A_38, %dma_wait3A_39] : memref<2x100x128xf32, #tpu.memory_space<vmem>> -> memref<1x100x128xf32, #tpu.memory_space<vmem>>
    %dma_wait3A_41 = tpu.memref_squeeze %dma_wait3A_40 : memref<1x100x128xf32, #tpu.memory_space<vmem>> -> memref<100x128xf32, #tpu.memory_space<vmem>>
    %dma_wait3A_42 = arith.constant 0 : i32
    %dma_wait3A_43 = tpu.memref_slice %arg7[%dma_wait3A, %dma_wait3A_36, %dma_wait3A_42] : memref<2x32x100xi32, #tpu.memory_space<vmem>> -> memref<1x1x100xi32, #tpu.memory_space<vmem>>
    %dma_wait3A_44 = tpu.memref_squeeze %dma_wait3A_43 : memref<1x1x100xi32, #tpu.memory_space<vmem>> -> memref<100xi32, #tpu.memory_space<vmem>>
    %dma_wait3A_45 = arith.constant 0 : i32
    %dma_wait3A_46 = arith.constant 0 : i32
    %dma_wait3A_47 = tpu.memref_slice %arg2[%dma_wait3A_45, %dma_wait3A_46] : memref<10000x128xf32, #tpu.memory_space<hbm>> -> memref<10000x128xf32, #tpu.memory_space<hbm>>
    tpu.wait_indirect_dma semaphore(%arg11 : memref<!tpu.dma_semaphore, #tpu.memory_space<semaphore_mem>>) src(%dma_wait3A_47 : memref<10000x128xf32, #tpu.memory_space<hbm>>) dst(%dma_wait3A_41 : memref<100x128xf32, #tpu.memory_space<vmem>>)
    %dma_wait3A_48 = arith.constant 0 : i32
    %dma_wait3A_49 = arith.constant 0 : i32
    %dma_wait3A_50 = arith.constant 1 : i32
    %dma_wait3A_51 = arith.constant 0 : i32
    %dma_wait3A_52 = arith.constant 0 : i32
    %dma_wait3A_53 = tpu.memref_slice %arg9[%dma_wait3A_50, %dma_wait3A_51, %dma_wait3A_52] : memref<2x100x128xf32, #tpu.memory_space<vmem>> -> memref<1x100x128xf32, #tpu.memory_space<vmem>>
    %dma_wait3A_54 = tpu.memref_squeeze %dma_wait3A_53 : memref<1x100x128xf32, #tpu.memory_space<vmem>> -> memref<100x128xf32, #tpu.memory_space<vmem>>
    %dma_wait3A_55 = arith.constant 0 : i32
    %dma_wait3A_56 = tpu.memref_slice %arg7[%dma_wait3A_48, %dma_wait3A_49, %dma_wait3A_55] : memref<2x32x100xi32, #tpu.memory_space<vmem>> -> memref<1x1x100xi32, #tpu.memory_space<vmem>>
    %dma_wait3A_57 = tpu.memref_squeeze %dma_wait3A_56 : memref<1x1x100xi32, #tpu.memory_space<vmem>> -> memref<100xi32, #tpu.memory_space<vmem>>
    %dma_wait3A_58 = arith.constant 0 : i32
    %dma_wait3A_59 = arith.constant 0 : i32
    %dma_wait3A_60 = tpu.memref_slice %arg2[%dma_wait3A_58, %dma_wait3A_59] : memref<10000x128xf32, #tpu.memory_space<hbm>> -> memref<10000x128xf32, #tpu.memory_space<hbm>>
    tpu.wait_indirect_dma semaphore(%arg12 : memref<!tpu.dma_semaphore, #tpu.memory_space<semaphore_mem>>) src(%dma_wait3A_60 : memref<10000x128xf32, #tpu.memory_space<hbm>>) dst(%dma_wait3A_54 : memref<100x128xf32, #tpu.memory_space<vmem>>)
    %barrier3A_61 = arith.constant 0 : index
    tpu.barrier barrier_id(%barrier3A_61)
    %mul3A_62 = arith.constant 632 : i32
    %mul3A_63 = arith.muli %arg1, %mul3A_62 : i32
    %mul3A_64 = arith.constant 10112 : i32
    %mul3A_65 = arith.muli %arg0, %mul3A_64 : i32
    %mul3A_66 = arith.constant 632 : i32
    %mul3A_67 = arith.muli %arg1, %mul3A_66 : i32
    %add3A_68 = arith.addi %mul3A_65, %mul3A_67 : i32
    "tpu.region"() ({
      %run_scoped3A_69 = tpu.sem_alloc : memref<!tpu.dma_semaphore, #tpu.memory_space<semaphore_mem>>
      %dma_start3A_70 = arith.constant 0 : i32
      %dma_start3A_71 = tpu.memref_slice %arg6[%add3A_68, %dma_start3A_70] : memref<20224x128xf32, #tpu.memory_space<hbm>> -> memref<632x128xf32, #tpu.memory_space<hbm>>
      %dma_start3A_72 = arith.constant 0 : i32
      %dma_start3A_73 = tpu.memref_slice %arg10[%mul3A_63, %dma_start3A_72] : memref<10112x128xf32, #tpu.memory_space<vmem_shared>> -> memref<632x128xf32, #tpu.memory_space<vmem_shared>>
      tpu.enqueue_dma source(%dma_start3A_73 : memref<632x128xf32, #tpu.memory_space<vmem_shared>>) target(%dma_start3A_71 : memref<632x128xf32, #tpu.memory_space<hbm>>) target_semaphore(%run_scoped3A_69 : memref<!tpu.dma_semaphore, #tpu.memory_space<semaphore_mem>>)
      %dma_wait3A_74 = arith.constant 0 : i32
      %dma_wait3A_75 = tpu.memref_slice %arg6[%add3A_68, %dma_wait3A_74] : memref<20224x128xf32, #tpu.memory_space<hbm>> -> memref<632x128xf32, #tpu.memory_space<hbm>>
      %dma_wait3A_76 = arith.constant 0 : i32
      %dma_wait3A_77 = tpu.memref_slice %arg10[%mul3A_63, %dma_wait3A_76] : memref<10112x128xf32, #tpu.memory_space<vmem_shared>> -> memref<632x128xf32, #tpu.memory_space<vmem_shared>>
      tpu.wait_dma2 semaphore(%run_scoped3A_69 : memref<!tpu.dma_semaphore, #tpu.memory_space<semaphore_mem>>) src(%dma_wait3A_77 : memref<632x128xf32, #tpu.memory_space<vmem_shared>>) dst(%dma_wait3A_75 : memref<632x128xf32, #tpu.memory_space<hbm>>)
      tpu.yield
    }) : () -> ()
    return
  }
}

module attributes {stable_mosaic.version = 14 : i64} {
  func.func @_tc1_body(%arg0: i32, %arg1: memref<1000x128xf32, #tpu.memory_space<vmem>>, %arg2: memref<1000x128xf32, #tpu.memory_space<vmem>>, %arg3: memref<512x128xf32, #tpu.memory_space<vmem>>, %arg4: memref<128x128xf32, #tpu.memory_space<vmem>>, %arg5: memref<1x128xf32, #tpu.memory_space<vmem>>, %arg6: memref<1000x384xf32, #tpu.memory_space<vmem>>, %arg7: memref<1000x128xf32, #tpu.memory_space<vmem>>, %arg8: memref<1000x128xf32, #tpu.memory_space<vmem>>) attributes {dimension_semantics = [#tpu.dimension_semantics<arbitrary>], iteration_bounds = array<i64: 10>, scalar_prefetch = 0 : i64, scratch_operands = 0 : i64, tpu.core_type = #tpu.core_type<tc>, window_params = [{transform_indices = @transform_0, window_bounds = array<i64: 1000, 128>}, {transform_indices = @transform_1, window_bounds = array<i64: 1000, 128>}, {pipeline_mode = #tpu.pipeline_mode<synchronous>, transform_indices = @transform_2, window_bounds = array<i64: 512, 128>}, {pipeline_mode = #tpu.pipeline_mode<synchronous>, transform_indices = @transform_3, window_bounds = array<i64: 128, 128>}, {pipeline_mode = #tpu.pipeline_mode<synchronous>, transform_indices = @transform_4, window_bounds = array<i64: 1, 128>}, {transform_indices = @transform_5, window_bounds = array<i64: 1000, 384>}, {transform_indices = @transform_6, window_bounds = array<i64: 1000, 128>}, {transform_indices = @transform_7, window_bounds = array<i64: 1000, 128>}]} {
    %get3A = arith.constant 0 : index
    %get3A_0 = arith.constant 0 : index
    %get3A_1 = vector.load %arg1[%get3A, %get3A_0] : memref<1000x128xf32, #tpu.memory_space<vmem>>, vector<1000x128xf32>
    %get3A_2 = arith.constant 0 : index
    %get3A_3 = arith.constant 0 : index
    %get3A_4 = vector.load %arg3[%get3A_2, %get3A_3] : memref<512x128xf32, #tpu.memory_space<vmem>>, vector<512x128xf32>
    %dot_general3A = arith.constant dense<0.000000e+00> : vector<1000x512xf32>
    %dot_general3A_5 = tpu.matmul %get3A_1, %get3A_4, %dot_general3A {dimension_numbers = #tpu.dot_dimension_numbers<[1], [1], [0], [0], [0, 0, 1, 0], [], []>, transpose_lhs_hint = false} : vector<1000x128xf32>, vector<512x128xf32>, vector<1000x512xf32> -> vector<1000x512xf32>
    %slice3A = vector.extract_strided_slice %dot_general3A_5 {offsets = [0, 0], sizes = [1000, 384], strides = [1, 1]} : vector<1000x512xf32> to vector<1000x384xf32>
    %swap3A = arith.constant 0 : index
    %swap3A_6 = arith.constant 0 : index
    %swap3A_7 = vector.load %arg6[%swap3A, %swap3A_6] : memref<1000x384xf32, #tpu.memory_space<vmem>>, vector<1000x384xf32>
    tpu.vector_store %arg6[%swap3A, %swap3A_6], %slice3A {strides = array<i32>} : memref<1000x384xf32, #tpu.memory_space<vmem>>, vector<1000x384xf32>,
    %slice3A_8 = vector.extract_strided_slice %dot_general3A_5 {offsets = [0, 384], sizes = [1000, 128], strides = [1, 1]} : vector<1000x512xf32> to vector<1000x128xf32>
    %neg3A = arith.constant 0.000000e+00 : f32
    %neg3A_9 = vector.broadcast %neg3A : f32 to vector<1000x128xf32>
    %neg3A_10 = arith.subf %neg3A_9, %slice3A_8 : vector<1000x128xf32>
    %swap3A_11 = arith.constant 0 : index
    %swap3A_12 = arith.constant 0 : index
    %swap3A_13 = vector.load %arg7[%swap3A_11, %swap3A_12] : memref<1000x128xf32, #tpu.memory_space<vmem>>, vector<1000x128xf32>
    tpu.vector_store %arg7[%swap3A_11, %swap3A_12], %neg3A_10 {strides = array<i32>} : memref<1000x128xf32, #tpu.memory_space<vmem>>, vector<1000x128xf32>,
    %get3A_14 = arith.constant 0 : index
    %get3A_15 = arith.constant 0 : index
    %get3A_16 = vector.load %arg2[%get3A_14, %get3A_15] : memref<1000x128xf32, #tpu.memory_space<vmem>>, vector<1000x128xf32>
    %get3A_17 = arith.constant 0 : index
    %get3A_18 = arith.constant 0 : index
    %get3A_19 = vector.load %arg4[%get3A_17, %get3A_18] : memref<128x128xf32, #tpu.memory_space<vmem>>, vector<128x128xf32>
    %dot_general3A_20 = arith.constant dense<0.000000e+00> : vector<1000x128xf32>
    %dot_general3A_21 = tpu.matmul %get3A_16, %get3A_19, %dot_general3A_20 {dimension_numbers = #tpu.dot_dimension_numbers<[1], [1], [0], [0], [0, 0, 1, 0], [], []>, transpose_lhs_hint = false} : vector<1000x128xf32>, vector<128x128xf32>, vector<1000x128xf32> -> vector<1000x128xf32>
    %get3A_22 = arith.constant 0 : index
    %get3A_23 = arith.constant 0 : index
    %get3A_24 = vector.load %arg5[%get3A_22, %get3A_23] : memref<1x128xf32, #tpu.memory_space<vmem>>, vector<1x128xf32>
    %add3A = vector.broadcast %get3A_24 : vector<1x128xf32> to vector<1000x128xf32>
    %add3A_25 = arith.addf %dot_general3A_21, %add3A : vector<1000x128xf32>
    %swap3A_26 = arith.constant 0 : index
    %swap3A_27 = arith.constant 0 : index
    %swap3A_28 = vector.load %arg8[%swap3A_26, %swap3A_27] : memref<1000x128xf32, #tpu.memory_space<vmem>>, vector<1000x128xf32>
    tpu.vector_store %arg8[%swap3A_26, %swap3A_27], %add3A_25 {strides = array<i32>} : memref<1000x128xf32, #tpu.memory_space<vmem>>, vector<1000x128xf32>,
    return
  }
  func.func @transform_0(%arg0: i32) -> (i32, i32) {
    %c0_i32 = arith.constant 0 : i32
    %c0_i32_0 = arith.constant 0 : i32
    return %arg0, %c0_i32 : i32, i32
  }
  func.func @transform_1(%arg0: i32) -> (i32, i32) {
    %c0_i32 = arith.constant 0 : i32
    %c0_i32_0 = arith.constant 0 : i32
    return %arg0, %c0_i32 : i32, i32
  }
  func.func @transform_2(%arg0: i32) -> (i32, i32) {
    %c0_i32 = arith.constant 0 : i32
    %c0_i32_0 = arith.constant 0 : i32
    %c0_i32_1 = arith.constant 0 : i32
    return %c0_i32, %c0_i32_0 : i32, i32
  }
  func.func @transform_3(%arg0: i32) -> (i32, i32) {
    %c0_i32 = arith.constant 0 : i32
    %c0_i32_0 = arith.constant 0 : i32
    %c0_i32_1 = arith.constant 0 : i32
    return %c0_i32, %c0_i32_0 : i32, i32
  }
  func.func @transform_4(%arg0: i32) -> (i32, i32) {
    %c0_i32 = arith.constant 0 : i32
    %c0_i32_0 = arith.constant 0 : i32
    %c0_i32_1 = arith.constant 0 : i32
    return %c0_i32, %c0_i32_0 : i32, i32
  }
  func.func @transform_5(%arg0: i32) -> (i32, i32) {
    %c0_i32 = arith.constant 0 : i32
    %c0_i32_0 = arith.constant 0 : i32
    return %arg0, %c0_i32 : i32, i32
  }
  func.func @transform_6(%arg0: i32) -> (i32, i32) {
    %c0_i32 = arith.constant 0 : i32
    %c0_i32_0 = arith.constant 0 : i32
    return %arg0, %c0_i32 : i32, i32
  }
  func.func @transform_7(%arg0: i32) -> (i32, i32) {
    %c0_i32 = arith.constant 0 : i32
    %c0_i32_0 = arith.constant 0 : i32
    return %arg0, %c0_i32 : i32, i32
  }
}

module attributes {stable_mosaic.version = 14 : i64} {
  func.func @_tc2_body(%arg0: i32, %arg1: memref<1000x384xf32, #tpu.memory_space<vmem>>, %arg2: memref<2x1000x128xf32, #tpu.memory_space<vmem>>, %arg3: memref<2x1000x128xf32, #tpu.memory_space<vmem>>, %arg4: memref<384x128xf32, #tpu.memory_space<vmem>>, %arg5: memref<1x384xf32, #tpu.memory_space<vmem>>, %arg6: memref<1000x128xf32, #tpu.memory_space<vmem>>, %arg7: memref<1000x128xf32, #tpu.memory_space<vmem>>) attributes {dimension_semantics = [#tpu.dimension_semantics<arbitrary>], iteration_bounds = array<i64: 10>, scalar_prefetch = 0 : i64, scratch_operands = 0 : i64, tpu.core_type = #tpu.core_type<tc>, window_params = [{transform_indices = @transform_0, window_bounds = array<i64: 1000, 384>}, {transform_indices = @transform_1, window_bounds = array<i64: 2, 1000, 128>}, {transform_indices = @transform_2, window_bounds = array<i64: 2, 1000, 128>}, {pipeline_mode = #tpu.pipeline_mode<synchronous>, transform_indices = @transform_3, window_bounds = array<i64: 384, 128>}, {pipeline_mode = #tpu.pipeline_mode<synchronous>, transform_indices = @transform_4, window_bounds = array<i64: 1, 384>}, {transform_indices = @transform_5, window_bounds = array<i64: 1000, 128>}, {transform_indices = @transform_6, window_bounds = array<i64: 1000, 128>}]} {
    %get3A = arith.constant 0 : index
    %get3A_0 = arith.constant 0 : index
    %get3A_1 = arith.constant 0 : index
    %get3A_2 = vector.load %arg2[%get3A, %get3A_0, %get3A_1] : memref<2x1000x128xf32, #tpu.memory_space<vmem>>, vector<1x1000x128xf32>
    %get3A_3 = vector.shape_cast %get3A_2 : vector<1x1000x128xf32> to vector<1000x128xf32>
    %get3A_4 = arith.constant 1 : index
    %get3A_5 = arith.constant 0 : index
    %get3A_6 = arith.constant 0 : index
    %get3A_7 = vector.load %arg2[%get3A_4, %get3A_5, %get3A_6] : memref<2x1000x128xf32, #tpu.memory_space<vmem>>, vector<1x1000x128xf32>
    %get3A_8 = vector.shape_cast %get3A_7 : vector<1x1000x128xf32> to vector<1000x128xf32>
    %add3A = arith.addf %get3A_3, %get3A_8 : vector<1000x128xf32>
    %get3A_9 = arith.constant 0 : index
    %get3A_10 = arith.constant 0 : index
    %get3A_11 = vector.load %arg4[%get3A_9, %get3A_10] : memref<384x128xf32, #tpu.memory_space<vmem>>, vector<384x128xf32>
    %dot_general3A = arith.constant dense<0.000000e+00> : vector<1000x384xf32>
    %dot_general3A_12 = tpu.matmul %add3A, %get3A_11, %dot_general3A {dimension_numbers = #tpu.dot_dimension_numbers<[1], [1], [0], [0], [0, 0, 1, 0], [], []>, transpose_lhs_hint = false} : vector<1000x128xf32>, vector<384x128xf32>, vector<1000x384xf32> -> vector<1000x384xf32>
    %get3A_13 = arith.constant 0 : index
    %get3A_14 = arith.constant 0 : index
    %get3A_15 = vector.load %arg1[%get3A_13, %get3A_14] : memref<1000x384xf32, #tpu.memory_space<vmem>>, vector<1000x384xf32>
    %add3A_16 = arith.addf %get3A_15, %dot_general3A_12 : vector<1000x384xf32>
    %get3A_17 = arith.constant 0 : index
    %get3A_18 = arith.constant 0 : index
    %get3A_19 = vector.load %arg5[%get3A_17, %get3A_18] : memref<1x384xf32, #tpu.memory_space<vmem>>, vector<1x384xf32>
    %add3A_20 = vector.broadcast %get3A_19 : vector<1x384xf32> to vector<1000x384xf32>
    %add3A_21 = arith.addf %add3A_16, %add3A_20 : vector<1000x384xf32>
    %slice3A = vector.extract_strided_slice %add3A_21 {offsets = [0, 0], sizes = [1000, 128], strides = [1, 1]} : vector<1000x384xf32> to vector<1000x128xf32>
    %logistic3A = arith.negf %slice3A : vector<1000x128xf32>
    %logistic3A_22 = math.exp %logistic3A : vector<1000x128xf32>
    %logistic3A_23 = arith.constant 1.000000e+00 : f32
    %logistic3A_24 = vector.broadcast %logistic3A_23 : f32 to vector<1000x128xf32>
    %logistic3A_25 = arith.addf %logistic3A_24, %logistic3A_22 : vector<1000x128xf32>
    %logistic3A_26 = arith.divf %logistic3A_24, %logistic3A_25 : vector<1000x128xf32>
    %slice3A_27 = vector.extract_strided_slice %add3A_21 {offsets = [0, 128], sizes = [1000, 128], strides = [1, 1]} : vector<1000x384xf32> to vector<1000x128xf32>
    %logistic3A_28 = arith.negf %slice3A_27 : vector<1000x128xf32>
    %logistic3A_29 = math.exp %logistic3A_28 : vector<1000x128xf32>
    %logistic3A_30 = arith.constant 1.000000e+00 : f32
    %logistic3A_31 = vector.broadcast %logistic3A_30 : f32 to vector<1000x128xf32>
    %logistic3A_32 = arith.addf %logistic3A_31, %logistic3A_29 : vector<1000x128xf32>
    %logistic3A_33 = arith.divf %logistic3A_31, %logistic3A_32 : vector<1000x128xf32>
    %slice3A_34 = vector.extract_strided_slice %add3A_21 {offsets = [0, 256], sizes = [1000, 128], strides = [1, 1]} : vector<1000x384xf32> to vector<1000x128xf32>
    %tanh3A = math.tanh %slice3A_34 : vector<1000x128xf32>
    %get3A_35 = arith.constant 0 : index
    %get3A_36 = arith.constant 0 : index
    %get3A_37 = arith.constant 0 : index
    %get3A_38 = vector.load %arg3[%get3A_35, %get3A_36, %get3A_37] : memref<2x1000x128xf32, #tpu.memory_space<vmem>>, vector<1x1000x128xf32>
    %get3A_39 = vector.shape_cast %get3A_38 : vector<1x1000x128xf32> to vector<1000x128xf32>
    %get3A_40 = arith.constant 1 : index
    %get3A_41 = arith.constant 0 : index
    %get3A_42 = arith.constant 0 : index
    %get3A_43 = vector.load %arg3[%get3A_40, %get3A_41, %get3A_42] : memref<2x1000x128xf32, #tpu.memory_space<vmem>>, vector<1x1000x128xf32>
    %get3A_44 = vector.shape_cast %get3A_43 : vector<1x1000x128xf32> to vector<1000x128xf32>
    %add3A_45 = arith.addf %get3A_39, %get3A_44 : vector<1000x128xf32>
    %mul3A = arith.mulf %logistic3A_26, %tanh3A : vector<1000x128xf32>
    %add3A_46 = arith.addf %mul3A, %add3A_45 : vector<1000x128xf32>
    %swap3A = arith.constant 0 : index
    %swap3A_47 = arith.constant 0 : index
    %swap3A_48 = vector.load %arg7[%swap3A, %swap3A_47] : memref<1000x128xf32, #tpu.memory_space<vmem>>, vector<1000x128xf32>
    tpu.vector_store %arg7[%swap3A, %swap3A_47], %add3A_46 {strides = array<i32>} : memref<1000x128xf32, #tpu.memory_space<vmem>>, vector<1000x128xf32>,
    %tanh3A_49 = math.tanh %add3A_46 : vector<1000x128xf32>
    %mul3A_50 = arith.mulf %logistic3A_33, %tanh3A_49 : vector<1000x128xf32>
    %swap3A_51 = arith.constant 0 : index
    %swap3A_52 = arith.constant 0 : index
    %swap3A_53 = vector.load %arg6[%swap3A_51, %swap3A_52] : memref<1000x128xf32, #tpu.memory_space<vmem>>, vector<1000x128xf32>
    tpu.vector_store %arg6[%swap3A_51, %swap3A_52], %mul3A_50 {strides = array<i32>} : memref<1000x128xf32, #tpu.memory_space<vmem>>, vector<1000x128xf32>,
    return
  }
  func.func @transform_0(%arg0: i32) -> (i32, i32) {
    %c0_i32 = arith.constant 0 : i32
    %c0_i32_0 = arith.constant 0 : i32
    return %arg0, %c0_i32 : i32, i32
  }
  func.func @transform_1(%arg0: i32) -> (i32, i32, i32) {
    %c0_i32 = arith.constant 0 : i32
    %c0_i32_0 = arith.constant 0 : i32
    %c0_i32_1 = arith.constant 0 : i32
    return %c0_i32, %arg0, %c0_i32_0 : i32, i32, i32
  }
  func.func @transform_2(%arg0: i32) -> (i32, i32, i32) {
    %c0_i32 = arith.constant 0 : i32
    %c0_i32_0 = arith.constant 0 : i32
    %c0_i32_1 = arith.constant 0 : i32
    return %c0_i32, %arg0, %c0_i32_0 : i32, i32, i32
  }
  func.func @transform_3(%arg0: i32) -> (i32, i32) {
    %c0_i32 = arith.constant 0 : i32
    %c0_i32_0 = arith.constant 0 : i32
    %c0_i32_1 = arith.constant 0 : i32
    return %c0_i32, %c0_i32_0 : i32, i32
  }
  func.func @transform_4(%arg0: i32) -> (i32, i32) {
    %c0_i32 = arith.constant 0 : i32
    %c0_i32_0 = arith.constant 0 : i32
    %c0_i32_1 = arith.constant 0 : i32
    return %c0_i32, %c0_i32_0 : i32, i32
  }
  func.func @transform_5(%arg0: i32) -> (i32, i32) {
    %c0_i32 = arith.constant 0 : i32
    %c0_i32_0 = arith.constant 0 : i32
    return %arg0, %c0_i32 : i32, i32
  }
  func.func @transform_6(%arg0: i32) -> (i32, i32) {
    %c0_i32 = arith.constant 0 : i32
    %c0_i32_0 = arith.constant 0 : i32
    return %arg0, %c0_i32 : i32, i32
  }
}

</mosaic_0001>

<sc_bundles>
// kernel: kernel.6.cloned.1.call-start
scs
__scs_entry_jumppad:
0x0: {  	(pc) =	sbr.rel $0x88, $3  }
0x1: {  	(tag) =	ssettag $0x0;
	lr =	simm.s32 $0x1  }
0x2: {  	[smem:$0x3F98] =	sst lr;
	_ =	strace $0xD0000000  }
0x3: {  	_ = 	snop  }
0x4: {  	_ = 	snop  }
0x5: {  	_ = 	snop  }
0x6: {  	_ = 	snop  }
0x7: {  	_ = 	snop  }
__scs_overlays_trampoline_lowered:
0x8: {  	[smem:$0x3FA7] =	sst s0  }
0x9: {  	[smem:$0x3FA8] =	sst s1  }
0xa: {  	[smem:$0x3FA9] =	sst s2  }
0xb: {  	[smem:$0x3FAA] =	sst s3  }
0xc: {  	[smem:$0x3FAB] =	sst s4  }
0xd: {  	[smem:$0x3FAC] =	sst s5  }
0xe: {  	[smem:$0x3FAD] =	sst s6  }
0xf: {  	[smem:$0x3FAE] =	sst s7  }
0x10: {  	[smem:$0x3FAF] =	sst s8  }
0x11: {  	[smem:$0x3FB0] =	sst s9;
	s0 =	simm.s32 @!p0 $0x0  }
0x12: {  	s1 =	sld [smem:$0x3F96];
	s0 =	simm.s32 @p0 $0x1  }
0x13: {  	[smem:$0x3FB1] =	sst s0;
	s0 =	simm.s32 @!p1 $0x0  }
0x14: {  	s2 =	sld [smem:$0x3F95];
	s0 =	simm.s32 @p1 $0x1  }
0x15: {  	[smem:$0x3FB2] =	sst s0;
	s0 =	simm.s32 @!p2 $0x0  }
0x16: {  	s3 =	sld [smem:$0x3FDB];
	s0 =	simm.s32 @p2 $0x1  }
0x17: {  	s4 =	simm.s32 $0x1BF5;
	[smem:$0x3FB4] =	sst s0  }
0x18: {  	s0 =	sld [smem:$0x3F97];
	_ =	swait.ge [sflag:s4], $0x0  }
0x19: {  	s7 =	sld [smem:$0x3F98]  }
0x1a: {  	s8 =	sadd.s32 $0xFFFFE003, lr  }
0x1b: {  	s9 =	sadd.s32 $0xFFFFFEF7, lr;
	s5 =	simm.s32 $0xFFFFFFFF;
	p2 =	slt.u32 s8, $0xFFFFF086  }
0x1c: {  	p1 =	slt.u32 s9, $0xF7A;
	s5 =	simm.s32 @!p2 $0x0  }
0x1d: {  	s5 =	simm.s32 @p1 $0x1;
	p0 =	seq.s32 s7, s2  }
0x1e: {  	s7 =	smul.u32 @!p0 $0xF7A, s2;
	p2 =	seq.s32 @!p0 s5, $0x0  }
0x1f: {  	s9 =	smul.u32 $0xF7A, s1;
	s8 =	simm.s32 @!p0 $0x1BF5;
	p2 =	por !p2, p0  }
0x20: {  	[sflag:s8] =	ssyncset.s32 @!p0 $0xFFFFF086;
	s6 =	sadd.s32 @!p0 s3, s7;
	s7 =	simm.s32 @!p0 $0x108  }
0x21: {  	s3 =	sadd.s32 s3, s9;
	s6 =	sadd.s32 @!p0 $0x88, s6;
	s7 =	simm.s32 @p2 $0x1082  }
0x22: {  	[simem:s7], [sflag:s8] =	dma.local @!p0 [hbm:s6], $0xF7A  }
0x23: {  	s9 =	sor.u32 $0xD0000000, s2;
	s6 =	simm.s32 $0x108;
	_ =	swait.ge @!p0 [sflag:s8], $0x0  }
0x24: {  	s3 =	sadd.s32 $0x88, s3;
	s6 =	simm.s32 @!p1 $0x1082;
	[sflag:s4] =	ssyncset.s32 $0xFFFFF086  }
0x25: {  	[simem:s6], [sflag:s4] =	dma.local [hbm:s3], $0xF7A  }
0x26: {  	[smem:$0x3F98] =	sst s1;
	(tag) =	ssettag s2;
	_ =	strace s9  }
0x27: {  	s1 =	sld [smem:$0x3FA8]  }
0x28: {  	s2 =	sld [smem:$0x3FA9]  }
0x29: {  	s4 =	sld [smem:$0x3FAB]  }
0x2a: {  	p0 =	seq.s32 s5, $0x0;
	s5 =	sld [smem:$0x3FAC]  }
0x2b: {  	s6 =	sld [smem:$0x3FAD]  }
0x2c: {  	s7 =	sld [smem:$0x3FAE]  }
0x2d: {  	s3 =	simm.s32 $0x108;
	s8 =	sld [smem:$0x3FAF]  }
0x2e: {  	s3 =	simm.s32 @!p0 $0x1082;
	s9 =	sld [smem:$0x3FB0]  }
0x2f: {  	lr =	sadd.s32 s0, s3;
	s0 =	sld [smem:$0x3FA7]  }
0x30: {  	s3 =	sld [smem:$0x3FAA]  }
0x31: {  	[smem:$0x3FB3] =	sst s10  }
0x32: {  	s10 =	sld [smem:$0x3FB1];
	_ =	sdelay $0x3  }
0x33: {  	p0 =	seq.s32 s10, $0x1;
	s10 =	sld [smem:$0x3FB3];
	_ =	sdelay $0x3  }
0x34: {  	[smem:$0x3FB3] =	sst s10  }
0x35: {  	s10 =	sld [smem:$0x3FB2];
	_ =	sdelay $0x3  }
0x36: {  	p1 =	seq.s32 s10, $0x1;
	s10 =	sld [smem:$0x3FB3];
	_ =	sdelay $0x3  }
0x37: {  	[smem:$0x3FB3] =	sst s10  }
0x38: {  	s10 =	sld [smem:$0x3FB4]  }
0x39: {  	_ = 	snop;
	(pc) =	sbr.ind lr, $3  }
0x3a: {  	_ = 	snop  }
0x3b: {  	_ = 	snop  }
0x3c: {  	p2 =	seq.s32 s10, $0x1;
	s10 =	sld [smem:$0x3FB3]  }
0x3d: {  	_ =	shalt  }
0x3e: {  	_ =	shalt  }
0x3f: {  	_ =	shalt  }
0x40: {  	_ =	shalt  }
0x41: {  	_ =	shalt  }
0x42: {  	_ =	shalt  }
0x43: {  	_ =	shalt  }
0x44: {  	_ =	shalt  }
0x45: {  	_ =	shalt  }
0x46: {  	_ =	shalt  }
0x47: {  	_ =	shalt  }
0x48: {  	_ =	shalt  }
0x49: {  	_ =	shalt  }
0x4a: {  	_ =	shalt  }
0x4b: {  	_ =	shalt  }
0x4c: {  	_ =	shalt  }
0x4d: {  	_ =	shalt  }
0x4e: {  	_ =	shalt  }
0x4f: {  	_ =	shalt  }
0x50: {  	_ =	shalt  }
0x51: {  	_ =	shalt  }
0x52: {  	_ =	shalt  }
0x53: {  	_ =	shalt  }
0x54: {  	_ =	shalt  }
0x55: {  	_ =	shalt  }
0x56: {  	_ =	shalt  }
0x57: {  	_ =	shalt  }
0x58: {  	_ =	shalt  }
0x59: {  	_ =	shalt  }
0x5a: {  	_ =	shalt  }
0x5b: {  	_ =	shalt  }
0x5c: {  	_ =	shalt  }
0x5d: {  	_ =	shalt  }
0x5e: {  	_ =	shalt  }
0x5f: {  	_ =	shalt  }
0x60: {  	_ =	shalt  }
0x61: {  	_ =	shalt  }
0x62: {  	_ =	shalt  }
0x63: {  	_ =	shalt  }
0x64: {  	_ =	shalt  }
0x65: {  	_ =	shalt  }
0x66: {  	_ =	shalt  }
0x67: {  	_ =	shalt  }
0x68: {  	_ =	shalt  }
0x69: {  	_ =	shalt  }
0x6a: {  	_ =	shalt  }
0x6b: {  	_ =	shalt  }
0x6c: {  	_ =	shalt  }
0x6d: {  	_ =	shalt  }
0x6e: {  	_ =	shalt  }
0x6f: {  	_ =	shalt  }
0x70: {  	_ =	shalt  }
0x71: {  	_ =	shalt  }
0x72: {  	_ =	shalt  }
0x73: {  	_ =	shalt  }
0x74: {  	_ =	shalt  }
0x75: {  	_ =	shalt  }
0x76: {  	_ =	shalt  }
0x77: {  	_ =	shalt  }
0x78: {  	_ =	shalt  }
0x79: {  	_ =	shalt  }
0x7a: {  	_ =	shalt  }
0x7b: {  	_ =	shalt  }
0x7c: {  	_ =	shalt  }
0x7d: {  	_ =	shalt  }
0x7e: {  	_ =	shalt  }
0x7f: {  	_ =	shalt  }
0x80: {  	_ =	shalt  }
0x81: {  	_ =	shalt  }
0x82: {  	_ =	shalt  }
0x83: {  	_ =	shalt  }
0x84: {  	_ =	shalt  }
0x85: {  	_ =	shalt  }
0x86: {  	_ =	shalt  }
0x87: {  	_ =	shalt  }
.Lfunc_end0:
.L_simem_size_0:
called_computation_lowered:
.L_overlay_start_0:
0x88: {  	s2 =	sld [smem:$0x3FD9]  }
0x89: {  	s3 =	sld [smem:$0x3FFE];
	_ =	sdelay $0x1  }
0x8a: {  	s1 =	srdreg.scid  }
0x8b: {  	s0 =	sand.u32 $0x1, s1  }
0x8c: {  	s17 =	sshll.u32 s0, $0xA;
	s2 =	sadd.s32 s3, s2  }
0x8d: {  	s2 =	sadd.s32 s2, s17  }
0x8e: {  	[smem:$0x3FBF] =	sst s2  }
0x8f: {  	_ = 	snop  }
0x90: {  	s18 =	sld [smem:$0x3FC8];
	(tm) =	ssettm $0x1  }
0x91: {  	s19 =	sld [smem:$0x3FFB];
	_ =	sdelay $0x3  }
0x92: {  	_ =	strace s19  }
0x93: {  	s2 =	sld [smem:$0x3FFC];
	_ =	sdelay $0x3  }
0x94: {  	_ =	strace s2  }
0x95: {  	s2 =	sld [smem:$0x3FFD];
	_ =	sdelay $0x3  }
0x96: {  	_ =	strace s2  }
0x97: {  	_ =	strace $0x8FFFFFFF  }
0x98: {  	s20 =	sld [smem:$0x3FDB];
	_ =	sdelay $0x1  }
0x99: {  	s4 =	simm.s32 $_scs_section_size  }
0x9a: {  	s5 =	simm.s32 $_size__tile_overlayer_lowered;
	s6 =	simm.s32 $_tile_overlayer_lowered  }
0x9b: {  	s7 =	simm.s32 $0x1BFF;
	s21 =	sshll.u32 s6, $0x1;
	s4 =	sadd.s32 s4, s20  }
0x9c: {  	s22 =	simm.s32 $0x0;
	s5 =	sshll.u32 s5, $0x1;
	s6 =	sadd.s32 s21, s4  }
0x9d: {  	[timem:s22], [sflag:s7] =	dma.local [hbm:s6], s5  }
0x9e: {  	_ =	swait.ge [sflag:s7], s5  }
0x9f: {  	s5 =	ssub.s32 $0x0, s5;
	[sflag:s7] =	ssyncset.done $0x0  }
0xa0: {  	[sflag:s7] =	ssyncadd.s32 s5;
	_ =	sdelay $0x1  }
0xa1: {  	s23 =	simm.s32 $0x1B8B  }
0xa2: {  	_ =	swait.ge [sflag:s23], $0x1  }
0xa3: {  	[sflag:s23] =	ssyncset.done $0x0  }
0xa4: {  	[sflag:s23] =	ssyncadd.s32 $0xFFFFFFFF  }
0xa5: {  	s5 =	sld [smem:$0x0]  }
0xa6: {  	s6 =	sand.u32 $0xFFFFFFFE, s1  }
0xa7: {  	p0 =	sne.s32 s1, s6  }
0xa8: {  	s6 =	sshll.u32 @p0 s6, $0xE  }
0xa9: {  	s6 =	sadd.s32 @p0 $0x11B8D, s6;
	s7 =	sshll.u32 @p0 s5, $0x11  }
0xaa: {  	s6 =	sor.u32 @p0 s7, s6  }
0xab: {  	[sflag:s6] =	ssyncadd.remote.s32 @p0 $0x1;
	_ =	sdelay $0x1  }
0xac: {  	s6 =	simm.s32 @p0 $0x1B8D  }
0xad: {  	_ =	swait.eq @p0 [sflag:s6], $0x1  }
0xae: {  	[sflag:s6] =	ssyncadd.s32 @p0 $0xFFFFFFFF  }
0xaf: {  	s7 =	sshll.u32 @!p0 s1, $0xE  }
0xb0: {  	s7 =	sor.u32 @!p0 $0x4000, s7;
	s6 =	simm.s32 @!p0 $0x1B8D  }
0xb1: {  	s5 =	sshll.u32 @!p0 s5, $0x11;
	s7 =	sadd.s32 @!p0 $0x11B8D, s7;
	_ =	swait.eq @!p0 [sflag:s6], $0x1  }
0xb2: {  	s5 =	sor.u32 @!p0 s5, s7;
	[sflag:s6] =	ssyncadd.s32 @!p0 $0xFFFFFFFF  }
0xb3: {  	s25 =	simm.s32 $0x1B8E;
	s24 =	sld [smem:$0x3FFE];
	[sflag:s5] =	ssyncadd.remote.s32 @!p0 $0x1  }
0xb4: {  	s26 =	simm.s32 $execute0_lowered;
	[smem:$0x3FD2] =	sst s25  }
0xb5: {  	s6 =	sshll.u32 s26, $0x1;
	_ =	strace $0x80000049;
	[dreg:$0x1] =	wrdreg $0xFFFFFFFF  }
0xb6: {  	s28 =	simm.s32 $_size_execute0_lowered;
	s4 =	sadd.s32 s4, s6;
	[dreg:$0x0] =	wrdreg $0x0  }
0xb7: {  	s6 =	sshll.u32 s28, $0x1;
	[dreg:$0x2] =	wrdreg s4  }
0xb8: {  	[dreg:$0x3] =	wrdreg s6  }
0xb9: {  	[dreg:$0x4] =	wrdreg $0xC0  }
0xba: {  	_ =	task [dreg:s22], $0x5FFFF  }
0xbb: {  	[dreg:$0x1] =	wrdreg $0xFFFFFFFF  }
0xbc: {  	[dreg:$0x0] =	wrdreg $0x60  }
0xbd: {  	[dreg:$0x2] =	wrdreg s18  }
0xbe: {  	[dreg:$0x3] =	wrdreg s24  }
0xbf: {  	[dreg:$0x4] =	wrdreg $0xA8000  }
0xc0: {  	[dreg:$0x5] =	wrdreg $0x9  }
0xc1: {  	_ =	task.clear_ibuf [dreg:s22], $0x6FFFF;
	_ =	strace $0x90000049  }
0xc2: {  	s29 =	simm.s32 $0x9;
	_ =	strace $0x8000004B  }
0xc3: {  	_ =	swait.ge [sflag:s29], $0x1  }
0xc4: {  	[sflag:s29] =	ssyncadd.s32 $0xFFFFFFFF  }
0xc5: {  	_ =	strace $0x9000004B  }
0xc6: {  	_ =	sfence  }
0xc7: {  	s30 =	sld [smem:$0x0];
	_ =	sdelay $0x2  }
0xc8: {  	s31 =	sshll.u32 s1, $0xD;
	s1 =	sshrl.u32 s1, $0x2  }
0xc9: {  	s4 =	sand.u32 $0x4000, s31;
	s1 =	sadd.s32 s1, s30  }
0xca: {  	s0 =	sor.u32 s4, s0;
	s1 =	sshll.u32 s1, $0x11  }
0xcb: {  	s0 =	sor.u32 s1, s0  }
0xcc: {  	s0 =	sadd.s32 $0x8F2B, s0  }
0xcd: {  	[sflag:s0] =	ssyncadd.remote.s32 $0x1  }
0xce: {  	_ =	sfence.sel $0xFFFF  }
0xcf: {  	[dreg:$0x0] =	wrdreg $0xFFFFFFFF;
	(pc) =	sbr.abs _section_cstart, $3  }
0xd0: {  	[dreg:$0x1] =	wrdreg $0xFFFFFFFF  }
0xd1: {  	_ =	task.clear_ibuf [dreg:s22], $0x2FFFF;
	_ =	strace $0x9FFFFFFF  }
0xd2: {  	(tm) =	ssettm $0x7FFFFFFF  }
0xd3: {  	_ =	shalt  }
tec
execute0_lowered:
.L_overlay_start_1:
0x0: {  	(tag) =	ssettag $0x1  }
0x1: {  	s1 =	rddreg [dreg:$0x0]  }
0x2: {  	s2 =	srdreg.scid;
	s5 =	rddreg [dreg:$0x1]  }
0x3: {  	s0 =	stileid.u32;
	s3 =	rddreg [dreg:$0x2];
	s4 =	simm.s32 $0x0  }
0x4: {  	s14 =	simm.s32 $0x64;
	s15 =	simm.s32 $0x4000;
	s16 =	simm.s32 $0x80  }
0x5: {  	s17 =	simm.s32 $0x7400;
	s18 =	simm.s32 $0x1;
	s19 =	simm.s32 $0x2  }
0x6: {  	s20 =	simm.s32 $0x0;
	s6 =	sand.u32 $0x1, s2;
	s2 =	rddreg [dreg:$0x3]  }
0x7: {  	s30 =	sshll.u32 s0, $0x1;
	[smem:$0x7FF] =	sst s4;
	s8 =	smul.u32 $0x2780, s0  }
0x8: {  	s10 =	smul.u32 $0x4F000, s0;
	s12 =	sshll.u32 s0, $0x6;
	s7 =	sor.u32 s6, s30  }
0x9: {  	_ =	strace $0x8000004A;
	s9 =	smul.u32 $0x27800, s6;
	s6 =	ssub.s32 $0x2, s6  }
0xa: {  	s12 =	sor.u32 $0x1C03, s12;
	s7 =	smul.u32 $0xA00, s7;
	s11 =	sadd.s32 s8, s5  }
0xb: {  	s31 =	sshrl.u32 s6, $0x1;
	s10 =	sshrl.u32 s10, $0x2;
	s8 =	sadd.s32 s8, s9  }
0xc: {  	s9 =	ssub.s32 s6, s31;
	s13 =	sadd.s32 s10, s3;
	s10 =	simm.s32 $0x3  }
0xd: {  	s7 =	sadd.s32 s7, s5;
	s8 =	sadd.s32 s8, s5;
	s9 =	smax.u32 s9, $0x1  }
0xe: {  	s13 =	sshrl.u32 s13, $0x3;
	s5 =	sadd.s32 $0x160800, s7;
	s6 =	sadd.s32 $0x174800, s7  }
0xf: {  	s7 =	sadd.s32 $0xEA000, s11;
	s8 =	sadd.s32 $0x188800, s8;
	s11 =	simm.s32 $0x2000  }
.LBB2_1:
0x10: {  	[tilespmem:s4], [sflag:$0x3] =	stream.linear.gather [hbm4b:s5+s4], $0x1000, $0x38;
	[tilespmem:$0x1E400] =	vst v63  }
0x11: {  	_ =	swait.ge [sflag:s10], $0x1000  }
0x12: {  	[sflag:s10] =	ssyncset.done $0x0  }
0x13: {  	[sflag:s10] =	ssyncadd.s32 $0xFFFFF000  }
0x14: {  	[tilespmem:s11], [sflag:$0x3] =	stream.linear.gather [hbm4b:s6+s4], $0x1000, $0x38;
	[tilespmem:$0x1E400] =	vst v63  }
0x15: {  	_ =	swait.ge [sflag:s10], $0x1000  }
0x16: {  	[sflag:s10] =	ssyncset.done $0x0  }
0x17: {  	[sflag:s10] =	ssyncadd.s32 $0xFFFFF000  }
0x18: {  	[spmem:s13], [sflag:s12] =	dma.local [hbm:s7], $0x2780  }
0x19: {  	_ =	swait.ge [sflag:s10], $0x2780  }
0x1a: {  	[sflag:s10] =	ssyncset.done $0x0  }
0x1b: {  	[sflag:s10] =	ssyncadd.s32 $0xFFFFD880  }
0x1c: {  	s21 =	sand.u32 $0x1E, s19;
	[bflag:$0x0] =	sbarrier.arrive $0xFFFF  }
0x1d: {  	[tilespmem:s15], [sflag:$0x1] =	stream.indirect.gather [hbm4b:s1+s14], $0x80, s4, s14, $0xb8;
	[tilespmem:$0x1E400] =	vst v63  }
0x1e: {  	p0 =	sne.s32 s21, $0x0  }
0x1f: {  	[tilespmem:s17], [sflag:$0x2] =	stream.indirect.gather [hbm4b:s1+s14], $0x80, s16, s14, $0xb8;
	[tilespmem:$0x1E400] =	vst v63  }
0x20: {  	s22 =	simm.s32 @!p0 $0x0;
	_ =	swait.ge [sflag:s18], $0x3200  }
0x21: {  	s23 =	sadd.s32 @!p0 $0x0, s5;
	s24 =	simm.s32 @!p0 $0x0;
	[sflag:s18] =	ssyncset.done $0x0  }
0x22: {  	s25 =	simm.s32 @!p0 $0x3;
	s22 =	sand.u32 @!p0 $0x1000, s22;
	[sflag:s18] =	ssyncadd.s32 $0xFFFFCE00  }
0x23: {  	[tilespmem:s22], [sflag:$0x3] =	stream.linear.gather @!p0 [hbm4b:s23+s24], $0x1000, $0x38;
	[tilespmem:$0x1E400] =	vst v63  }
0x24: {  	_ =	swait.ge @!p0 [sflag:s25], $0x1000  }
0x25: {  	[sflag:s25] =	ssyncset.done @!p0 $0x0  }
0x26: {  	s22 =	sor.u32 @!p0 $0x2000, s22;
	s23 =	sadd.s32 @!p0 $0x0, s6;
	[sflag:s25] =	ssyncadd.s32 @!p0 $0xFFFFF000  }
0x27: {  	[tilespmem:s22], [sflag:$0x3] =	stream.linear.gather @!p0 [hbm4b:s23+s24], $0x1000, $0x38;
	[tilespmem:$0x1E400] =	vst v63  }
0x28: {  	s26 =	simm.s32 $0x0;
	s21 =	sshll.u32 s21, $0x7;
	_ =	swait.ge @!p0 [sflag:s25], $0x1000  }
0x29: {  	s24 =	sand.u32 $0x1000, s26;
	s26 =	simm.s32 $0x0;
	[sflag:s25] =	ssyncset.done @!p0 $0x0  }
0x2a: {  	s21 =	sor.u32 s21, s24;
	s28 =	sand.u32 $0x1F00, s26;
	[sflag:s25] =	ssyncadd.s32 @!p0 $0xFFFFF000  }
0x2b: {  	[tilespmem:s15], [sflag:$0x1] =	stream.indirect.gather [hbm4b:s1+s14], $0x80, s21, s14, $0xb8;
	[tilespmem:$0x1E400] =	vst v63  }
0x2c: {  	s29 =	sor.u32 $0x2000, s28  }
0x2d: {  	[spmem:s3] =	stream.indirect.scatter.add.f32 [tilespmem:s15], [sflag:$0x3], $0x80, s29, s14, $0xb8;
	[tilespmem:$0x1E400] =	vst v63  }
0x2e: {  	_ =	swait.ge [sflag:s10], $0x3200  }
0x2f: {  	[sflag:s10] =	ssyncset.done $0x0  }
0x30: {  	[sflag:s10] =	ssyncadd.s32 $0xFFFFCE00  }
0x31: {  	s30 =	simm.s32 $0x600;
	_ =	swait.ge [sflag:s19], $0x3200  }
0x32: {  	s21 =	sand.u32 $0x7E00, s30;
	[sflag:s19] =	ssyncset.done $0x0  }
0x33: {  	s21 =	sshrl.u32 s21, $0x2;
	[sflag:s19] =	ssyncadd.s32 $0xFFFFCE00  }
0x34: {  	[tilespmem:s17], [sflag:$0x2] =	stream.indirect.gather [hbm4b:s1+s14], $0x80, s21, s14, $0xb8;
	[tilespmem:$0x1E400] =	vst v63  }
0x35: {  	s31 =	sor.u32 $0x2080, s28  }
0x36: {  	[spmem:s3] =	stream.indirect.scatter.add.f32 [tilespmem:s17], [sflag:$0x3], $0x80, s31, s14, $0xb8;
	[tilespmem:$0x1E400] =	vst v63  }
0x37: {  	s22 =	simm.s32 $0x0;
	s21 =	simm.s32 $0x4;
	_ =	swait.ge [sflag:s10], $0x3200  }
.LBB2_2:
0x38: {  	[sflag:s10] =	ssyncset.done $0x0  }
0x39: {  	s22 =	sadd.s32 $0x400, s22;
	s23 =	smov.u32 s21;
	s21 =	sadd.s32 $0x2, s21  }
0x3a: {  	s24 =	sand.u32 $0x1E, s23;
	p0 =	sne.s32 s21, $0x66;
	[sflag:s10] =	ssyncadd.s32 $0xFFFFCE00  }
0x3b: {  	s23 =	sshrl.u32 s23, $0x5;
	_ =	swait.ge [sflag:s18], $0x3200;
	p1 =	sne.s32 s24, $0x0  }
0x3c: {  	[sflag:s18] =	ssyncset.done $0x0;
	s25 =	sshll.u32 @!p1 s23, $0xC;
	s26 =	sshll.u32 @!p1 s23, $0x9  }
0x3d: {  	[sflag:s18] =	ssyncadd.s32 $0xFFFFCE00;
	s25 =	sand.u32 @!p1 $0x1000, s25;
	s28 =	sadd.s32 @!p1 s5, s26  }
0x3e: {  	s29 =	simm.s32 @!p1 $0x0;
	s30 =	simm.s32 @!p1 $0x3;
	s31 =	sor.u32 @!p1 $0x2000, s25  }
0x3f: {  	[tilespmem:s25], [sflag:$0x3] =	stream.linear.gather @!p1 [hbm4b:s28+s29], $0x1000, $0x38;
	[tilespmem:$0x1E400] =	vst v63  }
0x40: {  	s23 =	sshll.u32 s23, $0xC;
	s25 =	sadd.s32 @!p1 s6, s26;
	_ =	swait.ge @!p1 [sflag:s30], $0x1000  }
0x41: {  	s23 =	sand.u32 $0x1000, s23;
	[sflag:s30] =	ssyncset.done @!p1 $0x0  }
0x42: {  	[sflag:s30] =	ssyncadd.s32 @!p1 $0xFFFFF000  }
0x43: {  	[tilespmem:s31], [sflag:$0x3] =	stream.linear.gather @!p1 [hbm4b:s25+s29], $0x1000, $0x38;
	[tilespmem:$0x1E400] =	vst v63  }
0x44: {  	s24 =	sshll.u32 s24, $0x7;
	_ =	swait.ge @!p1 [sflag:s30], $0x1000  }
0x45: {  	s23 =	sor.u32 s24, s23;
	s24 =	sshrl.u32 s22, $0x2;
	[sflag:s30] =	ssyncset.done @!p1 $0x0  }
0x46: {  	s24 =	sand.u32 $0x1F00, s24;
	[sflag:s30] =	ssyncadd.s32 @!p1 $0xFFFFF000  }
0x47: {  	[tilespmem:s15], [sflag:$0x1] =	stream.indirect.gather [hbm4b:s1+s14], $0x80, s23, s14, $0xb8;
	[tilespmem:$0x1E400] =	vst v63  }
0x48: {  	s23 =	sor.u32 $0x2000, s24  }
0x49: {  	[spmem:s3] =	stream.indirect.scatter.add.f32 [tilespmem:s15], [sflag:$0x3], $0x80, s23, s14, $0xb8;
	[tilespmem:$0x1E400] =	vst v63  }
0x4a: {  	_ =	swait.ge [sflag:s10], $0x3200  }
0x4b: {  	[sflag:s10] =	ssyncset.done $0x0  }
0x4c: {  	s23 =	sadd.s32 $0x600, s22;
	[sflag:s10] =	ssyncadd.s32 $0xFFFFCE00  }
0x4d: {  	s23 =	sand.u32 $0x7E00, s23;
	_ =	swait.ge [sflag:s19], $0x3200  }
0x4e: {  	s23 =	sshrl.u32 s23, $0x2;
	[sflag:s19] =	ssyncset.done $0x0  }
.Ltmp0:
0x4f: {  	s24 =	sor.u32 $0x2080, s24;
	[sflag:s19] =	ssyncadd.s32 $0xFFFFCE00;
	(pc) =	sbr.rel @p0 .LBB2_2-.Ltmp0, $4  }
0x50: {  	[tilespmem:s17], [sflag:$0x2] =	stream.indirect.gather [hbm4b:s1+s14], $0x80, s23, s14, $0xb8;
	[tilespmem:$0x1E400] =	vst v63  }
0x51: {  	_ = 	snop  }
0x52: {  	[spmem:s3] =	stream.indirect.scatter.add.f32 [tilespmem:s17], [sflag:$0x3], $0x80, s24, s14, $0xb8;
	[tilespmem:$0x1E400] =	vst v63  }
0x53: {  	_ =	swait.ge [sflag:s10], $0x3200  }
0x54: {  	[sflag:s10] =	ssyncset.done $0x0  }
0x55: {  	[sflag:s10] =	ssyncadd.s32 $0xFFFFCE00  }
0x56: {  	_ =	swait.ge [sflag:s18], $0x3200  }
0x57: {  	[sflag:s18] =	ssyncset.done $0x0  }
0x58: {  	[sflag:s18] =	ssyncadd.s32 $0xFFFFCE00  }
0x59: {  	_ =	swait.ge [sflag:s19], $0x3200  }
0x5a: {  	s20 =	sadd.s32 $0x1, s20;
	[sflag:s19] =	ssyncset.done $0x0  }
0x5b: {  	p0 =	sne.s32 s20, s9;
	[sflag:s19] =	ssyncadd.s32 $0xFFFFCE00  }
.Ltmp1:
0x5c: {  	[bflag:$0x0] =	sbarrier.arrive $0xFFFF;
	(pc) =	sbr.rel @p0 .LBB2_1-.Ltmp1, $4  }
0x5d: {  	[hbm:s8], [sflag:s12] =	dma.local [spmem:s13], $0x2780  }
0x5e: {  	_ =	swait.ge [sflag:s10], $0x2780  }
0x5f: {  	[sflag:s10] =	ssyncset.done $0x0  }
0x60: {  	[sflag:s10] =	ssyncadd.s32 $0xFFFFD880  }
0x61: {  	_ =	sfence.sel $0x180000  }
0x62: {  	[bflag:$0x0] =	sbarrier.arrive $0xFFFF  }
0x63: {  	p0 =	sne.s32 s0, $0x0;
	_ =	strace $0x9000004A  }
0x64: {  	s0 =	sadd.s32 @!p0 $0x100000, s2;
	[bflag:$0x2] =	sbarrier.arrive $0xFFFF  }
0x65: {  	[sflag:s0] =	ssyncadd.tile.s32 @!p0 $0x1;
	_ =	shalt  }
.Lfunc_end2:
_tile_overlayer_lowered:
.L_overlay_start_2:
0x66: {  	(tag) =	ssettag $0x2  }
0x67: {  	s0 =	rddreg [dreg:$0x0];
	s2 =	stileid.u32  }
0x68: {  	s1 =	rddreg [dreg:$0x1];
	p0 =	sne.s32 s2, $0x0  }
0x69: {  	s3 =	rddreg [dreg:$0x2];
	[bflag:$0x3] =	sbarrier.arrive $0xFFFF;
	s2 =	simm.s32 @!p0 $0x1C03  }
0x6a: {  	[timem:s3], [sflag:s2] =	dma.local @!p0 [hbm:s0], s1  }
0x6b: {  	s0 =	simm.s32 @!p0 $0x3  }
0x6c: {  	_ =	swait.ge @!p0 [sflag:s0], s1  }
0x6d: {  	s1 =	ssub.s32 @!p0 $0x0, s1;
	[sflag:s0] =	ssyncset.done @!p0 $0x0  }
0x6e: {  	[sflag:s0] =	ssyncadd.s32 @!p0 s1  }
0x6f: {  	[bflag:$0x3] =	sbarrier.arrive $0xFFFF  }
0x70: {  	_ =	shalt  }

// kernel: kernel.9.cloned.1.call-start
scs
__scs_entry_jumppad:
0x0: {  	(pc) =	sbr.rel $0x88, $3  }
0x1: {  	(tag) =	ssettag $0x0;
	lr =	simm.s32 $0x1  }
0x2: {  	[smem:$0x3F98] =	sst lr;
	_ =	strace $0xD0000000  }
0x3: {  	_ = 	snop  }
0x4: {  	_ = 	snop  }
0x5: {  	_ = 	snop  }
0x6: {  	_ = 	snop  }
0x7: {  	_ = 	snop  }
__scs_overlays_trampoline_lowered:
0x8: {  	[smem:$0x3FA7] =	sst s0  }
0x9: {  	[smem:$0x3FA8] =	sst s1  }
0xa: {  	[smem:$0x3FA9] =	sst s2  }
0xb: {  	[smem:$0x3FAA] =	sst s3  }
0xc: {  	[smem:$0x3FAB] =	sst s4  }
0xd: {  	[smem:$0x3FAC] =	sst s5  }
0xe: {  	[smem:$0x3FAD] =	sst s6  }
0xf: {  	[smem:$0x3FAE] =	sst s7  }
0x10: {  	[smem:$0x3FAF] =	sst s8  }
0x11: {  	[smem:$0x3FB0] =	sst s9;
	s0 =	simm.s32 @!p0 $0x0  }
0x12: {  	s1 =	sld [smem:$0x3F96];
	s0 =	simm.s32 @p0 $0x1  }
0x13: {  	[smem:$0x3FB1] =	sst s0;
	s0 =	simm.s32 @!p1 $0x0  }
0x14: {  	s2 =	sld [smem:$0x3F95];
	s0 =	simm.s32 @p1 $0x1  }
0x15: {  	[smem:$0x3FB2] =	sst s0;
	s0 =	simm.s32 @!p2 $0x0  }
0x16: {  	s3 =	sld [smem:$0x3FDB];
	s0 =	simm.s32 @p2 $0x1  }
0x17: {  	s4 =	simm.s32 $0x1BF5;
	[smem:$0x3FB4] =	sst s0  }
0x18: {  	s0 =	sld [smem:$0x3F97];
	_ =	swait.ge [sflag:s4], $0x0  }
0x19: {  	s7 =	sld [smem:$0x3F98]  }
0x1a: {  	s8 =	sadd.s32 $0xFFFFE003, lr  }
0x1b: {  	s9 =	sadd.s32 $0xFFFFFEF7, lr;
	s5 =	simm.s32 $0xFFFFFFFF;
	p2 =	slt.u32 s8, $0xFFFFF086  }
0x1c: {  	p1 =	slt.u32 s9, $0xF7A;
	s5 =	simm.s32 @!p2 $0x0  }
0x1d: {  	s5 =	simm.s32 @p1 $0x1;
	p0 =	seq.s32 s7, s2  }
0x1e: {  	s7 =	smul.u32 @!p0 $0xF7A, s2;
	p2 =	seq.s32 @!p0 s5, $0x0  }
0x1f: {  	s9 =	smul.u32 $0xF7A, s1;
	s8 =	simm.s32 @!p0 $0x1BF5;
	p2 =	por !p2, p0  }
0x20: {  	[sflag:s8] =	ssyncset.s32 @!p0 $0xFFFFF086;
	s6 =	sadd.s32 @!p0 s3, s7;
	s7 =	simm.s32 @!p0 $0x108  }
0x21: {  	s3 =	sadd.s32 s3, s9;
	s6 =	sadd.s32 @!p0 $0x88, s6;
	s7 =	simm.s32 @p2 $0x1082  }
0x22: {  	[simem:s7], [sflag:s8] =	dma.local @!p0 [hbm:s6], $0xF7A  }
0x23: {  	s9 =	sor.u32 $0xD0000000, s2;
	s6 =	simm.s32 $0x108;
	_ =	swait.ge @!p0 [sflag:s8], $0x0  }
0x24: {  	s3 =	sadd.s32 $0x88, s3;
	s6 =	simm.s32 @!p1 $0x1082;
	[sflag:s4] =	ssyncset.s32 $0xFFFFF086  }
0x25: {  	[simem:s6], [sflag:s4] =	dma.local [hbm:s3], $0xF7A  }
0x26: {  	[smem:$0x3F98] =	sst s1;
	(tag) =	ssettag s2;
	_ =	strace s9  }
0x27: {  	s1 =	sld [smem:$0x3FA8]  }
0x28: {  	s2 =	sld [smem:$0x3FA9]  }
0x29: {  	s4 =	sld [smem:$0x3FAB]  }
0x2a: {  	p0 =	seq.s32 s5, $0x0;
	s5 =	sld [smem:$0x3FAC]  }
0x2b: {  	s6 =	sld [smem:$0x3FAD]  }
0x2c: {  	s7 =	sld [smem:$0x3FAE]  }
0x2d: {  	s3 =	simm.s32 $0x108;
	s8 =	sld [smem:$0x3FAF]  }
0x2e: {  	s3 =	simm.s32 @!p0 $0x1082;
	s9 =	sld [smem:$0x3FB0]  }
0x2f: {  	lr =	sadd.s32 s0, s3;
	s0 =	sld [smem:$0x3FA7]  }
0x30: {  	s3 =	sld [smem:$0x3FAA]  }
0x31: {  	[smem:$0x3FB3] =	sst s10  }
0x32: {  	s10 =	sld [smem:$0x3FB1];
	_ =	sdelay $0x3  }
0x33: {  	p0 =	seq.s32 s10, $0x1;
	s10 =	sld [smem:$0x3FB3];
	_ =	sdelay $0x3  }
0x34: {  	[smem:$0x3FB3] =	sst s10  }
0x35: {  	s10 =	sld [smem:$0x3FB2];
	_ =	sdelay $0x3  }
0x36: {  	p1 =	seq.s32 s10, $0x1;
	s10 =	sld [smem:$0x3FB3];
	_ =	sdelay $0x3  }
0x37: {  	[smem:$0x3FB3] =	sst s10  }
0x38: {  	s10 =	sld [smem:$0x3FB4]  }
0x39: {  	_ = 	snop;
	(pc) =	sbr.ind lr, $3  }
0x3a: {  	_ = 	snop  }
0x3b: {  	_ = 	snop  }
0x3c: {  	p2 =	seq.s32 s10, $0x1;
	s10 =	sld [smem:$0x3FB3]  }
0x3d: {  	_ =	shalt  }
0x3e: {  	_ =	shalt  }
0x3f: {  	_ =	shalt  }
0x40: {  	_ =	shalt  }
0x41: {  	_ =	shalt  }
0x42: {  	_ =	shalt  }
0x43: {  	_ =	shalt  }
0x44: {  	_ =	shalt  }
0x45: {  	_ =	shalt  }
0x46: {  	_ =	shalt  }
0x47: {  	_ =	shalt  }
0x48: {  	_ =	shalt  }
0x49: {  	_ =	shalt  }
0x4a: {  	_ =	shalt  }
0x4b: {  	_ =	shalt  }
0x4c: {  	_ =	shalt  }
0x4d: {  	_ =	shalt  }
0x4e: {  	_ =	shalt  }
0x4f: {  	_ =	shalt  }
0x50: {  	_ =	shalt  }
0x51: {  	_ =	shalt  }
0x52: {  	_ =	shalt  }
0x53: {  	_ =	shalt  }
0x54: {  	_ =	shalt  }
0x55: {  	_ =	shalt  }
0x56: {  	_ =	shalt  }
0x57: {  	_ =	shalt  }
0x58: {  	_ =	shalt  }
0x59: {  	_ =	shalt  }
0x5a: {  	_ =	shalt  }
0x5b: {  	_ =	shalt  }
0x5c: {  	_ =	shalt  }
0x5d: {  	_ =	shalt  }
0x5e: {  	_ =	shalt  }
0x5f: {  	_ =	shalt  }
0x60: {  	_ =	shalt  }
0x61: {  	_ =	shalt  }
0x62: {  	_ =	shalt  }
0x63: {  	_ =	shalt  }
0x64: {  	_ =	shalt  }
0x65: {  	_ =	shalt  }
0x66: {  	_ =	shalt  }
0x67: {  	_ =	shalt  }
0x68: {  	_ =	shalt  }
0x69: {  	_ =	shalt  }
0x6a: {  	_ =	shalt  }
0x6b: {  	_ =	shalt  }
0x6c: {  	_ =	shalt  }
0x6d: {  	_ =	shalt  }
0x6e: {  	_ =	shalt  }
0x6f: {  	_ =	shalt  }
0x70: {  	_ =	shalt  }
0x71: {  	_ =	shalt  }
0x72: {  	_ =	shalt  }
0x73: {  	_ =	shalt  }
0x74: {  	_ =	shalt  }
0x75: {  	_ =	shalt  }
0x76: {  	_ =	shalt  }
0x77: {  	_ =	shalt  }
0x78: {  	_ =	shalt  }
0x79: {  	_ =	shalt  }
0x7a: {  	_ =	shalt  }
0x7b: {  	_ =	shalt  }
0x7c: {  	_ =	shalt  }
0x7d: {  	_ =	shalt  }
0x7e: {  	_ =	shalt  }
0x7f: {  	_ =	shalt  }
0x80: {  	_ =	shalt  }
0x81: {  	_ =	shalt  }
0x82: {  	_ =	shalt  }
0x83: {  	_ =	shalt  }
0x84: {  	_ =	shalt  }
0x85: {  	_ =	shalt  }
0x86: {  	_ =	shalt  }
0x87: {  	_ =	shalt  }
.Lfunc_end0:
.L_simem_size_0:
called_computation.1_lowered:
.L_overlay_start_0:
0x88: {  	s2 =	sld [smem:$0x3FD9]  }
0x89: {  	s3 =	sld [smem:$0x3FFE];
	_ =	sdelay $0x1  }
0x8a: {  	s1 =	srdreg.scid  }
0x8b: {  	s0 =	sand.u32 $0x1, s1  }
0x8c: {  	s14 =	sshll.u32 s0, $0xA;
	s2 =	sadd.s32 s3, s2  }
0x8d: {  	s2 =	sadd.s32 s2, s14  }
0x8e: {  	[smem:$0x3FBF] =	sst s2  }
0x8f: {  	_ = 	snop  }
0x90: {  	s2 =	sld [smem:$0x3FD0];
	_ =	sdelay $0x2  }
0x91: {  	s15 =	simm.s32 $0xB;
	s4 =	simm.s32 $0x10  }
0x92: {  	[smem:s4], [sflag:s15] =	dma.local [hbm:s2], $0x1  }
0x93: {  	_ =	swait.eq [sflag:s15], $0x1  }
0x94: {  	[sflag:s15] =	ssyncset.done $0x0  }
0x95: {  	s16 =	sld [smem:$0x10];
	[sflag:s15] =	ssyncadd.s32 $0xFFFFFFFF  }
0x96: {  	s17 =	sld [smem:$0x11];
	(tm) =	ssettm $0x1  }
0x97: {  	s18 =	sld [smem:$0x3FFB];
	_ =	sdelay $0x3  }
0x98: {  	_ =	strace s18  }
0x99: {  	s4 =	sld [smem:$0x3FFC];
	_ =	sdelay $0x3  }
0x9a: {  	_ =	strace s4  }
0x9b: {  	s4 =	sld [smem:$0x3FFD];
	_ =	sdelay $0x3  }
0x9c: {  	_ =	strace s4  }
0x9d: {  	_ =	strace $0x8FFFFFFF  }
0x9e: {  	s19 =	sld [smem:$0x3FDB];
	_ =	sdelay $0x1  }
0x9f: {  	s5 =	simm.s32 $_scs_section_size  }
0xa0: {  	s6 =	simm.s32 $_size__tile_overlayer_lowered;
	s7 =	simm.s32 $_tile_overlayer_lowered  }
0xa1: {  	s22 =	simm.s32 $0x1BFF;
	s21 =	sshll.u32 s7, $0x1;
	s4 =	sadd.s32 s5, s19  }
0xa2: {  	s8 =	simm.s32 $0x0;
	s20 =	sshll.u32 s6, $0x1;
	s6 =	sadd.s32 s21, s4  }
0xa3: {  	[timem:s8], [sflag:s22] =	dma.local [hbm:s6], s20  }
0xa4: {  	_ =	swait.ge [sflag:s22], s20  }
0xa5: {  	s5 =	ssub.s32 $0x0, s20;
	[sflag:s22] =	ssyncset.done $0x0  }
0xa6: {  	[sflag:s22] =	ssyncadd.s32 s5;
	_ =	sdelay $0x1  }
0xa7: {  	s23 =	simm.s32 $0x1B8B  }
0xa8: {  	_ =	swait.ge [sflag:s23], $0x1  }
0xa9: {  	[sflag:s23] =	ssyncset.done $0x0  }
0xaa: {  	s25 =	simm.s32 $0x1B8E;
	s24 =	sld [smem:$0x3FFE];
	[sflag:s23] =	ssyncadd.s32 $0xFFFFFFFF  }
0xab: {  	s26 =	simm.s32 $execute0_lowered;
	[smem:$0x3FD2] =	sst s25  }
0xac: {  	s6 =	sshll.u32 s26, $0x1;
	_ =	strace $0x80000046;
	[dreg:$0x1] =	wrdreg $0xFFFFFFFF  }
0xad: {  	s28 =	simm.s32 $_size_execute0_lowered;
	s4 =	sadd.s32 s4, s6;
	[dreg:$0x0] =	wrdreg $0x0  }
0xae: {  	s6 =	sshll.u32 s28, $0x1;
	[dreg:$0x2] =	wrdreg s4  }
0xaf: {  	[dreg:$0x3] =	wrdreg s6  }
0xb0: {  	[dreg:$0x4] =	wrdreg $0xC0  }
0xb1: {  	_ =	task [dreg:s8], $0x5FFFF  }
0xb2: {  	[dreg:$0x1] =	wrdreg $0xFFFFFFFF  }
0xb3: {  	[dreg:$0x0] =	wrdreg $0x60  }
0xb4: {  	[dreg:$0x2] =	wrdreg s24  }
0xb5: {  	[dreg:$0x3] =	wrdreg s17  }
0xb6: {  	[dreg:$0x4] =	wrdreg s16  }
0xb7: {  	[dreg:$0x5] =	wrdreg $0xB8000  }
0xb8: {  	[dreg:$0x6] =	wrdreg $0xA  }
0xb9: {  	_ =	task.clear_ibuf [dreg:s8], $0x7FFFF;
	_ =	strace $0x90000046  }
0xba: {  	s29 =	simm.s32 $0xA;
	_ =	strace $0x80000048  }
0xbb: {  	_ =	swait.ge [sflag:s29], $0x1  }
0xbc: {  	[sflag:s29] =	ssyncadd.s32 $0xFFFFFFFF  }
0xbd: {  	_ =	strace $0x90000048  }
0xbe: {  	_ =	sfence  }
0xbf: {  	s30 =	sld [smem:$0x0];
	_ =	sdelay $0x2  }
0xc0: {  	s31 =	sshll.u32 s1, $0xD;
	s1 =	sshrl.u32 s1, $0x2  }
0xc1: {  	s3 =	sand.u32 $0x4000, s31;
	s1 =	sadd.s32 s1, s30  }
0xc2: {  	s0 =	sor.u32 s3, s0;
	s1 =	sshll.u32 s1, $0x11  }
0xc3: {  	s0 =	sor.u32 s1, s0  }
0xc4: {  	s0 =	sadd.s32 $0x8F2B, s0  }
0xc5: {  	[sflag:s0] =	ssyncadd.remote.s32 $0x1  }
0xc6: {  	_ =	sfence.sel $0xFFFF  }
0xc7: {  	[dreg:$0x0] =	wrdreg $0xFFFFFFFF;
	(pc) =	sbr.abs _section_cstart, $3  }
0xc8: {  	[dreg:$0x1] =	wrdreg $0xFFFFFFFF  }
0xc9: {  	_ =	task.clear_ibuf [dreg:s8], $0x2FFFF;
	_ =	strace $0x9FFFFFFF  }
0xca: {  	(tm) =	ssettm $0x7FFFFFFF  }
0xcb: {  	_ =	shalt  }
tec
execute0_lowered:
.L_overlay_start_1:
0x0: {  	(tag) =	ssettag $0x1  }
0x1: {  	s0 =	rddreg [dreg:$0x0]  }
0x2: {  	s1 =	srdreg.scid;
	s2 =	rddreg [dreg:$0x2]  }
0x3: {  	s9 =	stileid.u32;
	s10 =	rddreg [dreg:$0x3]  }
0x4: {  	s4 =	simm.s32 $0x0;
	s1 =	sand.u32 $0x1, s1;
	s3 =	sshll.u32 s9, $0x1  }
0x5: {  	[smem:$0x7FF] =	sst s4;
	s22 =	smul.u32 $0x2780, s9;
	s5 =	sadd.s32 $0x9BE00, s0  }
0x6: {  	s7 =	smul.u32 $0x4F000, s9;
	s31 =	sshll.u32 s9, $0x6;
	s3 =	sor.u32 s1, s3  }
0x7: {  	_ =	strace $0x80000047;
	[smem:$0x7F6] =	sst s5;
	s23 =	smul.u32 $0x27800, s1  }
0x8: {  	s1 =	ssub.s32 $0x2, s1;
	s5 =	sor.u32 $0x1C05, s31;
	s3 =	smul.u32 $0x1200, s3  }
0x9: {  	s8 =	sadd.s32 s22, s0;
	s24 =	sshrl.u32 s1, $0x1;
	s25 =	sshrl.u32 s7, $0x2  }
0xa: {  	[smem:$0x7FC] =	sst s5;
	s4 =	sadd.s32 s22, s23;
	s29 =	sadd.s32 $0xEA000, s8  }
0xb: {  	s1 =	ssub.s32 s1, s24;
	s2 =	sadd.s32 s2, s3;
	[smem:$0x7F9] =	sst s29  }
0xc: {  	s6 =	sadd.s32 s3, s0;
	s30 =	smax.u32 s1, $0x1;
	[smem:$0x7F7] =	sst s2  }
0xd: {  	s0 =	sadd.s32 s4, s0;
	s26 =	sadd.s32 $0x2A00, s6;
	[smem:$0x7FB] =	sst s30  }
0xe: {  	v2 =	vlaneseq.u32;
	s28 =	sadd.s32 s25, s10;
	s0 =	sadd.s32 $0x111800, s0;
	[smem:$0x7F8] =	sst s26  }
0xf: {  	vm0 =	vmmov $0xffff;
	v1 =	vshrl.u32 v2, $0x3;
	s3 =	simm.s32 $0x5;
	s2 =	sshrl.u32 s28, $0x3;
	[smem:$0x7FA] =	sst s0  }
0x10: {  	v0 =	vand.u32 $0x7, v2;
	v2 =	vor.u32 $0x8, v2;
	v1 =	vmul.u32 $0x8, v1;
	s1 =	simm.s32 $0x0;
	s6 =	simm.s32 $0xA400;
	[smem:$0x7FD] =	sst s2  }
.LBB2_1:
0x11: {  	s0 =	sld [smem:$0x7F7];
	_ =	sdelay $0x1  }
0x12: {  	[smem:$0x7F4] =	sst s1;
	s12 =	simm.s32 $0x0  }
0x13: {  	[tilespmem:s12], [sflag:$0x5] =	stream.linear.gather [hbm4b:s0+s12], $0x1000, $0x38;
	[tilespmem:$0x1F400] =	vst v63  }
0x14: {  	_ =	swait.ge [sflag:s3], $0x1000  }
0x15: {  	s13 =	sld [smem:$0x7F8]  }
0x16: {  	[sflag:s3] =	ssyncset.done $0x0  }
0x17: {  	s4 =	simm.s32 $0x2000;
	[sflag:s3] =	ssyncadd.s32 $0xFFFFF000  }
0x18: {  	[tilespmem:s4], [sflag:$0x5] =	stream.linear.gather [hbm4b:s13+s12], $0x1000, $0x38;
	[tilespmem:$0x1F400] =	vst v63  }
0x19: {  	_ =	swait.ge [sflag:s3], $0x1000  }
0x1a: {  	s14 =	sld [smem:$0x7F9]  }
0x1b: {  	[sflag:s3] =	ssyncset.done $0x0  }
0x1c: {  	[sflag:s3] =	ssyncadd.s32 $0xFFFFF000  }
0x1d: {  	[spmem:s2], [sflag:s5] =	dma.local [hbm:s14], $0x2780  }
0x1e: {  	_ =	swait.ge [sflag:s3], $0x2780  }
0x1f: {  	[sflag:s3] =	ssyncset.done $0x0  }
0x20: {  	[sflag:s3] =	ssyncadd.s32 $0xFFFFD880  }
0x21: {  	[bflag:$0x0] =	sbarrier.arrive $0xFFFF  }
0x22: {  	v3 =	vld [tilespmem:$0x0];
	_ =	sdelay $0x4  }
0x23: {  	v4 =	vshll.u32 v3, $0x1  }
0x24: {  	v3 =	vand.u32 $0x7, v3;
	v4 =	vand.u32 $0xFFFFFFF0, v4  }
0x25: {  	v3 =	vor.u32 v3, v4  }
0x26: {  	v4 =	vperm.xlane v3, v0;
	_ =	sdelay $0x1  }
0x27: {  	v3 =	vperm.xlane v3, v2;
	v4 =	vadd.s32 v1, v4;
	_ =	sdelay $0x1  }
0x28: {  	s15 =	sld [smem:$0x7F6];
	v3 =	vadd.s32 v1, v3;
	_ =	sdelay $0x1  }
0x29: {  	s16 =	simm.s32 $0x4000  }
0x2a: {  	[tilespmem:s16], [sflag:$0x1] =	stream.indirect_vreg.gather [hbm4b:s15+s12], $0x80, v4, vm0, $0xb8;
	[tilespmem:$0x1F400] =	vst v63  }
0x2b: {  	s17 =	simm.s32 $0x4800  }
0x2c: {  	[tilespmem:s17], [sflag:$0x1] =	stream.indirect_vreg.gather [hbm4b:s15+s12], $0x80, v3, vm0, $0xb8;
	[tilespmem:$0x1F400] =	vst v63  }
0x2d: {  	v3 =	vld [tilespmem:$0x10];
	_ =	sdelay $0x4  }
0x2e: {  	v59 =	vshll.u32 v3, $0x1  }
0x2f: {  	v3 =	vand.u32 $0x7, v3;
	v4 =	vand.u32 $0xFFFFFFF0, v59  }
0x30: {  	v3 =	vor.u32 v3, v4  }
0x31: {  	v4 =	vperm.xlane v3, v0;
	_ =	sdelay $0x1  }
0x32: {  	v3 =	vperm.xlane v3, v2;
	v4 =	vadd.s32 v1, v4;
	_ =	sdelay $0x1  }
0x33: {  	v3 =	vadd.s32 v1, v3;
	_ =	sdelay $0x1  }
0x34: {  	s18 =	simm.s32 $0x5000  }
0x35: {  	[tilespmem:s18], [sflag:$0x1] =	stream.indirect_vreg.gather [hbm4b:s15+s12], $0x80, v4, vm0, $0xb8;
	[tilespmem:$0x1F400] =	vst v63  }
0x36: {  	s19 =	simm.s32 $0x5800  }
0x37: {  	[tilespmem:s19], [sflag:$0x1] =	stream.indirect_vreg.gather [hbm4b:s15+s12], $0x80, v3, vm0, $0xb8;
	[tilespmem:$0x1F400] =	vst v63  }
0x38: {  	v3 =	vld.msk [tilespmem:$0x20], $0xff;
	_ =	sdelay $0x4  }
0x39: {  	v60 =	vshll.u32 v3, $0x1  }
0x3a: {  	v3 =	vand.u32 $0x7, v3;
	v4 =	vand.u32 $0xFFFFFFF0, v60  }
0x3b: {  	v3 =	vor.u32 v3, v4  }
0x3c: {  	v3 =	vperm.xlane v3, v0;
	_ =	sdelay $0x1  }
0x3d: {  	v3 =	vadd.s32 v1, v3;
	_ =	sdelay $0x3  }
0x3e: {  	s20 =	simm.s32 $0x6000  }
0x3f: {  	[tilespmem:s20], [sflag:$0x1] =	stream.indirect_vreg.gather [hbm4b:s15+s12], $0x80, v3, vm0, $0xb8;
	[tilespmem:$0x1F400] =	vst v63  }
0x40: {  	s22 =	simm.s32 $0x28;
	s23 =	simm.s32 $0x9000;
	s21 =	rddreg [dreg:$0x1]  }
0x41: {  	[tilespmem:s23], [sflag:$0x3] =	stream.indirect.gather [hbm4b:s21+s22], $0x80, s4, s22, $0xb8;
	[tilespmem:$0x1F400] =	vst v63  }
0x42: {  	v3 =	vld [tilespmem:$0x80];
	_ =	sdelay $0x4  }
0x43: {  	v61 =	vshll.u32 v3, $0x1  }
0x44: {  	v3 =	vand.u32 $0x7, v3;
	v4 =	vand.u32 $0xFFFFFFF0, v61  }
0x45: {  	v3 =	vor.u32 v3, v4  }
0x46: {  	v4 =	vperm.xlane v3, v0;
	_ =	sdelay $0x1  }
0x47: {  	v3 =	vperm.xlane v3, v2;
	v4 =	vadd.s32 v1, v4;
	_ =	sdelay $0x1  }
0x48: {  	v3 =	vadd.s32 v1, v3;
	_ =	sdelay $0x1  }
0x49: {  	s24 =	simm.s32 $0x6800  }
0x4a: {  	[tilespmem:s24], [sflag:$0x2] =	stream.indirect_vreg.gather [hbm4b:s15+s12], $0x80, v4, vm0, $0xb8;
	[tilespmem:$0x1F400] =	vst v63  }
0x4b: {  	s25 =	simm.s32 $0x7000  }
0x4c: {  	[tilespmem:s25], [sflag:$0x2] =	stream.indirect_vreg.gather [hbm4b:s15+s12], $0x80, v3, vm0, $0xb8;
	[tilespmem:$0x1F400] =	vst v63  }
0x4d: {  	v3 =	vld [tilespmem:$0x90];
	_ =	sdelay $0x4  }
0x4e: {  	v62 =	vshll.u32 v3, $0x1  }
0x4f: {  	v3 =	vand.u32 $0x7, v3;
	v4 =	vand.u32 $0xFFFFFFF0, v62  }
0x50: {  	v3 =	vor.u32 v3, v4  }
0x51: {  	v4 =	vperm.xlane v3, v0;
	_ =	sdelay $0x1  }
0x52: {  	v3 =	vperm.xlane v3, v2;
	v4 =	vadd.s32 v1, v4;
	_ =	sdelay $0x1  }
0x53: {  	v3 =	vadd.s32 v1, v3;
	_ =	sdelay $0x1  }
0x54: {  	s26 =	simm.s32 $0x7800  }
0x55: {  	[tilespmem:s26], [sflag:$0x2] =	stream.indirect_vreg.gather [hbm4b:s15+s12], $0x80, v4, vm0, $0xb8;
	[tilespmem:$0x1F400] =	vst v63  }
0x56: {  	s28 =	simm.s32 $0x8000  }
0x57: {  	[tilespmem:s28], [sflag:$0x2] =	stream.indirect_vreg.gather [hbm4b:s15+s12], $0x80, v3, vm0, $0xb8;
	[tilespmem:$0x1F400] =	vst v63  }
0x58: {  	v3 =	vld.msk [tilespmem:$0xA0], $0xff;
	_ =	sdelay $0x4  }
0x59: {  	v63 =	vshll.u32 v3, $0x1  }
0x5a: {  	v3 =	vand.u32 $0x7, v3;
	v4 =	vand.u32 $0xFFFFFFF0, v63  }
0x5b: {  	v3 =	vor.u32 v3, v4  }
0x5c: {  	v3 =	vperm.xlane v3, v0;
	_ =	sdelay $0x1  }
0x5d: {  	v3 =	vadd.s32 v1, v3;
	_ =	sdelay $0x3  }
0x5e: {  	s29 =	simm.s32 $0x8800;
	s31 =	simm.s32 $0x0  }
0x5f: {  	[tilespmem:s29], [sflag:$0x2] =	stream.indirect_vreg.gather [hbm4b:s15+s12], $0x80, v3, vm0, $0xb8;
	[tilespmem:$0x1F400] =	vst v63  }
0x60: {  	s30 =	simm.s32 $0x2080;
	[smem:$0x7F5] =	sst s31  }
0x61: {  	[tilespmem:s6], [sflag:$0x4] =	stream.indirect.gather [hbm4b:s21+s22], $0x80, s30, s22, $0xb8;
	[tilespmem:$0x1F400] =	vst v63  }
.LBB2_2:
0x62: {  	s1 =	simm.s32 $0x1  }
0x63: {  	_ =	swait.ge [sflag:s1], $0x2800  }
0x64: {  	s0 =	simm.s32 $0x0;
	[sflag:s1] =	ssyncset.done $0x0  }
0x65: {  	s2 =	simm.s32 $0x3;
	s12 =	sand.u32 $0x7, s0;
	[sflag:s1] =	ssyncadd.s32 $0xFFFFD800  }
0x66: {  	s1 =	sshll.u32 s12, $0x7;
	_ =	swait.ge [sflag:s2], $0x1400  }
0x67: {  	s1 =	sadd.s32 $0x0, s1;
	[sflag:s2] =	ssyncset.done $0x0  }
0x68: {  	s28 =	simm.s32 $0x9100;
	[sflag:s2] =	ssyncadd.s32 $0xFFFFEC00;
	s2 =	sadd.s32 $0x180, s1  }
0x69: {  	p0 =	por $0x0, $0x0;
	s5 =	simm.s32 $0x1;
	v3 =	vld [tilespmem:s28+$0x80];
	s3 =	sor.u32 $0x400, s2  }
0x6a: {  	s5 =	simm.s32 @!p0 $0x0;
	v4 =	vld [tilespmem:s3+$0x4000]  }
0x6b: {  	s14 =	sshll.u32 s5, $0x9  }
0x6c: {  	s13 =	sand.u32 $0x3, s0;
	s7 =	sadd.s32 $0x0, s14  }
0x6d: {  	s17 =	sor.u32 $0x400, s7;
	s3 =	sshll.u32 s13, $0x8  }
0x6e: {  	v6 =	vld [tilespmem:s17+$0x4000];
	s3 =	sadd.s32 $0x0, s3  }
0x6f: {  	v7 =	vld [tilespmem:s28+$0xFFFFFF00];
	s13 =	sadd.s32 $0x100, s3;
	v3 =	vsub.f32 v3, v4  }
0x70: {  	s4 =	sadd.s32 $0x80, s1;
	v8 =	vld [tilespmem:s28+$0x0];
	s16 =	sor.u32 $0x400, s13  }
0x71: {  	s15 =	sor.u32 $0x400, s4;
	v5 =	vld [tilespmem:s16+$0x4000];
	v3 =	vmul.f32 $1.442695020e+00, v3  }
0x72: {  	v4 =	vld [tilespmem:s15+$0x4000]  }
0x73: {  	(erf) = vpow2.f32 v3;
	v3 =	vld [tilespmem:s28+$0xFFFFFF80];
	_ =	sdelay $0x3  }
0x74: {  	v6 =	vsub.f32 v7, v6  }
0x75: {  	v5 =	vsub.f32 v8, v5;
	v3 =	vsub.f32 v3, v4  }
0x76: {  	v4 =	vmul.f32 $1.442695020e+00, v6  }
0x77: {  	v3 =	vmul.f32 $1.442695020e+00, v3  }
0x78: {  	(erf) = vpow2.f32 v4;
	v4 =	vmul.f32 $1.442695020e+00, v5  }
0x79: {  	v5 =	vpop (erf);
	(erf) = vpow2.f32 v3  }
0x7a: {  	v3 =	vadd.f32 $1.000000000e+00, v5;
	(erf) = vpow2.f32 v4;
	_ =	sdelay $0x1  }
0x7b: {  	(erf) = vrcp.f32 v3;
	_ =	sdelay $0x1  }
0x7c: {  	s19 =	simm.s32 $0x180;
	s18 =	sand.u32 $0x3800, s0  }
0x7d: {  	s21 =	sand.u32 $0x380, s19;
	s20 =	sor.u32 $0x4000, s18  }
0x7e: {  	s12 =	sor.u32 s21, s20  }
0x7f: {  	v4 =	vld [tilespmem:s12+$0x0];
	v6 =	vpop (erf)  }
0x80: {  	v6 =	vadd.f32 $1.000000000e+00, v6;
	v8 =	vpop (erf)  }
0x81: {  	v8 =	vadd.f32 $1.000000000e+00, v8;
	v10 =	vpop (erf)  }
0x82: {  	(erf) = vrcp.f32 v6;
	v6 =	vadd.f32 $1.000000000e+00, v10  }
0x83: {  	s0 =	sand.u32 $0x200, s0;
	v10 =	vpop (erf);
	(erf) = vrcp.f32 v8  }
0x84: {  	s21 =	sor.u32 s0, s20;
	v4 =	vmul.f32 v10, v4;
	(erf) = vrcp.f32 v6  }
0x85: {  	s22 =	simm.s32 $0x80;
	v8 =	vld [tilespmem:s21+$0x0]  }
0x86: {  	s6 =	simm.s32 $0x100;
	s8 =	sand.u32 $0x280, s22;
	s23 =	sor.u32 $0x410, s2;
	v6 =	vld [tilespmem:s28+$0x90];
	[tilespmem:s28+$0x80] =	vst v4  }
0x87: {  	s24 =	sand.u32 $0x300, s6;
	s6 =	sor.u32 s8, s20;
	v4 =	vld [tilespmem:s23+$0x4000]  }
0x88: {  	s5 =	sor.u32 s24, s20;
	v17 =	vld [tilespmem:s6+$0x0]  }
0x89: {  	v18 =	vld [tilespmem:s5+$0x0];
	_ =	sdelay $0x1  }
0x8a: {  	v11 =	vpop (erf)  }
0x8b: {  	v7 =	vld [tilespmem:s28+$0x10];
	v4 =	vsub.f32 v6, v4;
	v6 =	vmul.f32 v11, v8;
	v8 =	vpop (erf)  }
0x8c: {  	v5 =	vld [tilespmem:s28+$0xFFFFFF90];
	v8 =	vmul.f32 v8, v17;
	v17 =	vpop (erf)  }
0x8d: {  	s25 =	sor.u32 $0x410, s7;
	v3 =	vld [tilespmem:s28+$0xFFFFFF10];
	v4 =	vmul.f32 $1.442695020e+00, v4;
	[tilespmem:s28+$0xFFFFFF00] =	vst v6;
	v6 =	vmul.f32 v17, v18  }
0x8e: {  	s26 =	sor.u32 $0x410, s4;
	v17 =	vld [tilespmem:s25+$0x4000];
	[tilespmem:s28+$0xFFFFFF80] =	vst v8  }
0x8f: {  	s1 =	sor.u32 $0x410, s13;
	(erf) = vpow2.f32 v4;
	v4 =	vld [tilespmem:s26+$0x4000];
	[tilespmem:s28+$0x0] =	vst v6  }
0x90: {  	v6 =	vld [tilespmem:s1+$0x4000];
	_ =	sdelay $0x2  }
0x91: {  	v3 =	vsub.f32 v3, v17  }
0x92: {  	v4 =	vsub.f32 v5, v4  }
0x93: {  	v3 =	vmul.f32 $1.442695020e+00, v3;
	v5 =	vsub.f32 v7, v6  }
0x94: {  	v4 =	vmul.f32 $1.442695020e+00, v4  }
0x95: {  	(erf) = vpow2.f32 v3;
	v3 =	vmul.f32 $1.442695020e+00, v5  }
0x96: {  	(erf) = vpow2.f32 v4  }
0x97: {  	v5 =	vpop (erf);
	(erf) = vpow2.f32 v3  }
0x98: {  	v4 =	vadd.f32 $1.000000000e+00, v5;
	_ =	sdelay $0x1  }
0x99: {  	(erf) = vrcp.f32 v4;
	_ =	sdelay $0x3  }
0x9a: {  	v4 =	vpop (erf)  }
0x9b: {  	v3 =	vld [tilespmem:s12+$0x10];
	v5 =	vpop (erf);
	v4 =	vadd.f32 $1.000000000e+00, v4  }
0x9c: {  	v6 =	vpop (erf);
	v5 =	vadd.f32 $1.000000000e+00, v5  }
0x9d: {  	(erf) = vrcp.f32 v4;
	v4 =	vadd.f32 $1.000000000e+00, v6  }
0x9e: {  	(erf) = vrcp.f32 v5  }
0x9f: {  	v7 =	vpop (erf);
	(erf) = vrcp.f32 v4  }
0xa0: {  	v6 =	vmul.f32 v7, v3  }
0xa1: {  	v8 =	vld [tilespmem:s21+$0x10]  }
0xa2: {  	s3 =	sor.u32 $0x420, s2;
	[tilespmem:s28+$0x90] =	vst v6;
	v6 =	vld [tilespmem:s28+$0xA0]  }
0xa3: {  	v7 =	vld [tilespmem:s3+$0x4000]  }
0xa4: {  	v18 =	vld [tilespmem:s5+$0x10]  }
0xa5: {  	v17 =	vld [tilespmem:s6+$0x10]  }
0xa6: {  	v20 =	vpop (erf)  }
0xa7: {  	v20 =	vmul.f32 v20, v8;
	v8 =	vpop (erf)  }
0xa8: {  	v9 =	vld [tilespmem:s28+$0xFFFFFF20];
	v21 =	vsub.f32 v6, v7;
	v22 =	vpop (erf)  }
0xa9: {  	v14 =	vld [tilespmem:s28+$0xFFFFFFA0];
	v18 =	vmul.f32 v22, v18  }
0xaa: {  	s8 =	sor.u32 $0x420, s7;
	v15 =	vld [tilespmem:s28+$0x20];
	v17 =	vmul.f32 v8, v17;
	[tilespmem:s28+$0xFFFFFF10] =	vst v20;
	v21 =	vmul.f32 $1.442695020e+00, v21  }
0xab: {  	s10 =	sor.u32 $0x420, s13;
	v20 =	vld [tilespmem:s8+$0x4000];
	[tilespmem:s28+$0x10] =	vst v18  }
0xac: {  	s9 =	sor.u32 $0x420, s4;
	[tilespmem:s28+$0xFFFFFF90] =	vst v17;
	(erf) = vpow2.f32 v21;
	v18 =	vld [tilespmem:s10+$0x4000]  }
0xad: {  	v17 =	vld [tilespmem:s9+$0x4000];
	_ =	sdelay $0x3  }
0xae: {  	v9 =	vsub.f32 v9, v20;
	v15 =	vsub.f32 v15, v18  }
0xaf: {  	v14 =	vsub.f32 v14, v17  }
0xb0: {  	v9 =	vmul.f32 $1.442695020e+00, v9  }
0xb1: {  	v14 =	vmul.f32 $1.442695020e+00, v14  }
0xb2: {  	(erf) = vpow2.f32 v9;
	v9 =	vmul.f32 $1.442695020e+00, v15;
	v15 =	vpop (erf)  }
0xb3: {  	(erf) = vpow2.f32 v14;
	v14 =	vadd.f32 $1.000000000e+00, v15  }
0xb4: {  	(erf) = vpow2.f32 v9  }
0xb5: {  	(erf) = vrcp.f32 v14  }
0xb6: {  	s11 =	simm.s32 $0x4  }
0xb7: {  	s0 =	sand.u32 $0x7, s11  }
0xb8: {  	s0 =	sshll.u32 s0, $0x7  }
0xb9: {  	s0 =	sadd.s32 $0x400, s0  }
0xba: {  	p0 =	por !p0, !p0;
	s16 =	sadd.s32 $0x180, s0;
	s3 =	simm.s32 $0x1;
	v9 =	vld [tilespmem:s12+$0x20]  }
0xbb: {  	s14 =	sor.u32 $0x400, s16;
	s3 =	simm.s32 @!p0 $0x0;
	v14 =	vpop (erf)  }
0xbc: {  	s3 =	sshll.u32 s3, $0x9;
	s9 =	simm.s32 $0x9300;
	v20 =	vld [tilespmem:s14+$0x4000];
	v15 =	vpop (erf)  }
0xbd: {  	s1 =	sadd.s32 $0x400, s3;
	v17 =	vld [tilespmem:s9+$0x80];
	v14 =	vadd.f32 $1.000000000e+00, v14;
	v18 =	vpop (erf)  }
0xbe: {  	s17 =	sor.u32 $0x400, s1;
	v15 =	vadd.f32 $1.000000000e+00, v15;
	v21 =	vpop (erf)  }
0xbf: {  	(erf) = vrcp.f32 v14;
	v14 =	vld [tilespmem:s17+$0x4000];
	v9 =	vmul.f32 v21, v9  }
0xc0: {  	(erf) = vrcp.f32 v15;
	v15 =	vld [tilespmem:s9+$0xFFFFFF00]  }
0xc1: {  	s18 =	sor.u32 $0x430, s2;
	s15 =	simm.s32 $0x2;
	v18 =	vadd.f32 $1.000000000e+00, v18;
	[tilespmem:s28+$0xA0] =	vst v9;
	v9 =	vld [tilespmem:s28+$0xB0]  }
0xc2: {  	s0 =	sadd.s32 $0x80, s0;
	s3 =	sand.u32 $0x3, s15;
	v17 =	vsub.f32 v17, v20;
	v20 =	vld [tilespmem:s18+$0x4000]  }
0xc3: {  	s19 =	sor.u32 $0x400, s0;
	s3 =	sshll.u32 s3, $0x8;
	(erf) = vrcp.f32 v18;
	v18 =	vld [tilespmem:s9+$0xFFFFFF80]  }
0xc4: {  	s3 =	sadd.s32 $0x400, s3;
	v17 =	vmul.f32 $1.442695020e+00, v17;
	v21 =	vld [tilespmem:s19+$0x4000]  }
0xc5: {  	s24 =	sadd.s32 $0x100, s3;
	v22 =	vld [tilespmem:s6+$0x20];
	v14 =	vsub.f32 v15, v14  }
0xc6: {  	v13 =	vld [tilespmem:s28+$0xFFFFFFB0];
	s20 =	sor.u32 $0x400, s24;
	(erf) = vpow2.f32 v17  }
0xc7: {  	v23 =	vld [tilespmem:s20+$0x4000];
	v14 =	vmul.f32 $1.442695020e+00, v14;
	v9 =	vsub.f32 v9, v20  }
0xc8: {  	v24 =	vld [tilespmem:s9+$0x0];
	v26 =	vpop (erf)  }
0xc9: {  	v12 =	vld [tilespmem:s28+$0x30];
	v18 =	vsub.f32 v18, v21;
	v17 =	vpop (erf);
	(erf) = vpow2.f32 v14;
	v14 =	vmul.f32 $1.442695020e+00, v9  }
0xca: {  	v16 =	vld [tilespmem:s28+$0xFFFFFF40];
	v22 =	vmul.f32 v17, v22  }
0xcb: {  	v19 =	vld [tilespmem:s28+$0x40];
	(erf) = vpow2.f32 v14;
	v14 =	vmul.f32 $1.442695020e+00, v18  }
0xcc: {  	v10 =	vld [tilespmem:s28+$0xFFFFFF30]  }
0xcd: {  	v21 =	vsub.f32 v24, v23;
	v20 =	vld [tilespmem:s5+$0x20]  }
0xce: {  	v11 =	vld [tilespmem:s28+$0xFFFFFFC0];
	[tilespmem:s28+$0xFFFFFFA0] =	vst v22;
	v22 =	vpop (erf)  }
0xcf: {  	s22 =	sor.u32 $0x430, s4;
	v27 =	vld [tilespmem:s21+$0x20];
	v18 =	vmul.f32 $1.442695020e+00, v21;
	(erf) = vpow2.f32 v14;
	v14 =	vpop (erf)  }
0xd0: {  	v21 =	vld [tilespmem:s22+$0x4000];
	v14 =	vadd.f32 $1.000000000e+00, v14  }
0xd1: {  	v5 =	vld [tilespmem:s28+$0xFFFFFFD0];
	(erf) = vpow2.f32 v18  }
0xd2: {  	v4 =	vld [tilespmem:s28+$0x50];
	v20 =	vmul.f32 v22, v20  }
0xd3: {  	v3 =	vld [tilespmem:s28+$0xFFFFFF50]  }
0xd4: {  	s25 =	sor.u32 $0x430, s13;
	v7 =	vld [tilespmem:s28+$0xFFFFFF60];
	[tilespmem:s28+$0x20] =	vst v20;
	(erf) = vrcp.f32 v14;
	v14 =	vpop (erf)  }
0xd5: {  	s11 =	simm.s32 $0x400;
	v22 =	vmul.f32 v26, v27;
	v13 =	vsub.f32 v13, v21;
	v21 =	vld [tilespmem:s25+$0x4000];
	v14 =	vadd.f32 $1.000000000e+00, v14  }
0xd6: {  	s23 =	sor.u32 $0x430, s7;
	s26 =	sand.u32 $0x3800, s11;
	v6 =	vld [tilespmem:s28+$0xFFFFFFE0];
	s10 =	simm.s32 $0x380  }
0xd7: {  	v8 =	vld [tilespmem:s28+$0x60];
	s15 =	sand.u32 $0x380, s10;
	s14 =	sor.u32 $0x4000, s26;
	[tilespmem:s28+$0xFFFFFF20] =	vst v22;
	v13 =	vmul.f32 $1.442695020e+00, v13;
	v20 =	vpop (erf);
	(erf) = vrcp.f32 v14  }
0xd8: {  	s20 =	sor.u32 s15, s14;
	v27 =	vld [tilespmem:s23+$0x4000];
	v14 =	vadd.f32 $1.000000000e+00, v20  }
0xd9: {  	s17 =	simm.s32 $0x200;
	v23 =	vpop (erf);
	(erf) = vpow2.f32 v13;
	v13 =	vld [tilespmem:s20+$0x0]  }
0xda: {  	v28 =	vld [tilespmem:s9+$0xFFFFFF10];
	s8 =	sand.u32 $0x200, s17;
	v12 =	vsub.f32 v12, v21;
	v30 =	vpop (erf);
	(erf) = vrcp.f32 v14;
	v14 =	vadd.f32 $1.000000000e+00, v23  }
0xdb: {  	v29 =	vld [tilespmem:s9+$0xFFFFFF90];
	s30 =	sor.u32 s8, s14;
	v30 =	vadd.f32 $1.000000000e+00, v30  }
0xdc: {  	v12 =	vmul.f32 $1.442695020e+00, v12;
	(erf) = vrcp.f32 v14;
	v14 =	vld [tilespmem:s30+$0x0]  }
0xdd: {  	v25 =	vld [tilespmem:s9+$0xFFFFFF20];
	s18 =	simm.s32 $0x280;
	v10 =	vsub.f32 v10, v27;
	v21 =	vpop (erf);
	(erf) = vrcp.f32 v30  }
0xde: {  	s8 =	sand.u32 $0x280, s18;
	v27 =	vld [tilespmem:s9+$0x90];
	v13 =	vmul.f32 v21, v13  }
0xdf: {  	s22 =	simm.s32 $0x300;
	s25 =	sor.u32 s8, s14;
	v10 =	vmul.f32 $1.442695020e+00, v10;
	v21 =	vld [tilespmem:s12+$0x30]  }
0xe0: {  	s26 =	sor.u32 $0x410, s16;
	s23 =	sand.u32 $0x300, s22;
	v30 =	vld [tilespmem:s25+$0x0];
	(erf) = vpow2.f32 v12;
	[tilespmem:s9+$0x80] =	vst v13;
	v12 =	vpop (erf)  }
0xe1: {  	s23 =	sor.u32 s23, s14;
	(erf) = vpow2.f32 v10;
	v10 =	vld [tilespmem:s26+$0x4000];
	v14 =	vmul.f32 v12, v14  }
0xe2: {  	v33 =	vld [tilespmem:s23+$0x0];
	v32 =	vpop (erf)  }
0xe3: {  	v15 =	vld [tilespmem:s28+$0xFFFFFF70];
	v12 =	vpop (erf)  }
0xe4: {  	v24 =	vld [tilespmem:s9+$0xFFFFFFA0];
	s8 =	sor.u32 $0x410, s1;
	v21 =	vmul.f32 v12, v21;
	[tilespmem:s9+$0xFFFFFF00] =	vst v14  }
0xe5: {  	v32 =	vadd.f32 $1.000000000e+00, v32;
	v34 =	vld [tilespmem:s8+$0x4000];
	v14 =	vpop (erf)  }
0xe6: {  	s10 =	sor.u32 $0x440, s2;
	[tilespmem:s28+$0xB0] =	vst v21;
	v10 =	vsub.f32 v27, v10;
	v27 =	vld [tilespmem:s28+$0xC0];
	v21 =	vmul.f32 v14, v30;
	v14 =	vpop (erf)  }
0xe7: {  	(erf) = vrcp.f32 v32;
	v60 =	vld [tilespmem:s10+$0x4000];
	v30 =	vmul.f32 v14, v33  }
0xe8: {  	s11 =	smov.u32 s12;
	v17 =	vld [tilespmem:s28+$0x70];
	s12 =	sor.u32 $0x410, s0;
	[tilespmem:s9+$0xFFFFFF80] =	vst v21  }
0xe9: {  	v10 =	vmul.f32 $1.442695020e+00, v10;
	v61 =	vld [tilespmem:s12+$0x4000]  }
0xea: {  	v18 =	vld [tilespmem:s9+$0x10];
	s14 =	sor.u32 $0x410, s24;
	[tilespmem:s9+$0x0] =	vst v30;
	v21 =	vpop (erf)  }
0xeb: {  	v28 =	vsub.f32 v28, v34;
	(erf) = vpow2.f32 v10;
	v62 =	vld [tilespmem:s14+$0x4000];
	v21 =	vadd.f32 $1.000000000e+00, v21;
	v30 =	vpop (erf)  }
0xec: {  	v31 =	vld [tilespmem:s6+$0x30];
	v27 =	vsub.f32 v27, v60;
	v10 =	vadd.f32 $1.000000000e+00, v30  }
0xed: {  	v9 =	vld [tilespmem:s28+$0xFFFFFFF0];
	(erf) = vrcp.f32 v21;
	v21 =	vmul.f32 $1.442695020e+00, v28  }
0xee: {  	v26 =	vld [tilespmem:s9+$0x20];
	(erf) = vrcp.f32 v10;
	v10 =	vsub.f32 v29, v61  }
0xef: {  	v22 =	vld [tilespmem:s9+$0xFFFFFF30];
	(erf) = vpow2.f32 v21  }
0xf0: {  	v20 =	vld [tilespmem:s9+$0xFFFFFFB0];
	v21 =	vmul.f32 $1.442695020e+00, v27;
	v27 =	vpop (erf);
	v18 =	vsub.f32 v18, v62;
	v10 =	vmul.f32 $1.442695020e+00, v10  }
0xf1: {  	v23 =	vld [tilespmem:s9+$0x30];
	v27 =	vmul.f32 v27, v31  }
0xf2: {  	v13 =	vld [tilespmem:s9+$0xFFFFFF40];
	(erf) = vpow2.f32 v21;
	v18 =	vmul.f32 $1.442695020e+00, v18  }
0xf3: {  	s15 =	sor.u32 $0x440, s4;
	v21 =	vld [tilespmem:s5+$0x30];
	[tilespmem:s28+$0xFFFFFFB0] =	vst v27;
	(erf) = vpow2.f32 v10  }
0xf4: {  	v27 =	vld [tilespmem:s15+$0x4000];
	(erf) = vpow2.f32 v18;
	v10 =	vpop (erf)  }
0xf5: {  	v39 =	vld [tilespmem:s20+$0x10];
	v18 =	vadd.f32 $1.000000000e+00, v10  }
0xf6: {  	v28 =	vld [tilespmem:s21+$0x30]  }
0xf7: {  	v12 =	vld [tilespmem:s9+$0xFFFFFFC0];
	v29 =	vpop (erf)  }
0xf8: {  	v63 =	vld [tilespmem:s30+$0x10];
	v21 =	vmul.f32 v29, v21;
	v29 =	vpop (erf)  }
0xf9: {  	v41 =	vld [tilespmem:s11+$0x40];
	(erf) = vrcp.f32 v18;
	v11 =	vsub.f32 v11, v27;
	v18 =	vpop (erf)  }
0xfa: {  	v14 =	vld [tilespmem:s9+$0x40];
	v18 =	vadd.f32 $1.000000000e+00, v18  }
0xfb: {  	s17 =	sor.u32 $0x440, s13;
	v30 =	vld [tilespmem:s25+$0x10];
	v28 =	vmul.f32 v29, v28;
	[tilespmem:s28+$0x30] =	vst v21;
	v11 =	vmul.f32 $1.442695020e+00, v11;
	v31 =	vpop (erf)  }
0xfc: {  	v21 =	vld [tilespmem:s17+$0x4000];
	v31 =	vadd.f32 $1.000000000e+00, v31;
	v29 =	vpop (erf);
	(erf) = vrcp.f32 v18  }
0xfd: {  	s18 =	sor.u32 $0x440, s7;
	v10 =	vld [tilespmem:s9+$0xFFFFFF50];
	[tilespmem:s28+$0xFFFFFF30] =	vst v28;
	v40 =	vpop (erf);
	(erf) = vpow2.f32 v11  }
0xfe: {  	v28 =	vadd.f32 $1.000000000e+00, v40;
	(erf) = vrcp.f32 v31;
	v31 =	vld [tilespmem:s18+$0x4000]  }
0xff: {  	v27 =	vld [tilespmem:s23+$0x10];
	v29 =	vadd.f32 $1.000000000e+00, v29  }
0x100: {  	v42 =	vld [tilespmem:s5+$0x40]  }
0x101: {  	v18 =	vld [tilespmem:s9+$0xFFFFFFD0];
	v21 =	vsub.f32 v19, v21;
	(erf) = vrcp.f32 v29  }
0x102: {  	v11 =	vld [tilespmem:s9+$0x50];
	(erf) = vrcp.f32 v28;
	v28 =	vpop (erf)  }
0x103: {  	v29 =	vld [tilespmem:s6+$0x40];
	v21 =	vmul.f32 $1.442695020e+00, v21;
	v28 =	vmul.f32 v28, v39;
	v16 =	vsub.f32 v16, v31  }
0x104: {  	v19 =	vld [tilespmem:s9+$0xFFFFFF60];
	[smem:$0x7E8] =	sst s5  }
0x105: {  	s22 =	sor.u32 $0x420, s16;
	[tilespmem:s9+$0x90] =	vst v28;
	v28 =	vld [tilespmem:s9+$0xA0];
	v37 =	vmul.f32 $1.442695020e+00, v16  }
0x106: {  	(erf) = vpow2.f32 v21;
	v31 =	vld [tilespmem:s22+$0x4000]  }
0x107: {  	v21 =	vpop (erf);
	(erf) = vpow2.f32 v37  }
0x108: {  	v35 =	vpop (erf);
	v32 =	vmul.f32 v21, v63  }
0x109: {  	v36 =	vld [tilespmem:s21+$0x40];
	[smem:$0x7E9] =	sst s21;
	v21 =	vpop (erf)  }
0x10a: {  	s26 =	sor.u32 $0x420, s1;
	v33 =	vmul.f32 v21, v41;
	[tilespmem:s9+$0xFFFFFF10] =	vst v32;
	v43 =	vpop (erf)  }
0x10b: {  	v44 =	vld [tilespmem:s26+$0x4000];
	v30 =	vmul.f32 v43, v30;
	v46 =	vpop (erf);
	v28 =	vsub.f32 v28, v31  }
0x10c: {  	s15 =	smov.u32 s11;
	s11 =	smov.u32 s5;
	s5 =	sor.u32 $0x450, s2;
	v45 =	vadd.f32 $1.000000000e+00, v35;
	[tilespmem:s28+$0xC0] =	vst v33;
	v31 =	vld [tilespmem:s28+$0xD0];
	v27 =	vmul.f32 v46, v27  }
0x10d: {  	[tilespmem:s9+$0xFFFFFF90] =	vst v30;
	v30 =	vld [tilespmem:s5+$0x4000];
	v28 =	vmul.f32 $1.442695020e+00, v28  }
0x10e: {  	s10 =	sor.u32 $0x420, s24;
	(erf) = vrcp.f32 v45;
	[tilespmem:s9+$0x10] =	vst v27  }
0x10f: {  	s19 =	smov.u32 s6;
	s6 =	sor.u32 $0x420, s0;
	v47 =	vpop (erf);
	v27 =	vld [tilespmem:s10+$0x4000];
	(erf) = vpow2.f32 v28  }
0x110: {  	v48 =	vld [tilespmem:s6+$0x4000];
	v28 =	vadd.f32 $1.000000000e+00, v47;
	v25 =	vsub.f32 v25, v44;
	v49 =	vpop (erf)  }
0x111: {  	v32 =	vadd.f32 $1.000000000e+00, v49  }
0x112: {  	v25 =	vmul.f32 $1.442695020e+00, v25;
	(erf) = vrcp.f32 v28;
	v28 =	vsub.f32 v31, v30  }
0x113: {  	(erf) = vrcp.f32 v32  }
0x114: {  	(erf) = vpow2.f32 v25;
	v25 =	vsub.f32 v26, v27;
	v26 =	vmul.f32 $1.442695020e+00, v28  }
0x115: {  	v24 =	vsub.f32 v24, v48;
	_ =	sdelay $0x1  }
0x116: {  	v24 =	vmul.f32 $1.442695020e+00, v24;
	v27 =	vpop (erf)  }
0x117: {  	(erf) = vpow2.f32 v26;
	v26 =	vpop (erf)  }
0x118: {  	v27 =	vmul.f32 v27, v29;
	(erf) = vpow2.f32 v24;
	v24 =	vadd.f32 $1.000000000e+00, v26  }
0x119: {  	v25 =	vmul.f32 $1.442695020e+00, v25  }
0x11a: {  	s12 =	sor.u32 $0x450, s4;
	[tilespmem:s28+$0xFFFFFFC0] =	vst v27  }
0x11b: {  	(erf) = vpow2.f32 v25;
	v25 =	vld [tilespmem:s12+$0x4000]  }
0x11c: {  	(erf) = vrcp.f32 v24;
	v24 =	vpop (erf)  }
0x11d: {  	v16 =	vld [tilespmem:s9+$0xFFFFFFE0];
	v24 =	vmul.f32 v24, v42  }
0x11e: {  	v21 =	vld [tilespmem:s9+$0x60];
	[smem:$0x7EA] =	sst s13;
	v26 =	vpop (erf)  }
0x11f: {  	p0 =	por !p0, !p0;
	s14 =	simm.s32 $0x8;
	v27 =	vpop (erf);
	v26 =	vmul.f32 v26, v36;
	[tilespmem:s28+$0x40] =	vst v24  }
0x120: {  	s3 =	sand.u32 $0x7, s14;
	s17 =	sor.u32 $0x450, s13;
	v5 =	vsub.f32 v5, v25;
	v25 =	vadd.f32 $1.000000000e+00, v27;
	v24 =	vld [tilespmem:s20+$0x20];
	[smem:$0x7EB] =	sst s7  }
0x121: {  	s3 =	sshll.u32 s3, $0x7;
	s18 =	sor.u32 $0x450, s7;
	s12 =	simm.s32 $0x1;
	v27 =	vpop (erf);
	[tilespmem:s28+$0xFFFFFF40] =	vst v26;
	v26 =	vld [tilespmem:s17+$0x4000]  }
0x122: {  	s31 =	smov.u32 s7;
	s3 =	sadd.s32 $0x800, s3;
	s12 =	simm.s32 @!p0 $0x0;
	v5 =	vmul.f32 $1.442695020e+00, v5;
	v27 =	vadd.f32 $1.000000000e+00, v27;
	(erf) = vrcp.f32 v25;
	v25 =	vld [tilespmem:s18+$0x4000]  }
0x123: {  	s14 =	simm.s32 $0x9500;
	s26 =	sshll.u32 s12, $0x9;
	s7 =	sadd.s32 $0x180, s3  }
0x124: {  	s26 =	sadd.s32 $0x800, s26;
	v28 =	vpop (erf);
	v29 =	vld [tilespmem:s14+$0x80];
	s5 =	sor.u32 $0x400, s7;
	(erf) = vpow2.f32 v5  }
0x125: {  	s6 =	sor.u32 $0x400, s26;
	v30 =	vpop (erf);
	v28 =	vadd.f32 $1.000000000e+00, v28;
	v5 =	vld [tilespmem:s5+$0x4000]  }
0x126: {  	v31 =	vld [tilespmem:s6+$0x4000];
	(erf) = vrcp.f32 v27;
	v27 =	vpop (erf);
	v4 =	vsub.f32 v4, v26  }
0x127: {  	v24 =	vmul.f32 v27, v24;
	v27 =	vld [tilespmem:s14+$0xFFFFFF00];
	(erf) = vrcp.f32 v28;
	v3 =	vsub.f32 v3, v25  }
0x128: {  	v26 =	vld [tilespmem:s15+$0x50];
	[smem:$0x7E6] =	sst s15;
	v4 =	vmul.f32 $1.442695020e+00, v4  }
0x129: {  	[tilespmem:s9+$0xA0] =	vst v24;
	v24 =	vadd.f32 $1.000000000e+00, v30;
	v3 =	vmul.f32 $1.442695020e+00, v3  }
0x12a: {  	s8 =	simm.s32 $0x4;
	v5 =	vsub.f32 v29, v5  }
0x12b: {  	s12 =	sand.u32 $0x3, s8;
	v25 =	vld [tilespmem:s9+$0xB0];
	(erf) = vrcp.f32 v24  }
0x12c: {  	s10 =	sor.u32 $0x430, s16;
	s12 =	sshll.u32 s12, $0x8;
	v29 =	vld [tilespmem:s25+$0x20];
	v5 =	vmul.f32 $1.442695020e+00, v5;
	(erf) = vpow2.f32 v4;
	v4 =	vpop (erf)  }
0x12d: {  	s8 =	smov.u32 s15;
	s12 =	sadd.s32 $0x800, s12;
	s15 =	sadd.s32 $0x80, s3;
	v28 =	vld [tilespmem:s10+$0x4000];
	(erf) = vpow2.f32 v3;
	v3 =	vpop (erf)  }
0x12e: {  	s3 =	sor.u32 $0x400, s15;
	v50 =	vld [tilespmem:s14+$0x0];
	s10 =	sadd.s32 $0x100, s12;
	v3 =	vadd.f32 $1.000000000e+00, v3  }
0x12f: {  	s12 =	sor.u32 $0x400, s10;
	v24 =	vld [tilespmem:s3+$0x4000]  }
0x130: {  	v30 =	vld [tilespmem:s12+$0x4000];
	v27 =	vsub.f32 v27, v31;
	(erf) = vpow2.f32 v5;
	v5 =	vpop (erf)  }
0x131: {  	v31 =	vld [tilespmem:s14+$0xFFFFFF80];
	v26 =	vmul.f32 v5, v26  }
0x132: {  	v27 =	vmul.f32 $1.442695020e+00, v27;
	v25 =	vsub.f32 v25, v28;
	(erf) = vrcp.f32 v3;
	v3 =	vpop (erf)  }
0x133: {  	s17 =	sor.u32 $0x460, s2;
	[tilespmem:s28+$0xD0] =	vst v26;
	v26 =	vld [tilespmem:s28+$0xE0];
	v3 =	vmul.f32 v3, v29  }
0x134: {  	v25 =	vmul.f32 $1.442695020e+00, v25;
	(erf) = vpow2.f32 v27;
	v27 =	vld [tilespmem:s17+$0x4000]  }
0x135: {  	[tilespmem:s9+$0xFFFFFFA0] =	vst v3;
	v3 =	vsub.f32 v50, v30  }
0x136: {  	v24 =	vsub.f32 v31, v24;
	(erf) = vpow2.f32 v25  }
0x137: {  	v3 =	vmul.f32 $1.442695020e+00, v3  }
0x138: {  	s18 =	sor.u32 $0x430, s0;
	v24 =	vmul.f32 $1.442695020e+00, v24;
	v25 =	vpop (erf)  }
0x139: {  	v29 =	vpop (erf);
	v28 =	vld [tilespmem:s18+$0x4000];
	v26 =	vsub.f32 v26, v27  }
0x13a: {  	v29 =	vadd.f32 $1.000000000e+00, v29;
	v30 =	vpop (erf);
	(erf) = vpow2.f32 v24;
	v24 =	vld [tilespmem:s23+$0x20]  }
0x13b: {  	v31 =	vadd.f32 $1.000000000e+00, v30;
	v27 =	vld [tilespmem:s30+$0x20];
	(erf) = vpow2.f32 v3;
	v26 =	vmul.f32 $1.442695020e+00, v26;
	v3 =	vpop (erf)  }
0x13c: {  	(erf) = vrcp.f32 v29;
	v3 =	vadd.f32 $1.000000000e+00, v3  }
0x13d: {  	v54 =	vld [tilespmem:s14+$0xFFFFFF10];
	v30 =	vpop (erf);
	(erf) = vrcp.f32 v31  }
0x13e: {  	s5 =	simm.s32 $0x800;
	v39 =	vld [tilespmem:s14+$0x90];
	v20 =	vsub.f32 v20, v28;
	v29 =	vpop (erf);
	(erf) = vrcp.f32 v3  }
0x13f: {  	v60 =	vld [tilespmem:s14+$0xFFFFFF90];
	s12 =	sand.u32 $0x3800, s5;
	s18 =	simm.s32 $0x580;
	v24 =	vmul.f32 v25, v24;
	v3 =	vadd.f32 $1.000000000e+00, v29;
	(erf) = vpow2.f32 v26;
	v26 =	vpop (erf)  }
0x140: {  	v61 =	vld [tilespmem:s14+$0x10];
	s12 =	sor.u32 $0x4000, s12;
	s6 =	sand.u32 $0x380, s18;
	v20 =	vmul.f32 $1.442695020e+00, v20;
	v25 =	vadd.f32 $1.000000000e+00, v26;
	v26 =	vmul.f32 v4, v27  }
0x141: {  	v43 =	vld [tilespmem:s9+$0xC0];
	s6 =	sor.u32 s6, s12;
	(erf) = vrcp.f32 v3  }
0x142: {  	s17 =	sor.u32 $0x430, s24;
	[tilespmem:s9+$0x20] =	vst v24;
	v29 =	vld [tilespmem:s6+$0x0];
	(erf) = vpow2.f32 v20  }
0x143: {  	s3 =	sor.u32 $0x430, s1;
	(erf) = vrcp.f32 v25;
	v25 =	vld [tilespmem:s17+$0x4000];
	[tilespmem:s9+$0xFFFFFF20] =	vst v26  }
0x144: {  	v27 =	vld [tilespmem:s3+$0x4000];
	v26 =	vpop (erf)  }
0x145: {  	s22 =	smov.u32 s13;
	s13 =	simm.s32 $0x400;
	v49 =	vld [tilespmem:s28+$0xF0];
	v28 =	vpop (erf)  }
0x146: {  	v53 =	vld [tilespmem:s20+$0x30];
	s18 =	sand.u32 $0x200, s13;
	v32 =	vpop (erf)  }
0x147: {  	v5 =	vld [tilespmem:s9+$0xFFFFFFF0];
	s29 =	sor.u32 s18, s12;
	v31 =	vpop (erf)  }
0x148: {  	v51 =	vld [tilespmem:s29+$0x0];
	v23 =	vsub.f32 v23, v25;
	v25 =	vadd.f32 $1.000000000e+00, v26;
	v52 =	vpop (erf)  }
0x149: {  	v41 =	vld [tilespmem:s8+$0x60];
	v28 =	vadd.f32 $1.000000000e+00, v28;
	v22 =	vsub.f32 v22, v27;
	v29 =	vmul.f32 v52, v29  }
0x14a: {  	v44 =	vld [tilespmem:s25+$0x30];
	v55 =	vpop (erf);
	v23 =	vmul.f32 $1.442695020e+00, v23;
	(erf) = vrcp.f32 v25  }
0x14b: {  	v24 =	vld [tilespmem:s14+$0xFFFFFF20];
	v38 =	vpop (erf);
	(erf) = vrcp.f32 v28;
	v22 =	vmul.f32 $1.442695020e+00, v22  }
0x14c: {  	s5 =	sor.u32 $0x410, s7;
	v3 =	vld [tilespmem:s9+$0x70];
	v56 =	vpop (erf);
	[tilespmem:s14+$0x80] =	vst v29;
	(erf) = vpow2.f32 v23  }
0x14d: {  	v33 =	vmul.f32 v38, v51;
	v23 =	vadd.f32 $1.000000000e+00, v55;
	v57 =	vpop (erf);
	v58 =	vld [tilespmem:s5+$0x4000];
	(erf) = vpow2.f32 v22  }
0x14e: {  	v4 =	vld [tilespmem:s9+$0xFFFFFF70];
	v22 =	vadd.f32 $1.000000000e+00, v56;
	v29 =	vmul.f32 v57, v53  }
0x14f: {  	s13 =	sor.u32 $0x410, s26;
	s18 =	simm.s32 $0x480;
	v20 =	vld [tilespmem:s14+$0xFFFFFF30];
	[tilespmem:s14+$0xFFFFFF00] =	vst v33;
	(erf) = vrcp.f32 v23  }
0x150: {  	s17 =	sor.u32 $0x440, s16;
	s3 =	sand.u32 $0x280, s18;
	s5 =	simm.s32 $0x500;
	v27 =	vld [tilespmem:s13+$0x4000];
	(erf) = vrcp.f32 v22;
	[tilespmem:s9+$0xB0] =	vst v29  }
0x151: {  	v59 =	vld [tilespmem:s17+$0x4000];
	s17 =	sand.u32 $0x300, s5;
	s5 =	sor.u32 s3, s12  }
0x152: {  	s12 =	sor.u32 s17, s12;
	v28 =	vld [tilespmem:s5+$0x0];
	v35 =	vsub.f32 v39, v58  }
0x153: {  	v62 =	vld [tilespmem:s12+$0x0];
	v40 =	vpop (erf)  }
0x154: {  	v26 =	vld [tilespmem:s14+$0xFFFFFF40];
	v63 =	vpop (erf);
	v35 =	vmul.f32 $1.442695020e+00, v35  }
0x155: {  	v25 =	vld [tilespmem:s14+$0xFFFFFFA0];
	v36 =	vsub.f32 v54, v27;
	v42 =	vpop (erf)  }
0x156: {  	v23 =	vld [tilespmem:s14+$0xFFFFFFB0];
	v42 =	vadd.f32 $1.000000000e+00, v42;
	v45 =	vpop (erf);
	(erf) = vpow2.f32 v35  }
0x157: {  	v22 =	vld [tilespmem:s14+$0x30];
	v36 =	vmul.f32 $1.442695020e+00, v36;
	v40 =	vmul.f32 v40, v28;
	v45 =	vadd.f32 $1.000000000e+00, v45  }
0x158: {  	v29 =	vld [tilespmem:s14+$0x20];
	v46 =	vpop (erf);
	v34 =	vmul.f32 v63, v62;
	(erf) = vrcp.f32 v42  }
0x159: {  	s13 =	sor.u32 $0x410, s15;
	v27 =	vld [tilespmem:s14+$0x40];
	v39 =	vmul.f32 v46, v41;
	v48 =	vpop (erf);
	[tilespmem:s14+$0xFFFFFF80] =	vst v40;
	(erf) = vrcp.f32 v45  }
0x15a: {  	s17 =	sor.u32 $0x410, s10;
	v40 =	vld [tilespmem:s13+$0x4000];
	[tilespmem:s14+$0x0] =	vst v34;
	(erf) = vpow2.f32 v36;
	v36 =	vmul.f32 v48, v44  }
0x15b: {  	v33 =	vsub.f32 v43, v59;
	[tilespmem:s28+$0xE0] =	vst v39;
	v34 =	vld [tilespmem:s17+$0x4000]  }
0x15c: {  	s2 =	sor.u32 $0x470, s2;
	v28 =	vld [tilespmem:s14+$0xFFFFFFC0];
	[tilespmem:s9+$0xFFFFFFB0] =	vst v36  }
0x15d: {  	s18 =	sor.u32 $0x440, s0;
	v33 =	vmul.f32 $1.442695020e+00, v33;
	v47 =	vld [tilespmem:s2+$0x4000];
	[smem:$0x7E4] =	sst s0  }
0x15e: {  	v50 =	vld [tilespmem:s18+$0x4000];
	[smem:$0x7E7] =	sst s19  }
0x15f: {  	(erf) = vpow2.f32 v33;
	v38 =	vsub.f32 v60, v40;
	v51 =	vld [tilespmem:s19+$0x50]  }
0x160: {  	v34 =	vsub.f32 v61, v34  }
0x161: {  	v54 =	vld [tilespmem:s23+$0x30];
	v52 =	vmul.f32 $1.442695020e+00, v38  }
0x162: {  	v53 =	vpop (erf);
	v60 =	vld [tilespmem:s30+$0x30];
	v34 =	vmul.f32 $1.442695020e+00, v34  }
0x163: {  	v35 =	vsub.f32 v49, v47;
	v55 =	vpop (erf);
	(erf) = vpow2.f32 v52  }
0x164: {  	v56 =	vadd.f32 $1.000000000e+00, v53;
	v57 =	vpop (erf);
	(erf) = vpow2.f32 v34;
	v30 =	vmul.f32 v30, v51  }
0x165: {  	v63 =	vld [tilespmem:s21+$0x50];
	v58 =	vmul.f32 $1.442695020e+00, v35;
	v59 =	vpop (erf);
	v12 =	vsub.f32 v12, v50  }
0x166: {  	v61 =	vld [tilespmem:s11+$0x50];
	v35 =	vadd.f32 $1.000000000e+00, v59;
	v62 =	vmul.f32 v55, v54;
	(erf) = vrcp.f32 v56  }
0x167: {  	s3 =	sor.u32 $0x460, s4;
	v41 =	vmul.f32 v57, v60;
	(erf) = vpow2.f32 v58;
	[tilespmem:s28+$0xFFFFFFD0] =	vst v30  }
0x168: {  	v12 =	vmul.f32 $1.442695020e+00, v12;
	(erf) = vrcp.f32 v35;
	v40 =	vld [tilespmem:s3+$0x4000];
	v30 =	vpop (erf)  }
0x169: {  	s8 =	sor.u32 $0x440, s24;
	v42 =	vld [tilespmem:s6+$0x10];
	[tilespmem:s9+$0x30] =	vst v62;
	v30 =	vadd.f32 $1.000000000e+00, v30  }
0x16a: {  	v31 =	vmul.f32 v31, v63;
	[tilespmem:s9+$0xFFFFFF30] =	vst v41;
	v33 =	vld [tilespmem:s8+$0x4000];
	(erf) = vpow2.f32 v12  }
0x16b: {  	s11 =	sor.u32 $0x440, s1;
	v12 =	vmul.f32 v32, v61;
	(erf) = vrcp.f32 v30;
	v30 =	vld [tilespmem:s29+$0x10];
	[smem:$0x7E5] =	sst s1  }
0x16c: {  	v43 =	vpop (erf);
	v44 =	vld [tilespmem:s11+$0x4000]  }
0x16d: {  	[tilespmem:s28+$0x50] =	vst v12;
	v6 =	vsub.f32 v6, v40;
	v12 =	vadd.f32 $1.000000000e+00, v43;
	v45 =	vpop (erf)  }
0x16e: {  	s13 =	sor.u32 $0x460, s22;
	v36 =	vadd.f32 $1.000000000e+00, v45  }
0x16f: {  	s17 =	sor.u32 $0x460, s31;
	[tilespmem:s28+$0xFFFFFF50] =	vst v31;
	v46 =	vld [tilespmem:s13+$0x4000];
	v31 =	vpop (erf);
	v49 =	vmul.f32 $1.442695020e+00, v6;
	(erf) = vrcp.f32 v12  }
0x170: {  	v14 =	vsub.f32 v14, v33;
	v47 =	vld [tilespmem:s17+$0x4000];
	v48 =	vpop (erf);
	v31 =	vmul.f32 v31, v42;
	(erf) = vrcp.f32 v36  }
0x171: {  	v6 =	vpop (erf);
	(erf) = vpow2.f32 v49;
	v13 =	vsub.f32 v13, v44  }
0x172: {  	s18 =	sor.u32 $0x420, s7;
	v54 =	vld [tilespmem:s14+$0xA0];
	v14 =	vmul.f32 $1.442695020e+00, v14;
	[tilespmem:s14+$0x90] =	vst v31  }
0x173: {  	v51 =	vpop (erf);
	v31 =	vld [tilespmem:s18+$0x4000];
	v13 =	vmul.f32 $1.442695020e+00, v13  }
0x174: {  	v50 =	vld [tilespmem:s20+$0x40];
	v8 =	vsub.f32 v8, v46;
	v52 =	vpop (erf);
	(erf) = vpow2.f32 v14  }
0x175: {  	v53 =	vld [tilespmem:s5+$0x10];
	v7 =	vsub.f32 v7, v47;
	v14 =	vadd.f32 $1.000000000e+00, v48;
	(erf) = vpow2.f32 v13  }
0x176: {  	v55 =	vld [tilespmem:s12+$0x10];
	v30 =	vmul.f32 v6, v30;
	v8 =	vmul.f32 $1.442695020e+00, v8  }
0x177: {  	v7 =	vmul.f32 $1.442695020e+00, v7;
	(erf) = vrcp.f32 v14  }
0x178: {  	s21 =	sor.u32 $0x420, s26;
	[tilespmem:s14+$0xFFFFFF10] =	vst v30;
	(erf) = vpow2.f32 v8;
	v31 =	vsub.f32 v54, v31;
	v56 =	vpop (erf)  }
0x179: {  	v33 =	vadd.f32 $1.000000000e+00, v51;
	v30 =	vld [tilespmem:s21+$0x4000];
	v32 =	vmul.f32 v52, v50;
	(erf) = vpow2.f32 v7;
	v57 =	vpop (erf)  }
0x17a: {  	v36 =	vmul.f32 v56, v53;
	v31 =	vmul.f32 $1.442695020e+00, v31;
	v58 =	vpop (erf)  }
0x17b: {  	s22 =	sor.u32 $0x450, s16;
	v60 =	vld [tilespmem:s9+$0xD0];
	[tilespmem:s9+$0xC0] =	vst v32;
	(erf) = vrcp.f32 v33;
	v59 =	vmul.f32 v57, v55;
	v33 =	vadd.f32 $1.000000000e+00, v58  }
0x17c: {  	s8 =	smov.u32 s1;
	s1 =	sor.u32 $0x420, s15;
	v32 =	vld [tilespmem:s22+$0x4000];
	[tilespmem:s14+$0xFFFFFF90] =	vst v36  }
0x17d: {  	s3 =	sor.u32 $0x420, s10;
	v36 =	vld [tilespmem:s1+$0x4000];
	[tilespmem:s14+$0x10] =	vst v59;
	(erf) = vrcp.f32 v33;
	v62 =	vpop (erf)  }
0x17e: {  	v24 =	vsub.f32 v24, v30;
	v61 =	vld [tilespmem:s3+$0x4000];
	(erf) = vpow2.f32 v31;
	v31 =	vpop (erf)  }
0x17f: {  	v34 =	vadd.f32 $1.000000000e+00, v62;
	v30 =	vadd.f32 $1.000000000e+00, v31;
	_ =	sdelay $0x1  }
0x180: {  	v24 =	vmul.f32 $1.442695020e+00, v24;
	v31 =	vpop (erf);
	(erf) = vrcp.f32 v34  }
0x181: {  	v39 =	vpop (erf);
	(erf) = vrcp.f32 v30;
	v25 =	vsub.f32 v25, v36  }
0x182: {  	v63 =	vld [tilespmem:s25+$0x40];
	v32 =	vsub.f32 v60, v32;
	v30 =	vpop (erf);
	(erf) = vpow2.f32 v24;
	v24 =	vsub.f32 v29, v61  }
0x183: {  	v25 =	vmul.f32 $1.442695020e+00, v25  }
0x184: {  	v29 =	vmul.f32 $1.442695020e+00, v32;
	v24 =	vmul.f32 $1.442695020e+00, v24  }
0x185: {  	v41 =	vld [tilespmem:s19+$0x60]  }
0x186: {  	v12 =	vld [tilespmem:s14+$0xFFFFFF50];
	v40 =	vpop (erf);
	(erf) = vpow2.f32 v29  }
0x187: {  	v6 =	vld [tilespmem:s14+$0xFFFFFF60];
	v32 =	vmul.f32 v40, v63;
	v29 =	vadd.f32 $1.000000000e+00, v39;
	(erf) = vpow2.f32 v25;
	v25 =	vpop (erf)  }
0x188: {  	v13 =	vld [tilespmem:s14+$0x50];
	(erf) = vpow2.f32 v24;
	v24 =	vpop (erf)  }
0x189: {  	s11 =	sor.u32 $0x450, s0;
	v30 =	vadd.f32 $1.000000000e+00, v30;
	[tilespmem:s9+$0xFFFFFFC0] =	vst v32;
	(erf) = vrcp.f32 v29;
	v29 =	vld [tilespmem:s23+$0x40];
	v24 =	vadd.f32 $1.000000000e+00, v24  }
0x18a: {  	s2 =	smov.u32 s12;
	s12 =	simm.s32 $0xC;
	v32 =	vld [tilespmem:s11+$0x4000]  }
0x18b: {  	s17 =	sand.u32 $0x7, s12;
	(erf) = vrcp.f32 v30;
	v30 =	vld [tilespmem:s30+$0x40]  }
0x18c: {  	v14 =	vld [tilespmem:s14+$0xFFFFFFD0];
	s3 =	sshll.u32 s17, $0x7  }
0x18d: {  	s13 =	simm.s32 $0xC;
	v8 =	vld [tilespmem:s14+$0xFFFFFFE0];
	s3 =	sadd.s32 $0xC00, s3;
	(erf) = vrcp.f32 v24;
	v24 =	vpop (erf)  }
0x18e: {  	v7 =	vld [tilespmem:s14+$0x60];
	v25 =	vmul.f32 v25, v41;
	s11 =	sadd.s32 $0x180, s3;
	[dreg:$0x6] =	wrdreg s13;
	v42 =	vpop (erf);
	v24 =	vmul.f32 v24, v29  }
0x18f: {  	s21 =	sor.u32 $0x400, s11;
	v44 =	vld [tilespmem:s6+$0x20];
	v18 =	vsub.f32 v18, v32;
	v43 =	vpop (erf)  }
0x190: {  	s4 =	sor.u32 $0x470, s4;
	[tilespmem:s28+$0xFFFFFFE0] =	vst v25;
	v47 =	vld [tilespmem:s21+$0x4000];
	v25 =	vmul.f32 v42, v30;
	v29 =	vpop (erf);
	v33 =	vadd.f32 $1.000000000e+00, v43  }
0x191: {  	s18 =	sor.u32 $0x450, s24;
	v45 =	vld [tilespmem:s4+$0x4000];
	v18 =	vmul.f32 $1.442695020e+00, v18;
	[tilespmem:s9+$0x40] =	vst v24;
	v30 =	vpop (erf)  }
0x192: {  	p0 =	por !p0, !p0;
	s19 =	sor.u32 $0x450, s8;
	s12 =	simm.s32 $0x1;
	v46 =	vld [tilespmem:s18+$0x4000];
	[tilespmem:s9+$0xFFFFFF40] =	vst v25;
	v29 =	vadd.f32 $1.000000000e+00, v29;
	v24 =	vpop (erf);
	(erf) = vrcp.f32 v33  }
0x193: {  	s12 =	simm.s32 @!p0 $0x0;
	s4 =	simm.s32 $0x9700;
	v25 =	vld [tilespmem:s19+$0x4000];
	(erf) = vpow2.f32 v18  }
0x194: {  	s22 =	sshll.u32 s12, $0x9;
	(erf) = vrcp.f32 v29;
	v29 =	vld [tilespmem:s4+$0x80]  }
0x195: {  	s21 =	sadd.s32 $0xC00, s22;
	v32 =	vpop (erf)  }
0x196: {  	s8 =	sor.u32 $0x400, s21;
	v30 =	vadd.f32 $1.000000000e+00, v30;
	v33 =	vpop (erf)  }
0x197: {  	v49 =	vld [tilespmem:s8+$0x4000];
	v24 =	vadd.f32 $1.000000000e+00, v24;
	v18 =	vpop (erf)  }
0x198: {  	v52 =	vld [tilespmem:s4+$0xFFFFFF80];
	(erf) = vrcp.f32 v30;
	v18 =	vmul.f32 v18, v44;
	v11 =	vsub.f32 v11, v46  }
0x199: {  	(erf) = vrcp.f32 v24;
	v10 =	vsub.f32 v10, v25;
	v25 =	vld [tilespmem:s4+$0xFFFFFF00];
	v24 =	vsub.f32 v29, v47  }
0x19a: {  	s1 =	simm.s32 $0x6;
	v9 =	vsub.f32 v9, v45;
	v30 =	vld [tilespmem:s20+$0x50];
	v11 =	vmul.f32 $1.442695020e+00, v11  }
0x19b: {  	s13 =	sor.u32 $0x430, s7;
	v53 =	vld [tilespmem:s4+$0x0];
	s19 =	sadd.s32 $0x80, s3;
	s3 =	sand.u32 $0x3, s1;
	[tilespmem:s14+$0xA0] =	vst v18;
	v10 =	vmul.f32 $1.442695020e+00, v10  }
0x19c: {  	v9 =	vmul.f32 $1.442695020e+00, v9;
	s3 =	sshll.u32 s3, $0x8;
	v18 =	vld [tilespmem:s13+$0x4000];
	(erf) = vpow2.f32 v11;
	v51 =	vpop (erf)  }
0x19d: {  	s0 =	sor.u32 $0x400, s19;
	s3 =	sadd.s32 $0xC00, s3;
	v29 =	vld [tilespmem:s14+$0xB0];
	(erf) = vpow2.f32 v10;
	v10 =	vmul.f32 $1.442695020e+00, v24;
	v24 =	vpop (erf)  }
0x19e: {  	v48 =	vld [tilespmem:s0+$0x4000];
	s3 =	sadd.s32 $0x100, s3;
	(erf) = vpow2.f32 v9;
	v9 =	vsub.f32 v25, v49;
	v25 =	vpop (erf)  }
0x19f: {  	s17 =	sor.u32 $0x400, s3;
	v11 =	vld [tilespmem:s5+$0x20];
	(erf) = vpow2.f32 v10;
	v10 =	vadd.f32 $1.000000000e+00, v24;
	v24 =	vmul.f32 v25, v30  }
0x1a0: {  	v50 =	vld [tilespmem:s17+$0x4000]  }
0x1a1: {  	v9 =	vmul.f32 $1.442695020e+00, v9  }
0x1a2: {  	v18 =	vsub.f32 v29, v18;
	(erf) = vrcp.f32 v10  }
0x1a3: {  	[tilespmem:s9+$0xD0] =	vst v24;
	v24 =	vpop (erf);
	(erf) = vpow2.f32 v9  }
0x1a4: {  	s18 =	sor.u32 $0x460, s16;
	v25 =	vsub.f32 v52, v48;
	v9 =	vmul.f32 $1.442695020e+00, v18;
	v18 =	vmul.f32 v24, v11  }
0x1a5: {  	v29 =	vsub.f32 v53, v50;
	v10 =	vld [tilespmem:s18+$0x4000]  }
0x1a6: {  	v24 =	vld [tilespmem:s9+$0xE0];
	[tilespmem:s14+$0xFFFFFFA0] =	vst v18;
	v18 =	vmul.f32 $1.442695020e+00, v25  }
0x1a7: {  	v29 =	vmul.f32 $1.442695020e+00, v29;
	v30 =	vpop (erf)  }
0x1a8: {  	(erf) = vpow2.f32 v9;
	v9 =	vpop (erf)  }
0x1a9: {  	s22 =	sor.u32 $0x430, s15;
	v54 =	vpop (erf)  }
0x1aa: {  	v25 =	vld [tilespmem:s22+$0x4000];
	v9 =	vadd.f32 $1.000000000e+00, v9;
	(erf) = vpow2.f32 v18;
	v18 =	vpop (erf)  }
0x1ab: {  	v34 =	vadd.f32 $1.000000000e+00, v54;
	v10 =	vsub.f32 v24, v10;
	(erf) = vpow2.f32 v29;
	v29 =	vpop (erf)  }
0x1ac: {  	v24 =	vld [tilespmem:s2+$0x20];
	(erf) = vrcp.f32 v9;
	v55 =	vadd.f32 $1.000000000e+00, v29  }
0x1ad: {  	v56 =	vld [tilespmem:s29+$0x20];
	v9 =	vmul.f32 $1.442695020e+00, v10;
	(erf) = vrcp.f32 v34  }
0x1ae: {  	v10 =	vadd.f32 $1.000000000e+00, v18;
	v29 =	vpop (erf);
	(erf) = vrcp.f32 v55  }
0x1af: {  	v23 =	vsub.f32 v23, v25;
	v18 =	vpop (erf);
	(erf) = vpow2.f32 v9  }
0x1b0: {  	v63 =	vld [tilespmem:s4+$0xFFFFFF10];
	v9 =	vadd.f32 $1.000000000e+00, v18;
	(erf) = vrcp.f32 v10  }
0x1b1: {  	v35 =	vld [tilespmem:s4+$0xFFFFFF20];
	v18 =	vpop (erf);
	v10 =	vmul.f32 $1.442695020e+00, v23;
	v23 =	vmul.f32 v30, v24  }
0x1b2: {  	s31 =	simm.s32 $0xC00;
	v36 =	vld [tilespmem:s4+$0x20];
	v18 =	vadd.f32 $1.000000000e+00, v18;
	v24 =	vmul.f32 v51, v56;
	(erf) = vrcp.f32 v9  }
0x1b3: {  	s8 =	simm.s32 $0x780;
	s1 =	sor.u32 $0x430, s10;
	s0 =	sand.u32 $0x3800, s31;
	v46 =	vld [tilespmem:s4+$0xFFFFFF90];
	(erf) = vpow2.f32 v10;
	[tilespmem:s14+$0x20] =	vst v23  }
0x1b4: {  	s17 =	sor.u32 $0x4000, s0;
	s13 =	sor.u32 $0x430, s26;
	s18 =	sand.u32 $0x380, s8;
	v25 =	vpop (erf);
	[tilespmem:s14+$0xFFFFFF20] =	vst v24;
	(erf) = vrcp.f32 v18;
	v18 =	vld [tilespmem:s1+$0x4000]  }
0x1b5: {  	s12 =	simm.s32 $0x600;
	v57 =	vld [tilespmem:s13+$0x4000];
	s13 =	sor.u32 s18, s17  }
0x1b6: {  	s22 =	sand.u32 $0x200, s12;
	v24 =	vpop (erf);
	v58 =	vld [tilespmem:s13+$0x0]  }
0x1b7: {  	v62 =	vld [tilespmem:s6+$0x30];
	s1 =	sor.u32 s22, s17;
	v38 =	vpop (erf)  }
0x1b8: {  	v59 =	vld [tilespmem:s1+$0x0];
	v30 =	vpop (erf)  }
0x1b9: {  	v52 =	vld [tilespmem:s4+$0x90];
	v25 =	vadd.f32 $1.000000000e+00, v25;
	v60 =	vpop (erf)  }
0x1ba: {  	v48 =	vld [tilespmem:s14+$0xC0];
	v61 =	vpop (erf);
	v22 =	vsub.f32 v22, v18;
	v20 =	vsub.f32 v20, v57  }
0x1bb: {  	v11 =	vld [tilespmem:s14+$0xFFFFFFF0];
	v24 =	vadd.f32 $1.000000000e+00, v24;
	(erf) = vrcp.f32 v25;
	v34 =	vpop (erf);
	v37 =	vmul.f32 v60, v58  }
0x1bc: {  	v56 =	vld [tilespmem:s4+$0x10];
	v50 =	vpop (erf);
	v22 =	vmul.f32 $1.442695020e+00, v22;
	v20 =	vmul.f32 $1.442695020e+00, v20  }
0x1bd: {  	s0 =	sor.u32 $0x410, s11;
	v9 =	vld [tilespmem:s14+$0x70];
	(erf) = vrcp.f32 v24;
	v51 =	vpop (erf);
	v39 =	vmul.f32 v50, v59;
	[tilespmem:s4+$0x80] =	vst v37  }
0x1be: {  	v53 =	vpop (erf);
	v55 =	vld [tilespmem:s0+$0x4000];
	(erf) = vpow2.f32 v22;
	v22 =	vadd.f32 $1.000000000e+00, v61;
	s0 =	simm.s32 $0x680  }
0x1bf: {  	s8 =	sor.u32 $0x410, s21;
	v10 =	vld [tilespmem:s14+$0xFFFFFF70];
	v54 =	vmul.f32 v53, v62;
	[tilespmem:s4+$0xFFFFFF00] =	vst v39;
	(erf) = vpow2.f32 v20;
	v20 =	vadd.f32 $1.000000000e+00, v51;
	s18 =	sand.u32 $0x280, s0  }
0x1c0: {  	v39 =	vld [tilespmem:s8+$0x4000];
	(erf) = vrcp.f32 v22;
	s0 =	sor.u32 s18, s17  }
0x1c1: {  	s22 =	sor.u32 $0x440, s7;
	s8 =	simm.s32 $0x700;
	[tilespmem:s14+$0xB0] =	vst v54;
	(erf) = vrcp.f32 v20;
	v20 =	vld [tilespmem:s0+$0x0]  }
0x1c2: {  	v44 =	vld [tilespmem:s22+$0x4000];
	s22 =	sand.u32 $0x300, s8  }
0x1c3: {  	v23 =	vld [tilespmem:s4+$0xFFFFFF30];
	s18 =	sor.u32 s22, s17  }
0x1c4: {  	v24 =	vsub.f32 v52, v55;
	v47 =	vld [tilespmem:s18+$0x0]  }
0x1c5: {  	v58 =	vld [tilespmem:s20+$0x60];
	v22 =	vpop (erf)  }
0x1c6: {  	v57 =	vld [tilespmem:s5+$0x30];
	v59 =	vpop (erf);
	v50 =	vmul.f32 $1.442695020e+00, v24;
	v51 =	vmul.f32 v22, v20  }
0x1c7: {  	v18 =	vld [tilespmem:s4+$0xFFFFFF40];
	v39 =	vsub.f32 v63, v39;
	v49 =	vpop (erf)  }
0x1c8: {  	s22 =	sor.u32 $0x410, s19;
	(erf) = vpow2.f32 v50;
	v49 =	vadd.f32 $1.000000000e+00, v49;
	v52 =	vpop (erf);
	[tilespmem:s4+$0xFFFFFF80] =	vst v51;
	v51 =	vld [tilespmem:s9+$0xF0]  }
0x1c9: {  	v39 =	vmul.f32 $1.442695020e+00, v39;
	v45 =	vmul.f32 v59, v47;
	v60 =	vpop (erf);
	v61 =	vadd.f32 $1.000000000e+00, v52;
	v63 =	vld [tilespmem:s22+$0x4000]  }
0x1ca: {  	v44 =	vsub.f32 v48, v44;
	v52 =	vld [tilespmem:s25+$0x50];
	(erf) = vrcp.f32 v49;
	v42 =	vmul.f32 v60, v58;
	v62 =	vpop (erf)  }
0x1cb: {  	s8 =	smov.u32 s5;
	s5 =	sor.u32 $0x410, s3;
	[tilespmem:s4+$0x0] =	vst v45;
	v40 =	vmul.f32 v62, v57;
	(erf) = vrcp.f32 v61;
	v57 =	vld [tilespmem:s23+$0x50]  }
0x1cc: {  	v50 =	vmul.f32 $1.442695020e+00, v44;
	v48 =	vld [tilespmem:s5+$0x4000];
	(erf) = vpow2.f32 v39  }
0x1cd: {  	s22 =	sor.u32 $0x470, s16;
	v62 =	vld [tilespmem:s30+$0x50];
	[tilespmem:s9+$0xE0] =	vst v42  }
0x1ce: {  	v42 =	vld [tilespmem:s22+$0x4000];
	(erf) = vpow2.f32 v50  }
0x1cf: {  	v54 =	vld [tilespmem:s2+$0x30];
	s17 =	smov.u32 s6;
	s6 =	sor.u32 $0x440, s15;
	[tilespmem:s14+$0xFFFFFFB0] =	vst v40  }
0x1d0: {  	v40 =	vld [tilespmem:s6+$0x4000];
	v53 =	vsub.f32 v46, v63;
	v29 =	vmul.f32 v29, v52  }
0x1d1: {  	v55 =	vld [tilespmem:s29+$0x30];
	v41 =	vsub.f32 v56, v48  }
0x1d2: {  	v25 =	vld [tilespmem:s4+$0xFFFFFFB0];
	v45 =	vmul.f32 $1.442695020e+00, v53;
	[tilespmem:s9+$0xFFFFFFD0] =	vst v29;
	v38 =	vmul.f32 v38, v57;
	v56 =	vpop (erf)  }
0x1d3: {  	v37 =	vld [tilespmem:s4+$0xFFFFFFA0];
	v30 =	vmul.f32 v30, v62;
	s6 =	sld [smem:$0x7E4];
	v42 =	vsub.f32 v51, v42;
	v41 =	vmul.f32 $1.442695020e+00, v41;
	v58 =	vpop (erf)  }
0x1d4: {  	v24 =	vld [tilespmem:s4+$0x30];
	(erf) = vpow2.f32 v45;
	v59 =	vadd.f32 $1.000000000e+00, v56;
	v60 =	vpop (erf);
	v44 =	vmul.f32 v58, v54  }
0x1d5: {  	v22 =	vld [tilespmem:s4+$0xFFFFFFC0];
	v28 =	vsub.f32 v28, v40;
	v42 =	vmul.f32 $1.442695020e+00, v42;
	(erf) = vpow2.f32 v41;
	v61 =	vpop (erf)  }
0x1d6: {  	v20 =	vld [tilespmem:s4+$0x40];
	[tilespmem:s9+$0x50] =	vst v38;
	s16 =	sor.u32 $0x460, s6;
	v63 =	vmul.f32 v60, v55;
	(erf) = vrcp.f32 v59;
	v46 =	vadd.f32 $1.000000000e+00, v61  }
0x1d7: {  	s22 =	sor.u32 $0x440, s10;
	v28 =	vmul.f32 $1.442695020e+00, v28;
	v47 =	vld [tilespmem:s16+$0x4000];
	v29 =	vpop (erf);
	[tilespmem:s14+$0x30] =	vst v44;
	(erf) = vpow2.f32 v42  }
0x1d8: {  	s16 =	sor.u32 $0x440, s26;
	v29 =	vadd.f32 $1.000000000e+00, v29;
	v48 =	vld [tilespmem:s22+$0x4000];
	[tilespmem:s14+$0xFFFFFF30] =	vst v63;
	(erf) = vrcp.f32 v46  }
0x1d9: {  	[tilespmem:s9+$0xFFFFFF50] =	vst v30;
	s22 =	sor.u32 $0x460, s24;
	(erf) = vpow2.f32 v28;
	v28 =	vld [tilespmem:s16+$0x4000]  }
0x1da: {  	(erf) = vrcp.f32 v29;
	v29 =	vld [tilespmem:s22+$0x4000];
	s22 =	sld [smem:$0x7E5]  }
0x1db: {  	v50 =	vld [tilespmem:s13+$0x10]  }
0x1dc: {  	v51 =	vld [tilespmem:s1+$0x10];
	v16 =	vsub.f32 v16, v47  }
0x1dd: {  	v55 =	vld [tilespmem:s17+$0x40];
	v49 =	vpop (erf);
	v27 =	vsub.f32 v27, v48;
	s16 =	sor.u32 $0x460, s22  }
0x1de: {  	v38 =	vadd.f32 $1.000000000e+00, v49;
	v16 =	vmul.f32 $1.442695020e+00, v16;
	v52 =	vpop (erf);
	v30 =	vld [tilespmem:s16+$0x4000]  }
0x1df: {  	s9 =	smov.u32 s7;
	v60 =	vld [tilespmem:s18+$0x10];
	s7 =	sld [smem:$0x7E6];
	v28 =	vsub.f32 v26, v28;
	v27 =	vmul.f32 $1.442695020e+00, v27;
	v53 =	vadd.f32 $1.000000000e+00, v52;
	v54 =	vpop (erf)  }
0x1e0: {  	v42 =	vld [tilespmem:s20+$0x70];
	(erf) = vrcp.f32 v38;
	v21 =	vsub.f32 v21, v29;
	v56 =	vpop (erf);
	v38 =	vmul.f32 v54, v50  }
0x1e1: {  	v63 =	vld [tilespmem:s8+$0x40];
	v28 =	vmul.f32 $1.442695020e+00, v28;
	(erf) = vrcp.f32 v53;
	v57 =	vpop (erf)  }
0x1e2: {  	v43 =	vld [tilespmem:s7+$0x70];
	s16 =	sld [smem:$0x7E7];
	v29 =	vadd.f32 $1.000000000e+00, v56;
	v21 =	vmul.f32 $1.442695020e+00, v21;
	(erf) = vpow2.f32 v16;
	v58 =	vpop (erf)  }
0x1e3: {  	v26 =	vld [tilespmem:s4+$0xFFFFFF50];
	v39 =	vmul.f32 v57, v51;
	(erf) = vpow2.f32 v27;
	v27 =	vpop (erf);
	v19 =	vsub.f32 v19, v30  }
0x1e4: {  	v54 =	vld [tilespmem:s2+$0x40];
	v27 =	vmul.f32 v27, v55;
	(erf) = vpow2.f32 v28  }
0x1e5: {  	v44 =	vld [tilespmem:s16+$0x70];
	s16 =	sor.u32 $0x420, s11;
	[tilespmem:s4+$0x90] =	vst v38;
	(erf) = vrcp.f32 v29;
	v19 =	vmul.f32 $1.442695020e+00, v19  }
0x1e6: {  	v38 =	vld [tilespmem:s16+$0x4000];
	[tilespmem:s4+$0xFFFFFF10] =	vst v39;
	(erf) = vpow2.f32 v21  }
0x1e7: {  	s20 =	sor.u32 $0x450, s9;
	[tilespmem:s14+$0xC0] =	vst v27;
	v27 =	vadd.f32 $1.000000000e+00, v58;
	(erf) = vpow2.f32 v19;
	v19 =	vld [tilespmem:s0+$0x10]  }
0x1e8: {  	s16 =	sor.u32 $0x420, s21;
	v45 =	vld [tilespmem:s20+$0x4000];
	s20 =	sld [smem:$0x7E9]  }
0x1e9: {  	v39 =	vld [tilespmem:s16+$0x4000];
	s16 =	sld [smem:$0x7E8]  }
0x1ea: {  	v16 =	vld [tilespmem:s4+$0xFFFFFF60];
	(erf) = vrcp.f32 v27  }
0x1eb: {  	v59 =	vld [tilespmem:s20+$0x60];
	v27 =	vpop (erf)  }
0x1ec: {  	v28 =	vld [tilespmem:s16+$0x60];
	v61 =	vpop (erf);
	v27 =	vmul.f32 v27, v19  }
0x1ed: {  	v57 =	vld [tilespmem:s4+$0xA0];
	v62 =	vpop (erf);
	v41 =	vmul.f32 v61, v60  }
0x1ee: {  	s5 =	sor.u32 $0x420, s19;
	v30 =	vld [tilespmem:s4+$0xFFFFFFD0];
	v48 =	vpop (erf);
	[tilespmem:s4+$0xFFFFFF90] =	vst v27  }
0x1ef: {  	v56 =	vpop (erf);
	[tilespmem:s4+$0x10] =	vst v41;
	v53 =	vld [tilespmem:s5+$0x4000];
	s5 =	sor.u32 $0x420, s3  }
0x1f0: {  	v51 =	vpop (erf);
	v27 =	vmul.f32 v33, v59;
	v59 =	vld [tilespmem:s5+$0x4000];
	s5 =	sld [smem:$0x7EA]  }
0x1f1: {  	v29 =	vld [tilespmem:s4+$0x50];
	v28 =	vmul.f32 v32, v28;
	v46 =	vpop (erf)  }
0x1f2: {  	v21 =	vld [tilespmem:s4+$0xFFFFFFE0];
	v52 =	vpop (erf)  }
0x1f3: {  	v19 =	vld [tilespmem:s4+$0x60];
	[tilespmem:s28+$0x60] =	vst v28;
	v58 =	vpop (erf);
	s5 =	sor.u32 $0x470, s5  }
0x1f4: {  	v28 =	vmul.f32 v58, v63;
	v33 =	vld [tilespmem:s5+$0x4000];
	s5 =	sld [smem:$0x7EB]  }
0x1f5: {  	v60 =	vld [tilespmem:s14+$0xD0];
	[tilespmem:s28+$0xFFFFFF60] =	vst v27;
	v27 =	vsub.f32 v57, v38  }
0x1f6: {  	[tilespmem:s14+$0xFFFFFFC0] =	vst v28;
	v28 =	vld [tilespmem:s16+$0x70]  }
0x1f7: {  	v61 =	vadd.f32 $1.000000000e+00, v62;
	v62 =	vmul.f32 $1.442695020e+00, v27;
	v27 =	vld [tilespmem:s20+$0x70];
	s5 =	sor.u32 $0x470, s5  }
0x1f8: {  	v49 =	vld [tilespmem:s5+$0x4000];
	s5 =	sor.u32 $0x450, s15  }
0x1f9: {  	s24 =	sor.u32 $0x470, s24;
	v41 =	vld [tilespmem:s5+$0x4000];
	[dreg:$0x5] =	wrdreg s29  }
0x1fa: {  	v35 =	vsub.f32 v35, v39;
	v39 =	vld [tilespmem:s29+$0x40];
	s29 =	sor.u32 $0x470, s6;
	[dreg:$0x14] =	wrdreg s24;
	s6 =	sor.u32 $0x470, s22  }
0x1fb: {  	s16 =	sor.u32 $0x460, s15;
	[dreg:$0x13] =	wrdreg s6  }
0x1fc: {  	v55 =	vadd.f32 $1.000000000e+00, v56;
	s20 =	sor.u32 $0x470, s15;
	s22 =	sor.u32 $0x460, s10;
	v56 =	vld [tilespmem:s25+$0x60];
	[smem:$0x7EC] =	sst s16  }
0x1fd: {  	(erf) = vrcp.f32 v61;
	v63 =	vadd.f32 $1.000000000e+00, v48;
	s24 =	smov.u32 s30;
	s6 =	smov.u32 s23;
	[dreg:$0x11] =	wrdreg s20  }
0x1fe: {  	(erf) = vpow2.f32 v62;
	s16 =	sor.u32 $0x470, s26;
	v38 =	vld [tilespmem:s23+$0x60];
	[dreg:$0x1d] =	wrdreg s22;
	s23 =	sor.u32 $0x460, s26  }
0x1ff: {  	v35 =	vmul.f32 $1.442695020e+00, v35;
	v57 =	vsub.f32 v37, v53;
	(erf) = vrcp.f32 v63;
	v37 =	vld [tilespmem:s30+$0x60];
	s30 =	sor.u32 $0x450, s26;
	[dreg:$0x1f] =	wrdreg s23;
	s26 =	sor.u32 $0x430, s19  }
0x200: {  	v40 =	vsub.f32 v36, v59;
	s15 =	sor.u32 $0x440, s19;
	(erf) = vrcp.f32 v55;
	v36 =	vld [tilespmem:s0+$0x20];
	[smem:$0x7ED] =	sst s26  }
0x201: {  	(erf) = vpow2.f32 v35;
	s20 =	sor.u32 $0x450, s19;
	v35 =	vld [tilespmem:s18+$0x20];
	[smem:$0x7EE] =	sst s15  }
0x202: {  	s23 =	sor.u32 $0x460, s19;
	[dreg:$0x1b] =	wrdreg s20  }
0x203: {  	s26 =	sor.u32 $0x470, s19;
	[dreg:$0xd] =	wrdreg s23  }
0x204: {  	[dreg:$0x9] =	wrdreg s26;
	s15 =	sor.u32 $0x430, s3  }
0x205: {  	v31 =	vmul.f32 v31, v43;
	v58 =	vmul.f32 $1.442695020e+00, v40;
	s20 =	sor.u32 $0x440, s3;
	v40 =	vld [tilespmem:s1+$0x20];
	[smem:$0x7EF] =	sst s15  }
0x206: {  	v32 =	vsub.f32 v60, v45;
	[smem:$0x7F0] =	sst s20  }
0x207: {  	s23 =	sor.u32 $0x450, s3;
	[tilespmem:s28+$0xF0] =	vst v31  }
0x208: {  	v32 =	vmul.f32 $1.442695020e+00, v32;
	s26 =	sor.u32 $0x460, s3;
	[dreg:$0x17] =	wrdreg s23  }
0x209: {  	v34 =	vmul.f32 v34, v44;
	s19 =	smov.u32 s1;
	s1 =	simm.s32 $0x9100;
	[dreg:$0xb] =	wrdreg s26  }
0x20a: {  	(erf) = vpow2.f32 v32;
	v32 =	vld [tilespmem:s4+$0xFFFFFF70];
	[smem:$0x7F1] =	sst s1  }
0x20b: {  	v43 =	vmul.f32 $1.442695020e+00, v57;
	s15 =	sor.u32 $0x470, s3;
	s3 =	sor.u32 $0x430, s21;
	[tilespmem:s28+$0xFFFFFFF0] =	vst v34  }
0x20c: {  	s20 =	sor.u32 $0x440, s21;
	v31 =	vld [tilespmem:s4+$0xFFFFFFF0];
	[smem:$0x7F2] =	sst s3  }
0x20d: {  	p0 =	por !p0, !p0;
	v42 =	vmul.f32 v51, v42;
	v46 =	vadd.f32 $1.000000000e+00, v46;
	(erf) = vpow2.f32 v43;
	s23 =	sor.u32 $0x450, s21;
	[smem:$0x7F3] =	sst s20  }
0x20e: {  	s7 =	simm.s32 $0x9300;
	v59 =	vadd.f32 $1.000000000e+00, v52;
	v17 =	vsub.f32 v17, v33;
	v60 =	vpop (erf);
	(erf) = vpow2.f32 v58;
	s26 =	sor.u32 $0x460, s21;
	[dreg:$0x19] =	wrdreg s23  }
0x20f: {  	s5 =	sor.u32 $0x450, s10;
	s10 =	sor.u32 $0x470, s10;
	v15 =	vsub.f32 v15, v49;
	v61 =	vpop (erf);
	v62 =	vmul.f32 v60, v56;
	(erf) = vrcp.f32 v46;
	[dreg:$0xf] =	wrdreg s26  }
0x210: {  	v17 =	vmul.f32 $1.442695020e+00, v17;
	s22 =	smov.u32 s0;
	v63 =	vpop (erf);
	(erf) = vrcp.f32 v59;
	s28 =	smov.u32 s8;
	s26 =	sor.u32 $0x470, s21;
	[tilespmem:s7+$0xF0] =	vst v42;
	v33 =	vld [tilespmem:s4+$0x70]  }
0x211: {  	v44 =	vadd.f32 $1.000000000e+00, v61;
	v43 =	vmul.f32 v63, v54;
	v45 =	vpop (erf);
	s20 =	simm.s32 $0xC;
	s21 =	simm.s32 $0x8;
	s23 =	simm.s32 $0x9700;
	v34 =	vld [tilespmem:s8+$0x50];
	[tilespmem:s7+$0xFFFFFFE0] =	vst v62;
	v42 =	vmul.f32 $1.442695020e+00, v15  }
.LBB2_3:
0x212: {  	[smem:$0x7DD] =	sst s16  }
0x213: {  	[smem:$0x7DE] =	sst s26  }
0x214: {  	[smem:$0x7DA] =	sst s10  }
0x215: {  	[smem:$0x7E1] =	sst s6  }
0x216: {  	[smem:$0x7DB] =	sst s15  }
0x217: {  	[smem:$0x7E2] =	sst s24;
	s1 =	sand.u32 $0x3, s21  }
0x218: {  	s3 =	simm.s32 $0x1;
	s8 =	rddreg [dreg:$0x6];
	s31 =	sadd.s32 $0x400, s31  }
0x219: {  	s0 =	smov.u32 s18;
	s3 =	simm.s32 @!p0 $0x0;
	s8 =	sadd.s32 $0x4, s8  }
0x21a: {  	v48 =	vld [tilespmem:s29+$0x4000];
	s1 =	sshll.u32 s1, $0x8;
	[dreg:$0x6] =	wrdreg s8;
	s8 =	sand.u32 $0x7, s8  }
0x21b: {  	v63 =	vmul.f32 v45, v39;
	v39 =	vld [tilespmem:s25+$0x70];
	[tilespmem:s14+$0x40] =	vst v43;
	s3 =	sshll.u32 s3, $0x9;
	s1 =	sadd.s32 s31, s1;
	s8 =	sshll.u32 s8, $0x7  }
0x21c: {  	s29 =	sadd.s32 $0x100, s1;
	v47 =	vsub.f32 v14, v41;
	v14 =	vmov v30;
	v30 =	vld [tilespmem:s5+$0x4000];
	s25 =	sadd.s32 s31, s8;
	s5 =	sadd.s32 s3, s31  }
0x21d: {  	s10 =	sor.u32 $0x400, s29;
	s8 =	sor.u32 $0x420, s29;
	s18 =	sadd.s32 $0x80, s25  }
0x21e: {  	s15 =	sadd.s32 $0x180, s25;
	s25 =	sor.u32 $0x420, s5;
	[smem:$0x7D9] =	sst s8  }
0x21f: {  	v61 =	vld [tilespmem:s10+$0x4000];
	s10 =	sor.u32 $0x440, s5;
	[smem:$0x7D7] =	sst s25  }
0x220: {  	s16 =	sor.u32 $0x410, s18;
	[smem:$0x7D4] =	sst s10  }
0x221: {  	v46 =	vpop (erf);
	(erf) = vrcp.f32 v44;
	s10 =	sor.u32 $0x450, s18;
	[smem:$0x7CF] =	sst s16  }
0x222: {  	s4 =	sadd.s32 $0x200, s4;
	s26 =	sor.u32 $0x400, s15;
	[smem:$0x7E0] =	sst s10  }
0x223: {  	[tilespmem:s14+$0xFFFFFF40] =	vst v63;
	v46 =	vadd.f32 $1.000000000e+00, v46;
	(erf) = vpow2.f32 v17;
	s3 =	sor.u32 $0x400, s5;
	v58 =	vld [tilespmem:s26+$0x4000];
	s26 =	sor.u32 $0x420, s18;
	s10 =	rddreg [dreg:$0x19]  }
0x224: {  	v49 =	vld [tilespmem:s30+$0x4000];
	v51 =	vpop (erf);
	(erf) = vpow2.f32 v42;
	s1 =	sor.u32 $0x410, s5;
	v50 =	vmul.f32 $1.442695020e+00, v47;
	s16 =	sor.u32 $0x440, s18;
	[smem:$0x7D8] =	sst s26  }
0x225: {  	v53 =	vpop (erf);
	s30 =	sor.u32 $0x450, s5;
	(erf) = vrcp.f32 v46;
	[smem:$0x7D1] =	sst s16;
	s26 =	sor.u32 $0x440, s29  }
0x226: {  	v55 =	vld [tilespmem:s13+$0x20];
	v54 =	vadd.f32 $1.000000000e+00, v51;
	v56 =	vpop (erf);
	s6 =	sor.u32 $0x400, s18;
	(erf) = vpow2.f32 v50;
	s16 =	sor.u32 $0x460, s18;
	[smem:$0x7D3] =	sst s26  }
0x227: {  	v52 =	vld [tilespmem:s4+$0x80];
	v43 =	vadd.f32 $1.000000000e+00, v53;
	s25 =	smov.u32 s9;
	v46 =	vadd.f32 $1.000000000e+00, v56;
	v59 =	vpop (erf);
	[smem:$0x7D2] =	sst s16;
	s26 =	sor.u32 $0x460, s29  }
0x228: {  	s9 =	sor.u32 $0x430, s18;
	(erf) = vrcp.f32 v54;
	v60 =	vsub.f32 v13, v30;
	v30 =	vmul.f32 v59, v38;
	v13 =	vpop (erf);
	s16 =	sor.u32 $0x460, s5;
	[smem:$0x7D5] =	sst s26  }
0x229: {  	v62 =	vsub.f32 v12, v49;
	v12 =	vmovc v26;
	v26 =	vld [tilespmem:s3+$0x4000];
	s3 =	sor.u32 $0x430, s5;
	s5 =	sor.u32 $0x470, s5;
	(erf) = vrcp.f32 v43;
	v37 =	vmul.f32 v13, v37;
	[smem:$0x7D6] =	sst s16  }
0x22a: {  	v17 =	vmov v9;
	v13 =	vmov v29;
	s26 =	smov.u32 s7;
	s16 =	smov.u32 s11;
	[smem:$0x7DF] =	sst s5;
	(erf) = vrcp.f32 v46;
	[tilespmem:s7+$0x60] =	vst v30;
	v30 =	vld [tilespmem:s4+$0xFFFFFF00];
	v29 =	vpop (erf)  }
0x22b: {  	v57 =	vsub.f32 v5, v48;
	v5 =	vmovc v11;
	v48 =	vld [tilespmem:s17+$0x50];
	v43 =	vmul.f32 $1.442695020e+00, v60;
	[tilespmem:s7+$0xFFFFFF60] =	vst v37;
	s7 =	sor.u32 $0x430, s11;
	s11 =	sor.u32 $0x470, s18;
	s18 =	sor.u32 $0x470, s29;
	v44 =	vmul.f32 v29, v55  }
0x22c: {  	v11 =	vmov v31;
	v47 =	vld [tilespmem:s6+$0x4000];
	v31 =	vmul.f32 $1.442695020e+00, v62;
	v46 =	vsub.f32 v52, v58;
	v63 =	vpop (erf);
	[smem:$0x7DC] =	sst s18;
	s18 =	smov.u32 s10  }
0x22d: {  	v9 =	vmov v33;
	v33 =	vmul.f32 $1.442695020e+00, v57;
	v50 =	vld [tilespmem:s23+$0xB0];
	(erf) = vpow2.f32 v43;
	s10 =	smov.u32 s30;
	v49 =	vpop (erf);
	[smem:$0x7E3] =	sst s18;
	[tilespmem:s23+$0xA0] =	vst v44  }
0x22e: {  	s6 =	sor.u32 $0x450, s29;
	v37 =	vmul.f32 $1.442695020e+00, v46;
	[dreg:$0x19] =	wrdreg s10;
	v29 =	vpop (erf);
	(erf) = vpow2.f32 v31;
	v52 =	vld [tilespmem:s7+$0x4000]  }
0x22f: {  	v53 =	vld [tilespmem:s4+$0xFFFFFF80];
	s18 =	rddreg [dreg:$0x17];
	s10 =	smov.u32 s6;
	v26 =	vsub.f32 v30, v26;
	v54 =	vpop (erf);
	(erf) = vpow2.f32 v33  }
0x230: {  	v15 =	vmovc v10;
	v10 =	vmovc v32;
	v55 =	vld [tilespmem:s4+$0x0];
	v32 =	vadd.f32 $1.000000000e+00, v63;
	[dreg:$0x17] =	wrdreg s10;
	v51 =	vmul.f32 v29, v40;
	(erf) = vpow2.f32 v37  }
0x231: {  	s5 =	smov.u32 s18;
	s18 =	rddreg [dreg:$0x11];
	v56 =	vadd.f32 $1.000000000e+00, v54;
	v29 =	vpop (erf);
	v26 =	vmul.f32 $1.442695020e+00, v26  }
0x232: {  	s24 =	sor.u32 $0x410, s29;
	s8 =	sor.u32 $0x430, s29;
	v59 =	vld [tilespmem:s14+$0xE0];
	s7 =	rddreg [dreg:$0x9];
	[tilespmem:s23+$0xFFFFFF20] =	vst v51;
	v57 =	vpop (erf);
	v42 =	vmul.f32 v29, v48;
	(erf) = vrcp.f32 v32  }
0x233: {  	v31 =	vadd.f32 $1.000000000e+00, v49;
	s29 =	smov.u32 s18;
	s18 =	smov.u32 s11;
	s10 =	smov.u32 s7;
	v30 =	vld [tilespmem:s4+$0xFFFFFF10];
	v58 =	vpop (erf);
	(erf) = vrcp.f32 v56;
	v40 =	vsub.f32 v50, v52  }
0x234: {  	v60 =	vsub.f32 v53, v47;
	s11 =	sor.u32 $0x460, s25;
	[dreg:$0x11] =	wrdreg s10;
	s10 =	smov.u32 s13;
	v29 =	vld [tilespmem:s4+$0xFFFFFF90];
	[tilespmem:s14+$0xD0] =	vst v42;
	(erf) = vpow2.f32 v26  }
0x235: {  	s13 =	smov.u32 s22;
	s22 =	smov.u32 s19;
	v38 =	vsub.f32 v55, v61;
	s19 =	sld [smem:$0x7ED];
	v44 =	vmul.f32 v57, v36;
	v26 =	vld [tilespmem:s11+$0x4000];
	v61 =	vmul.f32 $1.442695020e+00, v40  }
0x236: {  	v41 =	vmul.f32 $1.442695020e+00, v60;
	v33 =	vld [tilespmem:s4+$0xFFFFFF20];
	v62 =	vpop (erf);
	(erf) = vrcp.f32 v31  }
0x237: {  	s7 =	rddreg [dreg:$0x5];
	v47 =	vmul.f32 $1.442695020e+00, v38;
	v56 =	vld [tilespmem:s4+$0xFFFFFF30];
	[tilespmem:s23+$0xFFFFFFA0] =	vst v44;
	v31 =	vpop (erf);
	(erf) = vpow2.f32 v61  }
0x238: {  	v63 =	vadd.f32 $1.000000000e+00, v62;
	v51 =	vld [tilespmem:s19+$0x4000];
	s19 =	sld [smem:$0x7F2];
	(erf) = vpow2.f32 v41;
	v49 =	vpop (erf)  }
0x239: {  	s30 =	smov.u32 s7;
	s7 =	smov.u32 s9;
	s9 =	sld [smem:$0x7EF];
	v36 =	vmul.f32 v58, v35;
	v35 =	vld [tilespmem:s4+$0x10];
	v48 =	vadd.f32 $1.000000000e+00, v31;
	(erf) = vpow2.f32 v47;
	v50 =	vpop (erf)  }
0x23a: {  	[smem:$0x7D0] =	sst s24;
	v32 =	vld [tilespmem:s4+$0xFFFFFFA0];
	v26 =	vsub.f32 v59, v26;
	v52 =	vadd.f32 $1.000000000e+00, v50;
	(erf) = vrcp.f32 v63  }
0x23b: {  	s12 =	sadd.s32 $0x200, s12;
	s24 =	sld [smem:$0x7F1];
	[tilespmem:s23+$0x20] =	vst v36;
	v55 =	vld [tilespmem:s19+$0x4000];
	v54 =	vpop (erf);
	(erf) = vrcp.f32 v48  }
0x23c: {  	[smem:$0x7ED] =	sst s7;
	s7 =	smov.u32 s3;
	s11 =	smov.u32 s8;
	v53 =	vld [tilespmem:s9+$0x4000];
	v26 =	vmul.f32 $1.442695020e+00, v26;
	v57 =	vpop (erf);
	(erf) = vrcp.f32 v52  }
0x23d: {  	s8 =	sand.u32 $0x3800, s31;
	[smem:$0x7EF] =	sst s11;
	v58 =	vld [tilespmem:s4+$0xFFFFFFB0];
	s19 =	sadd.s32 $0x180, s12;
	v37 =	vadd.f32 $1.000000000e+00, v49;
	v59 =	vpop (erf)  }
0x23e: {  	[smem:$0x7F2] =	sst s7;
	s11 =	sor.u32 $0x4000, s8;
	v60 =	vld [tilespmem:s4+$0x30];
	s7 =	sand.u32 $0x380, s19;
	(erf) = vpow2.f32 v26;
	v26 =	vadd.f32 $1.000000000e+00, v59  }
0x23f: {  	v31 =	vld [tilespmem:s4+$0x20];
	v25 =	vsub.f32 v25, v51;
	s3 =	sor.u32 s7, s11;
	v28 =	vmul.f32 v54, v28;
	v61 =	vpop (erf);
	(erf) = vrcp.f32 v37  }
0x240: {  	s8 =	sadd.s32 $0x100, s12;
	v48 =	vld [tilespmem:s3+$0x0];
	(erf) = vrcp.f32 v26;
	v26 =	vsub.f32 v23, v55;
	v23 =	vpop (erf)  }
0x241: {  	s8 =	sand.u32 $0x300, s8;
	v24 =	vsub.f32 v24, v53;
	v63 =	vmul.f32 $1.442695020e+00, v25;
	[tilespmem:s24+$0x70] =	vst v28;
	v28 =	vld [tilespmem:s13+$0x30];
	v49 =	vpop (erf)  }
0x242: {  	s9 =	sadd.s32 $0x80, s12;
	s8 =	sor.u32 s8, s11;
	v34 =	vmul.f32 v57, v34;
	v62 =	vmul.f32 v61, v27;
	v27 =	vld [tilespmem:s0+$0x30];
	v50 =	vadd.f32 $1.000000000e+00, v23;
	v52 =	vpop (erf)  }
0x243: {  	s6 =	sand.u32 $0x280, s9;
	v40 =	vld [tilespmem:s8+$0x0];
	v51 =	vadd.f32 $1.000000000e+00, v49;
	(erf) = vpow2.f32 v63;
	v38 =	vpop (erf)  }
0x244: {  	s9 =	sand.u32 $0x200, s12;
	s19 =	sor.u32 s6, s11;
	v42 =	vmul.f32 $1.442695020e+00, v24;
	[tilespmem:s14+$0xFFFFFFD0] =	vst v34;
	v41 =	vld [tilespmem:s4+$0x40];
	v59 =	vadd.f32 $1.000000000e+00, v52;
	(erf) = vrcp.f32 v50;
	v37 =	vpop (erf)  }
0x245: {  	[dreg:$0x9] =	wrdreg s18;
	s18 =	smov.u32 s28;
	s28 =	sor.u32 s9, s11;
	v36 =	vld [tilespmem:s19+$0x0];
	v24 =	vmov v60;
	[tilespmem:s24+$0xFFFFFF70] =	vst v62;
	v26 =	vmul.f32 $1.442695020e+00, v26;
	(erf) = vrcp.f32 v51;
	v60 =	vpop (erf)  }
0x246: {  	v53 =	vld [tilespmem:s28+$0x0];
	(erf) = vrcp.f32 v59;
	v61 =	vmul.f32 v60, v48  }
0x247: {  	v43 =	vld [tilespmem:s4+$0xFFFFFFC0];
	(erf) = vpow2.f32 v42;
	v62 =	vpop (erf)  }
0x248: {  	v63 =	vld [tilespmem:s4+$0x90];
	(erf) = vpow2.f32 v26;
	v26 =	vadd.f32 $1.000000000e+00, v62;
	[tilespmem:s4+$0x80] =	vst v61  }
0x249: {  	s24 =	smov.u32 s26;
	s26 =	sor.u32 $0x410, s15;
	v54 =	vpop (erf);
	v55 =	vld [tilespmem:s10+$0x30]  }
0x24a: {  	v25 =	vmov v58;
	v58 =	vpop (erf);
	v57 =	vld [tilespmem:s26+$0x4000];
	(erf) = vrcp.f32 v26  }
0x24b: {  	v45 =	vld [tilespmem:s22+$0x30];
	v26 =	vmul.f32 v58, v53  }
0x24c: {  	v34 =	vld [tilespmem:s4+$0xFFFFFF40];
	v59 =	vpop (erf)  }
0x24d: {  	v23 =	vmov v56;
	v56 =	vmul.f32 v54, v39;
	v62 =	vld [tilespmem:s17+$0x60];
	[tilespmem:s4+$0xFFFFFF00] =	vst v26;
	v39 =	vadd.f32 $1.000000000e+00, v59;
	v60 =	vpop (erf)  }
0x24e: {  	v48 =	vld [tilespmem:s1+$0x4000];
	v49 =	vpop (erf);
	v51 =	vmul.f32 v60, v55  }
0x24f: {  	s9 =	sld [smem:$0x7CF];
	s7 =	smov.u32 s14;
	s14 =	smov.u32 s23;
	[tilespmem:s24+$0xFFFFFFF0] =	vst v56;
	v26 =	vld [tilespmem:s4+$0xFFFFFF50];
	v36 =	vmul.f32 v49, v36;
	v42 =	vsub.f32 v63, v57;
	v61 =	vpop (erf);
	(erf) = vrcp.f32 v39  }
0x250: {  	s11 =	sld [smem:$0x7D0];
	s1 =	sor.u32 $0x440, s16;
	v63 =	vld [tilespmem:s14+$0xC0];
	v40 =	vmul.f32 v61, v40;
	[tilespmem:s14+$0xB0] =	vst v51  }
0x251: {  	v52 =	vpop (erf);
	[tilespmem:s4+$0xFFFFFF80] =	vst v36;
	v50 =	vmul.f32 $1.442695020e+00, v42;
	v54 =	vld [tilespmem:s1+$0x4000]  }
0x252: {  	[dreg:$0x5] =	wrdreg s22;
	v53 =	vadd.f32 $1.000000000e+00, v52;
	v55 =	vpop (erf);
	v56 =	vld [tilespmem:s9+$0x4000];
	[tilespmem:s4+$0x0] =	vst v40  }
0x253: {  	s6 =	sld [smem:$0x7F3];
	v47 =	vadd.f32 $1.000000000e+00, v55;
	v30 =	vsub.f32 v30, v48;
	v57 =	vld [tilespmem:s11+$0x4000];
	(erf) = vpow2.f32 v50;
	v58 =	vpop (erf)  }
0x254: {  	[smem:$0x7F1] =	sst s24;
	v46 =	vld [tilespmem:s28+$0x10];
	(erf) = vrcp.f32 v53;
	v39 =	vmul.f32 v58, v62  }
0x255: {  	v60 =	vld [tilespmem:s7+$0xF0];
	s1 =	sld [smem:$0x7D1];
	v30 =	vmul.f32 $1.442695020e+00, v30;
	(erf) = vrcp.f32 v47  }
0x256: {  	s26 =	sld [smem:$0x7EE];
	s24 =	sor.u32 $0x470, s25;
	v40 =	vld [tilespmem:s19+$0x10];
	[tilespmem:s7+$0xE0] =	vst v39;
	v59 =	vsub.f32 v63, v54  }
0x257: {  	s9 =	smov.u32 s16;
	s16 =	sld [smem:$0x7EC];
	(erf) = vpow2.f32 v30;
	v29 =	vsub.f32 v29, v56;
	v61 =	vld [tilespmem:s24+$0x4000]  }
0x258: {  	v36 =	vld [tilespmem:s8+$0x10];
	s11 =	smov.u32 s15;
	s15 =	smov.u32 s1;
	s1 =	sld [smem:$0x7D2];
	v35 =	vsub.f32 v35, v57;
	v62 =	vpop (erf);
	v42 =	vmul.f32 $1.442695020e+00, v59  }
0x259: {  	v52 =	vld [tilespmem:s2+$0x50];
	[smem:$0x7EE] =	sst s15;
	v63 =	vmul.f32 $1.442695020e+00, v29;
	v47 =	vmul.f32 v62, v28  }
0x25a: {  	v30 =	vld [tilespmem:s4+$0xFFFFFFD0];
	s24 =	rddreg [dreg:$0xd];
	v35 =	vmul.f32 $1.442695020e+00, v35;
	(erf) = vpow2.f32 v42  }
0x25b: {  	v57 =	vld [tilespmem:s30+$0x50];
	s15 =	smov.u32 s1;
	s1 =	sld [smem:$0x7DD];
	[tilespmem:s14+$0xFFFFFFB0] =	vst v47;
	(erf) = vpow2.f32 v63  }
0x25c: {  	[dreg:$0xd] =	wrdreg s15;
	v28 =	vpop (erf);
	v53 =	vld [tilespmem:s26+$0x4000];
	v39 =	vsub.f32 v60, v61;
	(erf) = vpow2.f32 v35  }
0x25d: {  	v59 =	vld [tilespmem:s16+$0x4000];
	s16 =	sld [smem:$0x7F0];
	v54 =	vadd.f32 $1.000000000e+00, v28;
	v55 =	vpop (erf)  }
0x25e: {  	v29 =	vld [tilespmem:s4+$0x50];
	s26 =	smov.u32 s24;
	s24 =	sld [smem:$0x7D3];
	v27 =	vmul.f32 v55, v27;
	v56 =	vpop (erf);
	v39 =	vmul.f32 $1.442695020e+00, v39  }
0x25f: {  	s15 =	sld [smem:$0x7D4];
	v47 =	vld [tilespmem:s4+$0xFFFFFF60];
	(erf) = vrcp.f32 v54;
	v58 =	vmul.f32 v56, v45  }
0x260: {  	v28 =	vld [tilespmem:s13+$0x40];
	[smem:$0x7EC] =	sst s26;
	v60 =	vpop (erf);
	[tilespmem:s14+$0x30] =	vst v27;
	(erf) = vpow2.f32 v39  }
0x261: {  	s26 =	smov.u32 s24;
	s24 =	rddreg [dreg:$0xb];
	v61 =	vadd.f32 $1.000000000e+00, v60;
	[tilespmem:s14+$0xFFFFFF30] =	vst v58;
	v35 =	vsub.f32 v22, v53;
	v62 =	vld [tilespmem:s16+$0x4000]  }
0x262: {  	v37 =	vmul.f32 v37, v57;
	v27 =	vmul.f32 v38, v52;
	[smem:$0x7F0] =	sst s26;
	v63 =	vld [tilespmem:s6+$0x4000]  }
0x263: {  	v54 =	vld [tilespmem:s3+$0x10];
	s26 =	smov.u32 s24;
	s24 =	rddreg [dreg:$0xf];
	(erf) = vrcp.f32 v61;
	v35 =	vmul.f32 $1.442695020e+00, v35;
	v52 =	vpop (erf)  }
0x264: {  	s16 =	smov.u32 s15;
	v45 =	vsub.f32 v8, v59;
	v8 =	vmov v21;
	s15 =	sld [smem:$0x7D5];
	v21 =	vld [tilespmem:s4+$0xFFFFFFE0];
	v53 =	vpop (erf);
	v38 =	vadd.f32 $1.000000000e+00, v52  }
0x265: {  	[tilespmem:s7+$0x50] =	vst v27;
	v39 =	vld [tilespmem:s22+$0x40];
	s22 =	rddreg [dreg:$0x1d];
	v44 =	vadd.f32 $1.000000000e+00, v53;
	v55 =	vpop (erf);
	(erf) = vpow2.f32 v35  }
0x266: {  	[tilespmem:s7+$0xFFFFFF50] =	vst v37;
	v57 =	vld [tilespmem:s22+$0x4000];
	s22 =	rddreg [dreg:$0x1f];
	v42 =	vsub.f32 v20, v62;
	v56 =	vadd.f32 $1.000000000e+00, v55;
	(erf) = vrcp.f32 v38  }
0x267: {  	[smem:$0x7F3] =	sst s16;
	v60 =	vmul.f32 $1.442695020e+00, v45;
	v59 =	vld [tilespmem:s22+$0x4000];
	v58 =	vsub.f32 v18, v63;
	(erf) = vrcp.f32 v44  }
0x268: {  	s6 =	smov.u32 s13;
	[dreg:$0x1d] =	wrdreg s26;
	v27 =	vld [tilespmem:s0+$0x40];
	v61 =	vpop (erf);
	v62 =	vmul.f32 $1.442695020e+00, v42;
	(erf) = vrcp.f32 v56  }
0x269: {  	s26 =	smov.u32 s24;
	s13 =	smov.u32 s3;
	s3 =	sld [smem:$0x7D9];
	v53 =	vld [tilespmem:s10+$0x40];
	v38 =	vmul.f32 $1.442695020e+00, v58;
	v51 =	vpop (erf);
	(erf) = vpow2.f32 v60  }
0x26a: {  	[dreg:$0x1f] =	wrdreg s26;
	v18 =	vmovc v34;
	v63 =	vld [tilespmem:s4+$0x60];
	v34 =	vmul.f32 v61, v54;
	v52 =	vadd.f32 $1.000000000e+00, v51;
	(erf) = vpow2.f32 v62  }
0x26b: {  	s16 =	smov.u32 s15;
	s15 =	sld [smem:$0x7D6];
	v44 =	vld [tilespmem:s18+$0x60];
	v54 =	vsub.f32 v7, v57;
	(erf) = vpow2.f32 v38  }
0x26c: {  	s25 =	smov.u32 s18;
	s22 =	sld [smem:$0x7D7];
	s18 =	sor.u32 $0x420, s11;
	v7 =	vmov v19;
	v55 =	vsub.f32 v6, v59;
	[tilespmem:s4+$0x90] =	vst v34;
	v34 =	vld [tilespmem:s4+$0xA0];
	v19 =	vpop (erf);
	(erf) = vrcp.f32 v52  }
0x26d: {  	[dreg:$0xb] =	wrdreg s16;
	v58 =	vmul.f32 $1.442695020e+00, v54;
	v56 =	vmul.f32 v19, v46;
	v57 =	vld [tilespmem:s18+$0x4000]  }
0x26e: {  	s16 =	smov.u32 s15;
	s15 =	sld [smem:$0x7DA];
	v60 =	vmul.f32 $1.442695020e+00, v55;
	v38 =	vld [tilespmem:s2+$0x60];
	v59 =	vpop (erf)  }
0x26f: {  	s26 =	sld [smem:$0x7D8];
	v55 =	vld [tilespmem:s17+$0x70];
	[tilespmem:s4+$0xFFFFFF10] =	vst v56;
	v61 =	vadd.f32 $1.000000000e+00, v59;
	v62 =	vpop (erf);
	(erf) = vpow2.f32 v58  }
0x270: {  	[dreg:$0xf] =	wrdreg s16;
	v19 =	vmov v63;
	v45 =	vld [tilespmem:s22+$0x4000];
	v63 =	vpop (erf);
	v52 =	vmul.f32 v62, v53;
	(erf) = vpow2.f32 v60  }
0x271: {  	s16 =	smov.u32 s15;
	s17 =	smov.u32 s10;
	s10 =	rddreg [dreg:$0x14];
	v37 =	vld [tilespmem:s30+$0x60];
	v53 =	vmul.f32 v63, v40;
	v54 =	vpop (erf);
	(erf) = vrcp.f32 v61  }
0x272: {  	s24 =	sor.u32 $0x450, s9;
	[dreg:$0x14] =	wrdreg s16;
	v34 =	vsub.f32 v34, v57;
	v57 =	vld [tilespmem:s14+$0xD0];
	v56 =	vmul.f32 v54, v36;
	[tilespmem:s14+$0xC0] =	vst v52;
	v58 =	vpop (erf)  }
0x273: {  	s18 =	sld [smem:$0x7DB];
	[tilespmem:s4+$0xFFFFFF90] =	vst v53;
	v59 =	vld [tilespmem:s24+$0x4000];
	v60 =	vpop (erf);
	v61 =	vadd.f32 $1.000000000e+00, v58  }
0x274: {  	v34 =	vmul.f32 $1.442695020e+00, v34;
	s24 =	sld [smem:$0x7DC];
	v46 =	vld [tilespmem:s26+$0x4000];
	[tilespmem:s4+$0x10] =	vst v56;
	v62 =	vpop (erf)  }
0x275: {  	v33 =	vsub.f32 v33, v45;
	v40 =	vadd.f32 $1.000000000e+00, v60;
	s26 =	rddreg [dreg:$0x13];
	v63 =	vld [tilespmem:s3+$0x4000];
	(erf) = vrcp.f32 v61;
	v50 =	vpop (erf)  }
0x276: {  	s16 =	smov.u32 s1;
	v49 =	vadd.f32 $1.000000000e+00, v62;
	(erf) = vpow2.f32 v34;
	v42 =	vmul.f32 v50, v55;
	v55 =	vld [tilespmem:s10+$0x4000];
	s10 =	smov.u32 s18;
	s18 =	sld [smem:$0x7DE]  }
0x277: {  	v20 =	vmov v41;
	v36 =	vld [tilespmem:s19+$0x20];
	[dreg:$0x13] =	wrdreg s16;
	(erf) = vrcp.f32 v40  }
0x278: {  	v33 =	vmul.f32 $1.442695020e+00, v33;
	v35 =	vld [tilespmem:s8+$0x20];
	s15 =	smov.u32 s24;
	s24 =	sld [smem:$0x7DF];
	v41 =	vsub.f32 v57, v59;
	(erf) = vrcp.f32 v49;
	v51 =	vpop (erf)  }
0x279: {  	v58 =	vld [tilespmem:s26+$0x4000];
	v52 =	vsub.f32 v32, v46;
	v54 =	vpop (erf);
	s16 =	smov.u32 s18;
	s18 =	sld [smem:$0x7E0]  }
0x27a: {  	s20 =	sadd.s32 $0x4, s20;
	v40 =	vld [tilespmem:s28+$0x20];
	(erf) = vpow2.f32 v33;
	v56 =	vsub.f32 v31, v63;
	v41 =	vmul.f32 $1.442695020e+00, v41;
	v31 =	vpop (erf)  }
0x27b: {  	p1 =	slt.u32 s20, $0x24;
	s3 =	rddreg [dreg:$0x1b];
	[tilespmem:s7+$0xF0] =	vst v42;
	v32 =	vld [tilespmem:s4+$0xFFFFFF70];
	v42 =	vmul.f32 $1.442695020e+00, v52;
	v59 =	vmul.f32 v31, v28  }
0x27c: {  	v22 =	vmov v43;
	s26 =	smov.u32 s24;
	v33 =	vld [tilespmem:s4+$0x70];
	v60 =	vmul.f32 $1.442695020e+00, v56;
	(erf) = vpow2.f32 v41;
	s24 =	smov.u32 s18;
	s18 =	sld [smem:$0x7E1]  }
.Ltmp0:
0x27d: {  	v6 =	vmovc v16;
	v16 =	vmovc v47;
	v53 =	vadd.f32 $1.000000000e+00, v51;
	v57 =	vadd.f32 $1.000000000e+00, v54;
	v31 =	vld [tilespmem:s4+$0xFFFFFFF0];
	(erf) = vpow2.f32 v42;
	[tilespmem:s14+$0xFFFFFFC0] =	vst v59;
	[dreg:$0x1b] =	wrdreg s24;
	(pc) =	sbr.rel @p1 .LBB2_3-.Ltmp0, $4  }
0x27e: {  	s21 =	sadd.s32 $0x2, s21;
	p0 =	por !p0, !p0;
	v46 =	vsub.f32 v4, v58;
	v61 =	vsub.f32 v3, v55;
	s24 =	sld [smem:$0x7E2];
	(erf) = vpow2.f32 v60;
	v41 =	vld [tilespmem:s3+$0x4000];
	v28 =	vpop (erf)  }
0x27f: {  	s23 =	smov.u32 s4;
	s22 =	smov.u32 s19;
	s19 =	smov.u32 s28;
	v3 =	vmov v17;
	v34 =	vld [tilespmem:s6+$0x50];
	v17 =	vpop (erf);
	v62 =	vmul.f32 v28, v44;
	(erf) = vrcp.f32 v53  }
0x280: {  	s28 =	smov.u32 s6;
	v4 =	vmov v15;
	v42 =	vmul.f32 $1.442695020e+00, v46;
	s6 =	smov.u32 s2;
	s2 =	smov.u32 s0;
	v28 =	vld [tilespmem:s18+$0x70];
	v63 =	vpop (erf);
	(erf) = vrcp.f32 v57  }
0x281: {  	s18 =	smov.u32 s8;
	v44 =	vadd.f32 $1.000000000e+00, v17;
	v17 =	vmul.f32 $1.442695020e+00, v61;
	v43 =	vmul.f32 v63, v27;
	v45 =	vpop (erf);
	[tilespmem:s7+$0xFFFFFFE0] =	vst v62;
	v27 =	vld [tilespmem:s24+$0x70];
	s24 =	smov.u32 s30;
	s30 =	sld [smem:$0x7E3]  }
0x282: {  	_ = 	snop  }
0x283: {  	v15 =	vpop (erf)  }
0x284: {  	(erf) = vrcp.f32 v44;
	[tilespmem:s14+$0x40] =	vst v43;
	v15 =	vadd.f32 $1.000000000e+00, v15  }
0x285: {  	v14 =	vsub.f32 v14, v41;
	(erf) = vpow2.f32 v17;
	v17 =	vld [tilespmem:s5+$0x4000];
	_ =	sdelay $0x1  }
0x286: {  	(erf) = vpow2.f32 v42;
	v14 =	vmul.f32 $1.442695020e+00, v14;
	v44 =	vpop (erf)  }
0x287: {  	v39 =	vmul.f32 v45, v39;
	(erf) = vrcp.f32 v15;
	v41 =	vadd.f32 $1.000000000e+00, v44;
	v15 =	vpop (erf)  }
0x288: {  	v15 =	vadd.f32 $1.000000000e+00, v15;
	v47 =	vpop (erf);
	(erf) = vpow2.f32 v14  }
0x289: {  	v46 =	vld [tilespmem:s13+$0x20];
	[tilespmem:s14+$0xFFFFFF40] =	vst v39;
	v13 =	vsub.f32 v13, v17;
	v14 =	vadd.f32 $1.000000000e+00, v47;
	(erf) = vrcp.f32 v41  }
0x28a: {  	v48 =	vpop (erf);
	(erf) = vrcp.f32 v15;
	v15 =	vld [tilespmem:s30+$0x4000]  }
0x28b: {  	v17 =	vpop (erf);
	v13 =	vmul.f32 $1.442695020e+00, v13;
	(erf) = vrcp.f32 v14;
	v14 =	vld [tilespmem:s29+$0x4000];
	_ =	sdelay $0x1  }
0x28c: {  	v49 =	vpop (erf)  }
0x28d: {  	v50 =	vpop (erf)  }
0x28e: {  	v51 =	vld [tilespmem:s17+$0x50];
	v41 =	vmul.f32 v49, v46;
	(erf) = vpow2.f32 v13;
	v13 =	vpop (erf)  }
0x28f: {  	v12 =	vsub.f32 v12, v15;
	v15 =	vpop (erf);
	v5 =	vsub.f32 v5, v14  }
0x290: {  	s1 =	sor.u32 $0x430, s11;
	v38 =	vmul.f32 v48, v38;
	[tilespmem:s23+$0xA0] =	vst v41;
	v15 =	vmul.f32 v15, v40  }
0x291: {  	v41 =	vld [tilespmem:s1+$0x4000];
	v14 =	vmul.f32 v17, v37;
	v52 =	vpop (erf)  }
0x292: {  	[tilespmem:s7+$0x60] =	vst v38;
	v17 =	vld [tilespmem:s23+$0xB0];
	v12 =	vmul.f32 $1.442695020e+00, v12;
	v53 =	vpop (erf)  }
0x293: {  	v54 =	vmul.f32 $1.442695020e+00, v5;
	[tilespmem:s7+$0xFFFFFF60] =	vst v14;
	v14 =	vmul.f32 v53, v51;
	v5 =	vpop (erf)  }
0x294: {  	[tilespmem:s23+$0xFFFFFF20] =	vst v15;
	(erf) = vpow2.f32 v12;
	v12 =	vmul.f32 v5, v36;
	v15 =	vpop (erf)  }
0x295: {  	[tilespmem:s14+$0xD0] =	vst v14;
	v15 =	vmul.f32 v15, v35  }
0x296: {  	v55 =	vadd.f32 $1.000000000e+00, v50;
	[tilespmem:s23+$0xFFFFFFA0] =	vst v12  }
0x297: {  	s3 =	sor.u32 $0x460, s9;
	v56 =	vadd.f32 $1.000000000e+00, v52;
	(erf) = vpow2.f32 v54;
	v17 =	vsub.f32 v17, v41;
	[tilespmem:s23+$0x20] =	vst v15  }
0x298: {  	(erf) = vrcp.f32 v55;
	v14 =	vld [tilespmem:s3+$0x4000];
	v12 =	vadd.f32 $1.000000000e+00, v13;
	s4 =	sld [smem:$0x7ED]  }
0x299: {  	(erf) = vrcp.f32 v56;
	v13 =	vld [tilespmem:s14+$0xE0];
	v15 =	vmul.f32 $1.442695020e+00, v17  }
0x29a: {  	(erf) = vrcp.f32 v12  }
0x29b: {  	v17 =	vpop (erf);
	(erf) = vpow2.f32 v15;
	v15 =	vld [tilespmem:s4+$0x4000];
	_ =	sdelay $0x2  }
0x29c: {  	v17 =	vadd.f32 $1.000000000e+00, v17;
	v12 =	vpop (erf);
	v13 =	vsub.f32 v13, v14  }
0x29d: {  	v14 =	vadd.f32 $1.000000000e+00, v12  }
0x29e: {  	s5 =	sld [smem:$0x7EF];
	(erf) = vrcp.f32 v17;
	v57 =	vpop (erf);
	v17 =	vmul.f32 $1.442695020e+00, v13;
	v15 =	vsub.f32 v25, v15  }
0x29f: {  	s8 =	sld [smem:$0x7F2];
	(erf) = vrcp.f32 v14;
	v25 =	vadd.f32 $1.000000000e+00, v57  }
0x2a0: {  	v12 =	vpop (erf);
	(erf) = vpow2.f32 v17;
	v14 =	vmul.f32 $1.442695020e+00, v15  }
0x2a1: {  	v36 =	vpop (erf);
	v17 =	vld [tilespmem:s5+$0x4000];
	(erf) = vrcp.f32 v25  }
0x2a2: {  	v13 =	vpop (erf);
	(erf) = vpow2.f32 v14;
	v14 =	vld [tilespmem:s8+$0x4000]  }
0x2a3: {  	v15 =	vpop (erf)  }
0x2a4: {  	v15 =	vadd.f32 $1.000000000e+00, v15;
	_ =	sdelay $0x1  }
0x2a5: {  	(erf) = vrcp.f32 v15  }
0x2a6: {  	v15 =	vsub.f32 v24, v17;
	v14 =	vsub.f32 v23, v14  }
0x2a7: {  	v17 =	vpop (erf)  }
0x2a8: {  	v23 =	vpop (erf);
	v15 =	vmul.f32 $1.442695020e+00, v15  }
0x2a9: {  	v25 =	vpop (erf);
	v58 =	vmul.f32 $1.442695020e+00, v14  }
0x2aa: {  	v24 =	vld [tilespmem:s13+$0x30];
	(erf) = vpow2.f32 v15;
	v15 =	vadd.f32 $1.000000000e+00, v25;
	v14 =	vpop (erf)  }
0x2ab: {  	(erf) = vpow2.f32 v58;
	v25 =	vpop (erf)  }
0x2ac: {  	(erf) = vrcp.f32 v15;
	v15 =	vadd.f32 $1.000000000e+00, v25;
	_ =	sdelay $0x1  }
0x2ad: {  	v59 =	vpop (erf);
	(erf) = vrcp.f32 v15  }
0x2ae: {  	v24 =	vmul.f32 v59, v24  }
0x2af: {  	v25 =	vld [tilespmem:s23+$0xC0]  }
0x2b0: {  	s12 =	sor.u32 $0x440, s11;
	[tilespmem:s23+$0xB0] =	vst v24;
	v24 =	vld [tilespmem:s17+$0x60]  }
0x2b1: {  	v15 =	vld [tilespmem:s12+$0x4000]  }
0x2b2: {  	v60 =	vld [tilespmem:s22+$0x30];
	v61 =	vpop (erf)  }
0x2b3: {  	v62 =	vpop (erf)  }
0x2b4: {  	v63 =	vpop (erf)  }
0x2b5: {  	v37 =	vadd.f32 $1.000000000e+00, v61;
	v24 =	vmul.f32 v63, v24  }
0x2b6: {  	v38 =	vadd.f32 $1.000000000e+00, v62;
	v15 =	vsub.f32 v25, v15;
	v25 =	vpop (erf)  }
0x2b7: {  	(erf) = vrcp.f32 v37;
	[tilespmem:s14+$0xE0] =	vst v24;
	v24 =	vmul.f32 v25, v60  }
0x2b8: {  	(erf) = vrcp.f32 v38  }
0x2b9: {  	v42 =	vld [tilespmem:s14+$0xF0];
	[tilespmem:s23+$0xFFFFFFB0] =	vst v24  }
0x2ba: {  	s20 =	sor.u32 $0x470, s9;
	v43 =	vld [tilespmem:s19+$0x30];
	s21 =	sld [smem:$0x7EE]  }
0x2bb: {  	v15 =	vmul.f32 $1.442695020e+00, v15;
	v25 =	vld [tilespmem:s20+$0x4000]  }
0x2bc: {  	v24 =	vld [tilespmem:s18+$0x30]  }
0x2bd: {  	v34 =	vmul.f32 v36, v34;
	(erf) = vpow2.f32 v15;
	v15 =	vld [tilespmem:s21+$0x4000];
	_ =	sdelay $0x1  }
0x2be: {  	s3 =	rddreg [dreg:$0x5];
	[tilespmem:s14+$0xFFFFFFD0] =	vst v34  }
0x2bf: {  	v5 =	vld [tilespmem:s25+$0x70];
	s25 =	sld [smem:$0x7EC];
	v45 =	vpop (erf)  }
0x2c0: {  	v44 =	vld [tilespmem:s2+$0x50];
	v25 =	vsub.f32 v42, v25;
	v24 =	vmul.f32 v45, v24;
	v47 =	vpop (erf)  }
0x2c1: {  	v46 =	vld [tilespmem:s3+$0x50];
	v15 =	vsub.f32 v22, v15;
	v22 =	vmul.f32 v47, v43  }
0x2c2: {  	v25 =	vmul.f32 $1.442695020e+00, v25;
	v34 =	vld [tilespmem:s25+$0x4000];
	[tilespmem:s23+$0x30] =	vst v24  }
0x2c3: {  	s0 =	sld [smem:$0x7F0];
	[tilespmem:s23+$0xFFFFFF30] =	vst v22  }
0x2c4: {  	(erf) = vpow2.f32 v25;
	s4 =	sld [smem:$0x7F3]  }
0x2c5: {  	v17 =	vmul.f32 v17, v44;
	v15 =	vmul.f32 $1.442695020e+00, v15  }
0x2c6: {  	v23 =	vmul.f32 v23, v46;
	v24 =	vpop (erf);
	v25 =	vld [tilespmem:s0+$0x4000]  }
0x2c7: {  	v8 =	vsub.f32 v8, v34;
	v22 =	vadd.f32 $1.000000000e+00, v24;
	(erf) = vpow2.f32 v15;
	v24 =	vld [tilespmem:s4+$0x4000];
	[tilespmem:s14+$0x50] =	vst v17  }
0x2c8: {  	s5 =	rddreg [dreg:$0x1d];
	[tilespmem:s14+$0xFFFFFF50] =	vst v23  }
0x2c9: {  	v8 =	vmul.f32 $1.442695020e+00, v8;
	(erf) = vrcp.f32 v22;
	v15 =	vld [tilespmem:s5+$0x4000];
	s8 =	rddreg [dreg:$0x1f]  }
0x2ca: {  	v17 =	vld [tilespmem:s8+$0x4000]  }
0x2cb: {  	v20 =	vsub.f32 v20, v25  }
0x2cc: {  	v18 =	vsub.f32 v18, v24  }
0x2cd: {  	(erf) = vpow2.f32 v8;
	v8 =	vpop (erf);
	v20 =	vmul.f32 $1.442695020e+00, v20  }
0x2ce: {  	v22 =	vld [tilespmem:s13+$0x40];
	v8 =	vadd.f32 $1.000000000e+00, v8;
	v18 =	vmul.f32 $1.442695020e+00, v18;
	v7 =	vsub.f32 v7, v15  }
0x2cf: {  	(erf) = vpow2.f32 v20;
	v6 =	vsub.f32 v6, v17  }
0x2d0: {  	(erf) = vpow2.f32 v18;
	v7 =	vmul.f32 $1.442695020e+00, v7  }
0x2d1: {  	v15 =	vpop (erf);
	(erf) = vrcp.f32 v8;
	v6 =	vmul.f32 $1.442695020e+00, v6  }
0x2d2: {  	v15 =	vadd.f32 $1.000000000e+00, v15;
	v8 =	vpop (erf);
	(erf) = vpow2.f32 v7  }
0x2d3: {  	v7 =	vmul.f32 v8, v22;
	(erf) = vpow2.f32 v6  }
0x2d4: {  	(erf) = vrcp.f32 v15  }
0x2d5: {  	s9 =	sor.u32 $0x450, s11;
	v8 =	vld [tilespmem:s23+$0xD0];
	[tilespmem:s23+$0xC0] =	vst v7  }
0x2d6: {  	v7 =	vld [tilespmem:s9+$0x4000]  }
0x2d7: {  	v6 =	vpop (erf)  }
0x2d8: {  	v15 =	vpop (erf);
	v20 =	vadd.f32 $1.000000000e+00, v6  }
0x2d9: {  	v17 =	vld [tilespmem:s22+$0x40];
	v15 =	vadd.f32 $1.000000000e+00, v15;
	v18 =	vpop (erf)  }
0x2da: {  	v6 =	vpop (erf)  }
0x2db: {  	v7 =	vsub.f32 v8, v7;
	v8 =	vpop (erf)  }
0x2dc: {  	(erf) = vrcp.f32 v20;
	v20 =	vpop (erf)  }
0x2dd: {  	(erf) = vrcp.f32 v15;
	v18 =	vadd.f32 $1.000000000e+00, v18;
	v15 =	vpop (erf)  }
0x2de: {  	v15 =	vmul.f32 v15, v17  }
0x2df: {  	s12 =	rddreg [dreg:$0x14];
	v7 =	vmul.f32 $1.442695020e+00, v7;
	(erf) = vrcp.f32 v18  }
0x2e0: {  	s20 =	rddreg [dreg:$0x13];
	v17 =	vld [tilespmem:s12+$0x4000];
	[tilespmem:s23+$0xFFFFFFC0] =	vst v15  }
0x2e1: {  	(erf) = vpow2.f32 v7;
	v7 =	vld [tilespmem:s20+$0x4000];
	s21 =	rddreg [dreg:$0x1b]  }
0x2e2: {  	v15 =	vld [tilespmem:s21+$0x4000]  }
0x2e3: {  	v18 =	vld [tilespmem:s18+$0x40]  }
0x2e4: {  	v22 =	vld [tilespmem:s19+$0x40]  }
0x2e5: {  	v8 =	vadd.f32 $1.000000000e+00, v8  }
0x2e6: {  	v3 =	vsub.f32 v3, v17;
	v17 =	vpop (erf)  }
0x2e7: {  	(erf) = vrcp.f32 v8;
	v4 =	vsub.f32 v4, v7;
	v7 =	vpop (erf);
	v8 =	vsub.f32 v30, v15  }
0x2e8: {  	v20 =	vadd.f32 $1.000000000e+00, v20;
	v7 =	vmul.f32 v7, v18;
	v15 =	vpop (erf)  }
0x2e9: {  	v3 =	vmul.f32 $1.442695020e+00, v3;
	v15 =	vmul.f32 v15, v22  }
0x2ea: {  	(erf) = vrcp.f32 v20;
	v4 =	vmul.f32 $1.442695020e+00, v4;
	[tilespmem:s23+$0x40] =	vst v7  }
0x2eb: {  	(erf) = vpow2.f32 v3;
	v3 =	vmul.f32 $1.442695020e+00, v8;
	[tilespmem:s23+$0xFFFFFF40] =	vst v15;
	v8 =	vpop (erf)  }
0x2ec: {  	(erf) = vpow2.f32 v4;
	s25 =	rddreg [dreg:$0x17];
	v4 =	vadd.f32 $1.000000000e+00, v8;
	v8 =	vld [tilespmem:s28+$0x60]  }
0x2ed: {  	(erf) = vpow2.f32 v3;
	v3 =	vld [tilespmem:s25+$0x4000]  }
0x2ee: {  	s0 =	rddreg [dreg:$0x19]  }
0x2ef: {  	(erf) = vrcp.f32 v4;
	v4 =	vld [tilespmem:s0+$0x4000];
	_ =	sdelay $0x2  }
0x2f0: {  	v8 =	vmul.f32 v17, v8;
	v3 =	vsub.f32 v29, v3  }
0x2f1: {  	v7 =	vpop (erf)  }
0x2f2: {  	v15 =	vpop (erf);
	v17 =	vld [tilespmem:s13+$0x50];
	v4 =	vsub.f32 v26, v4;
	[tilespmem:s14+$0xFFFFFFE0] =	vst v8;
	v3 =	vmul.f32 $1.442695020e+00, v3  }
0x2f3: {  	v18 =	vpop (erf);
	s4 =	rddreg [dreg:$0x11]  }
0x2f4: {  	v8 =	vpop (erf);
	v20 =	vld [tilespmem:s4+$0x4000];
	v4 =	vmul.f32 $1.442695020e+00, v4  }
0x2f5: {  	(erf) = vpow2.f32 v3;
	v22 =	vpop (erf)  }
0x2f6: {  	v3 =	vpop (erf);
	(erf) = vpow2.f32 v4  }
0x2f7: {  	v3 =	vmul.f32 v3, v17;
	_ =	sdelay $0x1  }
0x2f8: {  	s5 =	sor.u32 $0x460, s11;
	v4 =	vld [tilespmem:s23+$0xE0];
	[tilespmem:s23+$0xD0] =	vst v3;
	v3 =	vsub.f32 v11, v20  }
0x2f9: {  	v17 =	vadd.f32 $1.000000000e+00, v18;
	v11 =	vld [tilespmem:s5+$0x4000]  }
0x2fa: {  	v3 =	vmul.f32 $1.442695020e+00, v3;
	_ =	sdelay $0x1  }
0x2fb: {  	(erf) = vpow2.f32 v3;
	v3 =	vadd.f32 $1.000000000e+00, v22  }
0x2fc: {  	v8 =	vadd.f32 $1.000000000e+00, v8;
	(erf) = vrcp.f32 v17;
	v17 =	vpop (erf)  }
0x2fd: {  	(erf) = vrcp.f32 v3;
	v3 =	vadd.f32 $1.000000000e+00, v17;
	v17 =	vpop (erf);
	v4 =	vsub.f32 v4, v11  }
0x2fe: {  	(erf) = vrcp.f32 v8;
	v8 =	vadd.f32 $1.000000000e+00, v17  }
0x2ff: {  	(erf) = vrcp.f32 v3;
	v3 =	vmul.f32 $1.442695020e+00, v4  }
0x300: {  	(erf) = vrcp.f32 v8  }
0x301: {  	(erf) = vpow2.f32 v3;
	_ =	sdelay $0x2  }
0x302: {  	v3 =	vpop (erf)  }
0x303: {  	v4 =	vpop (erf)  }
0x304: {  	v8 =	vpop (erf)  }
0x305: {  	v11 =	vpop (erf)  }
0x306: {  	v17 =	vpop (erf)  }
0x307: {  	v18 =	vpop (erf)  }
0x308: {  	v3 =	vadd.f32 $1.000000000e+00, v3;
	v20 =	vpop (erf)  }
0x309: {  	v20 =	vadd.f32 $1.000000000e+00, v20  }
0x30a: {  	(erf) = vrcp.f32 v3  }
0x30b: {  	(erf) = vrcp.f32 v20;
	_ =	sdelay $0x4  }
0x30c: {  	v3 =	vld [tilespmem:s13+$0x60];
	_ =	sdelay $0x2  }
0x30d: {  	v22 =	vld [tilespmem:s22+$0x50];
	v20 =	vpop (erf)  }
0x30e: {  	v23 =	vpop (erf)  }
0x30f: {  	v3 =	vmul.f32 v23, v3;
	_ =	sdelay $0x1  }
0x310: {  	s8 =	sor.u32 $0x470, s11;
	[tilespmem:s23+$0xE0] =	vst v3;
	v3 =	vld [tilespmem:s23+$0xF0]  }
0x311: {  	v8 =	vmul.f32 v8, v22;
	v22 =	vld [tilespmem:s8+$0x4000];
	_ =	sdelay $0x1  }
0x312: {  	[tilespmem:s23+$0xFFFFFFD0] =	vst v8  }
0x313: {  	v23 =	vld [tilespmem:s18+$0x50];
	s9 =	rddreg [dreg:$0xd]  }
0x314: {  	v8 =	vld [tilespmem:s9+$0x4000]  }
0x315: {  	v3 =	vsub.f32 v3, v22;
	v22 =	vld [tilespmem:s19+$0x50];
	_ =	sdelay $0x1  }
0x316: {  	v3 =	vmul.f32 $1.442695020e+00, v3;
	_ =	sdelay $0x1  }
0x317: {  	v8 =	vsub.f32 v21, v8;
	(erf) = vpow2.f32 v3;
	v3 =	vmul.f32 v17, v23  }
0x318: {  	v17 =	vmul.f32 v18, v22  }
0x319: {  	v8 =	vmul.f32 $1.442695020e+00, v8;
	[tilespmem:s23+$0x50] =	vst v3  }
0x31a: {  	[tilespmem:s23+$0xFFFFFF50] =	vst v17  }
0x31b: {  	(erf) = vpow2.f32 v8;
	s11 =	rddreg [dreg:$0xb]  }
0x31c: {  	s12 =	rddreg [dreg:$0xf];
	v3 =	vld [tilespmem:s11+$0x4000]  }
0x31d: {  	v8 =	vld [tilespmem:s12+$0x4000];
	_ =	sdelay $0x3  }
0x31e: {  	v17 =	vpop (erf);
	v3 =	vsub.f32 v19, v3  }
0x31f: {  	v17 =	vadd.f32 $1.000000000e+00, v17;
	v8 =	vsub.f32 v16, v8  }
0x320: {  	v3 =	vmul.f32 $1.442695020e+00, v3  }
0x321: {  	v16 =	vpop (erf);
	(erf) = vrcp.f32 v17;
	v8 =	vmul.f32 $1.442695020e+00, v8  }
0x322: {  	(erf) = vpow2.f32 v3;
	v3 =	vadd.f32 $1.000000000e+00, v16  }
0x323: {  	(erf) = vpow2.f32 v8  }
0x324: {  	(erf) = vrcp.f32 v3;
	_ =	sdelay $0x2  }
0x325: {  	v3 =	vld [tilespmem:s2+$0x60]  }
0x326: {  	v8 =	vld [tilespmem:s3+$0x60]  }
0x327: {  	v16 =	vld [tilespmem:s22+$0x60]  }
0x328: {  	v17 =	vpop (erf)  }
0x329: {  	v18 =	vpop (erf)  }
0x32a: {  	v3 =	vmul.f32 v7, v3;
	v7 =	vpop (erf)  }
0x32b: {  	v8 =	vmul.f32 v15, v8;
	v15 =	vpop (erf)  }
0x32c: {  	[tilespmem:s14+$0x60] =	vst v3;
	v3 =	vmul.f32 v15, v16  }
0x32d: {  	[tilespmem:s14+$0xFFFFFF60] =	vst v8  }
0x32e: {  	v8 =	vadd.f32 $1.000000000e+00, v18;
	v15 =	vld [tilespmem:s10+$0x4000];
	[tilespmem:s23+$0xFFFFFFE0] =	vst v3  }
0x32f: {  	v7 =	vadd.f32 $1.000000000e+00, v7;
	v16 =	vld [tilespmem:s16+$0x4000];
	s16 =	rddreg [dreg:$0x9]  }
0x330: {  	(erf) = vrcp.f32 v8;
	v3 =	vld [tilespmem:s16+$0x4000]  }
0x331: {  	(erf) = vrcp.f32 v7;
	_ =	sdelay $0x1  }
0x332: {  	v7 =	vsub.f32 v9, v15  }
0x333: {  	v8 =	vsub.f32 v10, v16  }
0x334: {  	v9 =	vld [tilespmem:s18+$0x60];
	v7 =	vmul.f32 $1.442695020e+00, v7;
	v3 =	vsub.f32 v31, v3  }
0x335: {  	v10 =	vld [tilespmem:s19+$0x60];
	v8 =	vmul.f32 $1.442695020e+00, v8  }
0x336: {  	(erf) = vpow2.f32 v7;
	v3 =	vmul.f32 $1.442695020e+00, v3  }
0x337: {  	(erf) = vpow2.f32 v8  }
0x338: {  	v7 =	vpop (erf);
	(erf) = vpow2.f32 v3  }
0x339: {  	v3 =	vmul.f32 v7, v9;
	v7 =	vpop (erf)  }
0x33a: {  	v7 =	vmul.f32 v7, v10  }
0x33b: {  	[tilespmem:s23+$0x60] =	vst v3  }
0x33c: {  	[tilespmem:s23+$0xFFFFFF60] =	vst v7;
	v3 =	vld [tilespmem:s15+$0x4000]  }
0x33d: {  	v7 =	vld [tilespmem:s26+$0x4000];
	_ =	sdelay $0x1  }
0x33e: {  	v8 =	vpop (erf)  }
0x33f: {  	v8 =	vadd.f32 $1.000000000e+00, v8;
	v9 =	vpop (erf)  }
0x340: {  	v9 =	vadd.f32 $1.000000000e+00, v9;
	v3 =	vsub.f32 v33, v3;
	v10 =	vpop (erf)  }
0x341: {  	(erf) = vrcp.f32 v8;
	v7 =	vsub.f32 v32, v7;
	v8 =	vadd.f32 $1.000000000e+00, v10  }
0x342: {  	(erf) = vrcp.f32 v9;
	v3 =	vmul.f32 $1.442695020e+00, v3  }
0x343: {  	v7 =	vmul.f32 $1.442695020e+00, v7;
	(erf) = vrcp.f32 v8  }
0x344: {  	(erf) = vpow2.f32 v3  }
0x345: {  	(erf) = vpow2.f32 v7;
	_ =	sdelay $0x3  }
0x346: {  	v15 =	vld [tilespmem:s6+$0x70]  }
0x347: {  	v3 =	vpop (erf)  }
0x348: {  	v19 =	vld [tilespmem:s28+$0x70];
	v7 =	vpop (erf)  }
0x349: {  	v9 =	vld [tilespmem:s17+$0x70];
	v8 =	vpop (erf)  }
0x34a: {  	v10 =	vpop (erf)  }
0x34b: {  	v18 =	vld [tilespmem:s24+$0x70];
	v4 =	vmul.f32 v4, v15;
	v10 =	vadd.f32 $1.000000000e+00, v10;
	v16 =	vpop (erf)  }
0x34c: {  	v5 =	vmul.f32 v14, v5;
	v16 =	vadd.f32 $1.000000000e+00, v16  }
0x34d: {  	s0 =	sld [smem:$0x7F1];
	[tilespmem:s7+$0x70] =	vst v4;
	v4 =	vmul.f32 v20, v19;
	(erf) = vrcp.f32 v10;
	v10 =	vld [tilespmem:s13+$0x70]  }
0x34e: {  	[tilespmem:s7+$0xFFFFFFF0] =	vst v5;
	v6 =	vmul.f32 v6, v9;
	(erf) = vrcp.f32 v16  }
0x34f: {  	v12 =	vmul.f32 v12, v28;
	[tilespmem:s14+$0xFFFFFFF0] =	vst v4;
	v9 =	vld [tilespmem:s2+$0x70]  }
0x350: {  	v5 =	vld [tilespmem:s3+$0x70];
	[tilespmem:s14+$0xF0] =	vst v6;
	v6 =	vmul.f32 v11, v18  }
0x351: {  	v13 =	vmul.f32 v13, v27;
	[tilespmem:s0+$0x70] =	vst v12;
	v11 =	vld [tilespmem:s22+$0x70]  }
0x352: {  	v12 =	vld [tilespmem:s18+$0x70];
	[tilespmem:s7+$0xFFFFFF70] =	vst v6;
	v6 =	vmul.f32 v17, v10  }
0x353: {  	[tilespmem:s0+$0xFFFFFF70] =	vst v13;
	v10 =	vld [tilespmem:s19+$0x70]  }
0x354: {  	v3 =	vmul.f32 v3, v9;
	[tilespmem:s23+$0xF0] =	vst v6  }
0x355: {  	v4 =	vmul.f32 v7, v5;
	s7 =	sld [smem:$0x7F5]  }
0x356: {  	[tilespmem:s14+$0x70] =	vst v3;
	v3 =	vmul.f32 v8, v11;
	v5 =	vpop (erf)  }
0x357: {  	[tilespmem:s14+$0xFFFFFF70] =	vst v4;
	v4 =	vmul.f32 v5, v12;
	v5 =	vpop (erf)  }
0x358: {  	[tilespmem:s23+$0xFFFFFFF0] =	vst v3;
	s19 =	sshll.u32 s7, $0x1;
	v3 =	vmul.f32 v5, v10  }
0x359: {  	s1 =	sadd.s32 $0x2, s19;
	[tilespmem:s23+$0x70] =	vst v4  }
0x35a: {  	s20 =	sand.u32 $0x1E, s1;
	s3 =	sshrl.u32 s1, $0x5;
	s1 =	sshll.u32 s1, $0x7;
	[tilespmem:s23+$0xFFFFFF70] =	vst v3  }
0x35b: {  	s0 =	sand.u32 $0x1000, s1;
	s1 =	sld [smem:$0x7F7]  }
0x35c: {  	p0 =	sne.s32 s20, $0x0  }
0x35d: {  	s3 =	sshll.u32 @!p0 s3, $0x9  }
0x35e: {  	s4 =	simm.s32 @!p0 $0x0;
	s1 =	sadd.s32 @!p0 s1, s3  }
0x35f: {  	[tilespmem:s0], [sflag:$0x5] =	stream.linear.gather @!p0 [hbm4b:s1+s4], $0x1000, $0x38;
	[tilespmem:$0x1F400] =	vst v63  }
0x360: {  	s1 =	simm.s32 @!p0 $0x5  }
0x361: {  	_ =	swait.ge @!p0 [sflag:s1], $0x1000  }
0x362: {  	s6 =	sld [smem:$0x7F8];
	_ =	sdelay $0x1  }
0x363: {  	[sflag:s1] =	ssyncset.done @!p0 $0x0  }
0x364: {  	s5 =	sor.u32 @!p0 $0x2000, s0;
	[sflag:s1] =	ssyncadd.s32 @!p0 $0xFFFFF000;
	s3 =	sadd.s32 @!p0 s6, s3  }
0x365: {  	[tilespmem:s5], [sflag:$0x5] =	stream.linear.gather @!p0 [hbm4b:s3+s4], $0x1000, $0x38;
	[tilespmem:$0x1F400] =	vst v63  }
0x366: {  	_ =	swait.ge @!p0 [sflag:s1], $0x1000  }
0x367: {  	s2 =	sshll.u32 s20, $0x7;
	[sflag:s1] =	ssyncset.done @!p0 $0x0  }
0x368: {  	s0 =	sor.u32 s2, s0;
	[sflag:s1] =	ssyncadd.s32 @!p0 $0xFFFFF000  }
0x369: {  	v3 =	vld [tilespmem:s0+$0x0];
	_ =	sdelay $0x4  }
0x36a: {  	v4 =	vshll.u32 v3, $0x1  }
0x36b: {  	v3 =	vand.u32 $0x7, v3;
	v4 =	vand.u32 $0xFFFFFFF0, v4  }
0x36c: {  	v3 =	vor.u32 v3, v4  }
0x36d: {  	v4 =	vperm.xlane v3, v0;
	_ =	sdelay $0x1  }
0x36e: {  	v3 =	vperm.xlane v3, v2;
	v4 =	vadd.s32 v1, v4;
	_ =	sdelay $0x1  }
0x36f: {  	s21 =	sld [smem:$0x7F6];
	v3 =	vadd.s32 v1, v3;
	_ =	sdelay $0x1  }
0x370: {  	s22 =	simm.s32 $0x4000;
	s2 =	simm.s32 $0x0  }
0x371: {  	[tilespmem:s22], [sflag:$0x1] =	stream.indirect_vreg.gather [hbm4b:s21+s2], $0x80, v4, vm0, $0xb8;
	[tilespmem:$0x1F400] =	vst v63  }
0x372: {  	s23 =	simm.s32 $0x4800  }
0x373: {  	[tilespmem:s23], [sflag:$0x1] =	stream.indirect_vreg.gather [hbm4b:s21+s2], $0x80, v3, vm0, $0xb8;
	[tilespmem:$0x1F400] =	vst v63  }
0x374: {  	v3 =	vld [tilespmem:s0+$0x10];
	_ =	sdelay $0x4  }
0x375: {  	v4 =	vshll.u32 v3, $0x1  }
0x376: {  	v3 =	vand.u32 $0x7, v3;
	v4 =	vand.u32 $0xFFFFFFF0, v4  }
0x377: {  	v3 =	vor.u32 v3, v4  }
0x378: {  	v4 =	vperm.xlane v3, v0;
	_ =	sdelay $0x1  }
0x379: {  	v3 =	vperm.xlane v3, v2;
	v4 =	vadd.s32 v1, v4;
	_ =	sdelay $0x1  }
0x37a: {  	v3 =	vadd.s32 v1, v3;
	_ =	sdelay $0x1  }
0x37b: {  	s24 =	simm.s32 $0x5000  }
0x37c: {  	[tilespmem:s24], [sflag:$0x1] =	stream.indirect_vreg.gather [hbm4b:s21+s2], $0x80, v4, vm0, $0xb8;
	[tilespmem:$0x1F400] =	vst v63  }
0x37d: {  	s25 =	simm.s32 $0x5800  }
0x37e: {  	[tilespmem:s25], [sflag:$0x1] =	stream.indirect_vreg.gather [hbm4b:s21+s2], $0x80, v3, vm0, $0xb8;
	[tilespmem:$0x1F400] =	vst v63  }
0x37f: {  	v3 =	vld.msk [tilespmem:s0+$0x20], $0xff;
	_ =	sdelay $0x4  }
0x380: {  	v4 =	vshll.u32 v3, $0x1  }
0x381: {  	v3 =	vand.u32 $0x7, v3;
	v4 =	vand.u32 $0xFFFFFFF0, v4  }
0x382: {  	v3 =	vor.u32 v3, v4  }
0x383: {  	v3 =	vperm.xlane v3, v0;
	_ =	sdelay $0x1  }
0x384: {  	v3 =	vadd.s32 v1, v3;
	_ =	sdelay $0x3  }
0x385: {  	s26 =	simm.s32 $0x6000;
	s6 =	sshll.u32 s7, $0x8;
	s4 =	simm.s32 $0x28  }
0x386: {  	[tilespmem:s26], [sflag:$0x1] =	stream.indirect_vreg.gather [hbm4b:s21+s2], $0x80, v3, vm0, $0xb8;
	[tilespmem:$0x1F400] =	vst v63  }
0x387: {  	s5 =	simm.s32 $0x9000;
	s3 =	rddreg [dreg:$0x1];
	s0 =	sor.u32 $0x2000, s0  }
0x388: {  	[tilespmem:s5], [sflag:$0x3] =	stream.indirect.gather [hbm4b:s3+s4], $0x80, s0, s4, $0xb8;
	[tilespmem:$0x1F400] =	vst v63  }
0x389: {  	[smem:$0x7BB] =	sst s6;
	s0 =	sand.u32 $0x1F00, s6  }
0x38a: {  	s8 =	rddreg [dreg:$0x3];
	s7 =	sor.u32 $0x2000, s0  }
0x38b: {  	s9 =	simm.s32 $0x5;
	[smem:$0x7BC] =	sst s7  }
0x38c: {  	[spmem:s8] =	stream.indirect.scatter.add.f32 [tilespmem:s5], [sflag:$0x5], $0x80, s7, s4, $0xb8;
	[tilespmem:$0x1F400] =	vst v63  }
0x38d: {  	_ =	swait.ge [sflag:s9], $0x1400  }
0x38e: {  	[sflag:s9] =	ssyncset.done $0x0  }
0x38f: {  	s10 =	simm.s32 $0x2;
	[sflag:s9] =	ssyncadd.s32 $0xFFFFEC00  }
0x390: {  	_ =	swait.ge [sflag:s10], $0x2800  }
0x391: {  	[sflag:s10] =	ssyncset.done $0x0  }
0x392: {  	s12 =	simm.s32 $0x4;
	s11 =	sand.u32 $0x7, s2;
	[sflag:s10] =	ssyncadd.s32 $0xFFFFD800  }
0x393: {  	s0 =	sshll.u32 s11, $0x7;
	_ =	swait.ge [sflag:s12], $0x1400  }
0x394: {  	s13 =	sadd.s32 $0x0, s0;
	[sflag:s12] =	ssyncset.done $0x0  }
0x395: {  	s26 =	simm.s32 $0xA5F0;
	s0 =	sadd.s32 $0x180, s13;
	[sflag:s12] =	ssyncadd.s32 $0xFFFFEC00  }
0x396: {  	s15 =	sand.u32 $0x3, s2;
	s14 =	sor.u32 $0x400, s0;
	v3 =	vld [tilespmem:s26+$0xFFFFFF90]  }
0x397: {  	p0 =	por $0x0, $0x0;
	s3 =	sshll.u32 s15, $0x8;
	s4 =	simm.s32 $0x1;
	v4 =	vld [tilespmem:s14+$0x6800]  }
0x398: {  	s3 =	sadd.s32 $0x0, s3;
	s4 =	simm.s32 @!p0 $0x0  }
0x399: {  	s11 =	sadd.s32 $0x100, s3;
	s4 =	sshll.u32 s4, $0x9  }
0x39a: {  	s17 =	sor.u32 $0x400, s11;
	s6 =	sadd.s32 $0x0, s4  }
0x39b: {  	s18 =	sor.u32 $0x400, s6;
	v5 =	vld [tilespmem:s17+$0x6800]  }
0x39c: {  	v6 =	vld [tilespmem:s18+$0x6800];
	v3 =	vsub.f32 v3, v4  }
0x39d: {  	s1 =	sadd.s32 $0x80, s13;
	v7 =	vld [tilespmem:s26+$0xFFFFFE10]  }
0x39e: {  	s16 =	sor.u32 $0x400, s1;
	v8 =	vld [tilespmem:s26+$0xFFFFFF10];
	v3 =	vmul.f32 $1.442695020e+00, v3  }
0x39f: {  	v4 =	vld [tilespmem:s16+$0x6800]  }
0x3a0: {  	(erf) = vpow2.f32 v3;
	v3 =	vld [tilespmem:s26+$0xFFFFFE90];
	_ =	sdelay $0x3  }
0x3a1: {  	v6 =	vsub.f32 v7, v6  }
0x3a2: {  	v5 =	vsub.f32 v8, v5;
	v3 =	vsub.f32 v3, v4  }
0x3a3: {  	v4 =	vmul.f32 $1.442695020e+00, v6  }
0x3a4: {  	v3 =	vmul.f32 $1.442695020e+00, v3  }
0x3a5: {  	(erf) = vpow2.f32 v4;
	v4 =	vmul.f32 $1.442695020e+00, v5  }
0x3a6: {  	v5 =	vpop (erf);
	(erf) = vpow2.f32 v3  }
0x3a7: {  	v3 =	vadd.f32 $1.000000000e+00, v5;
	(erf) = vpow2.f32 v4;
	_ =	sdelay $0x1  }
0x3a8: {  	(erf) = vrcp.f32 v3;
	_ =	sdelay $0x1  }
0x3a9: {  	s20 =	simm.s32 $0x180;
	s19 =	sand.u32 $0x3800, s2  }
0x3aa: {  	s3 =	sadd.s32 $0x6800, s19;
	s4 =	sand.u32 $0x380, s20  }
0x3ab: {  	s10 =	sor.u32 s4, s3  }
0x3ac: {  	v4 =	vld [tilespmem:s10+$0x0];
	v6 =	vpop (erf)  }
0x3ad: {  	v6 =	vadd.f32 $1.000000000e+00, v6;
	v8 =	vpop (erf)  }
0x3ae: {  	v8 =	vadd.f32 $1.000000000e+00, v8;
	v9 =	vpop (erf)  }
0x3af: {  	(erf) = vrcp.f32 v6;
	v6 =	vadd.f32 $1.000000000e+00, v9  }
0x3b0: {  	s2 =	sand.u32 $0x200, s2;
	v9 =	vpop (erf);
	(erf) = vrcp.f32 v8  }
0x3b1: {  	s24 =	sor.u32 s2, s3;
	v4 =	vmul.f32 v9, v4;
	(erf) = vrcp.f32 v6  }
0x3b2: {  	s21 =	simm.s32 $0x80;
	v8 =	vld [tilespmem:s24+$0x0]  }
0x3b3: {  	s23 =	simm.s32 $0x100;
	s22 =	sor.u32 $0x410, s0;
	s4 =	sand.u32 $0x280, s21;
	v6 =	vld [tilespmem:s26+$0xFFFFFFA0];
	[tilespmem:s26+$0xFFFFFF90] =	vst v4  }
0x3b4: {  	s25 =	sand.u32 $0x300, s23;
	s4 =	sor.u32 s4, s3;
	v4 =	vld [tilespmem:s22+$0x6800]  }
0x3b5: {  	s7 =	sor.u32 s25, s3;
	v9 =	vld [tilespmem:s4+$0x0]  }
0x3b6: {  	v18 =	vld [tilespmem:s7+$0x0];
	_ =	sdelay $0x1  }
0x3b7: {  	v11 =	vpop (erf)  }
0x3b8: {  	v7 =	vld [tilespmem:s26+$0xFFFFFF20];
	v4 =	vsub.f32 v6, v4;
	v6 =	vmul.f32 v11, v8;
	v8 =	vpop (erf)  }
0x3b9: {  	v5 =	vld [tilespmem:s26+$0xFFFFFEA0];
	v8 =	vmul.f32 v8, v9;
	v9 =	vpop (erf)  }
0x3ba: {  	s3 =	sor.u32 $0x410, s6;
	v3 =	vld [tilespmem:s26+$0xFFFFFE20];
	v4 =	vmul.f32 $1.442695020e+00, v4;
	[tilespmem:s26+$0xFFFFFE10] =	vst v6;
	v6 =	vmul.f32 v9, v18  }
0x3bb: {  	s8 =	sor.u32 $0x410, s1;
	v9 =	vld [tilespmem:s3+$0x6800];
	[tilespmem:s26+$0xFFFFFE90] =	vst v8  }
0x3bc: {  	s12 =	sor.u32 $0x410, s11;
	(erf) = vpow2.f32 v4;
	v4 =	vld [tilespmem:s8+$0x6800];
	[tilespmem:s26+$0xFFFFFF10] =	vst v6  }
0x3bd: {  	v6 =	vld [tilespmem:s12+$0x6800];
	_ =	sdelay $0x2  }
0x3be: {  	v3 =	vsub.f32 v3, v9;
	_ =	sdelay $0x1  }
0x3bf: {  	v4 =	vsub.f32 v5, v4;
	v3 =	vmul.f32 $1.442695020e+00, v3;
	v5 =	vsub.f32 v7, v6;
	_ =	sdelay $0x1  }
0x3c0: {  	v4 =	vmul.f32 $1.442695020e+00, v4;
	(erf) = vpow2.f32 v3  }
0x3c1: {  	v3 =	vmul.f32 $1.442695020e+00, v5  }
0x3c2: {  	(erf) = vpow2.f32 v4;
	v5 =	vpop (erf)  }
0x3c3: {  	(erf) = vpow2.f32 v3;
	v4 =	vadd.f32 $1.000000000e+00, v5;
	_ =	sdelay $0x1  }
0x3c4: {  	(erf) = vrcp.f32 v4;
	_ =	sdelay $0x3  }
0x3c5: {  	v4 =	vpop (erf)  }
0x3c6: {  	v3 =	vld [tilespmem:s10+$0x10];
	v4 =	vadd.f32 $1.000000000e+00, v4  }
0x3c7: {  	v5 =	vpop (erf)  }
0x3c8: {  	v6 =	vpop (erf);
	v5 =	vadd.f32 $1.000000000e+00, v5;
	(erf) = vrcp.f32 v4  }
0x3c9: {  	v4 =	vadd.f32 $1.000000000e+00, v6  }
0x3ca: {  	(erf) = vrcp.f32 v5;
	v7 =	vpop (erf)  }
0x3cb: {  	(erf) = vrcp.f32 v4;
	v6 =	vmul.f32 v7, v3  }
0x3cc: {  	v8 =	vld [tilespmem:s24+$0x10]  }
0x3cd: {  	s13 =	sor.u32 $0x420, s0;
	[tilespmem:s26+$0xFFFFFFA0] =	vst v6;
	v6 =	vld [tilespmem:s26+$0xFFFFFFB0]  }
0x3ce: {  	v7 =	vld [tilespmem:s13+$0x6800]  }
0x3cf: {  	v9 =	vld [tilespmem:s4+$0x10]  }
0x3d0: {  	v18 =	vld [tilespmem:s7+$0x10]  }
0x3d1: {  	v20 =	vpop (erf)  }
0x3d2: {  	v8 =	vmul.f32 v20, v8  }
0x3d3: {  	v20 =	vpop (erf);
	v21 =	vsub.f32 v6, v7  }
0x3d4: {  	v14 =	vld [tilespmem:s26+$0xFFFFFE30];
	s16 =	sor.u32 $0x420, s6;
	v20 =	vmul.f32 v20, v9;
	v22 =	vpop (erf);
	[tilespmem:s26+$0xFFFFFE20] =	vst v8  }
0x3d5: {  	v8 =	vmul.f32 v22, v18;
	v21 =	vmul.f32 $1.442695020e+00, v21;
	v18 =	vld [tilespmem:s16+$0x6800]  }
0x3d6: {  	v15 =	vld [tilespmem:s26+$0xFFFFFEB0]  }
0x3d7: {  	v17 =	vld [tilespmem:s26+$0xFFFFFF30];
	s17 =	sor.u32 $0x420, s1;
	[tilespmem:s26+$0xFFFFFEA0] =	vst v20;
	(erf) = vpow2.f32 v21  }
0x3d8: {  	s18 =	sor.u32 $0x420, s11;
	v20 =	vld [tilespmem:s17+$0x6800];
	[tilespmem:s26+$0xFFFFFF20] =	vst v8  }
0x3d9: {  	v8 =	vld [tilespmem:s18+$0x6800]  }
0x3da: {  	v14 =	vsub.f32 v14, v18;
	_ =	sdelay $0x1  }
0x3db: {  	v14 =	vmul.f32 $1.442695020e+00, v14  }
0x3dc: {  	v15 =	vsub.f32 v15, v20  }
0x3dd: {  	v8 =	vsub.f32 v17, v8  }
0x3de: {  	v15 =	vmul.f32 $1.442695020e+00, v15  }
0x3df: {  	(erf) = vpow2.f32 v14;
	v8 =	vmul.f32 $1.442695020e+00, v8;
	v14 =	vpop (erf)  }
0x3e0: {  	(erf) = vpow2.f32 v15;
	v14 =	vadd.f32 $1.000000000e+00, v14  }
0x3e1: {  	(erf) = vpow2.f32 v8  }
0x3e2: {  	(erf) = vrcp.f32 v14  }
0x3e3: {  	s19 =	simm.s32 $0x4  }
0x3e4: {  	s2 =	sand.u32 $0x7, s19  }
0x3e5: {  	s2 =	sshll.u32 s2, $0x7  }
0x3e6: {  	s20 =	sadd.s32 $0x400, s2  }
0x3e7: {  	p0 =	por !p0, !p0;
	s31 =	sadd.s32 $0x180, s20;
	s3 =	simm.s32 $0x1;
	v8 =	vld [tilespmem:s10+$0x20]  }
0x3e8: {  	s22 =	sor.u32 $0x400, s31;
	s3 =	simm.s32 @!p0 $0x0;
	v14 =	vpop (erf)  }
0x3e9: {  	s15 =	simm.s32 $0xA7F0;
	s21 =	sshll.u32 s3, $0x9;
	v20 =	vld [tilespmem:s22+$0x6800];
	v15 =	vpop (erf)  }
0x3ea: {  	s2 =	sadd.s32 $0x400, s21;
	v17 =	vld [tilespmem:s15+$0xFFFFFF90];
	v14 =	vadd.f32 $1.000000000e+00, v14;
	v18 =	vpop (erf)  }
0x3eb: {  	s8 =	sor.u32 $0x400, s2;
	v15 =	vadd.f32 $1.000000000e+00, v15;
	v21 =	vpop (erf)  }
0x3ec: {  	(erf) = vrcp.f32 v14;
	v14 =	vld [tilespmem:s8+$0x6800];
	v8 =	vmul.f32 v21, v8  }
0x3ed: {  	(erf) = vrcp.f32 v15;
	v15 =	vld [tilespmem:s15+$0xFFFFFE10]  }
0x3ee: {  	s5 =	smov.u32 s24;
	s24 =	sor.u32 $0x430, s0;
	v18 =	vadd.f32 $1.000000000e+00, v18;
	[tilespmem:s26+$0xFFFFFFB0] =	vst v8;
	v8 =	vld [tilespmem:s26+$0xFFFFFFC0]  }
0x3ef: {  	s23 =	simm.s32 $0x2;
	s14 =	smov.u32 s4;
	s4 =	sadd.s32 $0x80, s20;
	v17 =	vsub.f32 v17, v20;
	v20 =	vld [tilespmem:s24+$0x6800]  }
0x3f0: {  	s3 =	sand.u32 $0x3, s23;
	s25 =	sor.u32 $0x400, s4;
	(erf) = vrcp.f32 v18;
	v18 =	vld [tilespmem:s15+$0xFFFFFE90]  }
0x3f1: {  	s3 =	sshll.u32 s3, $0x8;
	v17 =	vmul.f32 $1.442695020e+00, v17;
	v21 =	vld [tilespmem:s25+$0x6800]  }
0x3f2: {  	s3 =	sadd.s32 $0x400, s3;
	v22 =	vld [tilespmem:s14+$0x20];
	v14 =	vsub.f32 v15, v14  }
0x3f3: {  	v10 =	vld [tilespmem:s26+$0xFFFFFE40];
	s12 =	sadd.s32 $0x100, s3;
	(erf) = vpow2.f32 v17  }
0x3f4: {  	v24 =	vld [tilespmem:s15+$0xFFFFFF10];
	s9 =	sor.u32 $0x400, s12;
	v14 =	vmul.f32 $1.442695020e+00, v14;
	v8 =	vsub.f32 v8, v20  }
0x3f5: {  	v23 =	vld [tilespmem:s9+$0x6800];
	v26 =	vpop (erf)  }
0x3f6: {  	v13 =	vld [tilespmem:s26+$0xFFFFFEC0];
	v18 =	vsub.f32 v18, v21;
	v17 =	vpop (erf);
	(erf) = vpow2.f32 v14;
	v14 =	vmul.f32 $1.442695020e+00, v8  }
0x3f7: {  	v12 =	vld [tilespmem:s26+$0xFFFFFF40];
	v22 =	vmul.f32 v17, v22  }
0x3f8: {  	v16 =	vld [tilespmem:s26+$0xFFFFFE50];
	(erf) = vpow2.f32 v14;
	v14 =	vmul.f32 $1.442695020e+00, v18  }
0x3f9: {  	v19 =	vld [tilespmem:s26+$0xFFFFFF50]  }
0x3fa: {  	v21 =	vsub.f32 v24, v23;
	v20 =	vld [tilespmem:s7+$0x20]  }
0x3fb: {  	v28 =	vld [tilespmem:s15+$0xFFFFFE20];
	[tilespmem:s26+$0xFFFFFEB0] =	vst v22;
	v22 =	vpop (erf)  }
0x3fc: {  	s13 =	smov.u32 s14;
	v27 =	vld [tilespmem:s5+$0x20];
	s14 =	sor.u32 $0x430, s1;
	v18 =	vmul.f32 $1.442695020e+00, v21;
	(erf) = vpow2.f32 v14;
	v14 =	vpop (erf)  }
0x3fd: {  	v21 =	vld [tilespmem:s14+$0x6800];
	v14 =	vadd.f32 $1.000000000e+00, v14  }
0x3fe: {  	v29 =	vld [tilespmem:s15+$0xFFFFFEA0];
	(erf) = vpow2.f32 v18  }
0x3ff: {  	v11 =	vld [tilespmem:s26+$0xFFFFFED0];
	v20 =	vmul.f32 v22, v20  }
0x400: {  	v5 =	vld [tilespmem:s26+$0xFFFFFEE0]  }
0x401: {  	v4 =	vld [tilespmem:s26+$0xFFFFFF60];
	s17 =	sor.u32 $0x430, s11;
	[tilespmem:s26+$0xFFFFFF30] =	vst v20;
	(erf) = vrcp.f32 v14;
	v14 =	vpop (erf)  }
0x402: {  	s18 =	simm.s32 $0x400;
	v22 =	vmul.f32 v26, v27;
	v13 =	vsub.f32 v13, v21;
	v21 =	vld [tilespmem:s17+$0x6800];
	v14 =	vadd.f32 $1.000000000e+00, v14  }
0x403: {  	s20 =	simm.s32 $0x380;
	v3 =	vld [tilespmem:s26+$0xFFFFFE60];
	s19 =	sand.u32 $0x3800, s18  }
0x404: {  	v25 =	vld [tilespmem:s15+$0xFFFFFE30];
	s16 =	sor.u32 $0x430, s6;
	s21 =	sadd.s32 $0x6800, s19;
	s22 =	sand.u32 $0x380, s20;
	[tilespmem:s26+$0xFFFFFE30] =	vst v22;
	v13 =	vmul.f32 $1.442695020e+00, v13;
	v20 =	vpop (erf);
	(erf) = vrcp.f32 v14  }
0x405: {  	s30 =	sor.u32 s22, s21;
	v27 =	vld [tilespmem:s16+$0x6800];
	v14 =	vadd.f32 $1.000000000e+00, v20  }
0x406: {  	s23 =	simm.s32 $0x200;
	v23 =	vpop (erf);
	(erf) = vpow2.f32 v13;
	v13 =	vld [tilespmem:s30+$0x0]  }
0x407: {  	v7 =	vld [tilespmem:s26+$0xFFFFFE70];
	s8 =	sand.u32 $0x200, s23;
	v12 =	vsub.f32 v12, v21;
	v30 =	vpop (erf);
	(erf) = vrcp.f32 v14;
	v14 =	vadd.f32 $1.000000000e+00, v23  }
0x408: {  	v6 =	vld [tilespmem:s26+$0xFFFFFEF0];
	s19 =	sor.u32 s8, s21;
	v30 =	vadd.f32 $1.000000000e+00, v30  }
0x409: {  	v12 =	vmul.f32 $1.442695020e+00, v12;
	(erf) = vrcp.f32 v14;
	v14 =	vld [tilespmem:s19+$0x0]  }
0x40a: {  	v9 =	vld [tilespmem:s26+$0xFFFFFF70];
	s24 =	simm.s32 $0x280;
	v10 =	vsub.f32 v10, v27;
	v21 =	vpop (erf);
	(erf) = vrcp.f32 v30  }
0x40b: {  	s8 =	sand.u32 $0x280, s24;
	v27 =	vld [tilespmem:s15+$0xFFFFFFA0];
	v13 =	vmul.f32 v21, v13  }
0x40c: {  	s25 =	simm.s32 $0x300;
	s28 =	sor.u32 s8, s21;
	v10 =	vmul.f32 $1.442695020e+00, v10;
	v21 =	vld [tilespmem:s10+$0x30]  }
0x40d: {  	s16 =	sand.u32 $0x300, s25;
	s17 =	sor.u32 $0x410, s31;
	v30 =	vld [tilespmem:s28+$0x0];
	(erf) = vpow2.f32 v12;
	[tilespmem:s15+$0xFFFFFF90] =	vst v13;
	v12 =	vpop (erf)  }
0x40e: {  	s3 =	sor.u32 s16, s21;
	(erf) = vpow2.f32 v10;
	v10 =	vld [tilespmem:s17+$0x6800];
	v14 =	vmul.f32 v12, v14  }
0x40f: {  	v49 =	vld [tilespmem:s3+$0x0];
	v48 =	vpop (erf)  }
0x410: {  	v15 =	vld [tilespmem:s26+$0xFFFFFE80];
	v12 =	vpop (erf)  }
0x411: {  	s20 =	sor.u32 $0x410, s2;
	v24 =	vld [tilespmem:s15+$0xFFFFFEB0];
	v21 =	vmul.f32 v12, v21;
	[tilespmem:s15+$0xFFFFFE10] =	vst v14  }
0x412: {  	v32 =	vadd.f32 $1.000000000e+00, v48;
	v50 =	vld [tilespmem:s20+$0x6800];
	v14 =	vpop (erf)  }
0x413: {  	s21 =	sor.u32 $0x440, s0;
	[tilespmem:s26+$0xFFFFFFC0] =	vst v21;
	v10 =	vsub.f32 v27, v10;
	v27 =	vld [tilespmem:s26+$0xFFFFFFD0];
	v21 =	vmul.f32 v14, v30;
	v14 =	vpop (erf)  }
0x414: {  	(erf) = vrcp.f32 v32;
	v51 =	vld [tilespmem:s21+$0x6800];
	v30 =	vmul.f32 v14, v49  }
0x415: {  	s22 =	sor.u32 $0x410, s4;
	v17 =	vld [tilespmem:s26+$0xFFFFFF80];
	[tilespmem:s15+$0xFFFFFE90] =	vst v21  }
0x416: {  	v10 =	vmul.f32 $1.442695020e+00, v10;
	v52 =	vld [tilespmem:s22+$0x6800]  }
0x417: {  	s23 =	sor.u32 $0x410, s12;
	v18 =	vld [tilespmem:s15+$0xFFFFFF20];
	[tilespmem:s15+$0xFFFFFF10] =	vst v30;
	v21 =	vpop (erf)  }
0x418: {  	v28 =	vsub.f32 v28, v50;
	(erf) = vpow2.f32 v10;
	v53 =	vld [tilespmem:s23+$0x6800];
	v21 =	vadd.f32 $1.000000000e+00, v21;
	v30 =	vpop (erf)  }
0x419: {  	v31 =	vld [tilespmem:s13+$0x30];
	v27 =	vsub.f32 v27, v51;
	v10 =	vadd.f32 $1.000000000e+00, v30  }
0x41a: {  	v8 =	vld [tilespmem:s26+$0xFFFFFF00];
	(erf) = vrcp.f32 v21;
	v21 =	vmul.f32 $1.442695020e+00, v28  }
0x41b: {  	v26 =	vld [tilespmem:s15+$0xFFFFFF30];
	(erf) = vrcp.f32 v10;
	v10 =	vsub.f32 v29, v52  }
0x41c: {  	v22 =	vld [tilespmem:s15+$0xFFFFFE40];
	(erf) = vpow2.f32 v21  }
0x41d: {  	v20 =	vld [tilespmem:s15+$0xFFFFFEC0];
	v21 =	vmul.f32 $1.442695020e+00, v27;
	v27 =	vpop (erf);
	v18 =	vsub.f32 v18, v53;
	v10 =	vmul.f32 $1.442695020e+00, v10  }
0x41e: {  	v23 =	vld [tilespmem:s15+$0xFFFFFF40];
	v27 =	vmul.f32 v27, v31  }
0x41f: {  	v13 =	vld [tilespmem:s15+$0xFFFFFE50];
	(erf) = vpow2.f32 v21;
	v18 =	vmul.f32 $1.442695020e+00, v18  }
0x420: {  	s24 =	sor.u32 $0x440, s1;
	v21 =	vld [tilespmem:s7+$0x30];
	[tilespmem:s26+$0xFFFFFEC0] =	vst v27;
	(erf) = vpow2.f32 v10  }
0x421: {  	v27 =	vld [tilespmem:s24+$0x6800];
	(erf) = vpow2.f32 v18;
	v10 =	vpop (erf)  }
0x422: {  	v55 =	vld [tilespmem:s30+$0x10];
	v18 =	vadd.f32 $1.000000000e+00, v10  }
0x423: {  	v28 =	vld [tilespmem:s5+$0x30]  }
0x424: {  	v12 =	vld [tilespmem:s15+$0xFFFFFED0];
	v29 =	vpop (erf)  }
0x425: {  	s9 =	smov.u32 s10;
	v54 =	vld [tilespmem:s19+$0x10];
	v21 =	vmul.f32 v29, v21;
	v29 =	vpop (erf)  }
0x426: {  	v57 =	vld [tilespmem:s9+$0x40];
	(erf) = vrcp.f32 v18;
	v11 =	vsub.f32 v11, v27;
	v18 =	vpop (erf)  }
0x427: {  	v14 =	vld [tilespmem:s15+$0xFFFFFF50];
	v18 =	vadd.f32 $1.000000000e+00, v18  }
0x428: {  	s25 =	sor.u32 $0x440, s11;
	v30 =	vld [tilespmem:s28+$0x10];
	v28 =	vmul.f32 v29, v28;
	[tilespmem:s26+$0xFFFFFF40] =	vst v21;
	v11 =	vmul.f32 $1.442695020e+00, v11;
	v31 =	vpop (erf)  }
0x429: {  	v21 =	vld [tilespmem:s25+$0x6800];
	v31 =	vadd.f32 $1.000000000e+00, v31;
	v29 =	vpop (erf);
	(erf) = vrcp.f32 v18  }
0x42a: {  	s8 =	sor.u32 $0x440, s6;
	v10 =	vld [tilespmem:s15+$0xFFFFFE60];
	[tilespmem:s26+$0xFFFFFE40] =	vst v28;
	v56 =	vpop (erf);
	(erf) = vpow2.f32 v11  }
0x42b: {  	s18 =	smov.u32 s3;
	v28 =	vadd.f32 $1.000000000e+00, v56;
	(erf) = vrcp.f32 v31;
	v31 =	vld [tilespmem:s8+$0x6800]  }
0x42c: {  	v27 =	vld [tilespmem:s18+$0x10];
	v29 =	vadd.f32 $1.000000000e+00, v29  }
0x42d: {  	v58 =	vld [tilespmem:s7+$0x40]  }
0x42e: {  	v18 =	vld [tilespmem:s15+$0xFFFFFEE0];
	v21 =	vsub.f32 v19, v21;
	(erf) = vrcp.f32 v29  }
0x42f: {  	v11 =	vld [tilespmem:s15+$0xFFFFFF60];
	(erf) = vrcp.f32 v28;
	v28 =	vpop (erf)  }
0x430: {  	v29 =	vld [tilespmem:s13+$0x40];
	v21 =	vmul.f32 $1.442695020e+00, v21;
	v28 =	vmul.f32 v28, v55;
	v16 =	vsub.f32 v16, v31  }
0x431: {  	v19 =	vld [tilespmem:s15+$0xFFFFFE70];
	[smem:$0x7C2] =	sst s7  }
0x432: {  	s10 =	sor.u32 $0x420, s31;
	[tilespmem:s15+$0xFFFFFFA0] =	vst v28;
	v28 =	vld [tilespmem:s15+$0xFFFFFFB0];
	v61 =	vmul.f32 $1.442695020e+00, v16  }
0x433: {  	(erf) = vpow2.f32 v21;
	v31 =	vld [tilespmem:s10+$0x6800]  }
0x434: {  	v21 =	vpop (erf);
	(erf) = vpow2.f32 v61  }
0x435: {  	v59 =	vpop (erf);
	v32 =	vmul.f32 v21, v54  }
0x436: {  	v60 =	vld [tilespmem:s5+$0x40];
	[smem:$0x7C3] =	sst s5;
	v21 =	vpop (erf)  }
0x437: {  	s14 =	smov.u32 s13;
	s13 =	sor.u32 $0x420, s2;
	v33 =	vmul.f32 v21, v57;
	[tilespmem:s15+$0xFFFFFE20] =	vst v32;
	v62 =	vpop (erf)  }
0x438: {  	v63 =	vld [tilespmem:s13+$0x6800];
	v30 =	vmul.f32 v62, v30;
	v39 =	vpop (erf);
	v28 =	vsub.f32 v28, v31  }
0x439: {  	s16 =	sor.u32 $0x450, s0;
	v38 =	vadd.f32 $1.000000000e+00, v59;
	[tilespmem:s26+$0xFFFFFFD0] =	vst v33;
	v31 =	vld [tilespmem:s26+$0xFFFFFFE0];
	v27 =	vmul.f32 v39, v27  }
0x43a: {  	[tilespmem:s15+$0xFFFFFEA0] =	vst v30;
	v30 =	vld [tilespmem:s16+$0x6800];
	v28 =	vmul.f32 $1.442695020e+00, v28  }
0x43b: {  	s22 =	sor.u32 $0x420, s12;
	(erf) = vrcp.f32 v38;
	[tilespmem:s15+$0xFFFFFF20] =	vst v27  }
0x43c: {  	s20 =	sor.u32 $0x420, s4;
	v40 =	vpop (erf);
	v27 =	vld [tilespmem:s22+$0x6800];
	(erf) = vpow2.f32 v28  }
0x43d: {  	v41 =	vld [tilespmem:s20+$0x6800];
	v28 =	vadd.f32 $1.000000000e+00, v40;
	v25 =	vsub.f32 v25, v63;
	v42 =	vpop (erf)  }
0x43e: {  	v32 =	vadd.f32 $1.000000000e+00, v42  }
0x43f: {  	v25 =	vmul.f32 $1.442695020e+00, v25;
	(erf) = vrcp.f32 v28;
	v28 =	vsub.f32 v31, v30  }
0x440: {  	(erf) = vrcp.f32 v32  }
0x441: {  	(erf) = vpow2.f32 v25;
	v25 =	vsub.f32 v26, v27;
	v26 =	vmul.f32 $1.442695020e+00, v28  }
0x442: {  	v24 =	vsub.f32 v24, v41;
	_ =	sdelay $0x1  }
0x443: {  	v24 =	vmul.f32 $1.442695020e+00, v24;
	v27 =	vpop (erf)  }
0x444: {  	(erf) = vpow2.f32 v26;
	v26 =	vpop (erf)  }
0x445: {  	v27 =	vmul.f32 v27, v29;
	(erf) = vpow2.f32 v24;
	v24 =	vadd.f32 $1.000000000e+00, v26  }
0x446: {  	v25 =	vmul.f32 $1.442695020e+00, v25  }
0x447: {  	s23 =	sor.u32 $0x450, s1;
	[tilespmem:s26+$0xFFFFFED0] =	vst v27  }
0x448: {  	(erf) = vpow2.f32 v25;
	v25 =	vld [tilespmem:s23+$0x6800]  }
0x449: {  	(erf) = vrcp.f32 v24;
	v24 =	vpop (erf)  }
0x44a: {  	v16 =	vld [tilespmem:s15+$0xFFFFFEF0];
	v24 =	vmul.f32 v24, v58  }
0x44b: {  	v21 =	vld [tilespmem:s15+$0xFFFFFF70];
	[smem:$0x7C4] =	sst s11;
	v26 =	vpop (erf)  }
0x44c: {  	s24 =	simm.s32 $0x8;
	v27 =	vpop (erf);
	v26 =	vmul.f32 v26, v60;
	[tilespmem:s26+$0xFFFFFF50] =	vst v24  }
0x44d: {  	s3 =	sand.u32 $0x7, s24;
	s25 =	sor.u32 $0x450, s11;
	v5 =	vsub.f32 v5, v25;
	v25 =	vadd.f32 $1.000000000e+00, v27;
	v24 =	vld [tilespmem:s30+$0x20];
	[smem:$0x7C5] =	sst s6  }
0x44e: {  	s21 =	smov.u32 s5;
	s3 =	sshll.u32 s3, $0x7;
	s5 =	sor.u32 $0x450, s6;
	v27 =	vpop (erf);
	[tilespmem:s26+$0xFFFFFE50] =	vst v26;
	v26 =	vld [tilespmem:s25+$0x6800]  }
0x44f: {  	p0 =	por !p0, !p0;
	s3 =	sadd.s32 $0x800, s3;
	s10 =	simm.s32 $0x1;
	v5 =	vmul.f32 $1.442695020e+00, v5;
	v27 =	vadd.f32 $1.000000000e+00, v27;
	(erf) = vrcp.f32 v25;
	v25 =	vld [tilespmem:s5+$0x6800]  }
0x450: {  	s10 =	simm.s32 @!p0 $0x0;
	s16 =	simm.s32 $0xA9F0;
	s5 =	sadd.s32 $0x180, s3  }
0x451: {  	s10 =	sshll.u32 s10, $0x9;
	s22 =	smov.u32 s11;
	v28 =	vpop (erf);
	v29 =	vld [tilespmem:s16+$0xFFFFFF90];
	(erf) = vpow2.f32 v5;
	s11 =	sor.u32 $0x400, s5  }
0x452: {  	s25 =	sadd.s32 $0x800, s10;
	v30 =	vpop (erf);
	v5 =	vld [tilespmem:s11+$0x6800]  }
0x453: {  	s13 =	sor.u32 $0x400, s25;
	(erf) = vrcp.f32 v27;
	v27 =	vpop (erf);
	v4 =	vsub.f32 v4, v26  }
0x454: {  	v28 =	vadd.f32 $1.000000000e+00, v28;
	v31 =	vld [tilespmem:s13+$0x6800];
	v24 =	vmul.f32 v27, v24;
	v3 =	vsub.f32 v3, v25  }
0x455: {  	s17 =	smov.u32 s9;
	v27 =	vld [tilespmem:s16+$0xFFFFFE10];
	v4 =	vmul.f32 $1.442695020e+00, v4  }
0x456: {  	(erf) = vrcp.f32 v28;
	v26 =	vld [tilespmem:s17+$0x50];
	[smem:$0x7C0] =	sst s17;
	[tilespmem:s15+$0xFFFFFFB0] =	vst v24;
	v24 =	vadd.f32 $1.000000000e+00, v30;
	v3 =	vmul.f32 $1.442695020e+00, v3  }
0x457: {  	s20 =	simm.s32 $0x4;
	v5 =	vsub.f32 v29, v5  }
0x458: {  	s8 =	sand.u32 $0x3, s20;
	v25 =	vld [tilespmem:s15+$0xFFFFFFC0];
	(erf) = vrcp.f32 v24  }
0x459: {  	s24 =	sor.u32 $0x430, s31;
	s8 =	sshll.u32 s8, $0x8;
	v43 =	vld [tilespmem:s16+$0xFFFFFF10];
	(erf) = vpow2.f32 v4;
	v5 =	vmul.f32 $1.442695020e+00, v5;
	v4 =	vpop (erf)  }
0x45a: {  	s8 =	sadd.s32 $0x800, s8;
	s13 =	sadd.s32 $0x80, s3;
	v28 =	vld [tilespmem:s24+$0x6800];
	(erf) = vpow2.f32 v3;
	v3 =	vpop (erf)  }
0x45b: {  	s3 =	sor.u32 $0x400, s13;
	s24 =	sadd.s32 $0x100, s8;
	v29 =	vld [tilespmem:s28+$0x20];
	v3 =	vadd.f32 $1.000000000e+00, v3  }
0x45c: {  	s23 =	smov.u32 s6;
	v24 =	vld [tilespmem:s3+$0x6800];
	s6 =	sor.u32 $0x400, s24  }
0x45d: {  	v30 =	vld [tilespmem:s6+$0x6800];
	v27 =	vsub.f32 v27, v31;
	(erf) = vpow2.f32 v5;
	v5 =	vpop (erf)  }
0x45e: {  	v31 =	vld [tilespmem:s16+$0xFFFFFE90];
	v26 =	vmul.f32 v5, v26  }
0x45f: {  	v27 =	vmul.f32 $1.442695020e+00, v27;
	v25 =	vsub.f32 v25, v28;
	(erf) = vrcp.f32 v3;
	v3 =	vpop (erf)  }
0x460: {  	s8 =	sor.u32 $0x460, s0;
	[tilespmem:s26+$0xFFFFFFE0] =	vst v26;
	v26 =	vld [tilespmem:s26+$0xFFFFFFF0];
	v3 =	vmul.f32 v3, v29  }
0x461: {  	v25 =	vmul.f32 $1.442695020e+00, v25;
	(erf) = vpow2.f32 v27;
	v27 =	vld [tilespmem:s8+$0x6800]  }
0x462: {  	[tilespmem:s15+$0xFFFFFEB0] =	vst v3;
	v3 =	vsub.f32 v43, v30  }
0x463: {  	v24 =	vsub.f32 v31, v24;
	(erf) = vpow2.f32 v25  }
0x464: {  	v3 =	vmul.f32 $1.442695020e+00, v3  }
0x465: {  	s10 =	sor.u32 $0x430, s4;
	v24 =	vmul.f32 $1.442695020e+00, v24;
	v25 =	vpop (erf)  }
0x466: {  	s18 =	smov.u32 s18;
	v29 =	vpop (erf);
	v28 =	vld [tilespmem:s10+$0x6800];
	v26 =	vsub.f32 v26, v27  }
0x467: {  	v29 =	vadd.f32 $1.000000000e+00, v29;
	v30 =	vpop (erf);
	(erf) = vpow2.f32 v24;
	v24 =	vld [tilespmem:s18+$0x20]  }
0x468: {  	v31 =	vadd.f32 $1.000000000e+00, v30;
	v27 =	vld [tilespmem:s19+$0x20];
	(erf) = vpow2.f32 v3;
	v26 =	vmul.f32 $1.442695020e+00, v26;
	v3 =	vpop (erf)  }
0x469: {  	(erf) = vrcp.f32 v29;
	v3 =	vadd.f32 $1.000000000e+00, v3  }
0x46a: {  	v36 =	vld [tilespmem:s16+$0xFFFFFE20];
	v30 =	vpop (erf);
	(erf) = vrcp.f32 v31  }
0x46b: {  	s29 =	smov.u32 s17;
	s11 =	simm.s32 $0x800;
	v50 =	vld [tilespmem:s16+$0xFFFFFFA0];
	v20 =	vsub.f32 v20, v28;
	v29 =	vpop (erf);
	(erf) = vrcp.f32 v3  }
0x46c: {  	s17 =	smov.u32 s19;
	v54 =	vld [tilespmem:s16+$0xFFFFFEA0];
	s3 =	sand.u32 $0x3800, s11;
	s19 =	simm.s32 $0x580;
	v24 =	vmul.f32 v25, v24;
	v3 =	vadd.f32 $1.000000000e+00, v29;
	(erf) = vpow2.f32 v26;
	v26 =	vpop (erf)  }
0x46d: {  	v55 =	vld [tilespmem:s16+$0xFFFFFF20];
	s3 =	sadd.s32 $0x6800, s3;
	s20 =	sand.u32 $0x380, s19;
	v20 =	vmul.f32 $1.442695020e+00, v20;
	v25 =	vadd.f32 $1.000000000e+00, v26;
	v26 =	vmul.f32 v4, v27  }
0x46e: {  	v61 =	vld [tilespmem:s15+$0xFFFFFFD0];
	s19 =	sor.u32 s20, s3;
	(erf) = vrcp.f32 v3  }
0x46f: {  	s9 =	smov.u32 s7;
	s7 =	smov.u32 s12;
	s12 =	sor.u32 $0x430, s12;
	[tilespmem:s15+$0xFFFFFF30] =	vst v24;
	v29 =	vld [tilespmem:s19+$0x0];
	(erf) = vpow2.f32 v20  }
0x470: {  	s6 =	sor.u32 $0x430, s2;
	(erf) = vrcp.f32 v25;
	v25 =	vld [tilespmem:s12+$0x6800];
	[tilespmem:s15+$0xFFFFFE30] =	vst v26  }
0x471: {  	s10 =	simm.s32 $0x400;
	v27 =	vld [tilespmem:s6+$0x6800];
	v26 =	vpop (erf)  }
0x472: {  	v46 =	vld [tilespmem:s30+$0x30];
	s11 =	sand.u32 $0x200, s10;
	v28 =	vpop (erf)  }
0x473: {  	v5 =	vld [tilespmem:s15+$0xFFFFFF00];
	s20 =	sor.u32 s11, s3;
	v32 =	vpop (erf)  }
0x474: {  	v44 =	vld [tilespmem:s20+$0x0];
	v31 =	vpop (erf)  }
0x475: {  	v59 =	vld [tilespmem:s29+$0x60];
	v23 =	vsub.f32 v23, v25;
	v25 =	vadd.f32 $1.000000000e+00, v26;
	v45 =	vpop (erf)  }
0x476: {  	v62 =	vld [tilespmem:s28+$0x30];
	v28 =	vadd.f32 $1.000000000e+00, v28;
	v22 =	vsub.f32 v22, v27;
	v29 =	vmul.f32 v45, v29  }
0x477: {  	v24 =	vld [tilespmem:s16+$0xFFFFFE30];
	v47 =	vpop (erf);
	v23 =	vmul.f32 $1.442695020e+00, v23;
	(erf) = vrcp.f32 v25  }
0x478: {  	v3 =	vld [tilespmem:s15+$0xFFFFFF80];
	v48 =	vpop (erf);
	(erf) = vrcp.f32 v28;
	v22 =	vmul.f32 $1.442695020e+00, v22  }
0x479: {  	v4 =	vld [tilespmem:s15+$0xFFFFFE80];
	s12 =	sor.u32 $0x410, s5;
	v49 =	vpop (erf);
	v33 =	vmul.f32 v48, v44;
	[tilespmem:s16+$0xFFFFFF90] =	vst v29;
	(erf) = vpow2.f32 v23  }
0x47a: {  	v23 =	vadd.f32 $1.000000000e+00, v47;
	v51 =	vpop (erf);
	v52 =	vld [tilespmem:s12+$0x6800];
	(erf) = vpow2.f32 v22;
	s12 =	simm.s32 $0x480  }
0x47b: {  	v20 =	vld [tilespmem:s16+$0xFFFFFE40];
	s6 =	sor.u32 $0x410, s25;
	v22 =	vadd.f32 $1.000000000e+00, v49;
	v29 =	vmul.f32 v51, v46;
	[tilespmem:s16+$0xFFFFFE10] =	vst v33;
	s8 =	sand.u32 $0x280, s12  }
0x47c: {  	s10 =	smov.u32 s30;
	(erf) = vrcp.f32 v23;
	v27 =	vld [tilespmem:s6+$0x6800];
	s30 =	sor.u32 s8, s3  }
0x47d: {  	s11 =	sor.u32 $0x440, s31;
	s6 =	simm.s32 $0x500;
	(erf) = vrcp.f32 v22;
	[tilespmem:s15+$0xFFFFFFC0] =	vst v29;
	v28 =	vld [tilespmem:s30+$0x0]  }
0x47e: {  	v53 =	vld [tilespmem:s11+$0x6800];
	s11 =	sand.u32 $0x300, s6  }
0x47f: {  	v26 =	vld [tilespmem:s16+$0xFFFFFE50];
	s6 =	sor.u32 s11, s3  }
0x480: {  	v35 =	vsub.f32 v50, v52;
	v56 =	vld [tilespmem:s6+$0x0];
	v57 =	vpop (erf)  }
0x481: {  	v25 =	vld [tilespmem:s16+$0xFFFFFEB0];
	v58 =	vpop (erf)  }
0x482: {  	v49 =	vld [tilespmem:s26+$0x0];
	v35 =	vmul.f32 $1.442695020e+00, v35;
	v36 =	vsub.f32 v36, v27;
	v60 =	vpop (erf)  }
0x483: {  	v23 =	vld [tilespmem:s16+$0xFFFFFEC0];
	v40 =	vmul.f32 v57, v28;
	v42 =	vadd.f32 $1.000000000e+00, v60;
	v63 =	vpop (erf)  }
0x484: {  	v22 =	vld [tilespmem:s16+$0xFFFFFF40];
	(erf) = vpow2.f32 v35;
	v36 =	vmul.f32 $1.442695020e+00, v36;
	v45 =	vadd.f32 $1.000000000e+00, v63  }
0x485: {  	v29 =	vld [tilespmem:s16+$0xFFFFFF30];
	v46 =	vpop (erf);
	v34 =	vmul.f32 v58, v56;
	(erf) = vrcp.f32 v42  }
0x486: {  	s11 =	sor.u32 $0x410, s13;
	v27 =	vld [tilespmem:s16+$0xFFFFFF50];
	[tilespmem:s16+$0xFFFFFE90] =	vst v40;
	v39 =	vmul.f32 v46, v59;
	v48 =	vpop (erf);
	(erf) = vrcp.f32 v45  }
0x487: {  	s12 =	sor.u32 $0x410, s24;
	v40 =	vld [tilespmem:s11+$0x6800];
	[tilespmem:s16+$0xFFFFFF10] =	vst v34;
	(erf) = vpow2.f32 v36;
	v36 =	vmul.f32 v48, v62  }
0x488: {  	v33 =	vsub.f32 v61, v53;
	[tilespmem:s26+$0xFFFFFFF0] =	vst v39;
	v34 =	vld [tilespmem:s12+$0x6800]  }
0x489: {  	s0 =	sor.u32 $0x470, s0;
	v28 =	vld [tilespmem:s16+$0xFFFFFED0];
	[tilespmem:s15+$0xFFFFFEC0] =	vst v36  }
0x48a: {  	s8 =	sor.u32 $0x440, s4;
	v33 =	vmul.f32 $1.442695020e+00, v33;
	v47 =	vld [tilespmem:s0+$0x6800];
	[smem:$0x7BE] =	sst s4  }
0x48b: {  	v50 =	vld [tilespmem:s8+$0x6800];
	[smem:$0x7C1] =	sst s14  }
0x48c: {  	(erf) = vpow2.f32 v33;
	v38 =	vsub.f32 v54, v40;
	v51 =	vld [tilespmem:s14+$0x50]  }
0x48d: {  	v34 =	vsub.f32 v55, v34  }
0x48e: {  	v52 =	vmul.f32 $1.442695020e+00, v38;
	v54 =	vld [tilespmem:s18+$0x30]  }
0x48f: {  	v53 =	vpop (erf);
	[smem:$0x7BD] =	sst s17;
	v34 =	vmul.f32 $1.442695020e+00, v34  }
0x490: {  	v35 =	vsub.f32 v49, v47;
	v60 =	vld [tilespmem:s17+$0x30];
	v55 =	vpop (erf);
	(erf) = vpow2.f32 v52  }
0x491: {  	v56 =	vadd.f32 $1.000000000e+00, v53;
	v57 =	vpop (erf);
	(erf) = vpow2.f32 v34;
	v30 =	vmul.f32 v30, v51  }
0x492: {  	v63 =	vld [tilespmem:s21+$0x50];
	v58 =	vmul.f32 $1.442695020e+00, v35;
	v59 =	vpop (erf);
	v12 =	vsub.f32 v12, v50  }
0x493: {  	v61 =	vld [tilespmem:s9+$0x50];
	v35 =	vadd.f32 $1.000000000e+00, v59;
	v62 =	vmul.f32 v55, v54;
	(erf) = vrcp.f32 v56  }
0x494: {  	s11 =	sor.u32 $0x460, s1;
	v12 =	vmul.f32 $1.442695020e+00, v12;
	(erf) = vpow2.f32 v58;
	[tilespmem:s26+$0xFFFFFEE0] =	vst v30  }
0x495: {  	v41 =	vmul.f32 v57, v60;
	(erf) = vrcp.f32 v35;
	v40 =	vld [tilespmem:s11+$0x6800];
	v30 =	vpop (erf)  }
0x496: {  	s12 =	sor.u32 $0x440, s7;
	v42 =	vld [tilespmem:s19+$0x10];
	[tilespmem:s15+$0xFFFFFF40] =	vst v62;
	v30 =	vadd.f32 $1.000000000e+00, v30  }
0x497: {  	v31 =	vmul.f32 v31, v63;
	v33 =	vld [tilespmem:s12+$0x6800];
	[tilespmem:s15+$0xFFFFFE40] =	vst v41;
	(erf) = vpow2.f32 v12  }
0x498: {  	s8 =	smov.u32 s17;
	s17 =	sor.u32 $0x440, s2;
	v12 =	vmul.f32 v32, v61;
	(erf) = vrcp.f32 v30;
	v30 =	vld [tilespmem:s20+$0x10];
	[smem:$0x7BF] =	sst s2  }
0x499: {  	v43 =	vpop (erf);
	v44 =	vld [tilespmem:s17+$0x6800]  }
0x49a: {  	[tilespmem:s26+$0xFFFFFF60] =	vst v12;
	v12 =	vadd.f32 $1.000000000e+00, v43;
	v6 =	vsub.f32 v6, v40;
	v45 =	vpop (erf)  }
0x49b: {  	s21 =	sor.u32 $0x460, s22;
	v36 =	vadd.f32 $1.000000000e+00, v45  }
0x49c: {  	s22 =	sor.u32 $0x460, s23;
	[tilespmem:s26+$0xFFFFFE60] =	vst v31;
	v46 =	vld [tilespmem:s21+$0x6800];
	v31 =	vpop (erf);
	(erf) = vrcp.f32 v12;
	v49 =	vmul.f32 $1.442695020e+00, v6  }
0x49d: {  	v14 =	vsub.f32 v14, v33;
	v47 =	vld [tilespmem:s22+$0x6800];
	v48 =	vpop (erf);
	v31 =	vmul.f32 v31, v42;
	(erf) = vrcp.f32 v36  }
0x49e: {  	v6 =	vpop (erf);
	(erf) = vpow2.f32 v49;
	v13 =	vsub.f32 v13, v44  }
0x49f: {  	s23 =	sor.u32 $0x420, s5;
	v54 =	vld [tilespmem:s16+$0xFFFFFFB0];
	v14 =	vmul.f32 $1.442695020e+00, v14;
	[tilespmem:s16+$0xFFFFFFA0] =	vst v31  }
0x4a0: {  	v51 =	vpop (erf);
	v31 =	vld [tilespmem:s23+$0x6800];
	v13 =	vmul.f32 $1.442695020e+00, v13  }
0x4a1: {  	v50 =	vld [tilespmem:s10+$0x40];
	v9 =	vsub.f32 v9, v46;
	v52 =	vpop (erf);
	(erf) = vpow2.f32 v14  }
0x4a2: {  	v53 =	vld [tilespmem:s30+$0x10];
	v7 =	vsub.f32 v7, v47;
	v14 =	vadd.f32 $1.000000000e+00, v48;
	(erf) = vpow2.f32 v13  }
0x4a3: {  	v55 =	vld [tilespmem:s6+$0x10];
	v30 =	vmul.f32 v6, v30;
	v9 =	vmul.f32 $1.442695020e+00, v9  }
0x4a4: {  	v7 =	vmul.f32 $1.442695020e+00, v7;
	(erf) = vrcp.f32 v14  }
0x4a5: {  	s3 =	smov.u32 s4;
	s4 =	smov.u32 s2;
	s2 =	sor.u32 $0x420, s25;
	[tilespmem:s16+$0xFFFFFE20] =	vst v30;
	(erf) = vpow2.f32 v9;
	v56 =	vpop (erf);
	v31 =	vsub.f32 v54, v31  }
0x4a6: {  	v33 =	vadd.f32 $1.000000000e+00, v51;
	v30 =	vld [tilespmem:s2+$0x6800];
	v32 =	vmul.f32 v52, v50;
	(erf) = vpow2.f32 v7;
	v57 =	vpop (erf)  }
0x4a7: {  	v36 =	vmul.f32 v56, v53;
	v31 =	vmul.f32 $1.442695020e+00, v31;
	v58 =	vpop (erf)  }
0x4a8: {  	s9 =	sor.u32 $0x450, s31;
	v60 =	vld [tilespmem:s15+$0xFFFFFFE0];
	[tilespmem:s15+$0xFFFFFFD0] =	vst v32;
	(erf) = vrcp.f32 v33;
	v59 =	vmul.f32 v57, v55;
	v33 =	vadd.f32 $1.000000000e+00, v58  }
0x4a9: {  	s11 =	sor.u32 $0x420, s13;
	v32 =	vld [tilespmem:s9+$0x6800];
	[tilespmem:s16+$0xFFFFFEA0] =	vst v36  }
0x4aa: {  	s12 =	sor.u32 $0x420, s24;
	v36 =	vld [tilespmem:s11+$0x6800];
	[tilespmem:s16+$0xFFFFFF20] =	vst v59;
	(erf) = vrcp.f32 v33;
	v62 =	vpop (erf)  }
0x4ab: {  	v24 =	vsub.f32 v24, v30;
	v61 =	vld [tilespmem:s12+$0x6800];
	(erf) = vpow2.f32 v31;
	v31 =	vpop (erf)  }
0x4ac: {  	v34 =	vadd.f32 $1.000000000e+00, v62;
	v30 =	vadd.f32 $1.000000000e+00, v31;
	_ =	sdelay $0x1  }
0x4ad: {  	v24 =	vmul.f32 $1.442695020e+00, v24;
	v31 =	vpop (erf);
	(erf) = vrcp.f32 v34  }
0x4ae: {  	v39 =	vpop (erf);
	v25 =	vsub.f32 v25, v36;
	(erf) = vrcp.f32 v30  }
0x4af: {  	v63 =	vld [tilespmem:s28+$0x40];
	v32 =	vsub.f32 v60, v32;
	v30 =	vpop (erf);
	(erf) = vpow2.f32 v24;
	v24 =	vsub.f32 v29, v61  }
0x4b0: {  	v25 =	vmul.f32 $1.442695020e+00, v25  }
0x4b1: {  	v29 =	vmul.f32 $1.442695020e+00, v32;
	v24 =	vmul.f32 $1.442695020e+00, v24;
	_ =	sdelay $0x1  }
0x4b2: {  	v41 =	vld [tilespmem:s14+$0x60];
	v40 =	vpop (erf);
	(erf) = vpow2.f32 v29  }
0x4b3: {  	v12 =	vld [tilespmem:s16+$0xFFFFFE60];
	v32 =	vmul.f32 v40, v63;
	v29 =	vadd.f32 $1.000000000e+00, v39;
	(erf) = vpow2.f32 v25;
	v25 =	vpop (erf)  }
0x4b4: {  	v6 =	vld [tilespmem:s16+$0xFFFFFE70];
	(erf) = vpow2.f32 v24;
	v24 =	vpop (erf)  }
0x4b5: {  	s17 =	sor.u32 $0x450, s3;
	v30 =	vadd.f32 $1.000000000e+00, v30;
	[tilespmem:s15+$0xFFFFFED0] =	vst v32;
	(erf) = vrcp.f32 v29;
	v29 =	vld [tilespmem:s18+$0x40];
	v24 =	vadd.f32 $1.000000000e+00, v24  }
0x4b6: {  	v32 =	vld [tilespmem:s17+$0x6800]  }
0x4b7: {  	s17 =	smov.u32 s18;
	s18 =	simm.s32 $0xC;
	(erf) = vrcp.f32 v30;
	v30 =	vld [tilespmem:s8+$0x40]  }
0x4b8: {  	v13 =	vld [tilespmem:s16+$0xFFFFFF60];
	s22 =	sand.u32 $0x7, s18  }
0x4b9: {  	v14 =	vld [tilespmem:s16+$0xFFFFFEE0];
	s3 =	sshll.u32 s22, $0x7;
	(erf) = vrcp.f32 v24;
	v24 =	vpop (erf)  }
0x4ba: {  	s21 =	simm.s32 $0xC;
	v9 =	vld [tilespmem:s16+$0xFFFFFEF0];
	v25 =	vmul.f32 v25, v41;
	s23 =	sadd.s32 $0xC00, s3;
	v42 =	vpop (erf);
	v24 =	vmul.f32 v24, v29  }
0x4bb: {  	v7 =	vld [tilespmem:s16+$0xFFFFFF70];
	[dreg:$0x7] =	wrdreg s21;
	s0 =	sadd.s32 $0x180, s23;
	v18 =	vsub.f32 v18, v32;
	v43 =	vpop (erf)  }
0x4bc: {  	[tilespmem:s26+$0xFFFFFEF0] =	vst v25;
	v44 =	vld [tilespmem:s19+$0x20];
	s11 =	sor.u32 $0x400, s0;
	v25 =	vmul.f32 v42, v30;
	v29 =	vpop (erf);
	v33 =	vadd.f32 $1.000000000e+00, v43  }
0x4bd: {  	s8 =	sor.u32 $0x450, s7;
	v47 =	vld [tilespmem:s11+$0x6800];
	v18 =	vmul.f32 $1.442695020e+00, v18;
	[tilespmem:s15+$0xFFFFFF50] =	vst v24;
	v30 =	vpop (erf)  }
0x4be: {  	s9 =	sor.u32 $0x450, s4;
	v46 =	vld [tilespmem:s8+$0x6800];
	[tilespmem:s15+$0xFFFFFE50] =	vst v25;
	v29 =	vadd.f32 $1.000000000e+00, v29;
	v24 =	vpop (erf);
	(erf) = vrcp.f32 v33  }
0x4bf: {  	p0 =	por !p0, !p0;
	s11 =	simm.s32 $0xABF0;
	s8 =	simm.s32 $0x1;
	v25 =	vld [tilespmem:s9+$0x6800];
	(erf) = vpow2.f32 v18  }
0x4c0: {  	s1 =	sor.u32 $0x470, s1;
	s8 =	simm.s32 @!p0 $0x0;
	(erf) = vrcp.f32 v29;
	v29 =	vld [tilespmem:s11+$0xFFFFFF90]  }
0x4c1: {  	v45 =	vld [tilespmem:s1+$0x6800];
	s14 =	sadd.s32 $0x80, s23;
	v32 =	vpop (erf);
	s12 =	sshll.u32 s8, $0x9  }
0x4c2: {  	s18 =	sor.u32 $0x400, s14;
	v30 =	vadd.f32 $1.000000000e+00, v30;
	v33 =	vpop (erf);
	s29 =	sadd.s32 $0xC00, s12  }
0x4c3: {  	v48 =	vld [tilespmem:s18+$0x6800];
	v24 =	vadd.f32 $1.000000000e+00, v24;
	v18 =	vpop (erf);
	s22 =	sor.u32 $0x400, s29  }
0x4c4: {  	(erf) = vrcp.f32 v30;
	v18 =	vmul.f32 v18, v44;
	v49 =	vld [tilespmem:s22+$0x6800];
	v11 =	vsub.f32 v11, v46  }
0x4c5: {  	(erf) = vrcp.f32 v24;
	v10 =	vsub.f32 v10, v25;
	v25 =	vld [tilespmem:s11+$0xFFFFFE10];
	v24 =	vsub.f32 v29, v47  }
0x4c6: {  	s21 =	simm.s32 $0x6;
	v8 =	vsub.f32 v8, v45;
	v30 =	vld [tilespmem:s10+$0x50];
	v11 =	vmul.f32 $1.442695020e+00, v11  }
0x4c7: {  	s1 =	sand.u32 $0x3, s21;
	s23 =	sor.u32 $0x430, s5;
	v52 =	vld [tilespmem:s11+$0xFFFFFE90];
	[tilespmem:s16+$0xFFFFFFB0] =	vst v18;
	v10 =	vmul.f32 $1.442695020e+00, v10  }
0x4c8: {  	s1 =	sshll.u32 s1, $0x8;
	v8 =	vmul.f32 $1.442695020e+00, v8;
	v18 =	vld [tilespmem:s23+$0x6800];
	(erf) = vpow2.f32 v11;
	v51 =	vpop (erf)  }
0x4c9: {  	s1 =	sadd.s32 $0xC00, s1;
	v29 =	vld [tilespmem:s16+$0xFFFFFFC0];
	(erf) = vpow2.f32 v10;
	v10 =	vmul.f32 $1.442695020e+00, v24;
	v24 =	vpop (erf)  }
0x4ca: {  	s21 =	sadd.s32 $0x100, s1;
	v53 =	vld [tilespmem:s11+$0xFFFFFF10];
	(erf) = vpow2.f32 v8;
	v8 =	vsub.f32 v25, v49;
	v25 =	vpop (erf)  }
0x4cb: {  	s1 =	sor.u32 $0x400, s21;
	v11 =	vld [tilespmem:s30+$0x20];
	(erf) = vpow2.f32 v10;
	v10 =	vadd.f32 $1.000000000e+00, v24;
	v24 =	vmul.f32 v25, v30  }
0x4cc: {  	v50 =	vld [tilespmem:s1+$0x6800]  }
0x4cd: {  	v8 =	vmul.f32 $1.442695020e+00, v8  }
0x4ce: {  	v18 =	vsub.f32 v29, v18;
	(erf) = vrcp.f32 v10  }
0x4cf: {  	[tilespmem:s15+$0xFFFFFFE0] =	vst v24;
	v24 =	vpop (erf);
	(erf) = vpow2.f32 v8  }
0x4d0: {  	s3 =	sor.u32 $0x460, s31;
	v25 =	vsub.f32 v52, v48;
	v8 =	vmul.f32 $1.442695020e+00, v18;
	v18 =	vmul.f32 v24, v11  }
0x4d1: {  	v29 =	vsub.f32 v53, v50;
	v10 =	vld [tilespmem:s3+$0x6800]  }
0x4d2: {  	v24 =	vld [tilespmem:s15+$0xFFFFFFF0];
	[tilespmem:s16+$0xFFFFFEB0] =	vst v18;
	v18 =	vmul.f32 $1.442695020e+00, v25  }
0x4d3: {  	v29 =	vmul.f32 $1.442695020e+00, v29;
	v30 =	vpop (erf)  }
0x4d4: {  	(erf) = vpow2.f32 v8;
	v8 =	vpop (erf)  }
0x4d5: {  	s4 =	sor.u32 $0x430, s13;
	v54 =	vpop (erf)  }
0x4d6: {  	v25 =	vld [tilespmem:s4+$0x6800];
	v8 =	vadd.f32 $1.000000000e+00, v8;
	(erf) = vpow2.f32 v18;
	v18 =	vpop (erf)  }
0x4d7: {  	v34 =	vadd.f32 $1.000000000e+00, v54;
	v10 =	vsub.f32 v24, v10;
	(erf) = vpow2.f32 v29;
	v29 =	vpop (erf)  }
0x4d8: {  	v24 =	vld [tilespmem:s6+$0x20];
	(erf) = vrcp.f32 v8;
	v55 =	vadd.f32 $1.000000000e+00, v29  }
0x4d9: {  	v56 =	vld [tilespmem:s20+$0x20];
	v8 =	vmul.f32 $1.442695020e+00, v10;
	(erf) = vrcp.f32 v34  }
0x4da: {  	v63 =	vld [tilespmem:s11+$0xFFFFFE20];
	s8 =	simm.s32 $0xC00;
	v10 =	vadd.f32 $1.000000000e+00, v18;
	v29 =	vpop (erf);
	(erf) = vrcp.f32 v55  }
0x4db: {  	s2 =	smov.u32 s7;
	v35 =	vld [tilespmem:s11+$0xFFFFFE30];
	s7 =	sand.u32 $0x3800, s8;
	s12 =	simm.s32 $0x780;
	v23 =	vsub.f32 v23, v25;
	v18 =	vpop (erf);
	(erf) = vpow2.f32 v8  }
0x4dc: {  	v36 =	vld [tilespmem:s11+$0xFFFFFF30];
	s18 =	sand.u32 $0x380, s12;
	s22 =	sadd.s32 $0x6800, s7;
	v8 =	vadd.f32 $1.000000000e+00, v18;
	(erf) = vrcp.f32 v10  }
0x4dd: {  	v46 =	vld [tilespmem:s11+$0xFFFFFEA0];
	s7 =	sor.u32 s18, s22;
	v18 =	vpop (erf);
	v10 =	vmul.f32 $1.442695020e+00, v23;
	v23 =	vmul.f32 v30, v24  }
0x4de: {  	v58 =	vld [tilespmem:s7+$0x0];
	v18 =	vadd.f32 $1.000000000e+00, v18;
	v24 =	vmul.f32 v51, v56;
	(erf) = vrcp.f32 v8  }
0x4df: {  	s9 =	sor.u32 $0x430, s24;
	v62 =	vld [tilespmem:s19+$0x30];
	(erf) = vpow2.f32 v10;
	[tilespmem:s16+$0xFFFFFF30] =	vst v23  }
0x4e0: {  	s23 =	sor.u32 $0x430, s25;
	v25 =	vpop (erf);
	[tilespmem:s16+$0xFFFFFE30] =	vst v24;
	(erf) = vrcp.f32 v18;
	v18 =	vld [tilespmem:s9+$0x6800]  }
0x4e1: {  	s12 =	simm.s32 $0x600;
	v57 =	vld [tilespmem:s23+$0x6800]  }
0x4e2: {  	v52 =	vld [tilespmem:s11+$0xFFFFFFA0];
	s4 =	sand.u32 $0x200, s12;
	v24 =	vpop (erf)  }
0x4e3: {  	v48 =	vld [tilespmem:s16+$0xFFFFFFD0];
	s18 =	sor.u32 s4, s22;
	v38 =	vpop (erf)  }
0x4e4: {  	v59 =	vld [tilespmem:s18+$0x0];
	v30 =	vpop (erf)  }
0x4e5: {  	v11 =	vld [tilespmem:s16+$0xFFFFFF00];
	v25 =	vadd.f32 $1.000000000e+00, v25;
	v60 =	vpop (erf)  }
0x4e6: {  	v56 =	vld [tilespmem:s11+$0xFFFFFF20];
	v61 =	vpop (erf);
	v22 =	vsub.f32 v22, v18;
	v20 =	vsub.f32 v20, v57  }
0x4e7: {  	v8 =	vld [tilespmem:s16+$0xFFFFFF80];
	v24 =	vadd.f32 $1.000000000e+00, v24;
	v37 =	vmul.f32 v60, v58;
	(erf) = vrcp.f32 v25;
	v34 =	vpop (erf)  }
0x4e8: {  	v10 =	vld [tilespmem:s16+$0xFFFFFE80];
	v50 =	vpop (erf);
	v22 =	vmul.f32 $1.442695020e+00, v22;
	v20 =	vmul.f32 $1.442695020e+00, v20  }
0x4e9: {  	v23 =	vld [tilespmem:s11+$0xFFFFFE40];
	(erf) = vrcp.f32 v24;
	v39 =	vmul.f32 v50, v59  }
0x4ea: {  	s4 =	simm.s32 $0x680;
	s9 =	sor.u32 $0x410, s0;
	v18 =	vld [tilespmem:s11+$0xFFFFFE50];
	[tilespmem:s11+$0xFFFFFF90] =	vst v37;
	v51 =	vpop (erf);
	(erf) = vpow2.f32 v22;
	v22 =	vadd.f32 $1.000000000e+00, v61  }
0x4eb: {  	s1 =	sand.u32 $0x280, s4;
	s23 =	sor.u32 $0x410, s29;
	v55 =	vld [tilespmem:s9+$0x6800];
	s9 =	simm.s32 $0x700;
	[tilespmem:s11+$0xFFFFFE10] =	vst v39;
	(erf) = vpow2.f32 v20;
	v20 =	vadd.f32 $1.000000000e+00, v51  }
0x4ec: {  	v39 =	vld [tilespmem:s23+$0x6800];
	(erf) = vrcp.f32 v22;
	s23 =	sand.u32 $0x300, s9;
	s9 =	sor.u32 s1, s22  }
0x4ed: {  	v53 =	vpop (erf);
	(erf) = vrcp.f32 v20;
	s4 =	sor.u32 s23, s22;
	v20 =	vld [tilespmem:s9+$0x0]  }
0x4ee: {  	v54 =	vmul.f32 v53, v62;
	v47 =	vld [tilespmem:s4+$0x0]  }
0x4ef: {  	v57 =	vld [tilespmem:s30+$0x30]  }
0x4f0: {  	s3 =	sor.u32 $0x440, s5;
	v58 =	vld [tilespmem:s10+$0x60];
	[tilespmem:s16+$0xFFFFFFC0] =	vst v54  }
0x4f1: {  	v44 =	vld [tilespmem:s3+$0x6800];
	v24 =	vsub.f32 v52, v55;
	v22 =	vpop (erf)  }
0x4f2: {  	v25 =	vld [tilespmem:s11+$0xFFFFFEC0];
	v59 =	vpop (erf);
	v51 =	vmul.f32 v22, v20  }
0x4f3: {  	v37 =	vld [tilespmem:s11+$0xFFFFFEB0];
	v50 =	vmul.f32 $1.442695020e+00, v24;
	v39 =	vsub.f32 v63, v39;
	v49 =	vpop (erf);
	v45 =	vmul.f32 v59, v47  }
0x4f4: {  	s1 =	sor.u32 $0x410, s14;
	v54 =	vld [tilespmem:s6+$0x30];
	v49 =	vadd.f32 $1.000000000e+00, v49;
	v52 =	vpop (erf);
	[tilespmem:s11+$0xFFFFFE90] =	vst v51  }
0x4f5: {  	s23 =	smov.u32 s5;
	s5 =	sor.u32 $0x410, s21;
	(erf) = vpow2.f32 v50;
	v39 =	vmul.f32 $1.442695020e+00, v39;
	v60 =	vpop (erf);
	v61 =	vadd.f32 $1.000000000e+00, v52;
	v63 =	vld [tilespmem:s1+$0x6800];
	[tilespmem:s11+$0xFFFFFF10] =	vst v45  }
0x4f6: {  	v44 =	vsub.f32 v48, v44;
	(erf) = vrcp.f32 v49;
	v42 =	vmul.f32 v60, v58;
	v62 =	vpop (erf);
	v48 =	vld [tilespmem:s5+$0x6800]  }
0x4f7: {  	v52 =	vld [tilespmem:s28+$0x50];
	v40 =	vmul.f32 v62, v57;
	(erf) = vrcp.f32 v61  }
0x4f8: {  	v51 =	vld [tilespmem:s15+$0x0];
	v50 =	vmul.f32 $1.442695020e+00, v44;
	[tilespmem:s15+$0xFFFFFFF0] =	vst v42;
	(erf) = vpow2.f32 v39  }
0x4f9: {  	s3 =	smov.u32 s10;
	s10 =	sor.u32 $0x470, s31;
	v57 =	vld [tilespmem:s17+$0x50];
	[tilespmem:s16+$0xFFFFFEC0] =	vst v40  }
0x4fa: {  	v42 =	vld [tilespmem:s10+$0x6800];
	(erf) = vpow2.f32 v50;
	s10 =	smov.u32 s17;
	v53 =	vsub.f32 v46, v63;
	s17 =	sld [smem:$0x7BD]  }
0x4fb: {  	s22 =	sor.u32 $0x440, s13;
	v55 =	vld [tilespmem:s20+$0x30];
	v41 =	vsub.f32 v56, v48  }
0x4fc: {  	v40 =	vld [tilespmem:s22+$0x6800];
	v29 =	vmul.f32 v29, v52;
	v45 =	vmul.f32 $1.442695020e+00, v53  }
0x4fd: {  	v41 =	vmul.f32 $1.442695020e+00, v41;
	v62 =	vld [tilespmem:s17+$0x50]  }
0x4fe: {  	v24 =	vld [tilespmem:s11+$0xFFFFFF40];
	v56 =	vpop (erf);
	[tilespmem:s15+$0xFFFFFEE0] =	vst v29;
	(erf) = vpow2.f32 v45  }
0x4ff: {  	v22 =	vld [tilespmem:s11+$0xFFFFFED0];
	v38 =	vmul.f32 v38, v57;
	s22 =	sld [smem:$0x7BE];
	v42 =	vsub.f32 v51, v42;
	v58 =	vpop (erf);
	(erf) = vpow2.f32 v41  }
0x500: {  	v20 =	vld [tilespmem:s11+$0xFFFFFF50];
	v59 =	vadd.f32 $1.000000000e+00, v56;
	v60 =	vpop (erf);
	v44 =	vmul.f32 v58, v54  }
0x501: {  	v50 =	vld [tilespmem:s7+$0x10];
	[tilespmem:s15+$0xFFFFFF60] =	vst v38;
	v28 =	vsub.f32 v28, v40;
	v42 =	vmul.f32 $1.442695020e+00, v42;
	v61 =	vpop (erf);
	v63 =	vmul.f32 v60, v55  }
0x502: {  	v51 =	vld [tilespmem:s18+$0x10];
	(erf) = vrcp.f32 v59;
	s1 =	sor.u32 $0x460, s22;
	v46 =	vadd.f32 $1.000000000e+00, v61;
	[tilespmem:s16+$0xFFFFFF40] =	vst v44;
	v30 =	vmul.f32 v30, v62  }
0x503: {  	v28 =	vmul.f32 $1.442695020e+00, v28;
	v47 =	vld [tilespmem:s1+$0x6800];
	s1 =	sor.u32 $0x440, s24;
	(erf) = vpow2.f32 v42;
	v29 =	vpop (erf);
	[tilespmem:s16+$0xFFFFFE40] =	vst v63  }
0x504: {  	v29 =	vadd.f32 $1.000000000e+00, v29;
	v48 =	vld [tilespmem:s1+$0x6800];
	s1 =	sor.u32 $0x440, s25;
	(erf) = vrcp.f32 v46;
	[tilespmem:s15+$0xFFFFFE60] =	vst v30  }
0x505: {  	(erf) = vpow2.f32 v28;
	v28 =	vld [tilespmem:s1+$0x6800];
	s15 =	sld [smem:$0x7BF]  }
0x506: {  	v55 =	vld [tilespmem:s19+$0x40];
	s1 =	sor.u32 $0x460, s2;
	(erf) = vrcp.f32 v29  }
0x507: {  	v29 =	vld [tilespmem:s1+$0x6800];
	v49 =	vpop (erf)  }
0x508: {  	v60 =	vld [tilespmem:s4+$0x10];
	v16 =	vsub.f32 v16, v47;
	v38 =	vadd.f32 $1.000000000e+00, v49;
	v52 =	vpop (erf);
	s1 =	sor.u32 $0x460, s15  }
0x509: {  	v27 =	vsub.f32 v27, v48;
	v30 =	vld [tilespmem:s1+$0x6800];
	v53 =	vadd.f32 $1.000000000e+00, v52  }
0x50a: {  	v42 =	vld [tilespmem:s3+$0x70];
	s5 =	sld [smem:$0x7C0];
	v16 =	vmul.f32 $1.442695020e+00, v16;
	(erf) = vrcp.f32 v38;
	v28 =	vsub.f32 v26, v28  }
0x50b: {  	v63 =	vld [tilespmem:s30+$0x40];
	v54 =	vpop (erf);
	v27 =	vmul.f32 $1.442695020e+00, v27;
	(erf) = vrcp.f32 v53  }
0x50c: {  	v40 =	vld [tilespmem:s20+$0x40];
	v56 =	vpop (erf);
	v21 =	vsub.f32 v21, v29;
	(erf) = vpow2.f32 v16;
	v28 =	vmul.f32 $1.442695020e+00, v28  }
0x50d: {  	v43 =	vld [tilespmem:s5+$0x70];
	s5 =	sld [smem:$0x7C1];
	v38 =	vmul.f32 v54, v50;
	v29 =	vadd.f32 $1.000000000e+00, v56;
	v57 =	vpop (erf);
	(erf) = vpow2.f32 v27  }
0x50e: {  	v47 =	vld [tilespmem:s6+$0x40];
	v21 =	vmul.f32 $1.442695020e+00, v21;
	v58 =	vpop (erf);
	v19 =	vsub.f32 v19, v30;
	(erf) = vpow2.f32 v28  }
0x50f: {  	v26 =	vld [tilespmem:s11+$0xFFFFFE60];
	v39 =	vmul.f32 v57, v51;
	v27 =	vpop (erf);
	(erf) = vrcp.f32 v29  }
0x510: {  	s1 =	sor.u32 $0x420, s0;
	v44 =	vld [tilespmem:s5+$0x70];
	[tilespmem:s11+$0xFFFFFFA0] =	vst v38;
	v27 =	vmul.f32 v27, v55;
	v19 =	vmul.f32 $1.442695020e+00, v19  }
0x511: {  	v38 =	vld [tilespmem:s1+$0x6800];
	[tilespmem:s11+$0xFFFFFE20] =	vst v39;
	(erf) = vpow2.f32 v21  }
0x512: {  	s1 =	sor.u32 $0x420, s29;
	[tilespmem:s16+$0xFFFFFFD0] =	vst v27;
	v27 =	vadd.f32 $1.000000000e+00, v58;
	(erf) = vpow2.f32 v19;
	v19 =	vld [tilespmem:s9+$0x10]  }
0x513: {  	v39 =	vld [tilespmem:s1+$0x6800];
	s1 =	sor.u32 $0x450, s23  }
0x514: {  	v45 =	vld [tilespmem:s1+$0x6800];
	s1 =	sld [smem:$0x7C2]  }
0x515: {  	v16 =	vld [tilespmem:s11+$0xFFFFFE70];
	(erf) = vrcp.f32 v27  }
0x516: {  	v30 =	vld [tilespmem:s11+$0xFFFFFEE0];
	s3 =	sld [smem:$0x7C3];
	v27 =	vpop (erf)  }
0x517: {  	v28 =	vld [tilespmem:s1+$0x60];
	v61 =	vpop (erf);
	v27 =	vmul.f32 v27, v19  }
0x518: {  	v58 =	vld [tilespmem:s11+$0xFFFFFFB0];
	v62 =	vpop (erf);
	v41 =	vmul.f32 v61, v60  }
0x519: {  	s5 =	sor.u32 $0x420, s14;
	v59 =	vld [tilespmem:s3+$0x60];
	v48 =	vpop (erf);
	[tilespmem:s11+$0xFFFFFEA0] =	vst v27  }
0x51a: {  	v57 =	vpop (erf);
	v53 =	vld [tilespmem:s5+$0x6800];
	[tilespmem:s11+$0xFFFFFF20] =	vst v41;
	s5 =	sor.u32 $0x420, s21  }
0x51b: {  	v51 =	vpop (erf);
	v54 =	vld [tilespmem:s5+$0x6800];
	s5 =	sld [smem:$0x7C4]  }
0x51c: {  	v29 =	vld [tilespmem:s11+$0xFFFFFF60];
	v28 =	vmul.f32 v32, v28;
	v46 =	vpop (erf)  }
0x51d: {  	v21 =	vld [tilespmem:s11+$0xFFFFFEF0];
	v52 =	vpop (erf)  }
0x51e: {  	v19 =	vld [tilespmem:s11+$0xFFFFFF70];
	v27 =	vmul.f32 v33, v59;
	[tilespmem:s26+$0xFFFFFF70] =	vst v28;
	v59 =	vpop (erf);
	s5 =	sor.u32 $0x470, s5  }
0x51f: {  	v28 =	vmul.f32 v59, v63;
	v33 =	vld [tilespmem:s5+$0x6800];
	s5 =	sld [smem:$0x7C5]  }
0x520: {  	v60 =	vld [tilespmem:s16+$0xFFFFFFE0];
	[tilespmem:s26+$0xFFFFFE70] =	vst v27;
	v27 =	vsub.f32 v58, v38  }
0x521: {  	[tilespmem:s16+$0xFFFFFED0] =	vst v28;
	v28 =	vld [tilespmem:s1+$0x70]  }
0x522: {  	v61 =	vadd.f32 $1.000000000e+00, v62;
	v62 =	vmul.f32 $1.442695020e+00, v27;
	v27 =	vld [tilespmem:s3+$0x70];
	s5 =	sor.u32 $0x470, s5  }
0x523: {  	s2 =	sor.u32 $0x470, s2;
	v49 =	vld [tilespmem:s5+$0x6800];
	s5 =	sor.u32 $0x450, s13  }
0x524: {  	v41 =	vld [tilespmem:s5+$0x6800];
	s5 =	sor.u32 $0x470, s22;
	[dreg:$0x16] =	wrdreg s2;
	s22 =	sor.u32 $0x470, s15  }
0x525: {  	s2 =	sor.u32 $0x460, s13;
	[dreg:$0x15] =	wrdreg s22  }
0x526: {  	s15 =	sor.u32 $0x470, s13;
	v56 =	vld [tilespmem:s28+$0x60];
	[smem:$0x7C6] =	sst s2  }
0x527: {  	s31 =	sor.u32 $0x450, s24;
	s22 =	sor.u32 $0x460, s24;
	[dreg:$0x12] =	wrdreg s15  }
0x528: {  	v39 =	vsub.f32 v35, v39;
	s13 =	smov.u32 s10;
	s2 =	sor.u32 $0x460, s25;
	v35 =	vld [tilespmem:s10+$0x60];
	[dreg:$0x1e] =	wrdreg s22  }
0x529: {  	v55 =	vadd.f32 $1.000000000e+00, v57;
	v57 =	vmul.f32 v34, v44;
	s15 =	sor.u32 $0x470, s25;
	s10 =	sor.u32 $0x470, s24;
	v34 =	vld [tilespmem:s17+$0x60];
	[smem:$0x7C7] =	sst s2  }
0x52a: {  	v37 =	vsub.f32 v37, v53;
	s24 =	smov.u32 s17;
	[dreg:$0x8] =	wrdreg s15;
	s17 =	sor.u32 $0x430, s14  }
0x52b: {  	s22 =	sor.u32 $0x450, s25;
	s25 =	sor.u32 $0x440, s14;
	v38 =	vld [tilespmem:s9+$0x20];
	[smem:$0x7C8] =	sst s17  }
0x52c: {  	(erf) = vrcp.f32 v61;
	v63 =	vadd.f32 $1.000000000e+00, v48;
	v58 =	vmul.f32 $1.442695020e+00, v37;
	s2 =	sor.u32 $0x450, s14;
	v37 =	vld [tilespmem:s4+$0x20];
	[smem:$0x7C9] =	sst s25  }
0x52d: {  	(erf) = vpow2.f32 v62;
	s15 =	smov.u32 s9;
	s9 =	sor.u32 $0x460, s14;
	[dreg:$0x1c] =	wrdreg s2  }
0x52e: {  	v39 =	vmul.f32 $1.442695020e+00, v39;
	(erf) = vrcp.f32 v63;
	s14 =	sor.u32 $0x470, s14;
	[dreg:$0xe] =	wrdreg s9  }
0x52f: {  	(erf) = vrcp.f32 v55;
	s17 =	sor.u32 $0x430, s21;
	[dreg:$0xa] =	wrdreg s14  }
0x530: {  	v31 =	vmul.f32 v31, v43;
	s1 =	smov.u32 s18;
	(erf) = vpow2.f32 v39;
	v39 =	vld [tilespmem:s18+$0x20];
	[smem:$0x7CA] =	sst s17;
	s18 =	sor.u32 $0x440, s21  }
0x531: {  	v32 =	vsub.f32 v60, v45;
	[smem:$0x7CB] =	sst s18  }
0x532: {  	s25 =	sor.u32 $0x450, s21;
	[tilespmem:s26+$0x0] =	vst v31  }
0x533: {  	v32 =	vmul.f32 $1.442695020e+00, v32;
	s9 =	sor.u32 $0x460, s21;
	[dreg:$0x18] =	wrdreg s25  }
0x534: {  	v36 =	vsub.f32 v36, v54;
	s14 =	simm.s32 $0xA5F0;
	[dreg:$0xc] =	wrdreg s9  }
0x535: {  	(erf) = vpow2.f32 v32;
	v32 =	vld [tilespmem:s11+$0xFFFFFE80];
	[smem:$0x7CC] =	sst s14  }
0x536: {  	v36 =	vmul.f32 $1.442695020e+00, v36;
	s18 =	sor.u32 $0x430, s29;
	[tilespmem:s26+$0xFFFFFF00] =	vst v57  }
0x537: {  	s17 =	sor.u32 $0x470, s21;
	s21 =	sor.u32 $0x440, s29;
	v31 =	vld [tilespmem:s11+$0xFFFFFF00];
	[smem:$0x7CD] =	sst s18  }
0x538: {  	v42 =	vmul.f32 v51, v42;
	v46 =	vadd.f32 $1.000000000e+00, v46;
	(erf) = vpow2.f32 v58;
	s25 =	sor.u32 $0x450, s29;
	[smem:$0x7CE] =	sst s21  }
0x539: {  	v59 =	vadd.f32 $1.000000000e+00, v52;
	v17 =	vsub.f32 v17, v33;
	v60 =	vpop (erf);
	(erf) = vpow2.f32 v36;
	s26 =	sor.u32 $0x460, s29;
	[dreg:$0x1a] =	wrdreg s25  }
0x53a: {  	s3 =	smov.u32 s20;
	s20 =	simm.s32 $0xA7F0;
	v15 =	vsub.f32 v15, v49;
	v62 =	vmul.f32 v60, v56;
	v61 =	vpop (erf);
	(erf) = vrcp.f32 v46;
	[dreg:$0x10] =	wrdreg s26  }
0x53b: {  	p0 =	por !p0, !p0;
	v17 =	vmul.f32 $1.442695020e+00, v17;
	v63 =	vpop (erf);
	(erf) = vrcp.f32 v59;
	s21 =	sor.u32 $0x470, s29;
	s26 =	smov.u32 s30;
	[tilespmem:s20+$0x0] =	vst v42;
	v33 =	vld [tilespmem:s11+$0xFFFFFF80]  }
0x53c: {  	v44 =	vadd.f32 $1.000000000e+00, v61;
	v43 =	vmul.f32 v63, v47;
	v45 =	vpop (erf);
	s29 =	simm.s32 $0xC;
	s18 =	simm.s32 $0xABF0;
	v36 =	vld [tilespmem:s30+$0x50];
	[tilespmem:s20+$0xFFFFFEF0] =	vst v62;
	v42 =	vmul.f32 $1.442695020e+00, v15;
	s30 =	simm.s32 $0x8  }
.LBB2_5:
0x53d: {  	[smem:$0x7AA] =	sst s6  }
0x53e: {  	[smem:$0x7B7] =	sst s21  }
0x53f: {  	[smem:$0x7B4] =	sst s10  }
0x540: {  	[smem:$0x7BA] =	sst s13  }
0x541: {  	[smem:$0x7B5] =	sst s17  }
0x542: {  	[smem:$0x7BD] =	sst s24  }
0x543: {  	s24 =	smov.u32 s4;
	s17 =	sand.u32 $0x3, s30;
	s6 =	simm.s32 $0x1  }
0x544: {  	s2 =	rddreg [dreg:$0x7];
	v51 =	vmul.f32 v45, v40;
	s8 =	sadd.s32 $0x400, s8;
	s11 =	sadd.s32 $0x200, s11  }
0x545: {  	s6 =	simm.s32 @!p0 $0x0;
	s2 =	sadd.s32 $0x4, s2;
	s4 =	sshll.u32 s17, $0x8  }
0x546: {  	v52 =	vld [tilespmem:s5+$0x6800];
	[dreg:$0x7] =	wrdreg s2;
	s21 =	sand.u32 $0x7, s2;
	[tilespmem:s16+$0xFFFFFE50] =	vst v51;
	s4 =	sadd.s32 s8, s4  }
0x547: {  	s6 =	sshll.u32 s6, $0x9;
	s5 =	sshll.u32 s21, $0x7;
	v53 =	vld [tilespmem:s22+$0x6800];
	s22 =	sadd.s32 $0x100, s4  }
0x548: {  	s5 =	sadd.s32 s8, s5;
	s14 =	sor.u32 $0x400, s22;
	s13 =	sor.u32 $0x410, s22  }
0x549: {  	[tilespmem:s16+$0xFFFFFF50] =	vst v43;
	v46 =	vpop (erf);
	(erf) = vrcp.f32 v44;
	s9 =	sadd.s32 $0x80, s5;
	s17 =	sadd.s32 $0x180, s5;
	s5 =	sadd.s32 s6, s8  }
0x54a: {  	[smem:$0x7A9] =	sst s13;
	v50 =	vld [tilespmem:s14+$0x6800];
	s14 =	sor.u32 $0x430, s22;
	s10 =	sor.u32 $0x410, s9  }
0x54b: {  	v47 =	vsub.f32 v14, v41;
	s25 =	sor.u32 $0x400, s17;
	s21 =	sor.u32 $0x420, s5;
	[smem:$0x7A8] =	sst s10  }
0x54c: {  	v46 =	vadd.f32 $1.000000000e+00, v46;
	(erf) = vpow2.f32 v17;
	v14 =	vmov v30;
	v30 =	vld [tilespmem:s31+$0x6800];
	s6 =	sor.u32 $0x400, s5;
	s13 =	sor.u32 $0x440, s5;
	[smem:$0x7B1] =	sst s21  }
0x54d: {  	v59 =	vld [tilespmem:s7+$0x20];
	v55 =	vpop (erf);
	(erf) = vpow2.f32 v42;
	v54 =	vmul.f32 $1.442695020e+00, v47;
	s2 =	sor.u32 $0x400, s9;
	s10 =	sor.u32 $0x420, s22;
	[smem:$0x7AE] =	sst s13  }
0x54e: {  	v56 =	vld [tilespmem:s11+$0xFFFFFF90];
	v57 =	vpop (erf);
	v58 =	vadd.f32 $1.000000000e+00, v55;
	(erf) = vrcp.f32 v46;
	s4 =	sor.u32 $0x410, s5;
	s13 =	sor.u32 $0x440, s22;
	[smem:$0x7B3] =	sst s10  }
0x54f: {  	v61 =	vsub.f32 v5, v52;
	v43 =	vadd.f32 $1.000000000e+00, v57;
	v60 =	vpop (erf);
	s31 =	sor.u32 $0x450, s5;
	v62 =	vld [tilespmem:s25+$0x6800];
	(erf) = vpow2.f32 v54;
	s10 =	sor.u32 $0x440, s9;
	[smem:$0x7AD] =	sst s13  }
0x550: {  	v46 =	vadd.f32 $1.000000000e+00, v60;
	v63 =	vpop (erf);
	v48 =	vld [tilespmem:s2+$0x6800];
	s2 =	sor.u32 $0x460, s5;
	v51 =	vsub.f32 v12, v53;
	v12 =	vmov v26;
	s13 =	sor.u32 $0x460, s9;
	[smem:$0x7AB] =	sst s10  }
0x551: {  	v26 =	vld [tilespmem:s6+$0x6800];
	s6 =	sor.u32 $0x430, s5;
	s5 =	sor.u32 $0x470, s5;
	(erf) = vrcp.f32 v58;
	v49 =	vsub.f32 v13, v30;
	v30 =	vmul.f32 v63, v35;
	v13 =	vpop (erf);
	[smem:$0x7AC] =	sst s13  }
0x552: {  	s10 =	sor.u32 $0x450, s9;
	s13 =	sor.u32 $0x460, s22;
	[smem:$0x7B8] =	sst s5;
	(erf) = vrcp.f32 v43;
	v34 =	vmul.f32 v13, v34;
	v13 =	vmov v29;
	v29 =	vpop (erf)  }
0x553: {  	[smem:$0x7B9] =	sst s10;
	s10 =	smov.u32 s7;
	s7 =	sor.u32 $0x450, s22;
	(erf) = vrcp.f32 v46;
	[tilespmem:s20+$0xFFFFFF70] =	vst v30;
	v30 =	vld [tilespmem:s11+$0xFFFFFE10];
	v44 =	vmul.f32 v29, v59  }
0x554: {  	v17 =	vmovc v8;
	v8 =	vmovc v33;
	v5 =	vmov v11;
	v33 =	vmul.f32 $1.442695020e+00, v61;
	v61 =	vld [tilespmem:s11+$0xFFFFFF10];
	[smem:$0x7AF] =	sst s13;
	s22 =	sor.u32 $0x470, s22;
	v43 =	vmul.f32 $1.442695020e+00, v49;
	[tilespmem:s20+$0xFFFFFE70] =	vst v34  }
0x555: {  	v11 =	vmov v31;
	v54 =	vld [tilespmem:s19+$0x50];
	v31 =	vmul.f32 $1.442695020e+00, v51;
	s13 =	smov.u32 s20;
	[smem:$0x7B6] =	sst s22;
	v53 =	vsub.f32 v56, v62;
	s20 =	sor.u32 $0x430, s0;
	v52 =	vpop (erf);
	[tilespmem:s18+$0xFFFFFFB0] =	vst v44  }
0x556: {  	v15 =	vmov v10;
	s5 =	smov.u32 s31;
	(erf) = vpow2.f32 v43;
	v55 =	vpop (erf);
	v58 =	vld [tilespmem:s20+$0x6800];
	s20 =	rddreg [dreg:$0x1a]  }
0x557: {  	v10 =	vmov v32;
	v56 =	vld [tilespmem:s18+$0xFFFFFFC0];
	v34 =	vmul.f32 $1.442695020e+00, v53;
	v29 =	vpop (erf);
	(erf) = vpow2.f32 v31;
	[dreg:$0x1a] =	wrdreg s5  }
0x558: {  	v59 =	vld [tilespmem:s11+$0xFFFFFE90];
	v32 =	vadd.f32 $1.000000000e+00, v52;
	v26 =	vsub.f32 v30, v26;
	s5 =	smov.u32 s7;
	s7 =	rddreg [dreg:$0xa];
	v60 =	vpop (erf);
	(erf) = vpow2.f32 v33  }
0x559: {  	s22 =	smov.u32 s20;
	s20 =	rddreg [dreg:$0x18];
	(erf) = vpow2.f32 v34  }
0x55a: {  	s25 =	sor.u32 $0x420, s9;
	v57 =	vmul.f32 v29, v39;
	v62 =	vadd.f32 $1.000000000e+00, v60;
	v29 =	vpop (erf);
	s31 =	smov.u32 s20;
	s20 =	rddreg [dreg:$0x12];
	v26 =	vmul.f32 $1.442695020e+00, v26  }
0x55b: {  	v35 =	vsub.f32 v61, v50;
	[dreg:$0x18] =	wrdreg s5;
	s5 =	smov.u32 s20;
	v63 =	vpop (erf);
	v42 =	vmul.f32 v29, v54;
	(erf) = vrcp.f32 v32;
	s20 =	smov.u32 s7  }
0x55c: {  	v40 =	vld [tilespmem:s28+$0x70];
	s21 =	sor.u32 $0x430, s9;
	s9 =	sor.u32 $0x470, s9;
	v31 =	vadd.f32 $1.000000000e+00, v55;
	[dreg:$0x12] =	wrdreg s20;
	v32 =	vpop (erf);
	(erf) = vrcp.f32 v62;
	v45 =	vsub.f32 v56, v58  }
0x55d: {  	v46 =	vld [tilespmem:s16+$0xFFFFFFF0];
	v41 =	vsub.f32 v59, v48;
	s20 =	smov.u32 s9;
	s9 =	smov.u32 s3;
	s3 =	sor.u32 $0x460, s23;
	[tilespmem:s16+$0xFFFFFFE0] =	vst v42;
	(erf) = vpow2.f32 v26  }
0x55e: {  	v51 =	vmul.f32 $1.442695020e+00, v35;
	v26 =	vld [tilespmem:s3+$0x6800];
	v47 =	vmul.f32 $1.442695020e+00, v45  }
0x55f: {  	[tilespmem:s18+$0xFFFFFE30] =	vst v57;
	v34 =	vld [tilespmem:s11+$0xFFFFFF20];
	v49 =	vmul.f32 $1.442695020e+00, v41;
	v48 =	vpop (erf);
	(erf) = vrcp.f32 v31  }
0x560: {  	v30 =	vld [tilespmem:s11+$0xFFFFFE20];
	s7 =	sld [smem:$0x7C8];
	v44 =	vmul.f32 v63, v38;
	v31 =	vpop (erf);
	(erf) = vpow2.f32 v47  }
0x561: {  	v29 =	vld [tilespmem:s11+$0xFFFFFEA0];
	s3 =	sld [smem:$0x7CD];
	v50 =	vadd.f32 $1.000000000e+00, v48;
	(erf) = vpow2.f32 v49;
	v53 =	vpop (erf)  }
0x562: {  	v33 =	vld [tilespmem:s11+$0xFFFFFE30];
	[dreg:$0xa] =	wrdreg s20;
	v37 =	vmul.f32 v32, v37;
	[tilespmem:s18+$0xFFFFFEB0] =	vst v44;
	v52 =	vadd.f32 $1.000000000e+00, v31;
	(erf) = vpow2.f32 v51;
	v54 =	vpop (erf)  }
0x563: {  	s20 =	smov.u32 s21;
	s21 =	sld [smem:$0x7CA];
	v55 =	vld [tilespmem:s7+$0x6800];
	v26 =	vsub.f32 v46, v26;
	v56 =	vadd.f32 $1.000000000e+00, v54;
	(erf) = vrcp.f32 v50  }
0x564: {  	v59 =	vld [tilespmem:s3+$0x6800];
	v58 =	vpop (erf);
	(erf) = vrcp.f32 v52  }
0x565: {  	s28 =	smov.u32 s26;
	v60 =	vld [tilespmem:s11+$0xFFFFFE40];
	[tilespmem:s18+$0xFFFFFF30] =	vst v37;
	v26 =	vmul.f32 $1.442695020e+00, v26;
	v61 =	vpop (erf);
	(erf) = vrcp.f32 v56  }
0x566: {  	s12 =	sadd.s32 $0x200, s12;
	s26 =	smov.u32 s14;
	[smem:$0x7B2] =	sst s25;
	v57 =	vld [tilespmem:s21+$0x6800];
	v38 =	vadd.f32 $1.000000000e+00, v53;
	v63 =	vpop (erf)  }
0x567: {  	s14 =	sand.u32 $0x3800, s8;
	[smem:$0x7CA] =	sst s26;
	v32 =	vld [tilespmem:s11+$0xFFFFFEB0];
	s21 =	sadd.s32 $0x180, s12;
	(erf) = vpow2.f32 v26;
	v26 =	vadd.f32 $1.000000000e+00, v63  }
0x568: {  	s26 =	sadd.s32 $0x6800, s14;
	s7 =	smov.u32 s6;
	v62 =	vld [tilespmem:s11+$0xFFFFFEC0];
	s6 =	sand.u32 $0x380, s21;
	v49 =	vpop (erf);
	(erf) = vrcp.f32 v38  }
0x569: {  	s25 =	sld [smem:$0x7CC];
	v48 =	vld [tilespmem:s11+$0xFFFFFF40];
	s6 =	sor.u32 s6, s26;
	v25 =	vsub.f32 v25, v55;
	(erf) = vrcp.f32 v26;
	v26 =	vsub.f32 v23, v59;
	v23 =	vpop (erf)  }
0x56a: {  	v28 =	vmul.f32 v58, v28;
	v52 =	vld [tilespmem:s6+$0x0];
	v53 =	vpop (erf)  }
0x56b: {  	[smem:$0x7B0] =	sst s2;
	s2 =	smov.u32 s15;
	v31 =	vld [tilespmem:s11+$0xFFFFFF30];
	v24 =	vsub.f32 v24, v57;
	v51 =	vmul.f32 $1.442695020e+00, v25;
	v57 =	vpop (erf)  }
0x56c: {  	[tilespmem:s25+$0xFFFFFF80] =	vst v28;
	v28 =	vld [tilespmem:s2+$0x30];
	v55 =	vadd.f32 $1.000000000e+00, v23;
	v39 =	vpop (erf)  }
0x56d: {  	[smem:$0x7C8] =	sst s20;
	s20 =	sadd.s32 $0x80, s12;
	v35 =	vmul.f32 v61, v36;
	v63 =	vld [tilespmem:s11+$0xFFFFFFA0];
	v56 =	vadd.f32 $1.000000000e+00, v53;
	(erf) = vpow2.f32 v51;
	v38 =	vpop (erf)  }
0x56e: {  	s3 =	sand.u32 $0x280, s20;
	v50 =	vmul.f32 v49, v27;
	v27 =	vld [tilespmem:s24+$0x30];
	v59 =	vadd.f32 $1.000000000e+00, v57;
	(erf) = vrcp.f32 v55;
	v61 =	vpop (erf)  }
0x56f: {  	s15 =	smov.u32 s1;
	s21 =	sand.u32 $0x200, s12;
	s1 =	sor.u32 s3, s26;
	[tilespmem:s16+$0xFFFFFEE0] =	vst v35;
	v41 =	vld [tilespmem:s11+$0xFFFFFF50];
	(erf) = vrcp.f32 v56;
	v36 =	vmul.f32 v61, v52  }
0x570: {  	s14 =	sadd.s32 $0x100, s12;
	s21 =	sor.u32 s21, s26;
	v54 =	vmul.f32 $1.442695020e+00, v24;
	v37 =	vld [tilespmem:s1+$0x0];
	[tilespmem:s25+$0xFFFFFE80] =	vst v50;
	(erf) = vrcp.f32 v59  }
0x571: {  	s20 =	sand.u32 $0x300, s14;
	v26 =	vmul.f32 $1.442695020e+00, v26;
	v58 =	vld [tilespmem:s21+$0x0];
	[tilespmem:s11+$0xFFFFFF90] =	vst v36  }
0x572: {  	s14 =	sor.u32 s20, s26;
	s26 =	sor.u32 $0x410, s17;
	v25 =	vmov v62;
	(erf) = vpow2.f32 v54;
	v62 =	vpop (erf);
	v36 =	vld [tilespmem:s10+$0x30]  }
0x573: {  	(erf) = vpow2.f32 v26;
	v26 =	vadd.f32 $1.000000000e+00, v62;
	v54 =	vld [tilespmem:s26+$0x6800]  }
0x574: {  	v44 =	vld [tilespmem:s11+$0xFFFFFED0];
	v52 =	vpop (erf)  }
0x575: {  	v23 =	vmov v60;
	v60 =	vld [tilespmem:s14+$0x0];
	v55 =	vpop (erf);
	(erf) = vrcp.f32 v26  }
0x576: {  	v45 =	vld [tilespmem:s15+$0x30];
	v26 =	vmul.f32 v55, v58;
	v56 =	vpop (erf)  }
0x577: {  	v35 =	vld [tilespmem:s11+$0xFFFFFE50];
	v53 =	vmul.f32 v52, v40;
	v40 =	vadd.f32 $1.000000000e+00, v56;
	v57 =	vpop (erf)  }
0x578: {  	[smem:$0x7CD] =	sst s7;
	s25 =	smov.u32 s13;
	v59 =	vld [tilespmem:s19+$0x60];
	[tilespmem:s11+$0xFFFFFE10] =	vst v26;
	v49 =	vpop (erf);
	v50 =	vmul.f32 v57, v36;
	v42 =	vsub.f32 v63, v54  }
0x579: {  	s7 =	sld [smem:$0x7A8];
	s20 =	smov.u32 s16;
	s16 =	smov.u32 s18;
	v24 =	vmov v48;
	[tilespmem:s25+$0xFFFFFF00] =	vst v53;
	v48 =	vld [tilespmem:s4+$0x6800];
	v37 =	vmul.f32 v49, v37;
	v58 =	vpop (erf);
	(erf) = vrcp.f32 v40  }
0x57a: {  	s13 =	sld [smem:$0x7A9];
	s4 =	sor.u32 $0x440, s0;
	v43 =	vmul.f32 v58, v60;
	v60 =	vld [tilespmem:s16+$0xFFFFFFD0];
	[tilespmem:s16+$0xFFFFFFC0] =	vst v50;
	v62 =	vmul.f32 $1.442695020e+00, v42  }
0x57b: {  	v61 =	vpop (erf);
	[tilespmem:s11+$0xFFFFFE90] =	vst v37;
	v63 =	vld [tilespmem:s4+$0x6800]  }
0x57c: {  	v36 =	vadd.f32 $1.000000000e+00, v61;
	v52 =	vpop (erf);
	v53 =	vld [tilespmem:s7+$0x6800];
	[tilespmem:s11+$0xFFFFFF10] =	vst v43;
	(erf) = vpow2.f32 v62  }
0x57d: {  	v54 =	vadd.f32 $1.000000000e+00, v52;
	v55 =	vld [tilespmem:s13+$0x6800]  }
0x57e: {  	v26 =	vld [tilespmem:s11+$0xFFFFFE60];
	v30 =	vsub.f32 v30, v48;
	v56 =	vpop (erf);
	(erf) = vrcp.f32 v36  }
0x57f: {  	s3 =	sld [smem:$0x7AB];
	v46 =	vld [tilespmem:s21+$0x10];
	(erf) = vrcp.f32 v54  }
0x580: {  	[smem:$0x7CC] =	sst s25;
	v57 =	vld [tilespmem:s20+$0x0];
	v30 =	vmul.f32 $1.442695020e+00, v30;
	v42 =	vsub.f32 v60, v63  }
0x581: {  	s26 =	sld [smem:$0x7C9];
	s25 =	sor.u32 $0x470, s23;
	v37 =	vld [tilespmem:s1+$0x10];
	v40 =	vmul.f32 v56, v59;
	v29 =	vsub.f32 v29, v53  }
0x582: {  	s23 =	smov.u32 s0;
	s0 =	smov.u32 s17;
	s17 =	rddreg [dreg:$0xe];
	v36 =	vld [tilespmem:s14+$0x10];
	(erf) = vpow2.f32 v30;
	v34 =	vsub.f32 v34, v55;
	v59 =	vpop (erf);
	v42 =	vmul.f32 $1.442695020e+00, v42  }
0x583: {  	s7 =	smov.u32 s3;
	s3 =	sld [smem:$0x7AC];
	[tilespmem:s20+$0xFFFFFFF0] =	vst v40;
	v30 =	vld [tilespmem:s11+$0xFFFFFEE0];
	v60 =	vmul.f32 $1.442695020e+00, v29;
	v47 =	vmul.f32 v59, v28  }
0x584: {  	v58 =	vld [tilespmem:s25+$0x6800];
	s25 =	sld [smem:$0x7AA];
	v34 =	vmul.f32 $1.442695020e+00, v34;
	(erf) = vpow2.f32 v42  }
0x585: {  	s4 =	sld [smem:$0x7CE];
	v53 =	vld [tilespmem:s9+$0x50];
	[tilespmem:s16+$0xFFFFFEC0] =	vst v47;
	(erf) = vpow2.f32 v60;
	v28 =	vpop (erf)  }
0x586: {  	s13 =	sld [smem:$0x7C6];
	v62 =	vld [tilespmem:s26+$0x6800];
	(erf) = vpow2.f32 v34;
	v63 =	vadd.f32 $1.000000000e+00, v28  }
0x587: {  	[smem:$0x7C9] =	sst s7;
	s7 =	smov.u32 s3;
	v61 =	vld [tilespmem:s25+$0x50];
	v51 =	vpop (erf)  }
0x588: {  	[dreg:$0xe] =	wrdreg s7;
	v29 =	vld [tilespmem:s11+$0xFFFFFF60];
	v52 =	vpop (erf);
	(erf) = vrcp.f32 v63  }
0x589: {  	v40 =	vsub.f32 v57, v58;
	v55 =	vld [tilespmem:s13+$0x6800];
	s13 =	sld [smem:$0x7CB]  }
0x58a: {  	v47 =	vld [tilespmem:s11+$0xFFFFFE70];
	s26 =	smov.u32 s17;
	s17 =	sld [smem:$0x7AD];
	v27 =	vmul.f32 v51, v27  }
0x58b: {  	s7 =	sld [smem:$0x7AE];
	v28 =	vld [tilespmem:s2+$0x40];
	v40 =	vmul.f32 $1.442695020e+00, v40;
	v54 =	vmul.f32 v52, v45;
	v56 =	vpop (erf);
	v34 =	vsub.f32 v22, v62  }
0x58c: {  	[smem:$0x7C6] =	sst s26;
	[tilespmem:s16+$0xFFFFFF40] =	vst v27;
	v27 =	vmul.f32 v39, v61;
	v57 =	vadd.f32 $1.000000000e+00, v56;
	v61 =	vld [tilespmem:s6+$0x10]  }
0x58d: {  	s26 =	smov.u32 s17;
	s17 =	rddreg [dreg:$0xc];
	(erf) = vpow2.f32 v40;
	[tilespmem:s16+$0xFFFFFE40] =	vst v54;
	v58 =	vld [tilespmem:s13+$0x6800];
	v34 =	vmul.f32 $1.442695020e+00, v34;
	v59 =	vpop (erf)  }
0x58e: {  	[smem:$0x7CB] =	sst s26;
	v43 =	vld [tilespmem:s4+$0x6800];
	(erf) = vrcp.f32 v57;
	v60 =	vpop (erf);
	v39 =	vadd.f32 $1.000000000e+00, v59  }
0x58f: {  	s3 =	smov.u32 s15;
	v22 =	vmov v44;
	[tilespmem:s20+$0xFFFFFF60] =	vst v27;
	v40 =	vld [tilespmem:s15+$0x40];
	s15 =	rddreg [dreg:$0x1e];
	v44 =	vadd.f32 $1.000000000e+00, v60;
	v62 =	vpop (erf);
	(erf) = vpow2.f32 v34  }
0x590: {  	v38 =	vmul.f32 v38, v53;
	v63 =	vld [tilespmem:s15+$0x6800];
	s15 =	sld [smem:$0x7C7];
	(erf) = vrcp.f32 v39  }
0x591: {  	s26 =	smov.u32 s17;
	s17 =	rddreg [dreg:$0x10];
	v45 =	vsub.f32 v9, v55;
	v55 =	vld [tilespmem:s11+$0xFFFFFF70];
	v49 =	vadd.f32 $1.000000000e+00, v62;
	(erf) = vrcp.f32 v44;
	v53 =	vpop (erf)  }
0x592: {  	s13 =	smov.u32 s7;
	s7 =	smov.u32 s6;
	s6 =	sld [smem:$0x7B2];
	[tilespmem:s20+$0xFFFFFE60] =	vst v38;
	v59 =	vld [tilespmem:s11+$0xFFFFFFB0];
	v34 =	vmul.f32 v53, v61  }
0x593: {  	s4 =	sld [smem:$0x7AF];
	v52 =	vmul.f32 $1.442695020e+00, v45;
	v42 =	vsub.f32 v20, v58;
	v51 =	vld [tilespmem:s15+$0x6800];
	(erf) = vrcp.f32 v49  }
0x594: {  	[smem:$0x7CE] =	sst s13;
	v58 =	vld [tilespmem:s10+$0x40];
	s15 =	sor.u32 $0x420, s0;
	v50 =	vsub.f32 v18, v43;
	[tilespmem:s11+$0xFFFFFFA0] =	vst v34  }
0x595: {  	[dreg:$0x1e] =	wrdreg s26;
	v54 =	vmul.f32 $1.442695020e+00, v42;
	(erf) = vpow2.f32 v52;
	v62 =	vld [tilespmem:s15+$0x6800]  }
0x596: {  	v27 =	vld [tilespmem:s24+$0x40];
	s13 =	smov.u32 s4;
	s4 =	sld [smem:$0x7B0];
	v18 =	vmov v35;
	v38 =	vsub.f32 v7, v63;
	v39 =	vmul.f32 $1.442695020e+00, v50;
	v56 =	vpop (erf)  }
0x597: {  	s26 =	smov.u32 s17;
	s17 =	sld [smem:$0x7B1];
	v35 =	vld [tilespmem:s25+$0x60];
	v7 =	vmov v19;
	v57 =	vadd.f32 $1.000000000e+00, v56;
	(erf) = vpow2.f32 v54;
	v19 =	vpop (erf)  }
0x598: {  	[smem:$0x7C7] =	sst s26;
	v44 =	vld [tilespmem:s28+$0x60];
	(erf) = vpow2.f32 v39;
	v61 =	vmul.f32 v19, v46;
	v63 =	vpop (erf)  }
0x599: {  	[dreg:$0xc] =	wrdreg s13;
	s13 =	smov.u32 s4;
	v38 =	vmul.f32 $1.442695020e+00, v38;
	v60 =	vsub.f32 v6, v51;
	v54 =	vld [tilespmem:s19+$0x70];
	(erf) = vrcp.f32 v57;
	v50 =	vpop (erf)  }
0x59a: {  	[dreg:$0x10] =	wrdreg s13;
	v19 =	vmov v55;
	v55 =	vld [tilespmem:s16+$0xFFFFFFE0];
	[tilespmem:s11+$0xFFFFFE20] =	vst v61;
	v52 =	vpop (erf);
	v42 =	vmul.f32 v50, v58;
	v39 =	vsub.f32 v59, v62  }
0x59b: {  	v48 =	vmul.f32 $1.442695020e+00, v60;
	v51 =	vld [tilespmem:s17+$0x6800];
	s17 =	sld [smem:$0x7B4];
	v46 =	vmul.f32 v52, v37  }
0x59c: {  	s26 =	sor.u32 $0x450, s23;
	s13 =	rddreg [dreg:$0x16];
	v49 =	vadd.f32 $1.000000000e+00, v63;
	(erf) = vpow2.f32 v38;
	v53 =	vpop (erf);
	[tilespmem:s16+$0xFFFFFFD0] =	vst v42;
	v59 =	vmul.f32 $1.442695020e+00, v39;
	v39 =	vld [tilespmem:s21+$0x20]  }
0x59d: {  	s19 =	smov.u32 s10;
	s10 =	sld [smem:$0x7B3];
	s15 =	smov.u32 s1;
	(erf) = vpow2.f32 v48;
	v36 =	vmul.f32 v53, v36;
	[tilespmem:s11+$0xFFFFFEA0] =	vst v46;
	v57 =	vld [tilespmem:s26+$0x6800]  }
0x59e: {  	(erf) = vrcp.f32 v49;
	v56 =	vpop (erf);
	s26 =	sld [smem:$0x7B5];
	v38 =	vld [tilespmem:s1+$0x20];
	s1 =	smov.u32 s21;
	s21 =	smov.u32 s17  }
0x59f: {  	v43 =	vadd.f32 $1.000000000e+00, v56;
	v46 =	vld [tilespmem:s6+$0x6800];
	[tilespmem:s11+$0xFFFFFF20] =	vst v36;
	[dreg:$0x16] =	wrdreg s21  }
0x5a0: {  	v58 =	vpop (erf);
	v56 =	vld [tilespmem:s13+$0x6800];
	s13 =	rddreg [dreg:$0x15]  }
0x5a1: {  	v61 =	vpop (erf);
	v62 =	vld [tilespmem:s10+$0x6800];
	(erf) = vrcp.f32 v43;
	s21 =	rddreg [dreg:$0x8]  }
0x5a2: {  	v60 =	vadd.f32 $1.000000000e+00, v58;
	v49 =	vpop (erf);
	(erf) = vpow2.f32 v59;
	s10 =	smov.u32 s26;
	v59 =	vld [tilespmem:s13+$0x6800];
	s26 =	smov.u32 s21;
	s13 =	sld [smem:$0x7B7]  }
0x5a3: {  	v33 =	vsub.f32 v33, v51;
	v63 =	vadd.f32 $1.000000000e+00, v61;
	[dreg:$0x15] =	wrdreg s26  }
0x5a4: {  	v9 =	vmov v21;
	(erf) = vrcp.f32 v60;
	s26 =	sld [smem:$0x7B8]  }
0x5a5: {  	v21 =	vld [tilespmem:s11+$0xFFFFFEF0];
	v33 =	vmul.f32 $1.442695020e+00, v33;
	v51 =	vsub.f32 v55, v57;
	(erf) = vrcp.f32 v63;
	v52 =	vpop (erf);
	s21 =	smov.u32 s13;
	s13 =	sld [smem:$0x7B9]  }
0x5a6: {  	v20 =	vmov v41;
	v34 =	vld [tilespmem:s9+$0x60];
	s6 =	sld [smem:$0x7B6];
	v50 =	vmul.f32 v49, v54;
	v53 =	vsub.f32 v32, v46;
	v55 =	vpop (erf)  }
0x5a7: {  	s29 =	sadd.s32 $0x4, s29;
	v37 =	vld [tilespmem:s14+$0x20];
	(erf) = vpow2.f32 v33;
	v57 =	vsub.f32 v31, v62;
	v41 =	vmul.f32 $1.442695020e+00, v51;
	v31 =	vpop (erf);
	[dreg:$0x8] =	wrdreg s21  }
0x5a8: {  	v32 =	vld [tilespmem:s11+$0xFFFFFE80];
	s21 =	smov.u32 s26;
	v42 =	vmul.f32 $1.442695020e+00, v53;
	v60 =	vmul.f32 v31, v28;
	s26 =	smov.u32 s13;
	s13 =	sld [smem:$0x7BA]  }
0x5a9: {  	p1 =	slt.u32 s29, $0x24;
	v6 =	vmovc v16;
	v16 =	vmov v47;
	v33 =	vld [tilespmem:s11+$0xFFFFFF80];
	v47 =	vmul.f32 $1.442695020e+00, v57;
	(erf) = vpow2.f32 v41  }
.Ltmp1:
0x5aa: {  	s17 =	smov.u32 s6;
	s6 =	rddreg [dreg:$0x1c];
	v54 =	vadd.f32 $1.000000000e+00, v52;
	v58 =	vadd.f32 $1.000000000e+00, v55;
	v31 =	vld [tilespmem:s11+$0xFFFFFF00];
	(erf) = vpow2.f32 v42;
	v28 =	vpop (erf);
	(pc) =	sbr.rel @p1 .LBB2_5-.Ltmp1, $4  }
0x5ab: {  	v46 =	vsub.f32 v4, v59;
	[tilespmem:s16+$0xFFFFFED0] =	vst v60;
	(erf) = vpow2.f32 v47;
	v62 =	vmul.f32 v28, v44;
	v28 =	vld [tilespmem:s13+$0x70];
	s13 =	smov.u32 s25;
	s25 =	sld [smem:$0x7BD]  }
0x5ac: {  	s30 =	sadd.s32 $0x2, s30;
	p0 =	por !p0, !p0;
	v61 =	vsub.f32 v3, v56;
	v3 =	vmov v17;
	v41 =	vld [tilespmem:s6+$0x6800];
	v17 =	vpop (erf);
	(erf) = vrcp.f32 v54  }
0x5ad: {  	s18 =	smov.u32 s11;
	s4 =	smov.u32 s14;
	[tilespmem:s20+$0x0] =	vst v50;
	v4 =	vmov v15;
	[dreg:$0x1c] =	wrdreg s26;
	v42 =	vmul.f32 $1.442695020e+00, v46;
	v36 =	vld [tilespmem:s2+$0x50];
	v63 =	vpop (erf);
	(erf) = vrcp.f32 v58  }
0x5ae: {  	s26 =	smov.u32 s2;
	s6 =	smov.u32 s24;
	s24 =	smov.u32 s9;
	v44 =	vadd.f32 $1.000000000e+00, v17;
	v17 =	vmul.f32 $1.442695020e+00, v61;
	v43 =	vmul.f32 v63, v27;
	v45 =	vpop (erf);
	[tilespmem:s20+$0xFFFFFEF0] =	vst v62;
	v27 =	vld [tilespmem:s25+$0x70]  }
0x5af: {  	_ = 	snop  }
0x5b0: {  	(erf) = vrcp.f32 v44;
	_ =	sdelay $0x2  }
0x5b1: {  	v15 =	vpop (erf);
	v14 =	vsub.f32 v14, v41  }
0x5b2: {  	v15 =	vadd.f32 $1.000000000e+00, v15;
	v59 =	vpop (erf)  }
0x5b3: {  	v40 =	vmul.f32 v45, v40;
	v60 =	vpop (erf);
	(erf) = vpow2.f32 v17  }
0x5b4: {  	v62 =	vmul.f32 $1.442695020e+00, v14;
	v61 =	vpop (erf);
	(erf) = vpow2.f32 v42  }
0x5b5: {  	v46 =	vld [tilespmem:s7+$0x20];
	[tilespmem:s16+$0xFFFFFF50] =	vst v43;
	v63 =	vadd.f32 $1.000000000e+00, v59;
	v14 =	vpop (erf);
	(erf) = vrcp.f32 v15  }
0x5b6: {  	v43 =	vld [tilespmem:s31+$0x6800];
	[tilespmem:s16+$0xFFFFFE50] =	vst v40;
	v41 =	vadd.f32 $1.000000000e+00, v60;
	v15 =	vpop (erf);
	(erf) = vpow2.f32 v62  }
0x5b7: {  	v48 =	vld [tilespmem:s22+$0x6800];
	v49 =	vpop (erf);
	(erf) = vrcp.f32 v63  }
0x5b8: {  	v50 =	vld [tilespmem:s5+$0x6800];
	(erf) = vrcp.f32 v41;
	_ =	sdelay $0x2  }
0x5b9: {  	v13 =	vsub.f32 v13, v43  }
0x5ba: {  	v52 =	vld [tilespmem:s19+$0x50];
	v17 =	vadd.f32 $1.000000000e+00, v61;
	v12 =	vsub.f32 v12, v48;
	v51 =	vmul.f32 v49, v46;
	v53 =	vpop (erf)  }
0x5bb: {  	v5 =	vsub.f32 v5, v50;
	v13 =	vmul.f32 $1.442695020e+00, v13;
	v55 =	vpop (erf)  }
0x5bc: {  	s9 =	sor.u32 $0x430, s0;
	v54 =	vld [tilespmem:s18+$0xFFFFFFC0];
	v12 =	vmul.f32 $1.442695020e+00, v12;
	(erf) = vrcp.f32 v17;
	[tilespmem:s18+$0xFFFFFFB0] =	vst v51;
	v56 =	vpop (erf)  }
0x5bd: {  	v5 =	vmul.f32 $1.442695020e+00, v5;
	(erf) = vpow2.f32 v13;
	v40 =	vld [tilespmem:s9+$0x6800];
	v57 =	vpop (erf)  }
0x5be: {  	(erf) = vpow2.f32 v12;
	v58 =	vpop (erf)  }
0x5bf: {  	(erf) = vpow2.f32 v5;
	v5 =	vmul.f32 v58, v52;
	v59 =	vpop (erf)  }
0x5c0: {  	v38 =	vmul.f32 v59, v38  }
0x5c1: {  	v42 =	vadd.f32 $1.000000000e+00, v53;
	[tilespmem:s16+$0xFFFFFFE0] =	vst v5  }
0x5c2: {  	v12 =	vadd.f32 $1.000000000e+00, v57;
	v40 =	vsub.f32 v54, v40;
	[tilespmem:s18+$0xFFFFFEB0] =	vst v38  }
0x5c3: {  	s11 =	sor.u32 $0x460, s23;
	v62 =	vld [tilespmem:s16+$0xFFFFFFF0];
	v17 =	vadd.f32 $1.000000000e+00, v55;
	(erf) = vrcp.f32 v42;
	s12 =	sld [smem:$0x7C8]  }
0x5c4: {  	(erf) = vrcp.f32 v12;
	v60 =	vmul.f32 $1.442695020e+00, v40;
	v61 =	vld [tilespmem:s11+$0x6800]  }
0x5c5: {  	(erf) = vrcp.f32 v17  }
0x5c6: {  	v63 =	vpop (erf);
	(erf) = vpow2.f32 v60;
	v38 =	vld [tilespmem:s12+$0x6800]  }
0x5c7: {  	v37 =	vmul.f32 v63, v37  }
0x5c8: {  	v13 =	vmul.f32 v56, v39;
	v44 =	vpop (erf)  }
0x5c9: {  	v45 =	vpop (erf);
	v46 =	vadd.f32 $1.000000000e+00, v44;
	[tilespmem:s18+$0xFFFFFF30] =	vst v37;
	v12 =	vsub.f32 v62, v61  }
0x5ca: {  	v48 =	vadd.f32 $1.000000000e+00, v45;
	s14 =	sld [smem:$0x7CA];
	[tilespmem:s18+$0xFFFFFE30] =	vst v13  }
0x5cb: {  	v47 =	vpop (erf);
	(erf) = vrcp.f32 v46;
	s22 =	sld [smem:$0x7CD];
	v49 =	vmul.f32 $1.442695020e+00, v12;
	v25 =	vsub.f32 v25, v38  }
0x5cc: {  	v5 =	vpop (erf);
	v50 =	vadd.f32 $1.000000000e+00, v47;
	(erf) = vrcp.f32 v48  }
0x5cd: {  	v41 =	vpop (erf);
	v37 =	vld [tilespmem:s14+$0x6800];
	(erf) = vpow2.f32 v49;
	v51 =	vmul.f32 $1.442695020e+00, v25  }
0x5ce: {  	v13 =	vld [tilespmem:s22+$0x6800];
	v12 =	vpop (erf);
	(erf) = vrcp.f32 v50  }
0x5cf: {  	v52 =	vpop (erf);
	(erf) = vpow2.f32 v51  }
0x5d0: {  	v25 =	vadd.f32 $1.000000000e+00, v52;
	_ =	sdelay $0x1  }
0x5d1: {  	v53 =	vsub.f32 v24, v37;
	(erf) = vrcp.f32 v25  }
0x5d2: {  	v13 =	vsub.f32 v23, v13  }
0x5d3: {  	v24 =	vpop (erf);
	v17 =	vmul.f32 $1.442695020e+00, v53  }
0x5d4: {  	v23 =	vpop (erf);
	v56 =	vmul.f32 $1.442695020e+00, v13  }
0x5d5: {  	v55 =	vpop (erf);
	(erf) = vpow2.f32 v17  }
0x5d6: {  	v13 =	vpop (erf);
	(erf) = vpow2.f32 v56  }
0x5d7: {  	v57 =	vadd.f32 $1.000000000e+00, v55;
	v58 =	vpop (erf)  }
0x5d8: {  	v60 =	vadd.f32 $1.000000000e+00, v58  }
0x5d9: {  	v54 =	vld [tilespmem:s7+$0x30];
	(erf) = vrcp.f32 v57  }
0x5da: {  	v59 =	vpop (erf);
	(erf) = vrcp.f32 v60;
	_ =	sdelay $0x3  }
0x5db: {  	v62 =	vld [tilespmem:s19+$0x60];
	v25 =	vmul.f32 v59, v54;
	v46 =	vpop (erf)  }
0x5dc: {  	s2 =	smov.u32 s0;
	v45 =	vld [tilespmem:s15+$0x30];
	v39 =	vadd.f32 $1.000000000e+00, v46;
	v47 =	vpop (erf)  }
0x5dd: {  	s25 =	sor.u32 $0x440, s2;
	v63 =	vld [tilespmem:s18+$0xFFFFFFD0];
	[tilespmem:s18+$0xFFFFFFC0] =	vst v25;
	v40 =	vadd.f32 $1.000000000e+00, v47  }
0x5de: {  	v61 =	vld [tilespmem:s25+$0x6800];
	(erf) = vrcp.f32 v39  }
0x5df: {  	v48 =	vpop (erf);
	(erf) = vrcp.f32 v40  }
0x5e0: {  	v25 =	vmul.f32 v48, v62;
	v49 =	vpop (erf)  }
0x5e1: {  	v52 =	vld [tilespmem:s16+$0x0];
	v50 =	vmul.f32 v49, v45  }
0x5e2: {  	v55 =	vld [tilespmem:s1+$0x30];
	[tilespmem:s16+$0xFFFFFFF0] =	vst v25  }
0x5e3: {  	s29 =	sor.u32 $0x470, s23;
	v54 =	vld [tilespmem:s4+$0x30];
	v17 =	vsub.f32 v63, v61;
	[tilespmem:s18+$0xFFFFFEC0] =	vst v50  }
0x5e4: {  	v51 =	vld [tilespmem:s29+$0x6800];
	s30 =	sld [smem:$0x7C9]  }
0x5e5: {  	v56 =	vld [tilespmem:s6+$0x50];
	v17 =	vmul.f32 $1.442695020e+00, v17  }
0x5e6: {  	v58 =	vld [tilespmem:s3+$0x50]  }
0x5e7: {  	v36 =	vmul.f32 v41, v36;
	(erf) = vpow2.f32 v17;
	v57 =	vpop (erf);
	v53 =	vld [tilespmem:s30+$0x6800]  }
0x5e8: {  	v25 =	vmul.f32 v57, v54;
	v59 =	vpop (erf)  }
0x5e9: {  	[tilespmem:s16+$0xFFFFFEE0] =	vst v36;
	v37 =	vsub.f32 v52, v51;
	v60 =	vmul.f32 v59, v55  }
0x5ea: {  	s31 =	sld [smem:$0x7C6];
	[tilespmem:s18+$0xFFFFFF40] =	vst v25  }
0x5eb: {  	v24 =	vmul.f32 v24, v56;
	v37 =	vmul.f32 $1.442695020e+00, v37;
	s5 =	sld [smem:$0x7CB];
	[tilespmem:s18+$0xFFFFFE40] =	vst v60  }
0x5ec: {  	v23 =	vmul.f32 v23, v58;
	s8 =	sld [smem:$0x7CE];
	v17 =	vsub.f32 v22, v53  }
0x5ed: {  	v36 =	vld [tilespmem:s31+$0x6800];
	(erf) = vpow2.f32 v37;
	[tilespmem:s16+$0xFFFFFF60] =	vst v24  }
0x5ee: {  	s9 =	rddreg [dreg:$0x1e];
	[tilespmem:s16+$0xFFFFFE60] =	vst v23;
	v62 =	vld [tilespmem:s5+$0x6800];
	v17 =	vmul.f32 $1.442695020e+00, v17  }
0x5ef: {  	s11 =	sld [smem:$0x7C7];
	v38 =	vld [tilespmem:s8+$0x6800]  }
0x5f0: {  	v61 =	vpop (erf);
	(erf) = vpow2.f32 v17  }
0x5f1: {  	v63 =	vadd.f32 $1.000000000e+00, v61;
	v39 =	vld [tilespmem:s9+$0x6800]  }
0x5f2: {  	v9 =	vsub.f32 v9, v36;
	v40 =	vld [tilespmem:s11+$0x6800]  }
0x5f3: {  	(erf) = vrcp.f32 v63;
	v20 =	vsub.f32 v20, v62  }
0x5f4: {  	v9 =	vmul.f32 $1.442695020e+00, v9;
	v18 =	vsub.f32 v18, v38  }
0x5f5: {  	v20 =	vmul.f32 $1.442695020e+00, v20  }
0x5f6: {  	v7 =	vsub.f32 v7, v39;
	(erf) = vpow2.f32 v9;
	v42 =	vpop (erf);
	v18 =	vmul.f32 $1.442695020e+00, v18  }
0x5f7: {  	v9 =	vadd.f32 $1.000000000e+00, v42;
	v6 =	vsub.f32 v6, v40;
	(erf) = vpow2.f32 v20  }
0x5f8: {  	v41 =	vld [tilespmem:s7+$0x40];
	v7 =	vmul.f32 $1.442695020e+00, v7;
	(erf) = vpow2.f32 v18  }
0x5f9: {  	v6 =	vmul.f32 $1.442695020e+00, v6;
	(erf) = vrcp.f32 v9;
	v43 =	vpop (erf)  }
0x5fa: {  	(erf) = vpow2.f32 v7;
	v17 =	vadd.f32 $1.000000000e+00, v43  }
0x5fb: {  	(erf) = vpow2.f32 v6  }
0x5fc: {  	v44 =	vpop (erf);
	(erf) = vrcp.f32 v17  }
0x5fd: {  	v45 =	vmul.f32 v44, v41;
	_ =	sdelay $0x1  }
0x5fe: {  	s12 =	sor.u32 $0x450, s2;
	v46 =	vld [tilespmem:s18+$0xFFFFFFE0];
	v47 =	vpop (erf);
	[tilespmem:s18+$0xFFFFFFD0] =	vst v45  }
0x5ff: {  	v7 =	vld [tilespmem:s12+$0x6800];
	v48 =	vpop (erf)  }
0x600: {  	v49 =	vld [tilespmem:s15+$0x40];
	v51 =	vadd.f32 $1.000000000e+00, v47;
	v50 =	vpop (erf)  }
0x601: {  	v14 =	vmul.f32 v14, v35;
	v17 =	vadd.f32 $1.000000000e+00, v48;
	v6 =	vpop (erf)  }
0x602: {  	(erf) = vrcp.f32 v51;
	v52 =	vpop (erf)  }
0x603: {  	[tilespmem:s20+$0xFFFFFF70] =	vst v14;
	(erf) = vrcp.f32 v17;
	v53 =	vpop (erf)  }
0x604: {  	v15 =	vmul.f32 v15, v34;
	s14 =	rddreg [dreg:$0x16];
	v20 =	vadd.f32 $1.000000000e+00, v50;
	v7 =	vsub.f32 v46, v7;
	v54 =	vpop (erf)  }
0x605: {  	v56 =	vld [tilespmem:s14+$0x6800];
	v55 =	vmul.f32 v54, v49  }
0x606: {  	[tilespmem:s20+$0xFFFFFE70] =	vst v15;
	(erf) = vrcp.f32 v20;
	v7 =	vmul.f32 $1.442695020e+00, v7  }
0x607: {  	v58 =	vld [tilespmem:s4+$0x40];
	s22 =	rddreg [dreg:$0x15];
	[tilespmem:s18+$0xFFFFFED0] =	vst v55  }
0x608: {  	v57 =	vld [tilespmem:s22+$0x6800];
	(erf) = vpow2.f32 v7;
	s23 =	rddreg [dreg:$0x1c]  }
0x609: {  	v14 =	vld [tilespmem:s23+$0x6800]  }
0x60a: {  	v3 =	vsub.f32 v3, v56  }
0x60b: {  	v59 =	vld [tilespmem:s1+$0x40];
	v9 =	vadd.f32 $1.000000000e+00, v52;
	v61 =	vpop (erf)  }
0x60c: {  	v60 =	vadd.f32 $1.000000000e+00, v53;
	v3 =	vmul.f32 $1.442695020e+00, v3;
	v62 =	vpop (erf)  }
0x60d: {  	v4 =	vsub.f32 v4, v57;
	(erf) = vrcp.f32 v9;
	v7 =	vmul.f32 v62, v58  }
0x60e: {  	(erf) = vrcp.f32 v60;
	v63 =	vsub.f32 v30, v14  }
0x60f: {  	v4 =	vmul.f32 $1.442695020e+00, v4;
	(erf) = vpow2.f32 v3;
	v20 =	vpop (erf);
	[tilespmem:s18+$0xFFFFFF50] =	vst v7  }
0x610: {  	s25 =	rddreg [dreg:$0x18];
	v14 =	vmul.f32 v20, v59;
	v3 =	vmul.f32 $1.442695020e+00, v63  }
0x611: {  	(erf) = vpow2.f32 v4;
	v7 =	vld [tilespmem:s25+$0x6800];
	v22 =	vpop (erf)  }
0x612: {  	v23 =	vadd.f32 $1.000000000e+00, v22;
	[tilespmem:s18+$0xFFFFFE50] =	vst v14;
	(erf) = vpow2.f32 v3;
	v3 =	vld [tilespmem:s26+$0x60]  }
0x613: {  	s29 =	rddreg [dreg:$0x1a]  }
0x614: {  	v24 =	vld [tilespmem:s29+$0x6800];
	(erf) = vrcp.f32 v23;
	_ =	sdelay $0x2  }
0x615: {  	v7 =	vsub.f32 v29, v7;
	v3 =	vmul.f32 v61, v3  }
0x616: {  	v25 =	vpop (erf)  }
0x617: {  	v34 =	vld [tilespmem:s7+$0x50];
	v30 =	vpop (erf);
	v4 =	vsub.f32 v26, v24;
	[tilespmem:s16+$0xFFFFFEF0] =	vst v3;
	v3 =	vmul.f32 $1.442695020e+00, v7  }
0x618: {  	v35 =	vpop (erf);
	s30 =	rddreg [dreg:$0x12]  }
0x619: {  	v36 =	vpop (erf);
	v4 =	vmul.f32 $1.442695020e+00, v4;
	v37 =	vld [tilespmem:s30+$0x6800]  }
0x61a: {  	v38 =	vpop (erf);
	(erf) = vpow2.f32 v3  }
0x61b: {  	v3 =	vpop (erf);
	(erf) = vpow2.f32 v4  }
0x61c: {  	v3 =	vmul.f32 v3, v34;
	_ =	sdelay $0x1  }
0x61d: {  	s31 =	sor.u32 $0x460, s2;
	v40 =	vld [tilespmem:s18+$0xFFFFFFF0];
	[tilespmem:s18+$0xFFFFFFE0] =	vst v3;
	v39 =	vsub.f32 v11, v37  }
0x61e: {  	v3 =	vld [tilespmem:s31+$0x6800]  }
0x61f: {  	v4 =	vmul.f32 $1.442695020e+00, v39  }
0x620: {  	v41 =	vadd.f32 $1.000000000e+00, v35  }
0x621: {  	v42 =	vadd.f32 $1.000000000e+00, v38;
	(erf) = vpow2.f32 v4  }
0x622: {  	v7 =	vadd.f32 $1.000000000e+00, v36;
	v43 =	vpop (erf);
	(erf) = vrcp.f32 v41  }
0x623: {  	v44 =	vadd.f32 $1.000000000e+00, v43;
	(erf) = vrcp.f32 v42;
	v45 =	vpop (erf);
	v3 =	vsub.f32 v40, v3  }
0x624: {  	(erf) = vrcp.f32 v7;
	v46 =	vadd.f32 $1.000000000e+00, v45  }
0x625: {  	(erf) = vrcp.f32 v44;
	v3 =	vmul.f32 $1.442695020e+00, v3  }
0x626: {  	(erf) = vrcp.f32 v46  }
0x627: {  	(erf) = vpow2.f32 v3;
	_ =	sdelay $0x2  }
0x628: {  	v3 =	vpop (erf)  }
0x629: {  	v4 =	vpop (erf)  }
0x62a: {  	v47 =	vpop (erf)  }
0x62b: {  	v11 =	vpop (erf)  }
0x62c: {  	v48 =	vpop (erf)  }
0x62d: {  	v49 =	vpop (erf)  }
0x62e: {  	v3 =	vadd.f32 $1.000000000e+00, v3;
	v50 =	vpop (erf)  }
0x62f: {  	v18 =	vadd.f32 $1.000000000e+00, v50  }
0x630: {  	(erf) = vrcp.f32 v3  }
0x631: {  	(erf) = vrcp.f32 v18;
	_ =	sdelay $0x4  }
0x632: {  	v3 =	vld [tilespmem:s7+$0x60];
	_ =	sdelay $0x1  }
0x633: {  	v51 =	vld [tilespmem:s15+$0x50]  }
0x634: {  	v18 =	vpop (erf)  }
0x635: {  	v52 =	vpop (erf)  }
0x636: {  	v3 =	vmul.f32 v52, v3;
	_ =	sdelay $0x1  }
0x637: {  	s2 =	sor.u32 $0x470, s2;
	v53 =	vld [tilespmem:s18+$0x0];
	v7 =	vmul.f32 v47, v51;
	[tilespmem:s18+$0xFFFFFFF0] =	vst v3  }
0x638: {  	v3 =	vld [tilespmem:s2+$0x6800]  }
0x639: {  	[tilespmem:s18+$0xFFFFFEE0] =	vst v7  }
0x63a: {  	s5 =	rddreg [dreg:$0xe]  }
0x63b: {  	v7 =	vld [tilespmem:s5+$0x6800]  }
0x63c: {  	v54 =	vld [tilespmem:s4+$0x50]  }
0x63d: {  	v55 =	vld [tilespmem:s1+$0x50];
	v3 =	vsub.f32 v53, v3;
	_ =	sdelay $0x1  }
0x63e: {  	v3 =	vmul.f32 $1.442695020e+00, v3  }
0x63f: {  	v7 =	vsub.f32 v21, v7  }
0x640: {  	(erf) = vpow2.f32 v3;
	v3 =	vmul.f32 v48, v54  }
0x641: {  	v56 =	vmul.f32 v49, v55;
	v7 =	vmul.f32 $1.442695020e+00, v7  }
0x642: {  	[tilespmem:s18+$0xFFFFFF60] =	vst v3  }
0x643: {  	(erf) = vpow2.f32 v7;
	s8 =	rddreg [dreg:$0xc];
	[tilespmem:s18+$0xFFFFFE60] =	vst v56  }
0x644: {  	v3 =	vld [tilespmem:s8+$0x6800];
	s9 =	rddreg [dreg:$0x10]  }
0x645: {  	v57 =	vld [tilespmem:s9+$0x6800];
	_ =	sdelay $0x3  }
0x646: {  	v58 =	vpop (erf);
	v3 =	vsub.f32 v19, v3  }
0x647: {  	v15 =	vadd.f32 $1.000000000e+00, v58;
	v7 =	vsub.f32 v16, v57  }
0x648: {  	v3 =	vmul.f32 $1.442695020e+00, v3  }
0x649: {  	v59 =	vpop (erf);
	(erf) = vrcp.f32 v15;
	v7 =	vmul.f32 $1.442695020e+00, v7  }
0x64a: {  	(erf) = vpow2.f32 v3;
	v3 =	vadd.f32 $1.000000000e+00, v59  }
0x64b: {  	(erf) = vpow2.f32 v7  }
0x64c: {  	(erf) = vrcp.f32 v3;
	_ =	sdelay $0x2  }
0x64d: {  	v3 =	vld [tilespmem:s6+$0x60]  }
0x64e: {  	v60 =	vld [tilespmem:s3+$0x60]  }
0x64f: {  	v61 =	vld [tilespmem:s15+$0x60]  }
0x650: {  	v62 =	vpop (erf)  }
0x651: {  	v63 =	vpop (erf)  }
0x652: {  	v3 =	vmul.f32 v25, v3;
	v20 =	vpop (erf)  }
0x653: {  	v7 =	vmul.f32 v30, v60;
	v21 =	vpop (erf)  }
0x654: {  	[tilespmem:s16+$0xFFFFFF70] =	vst v3;
	v3 =	vmul.f32 v21, v61  }
0x655: {  	[tilespmem:s16+$0xFFFFFE70] =	vst v7  }
0x656: {  	v22 =	vld [tilespmem:s10+$0x6800];
	v23 =	vadd.f32 $1.000000000e+00, v63;
	s11 =	rddreg [dreg:$0x8];
	[tilespmem:s18+$0xFFFFFEF0] =	vst v3  }
0x657: {  	v24 =	vld [tilespmem:s11+$0x6800];
	s12 =	rddreg [dreg:$0xa]  }
0x658: {  	(erf) = vrcp.f32 v23;
	v3 =	vld [tilespmem:s12+$0x6800];
	_ =	sdelay $0x2  }
0x659: {  	v9 =	vadd.f32 $1.000000000e+00, v20;
	v25 =	vsub.f32 v8, v22  }
0x65a: {  	v26 =	vsub.f32 v10, v24  }
0x65b: {  	v29 =	vld [tilespmem:s4+$0x60];
	(erf) = vrcp.f32 v9;
	v7 =	vmul.f32 $1.442695020e+00, v25;
	v3 =	vsub.f32 v31, v3  }
0x65c: {  	v8 =	vmul.f32 $1.442695020e+00, v26  }
0x65d: {  	(erf) = vpow2.f32 v7;
	v3 =	vmul.f32 $1.442695020e+00, v3  }
0x65e: {  	(erf) = vpow2.f32 v8  }
0x65f: {  	v31 =	vpop (erf);
	(erf) = vpow2.f32 v3  }
0x660: {  	v30 =	vld [tilespmem:s1+$0x60];
	v3 =	vmul.f32 v31, v29;
	_ =	sdelay $0x1  }
0x661: {  	[tilespmem:s18+$0xFFFFFF70] =	vst v3  }
0x662: {  	v3 =	vld [tilespmem:s17+$0x6800]  }
0x663: {  	v34 =	vpop (erf)  }
0x664: {  	v7 =	vmul.f32 v34, v30  }
0x665: {  	v35 =	vpop (erf)  }
0x666: {  	[tilespmem:s18+$0xFFFFFE70] =	vst v7;
	v8 =	vadd.f32 $1.000000000e+00, v35;
	v36 =	vpop (erf)  }
0x667: {  	v7 =	vld [tilespmem:s21+$0x6800];
	v9 =	vadd.f32 $1.000000000e+00, v36;
	v3 =	vsub.f32 v33, v3;
	v37 =	vpop (erf)  }
0x668: {  	(erf) = vrcp.f32 v8;
	v38 =	vadd.f32 $1.000000000e+00, v37  }
0x669: {  	(erf) = vrcp.f32 v9;
	v3 =	vmul.f32 $1.442695020e+00, v3  }
0x66a: {  	(erf) = vrcp.f32 v38  }
0x66b: {  	(erf) = vpow2.f32 v3  }
0x66c: {  	v7 =	vsub.f32 v32, v7;
	_ =	sdelay $0x1  }
0x66d: {  	v7 =	vmul.f32 $1.442695020e+00, v7;
	_ =	sdelay $0x1  }
0x66e: {  	(erf) = vpow2.f32 v7  }
0x66f: {  	v40 =	vld [tilespmem:s28+$0x70];
	v3 =	vpop (erf)  }
0x670: {  	v42 =	vld [tilespmem:s13+$0x70];
	v39 =	vpop (erf)  }
0x671: {  	v44 =	vld [tilespmem:s24+$0x70];
	v41 =	vpop (erf)  }
0x672: {  	v46 =	vld [tilespmem:s19+$0x70];
	v43 =	vpop (erf)  }
0x673: {  	v47 =	vld [tilespmem:s26+$0x70];
	v14 =	vadd.f32 $1.000000000e+00, v43  }
0x674: {  	v49 =	vmul.f32 v13, v40;
	v51 =	vld [tilespmem:s7+$0x70]  }
0x675: {  	v4 =	vmul.f32 v4, v42;
	(erf) = vrcp.f32 v14  }
0x676: {  	v52 =	vmul.f32 v11, v44;
	s14 =	sld [smem:$0x7CC];
	[tilespmem:s20+$0xFFFFFF00] =	vst v49  }
0x677: {  	v6 =	vmul.f32 v6, v46;
	v48 =	vld [tilespmem:s6+$0x70];
	[tilespmem:s20+$0xFFFFFF80] =	vst v4;
	v45 =	vpop (erf)  }
0x678: {  	v55 =	vmul.f32 v18, v47;
	v50 =	vld [tilespmem:s3+$0x70];
	[tilespmem:s20+$0xFFFFFE80] =	vst v52;
	v17 =	vadd.f32 $1.000000000e+00, v45  }
0x679: {  	v58 =	vmul.f32 v62, v51;
	v53 =	vld [tilespmem:s15+$0x70];
	[tilespmem:s16+$0x0] =	vst v6  }
0x67a: {  	v5 =	vmul.f32 v5, v28;
	v54 =	vld [tilespmem:s4+$0x70];
	[tilespmem:s16+$0xFFFFFF00] =	vst v55;
	(erf) = vrcp.f32 v17  }
0x67b: {  	v12 =	vmul.f32 v12, v27;
	[tilespmem:s18+$0x0] =	vst v58  }
0x67c: {  	[tilespmem:s14+$0xFFFFFF80] =	vst v5;
	v3 =	vmul.f32 v3, v48  }
0x67d: {  	[tilespmem:s14+$0xFFFFFE80] =	vst v12;
	v57 =	vmul.f32 v39, v50  }
0x67e: {  	[tilespmem:s16+$0xFFFFFF80] =	vst v3;
	v3 =	vmul.f32 v41, v53;
	v59 =	vpop (erf)  }
0x67f: {  	v56 =	vld [tilespmem:s1+$0x70];
	[tilespmem:s16+$0xFFFFFE80] =	vst v57;
	v4 =	vmul.f32 v59, v54  }
0x680: {  	[tilespmem:s18+$0xFFFFFF00] =	vst v3  }
0x681: {  	[tilespmem:s18+$0xFFFFFF80] =	vst v4  }
0x682: {  	s0 =	sld [smem:$0x7BB]  }
0x683: {  	v60 =	vpop (erf)  }
0x684: {  	v3 =	vmul.f32 v60, v56  }
0x685: {  	s0 =	sadd.s32 $0x180, s0  }
0x686: {  	[tilespmem:s18+$0xFFFFFE80] =	vst v3;
	s0 =	sand.u32 $0x1F80, s0  }
0x687: {  	v3 =	vld [tilespmem:s0+$0x0];
	_ =	sdelay $0x4  }
0x688: {  	v61 =	vshll.u32 v3, $0x1  }
0x689: {  	v3 =	vand.u32 $0x7, v3;
	v4 =	vand.u32 $0xFFFFFFF0, v61  }
0x68a: {  	v3 =	vor.u32 v3, v4  }
0x68b: {  	v4 =	vperm.xlane v3, v0;
	_ =	sdelay $0x1  }
0x68c: {  	v3 =	vperm.xlane v3, v2;
	v4 =	vadd.s32 v1, v4;
	_ =	sdelay $0x1  }
0x68d: {  	s18 =	sld [smem:$0x7F6];
	v3 =	vadd.s32 v1, v3;
	_ =	sdelay $0x1  }
0x68e: {  	s19 =	simm.s32 $0x6800;
	s17 =	simm.s32 $0x0  }
0x68f: {  	[tilespmem:s19], [sflag:$0x2] =	stream.indirect_vreg.gather [hbm4b:s18+s17], $0x80, v4, vm0, $0xb8;
	[tilespmem:$0x1F400] =	vst v63  }
0x690: {  	s20 =	simm.s32 $0x7000  }
0x691: {  	[tilespmem:s20], [sflag:$0x2] =	stream.indirect_vreg.gather [hbm4b:s18+s17], $0x80, v3, vm0, $0xb8;
	[tilespmem:$0x1F400] =	vst v63  }
0x692: {  	v3 =	vld [tilespmem:s0+$0x10];
	_ =	sdelay $0x4  }
0x693: {  	v62 =	vshll.u32 v3, $0x1  }
0x694: {  	v3 =	vand.u32 $0x7, v3;
	v4 =	vand.u32 $0xFFFFFFF0, v62  }
0x695: {  	v3 =	vor.u32 v3, v4  }
0x696: {  	v4 =	vperm.xlane v3, v0;
	_ =	sdelay $0x1  }
0x697: {  	v3 =	vperm.xlane v3, v2;
	v4 =	vadd.s32 v1, v4;
	_ =	sdelay $0x1  }
0x698: {  	v3 =	vadd.s32 v1, v3;
	_ =	sdelay $0x1  }
0x699: {  	s21 =	simm.s32 $0x7800  }
0x69a: {  	[tilespmem:s21], [sflag:$0x2] =	stream.indirect_vreg.gather [hbm4b:s18+s17], $0x80, v4, vm0, $0xb8;
	[tilespmem:$0x1F400] =	vst v63  }
0x69b: {  	s22 =	simm.s32 $0x8000;
	s23 =	sor.u32 $0x20, s0  }
0x69c: {  	[tilespmem:s22], [sflag:$0x2] =	stream.indirect_vreg.gather [hbm4b:s18+s17], $0x80, v3, vm0, $0xb8;
	[tilespmem:$0x1F400] =	vst v63  }
0x69d: {  	v3 =	vld.msk [tilespmem:s23+$0x0], $0xff;
	_ =	sdelay $0x4  }
0x69e: {  	v63 =	vshll.u32 v3, $0x1  }
0x69f: {  	v3 =	vand.u32 $0x7, v3;
	v4 =	vand.u32 $0xFFFFFFF0, v63  }
0x6a0: {  	v3 =	vor.u32 v3, v4  }
0x6a1: {  	v3 =	vperm.xlane v3, v0;
	_ =	sdelay $0x1  }
0x6a2: {  	v3 =	vadd.s32 v1, v3;
	_ =	sdelay $0x2  }
0x6a3: {  	s25 =	rddreg [dreg:$0x1]  }
0x6a4: {  	s24 =	simm.s32 $0x8800;
	s29 =	sld [smem:$0x7BC]  }
0x6a5: {  	[tilespmem:s24], [sflag:$0x2] =	stream.indirect_vreg.gather [hbm4b:s18+s17], $0x80, v3, vm0, $0xb8;
	[tilespmem:$0x1F400] =	vst v63  }
0x6a6: {  	s28 =	simm.s32 $0xA400;
	s26 =	simm.s32 $0x28;
	s0 =	sor.u32 $0x2000, s0  }
0x6a7: {  	[tilespmem:s28], [sflag:$0x4] =	stream.indirect.gather [hbm4b:s25+s26], $0x80, s0, s26, $0xb8;
	[tilespmem:$0x1F400] =	vst v63  }
0x6a8: {  	s30 =	rddreg [dreg:$0x3];
	s3 =	simm.s32 $0x5;
	s0 =	sadd.s32 $0x80, s29  }
0x6a9: {  	[spmem:s30] =	stream.indirect.scatter.add.f32 [tilespmem:s28], [sflag:$0x5], $0x80, s0, s26, $0xb8;
	[tilespmem:$0x1F400] =	vst v63  }
0x6aa: {  	_ =	swait.ge [sflag:s3], $0x1400  }
0x6ab: {  	s31 =	sld [smem:$0x7F5];
	_ =	sdelay $0x2  }
0x6ac: {  	s0 =	sadd.s32 $0x1, s31  }
0x6ad: {  	p0 =	sne.s32 s0, $0x7D  }
.Ltmp2:
0x6ae: {  	_ = 	snop;
	(pc) =	sbr.rel @p0 .LBB2_2-.Ltmp2, $3  }
0x6af: {  	_ =	sdelay $0x1  }
0x6b0: {  	[sflag:s3] =	ssyncset.done $0x0  }
0x6b1: {  	s6 =	simm.s32 $0xA400;
	[sflag:s3] =	ssyncadd.s32 $0xFFFFEC00;
	[smem:$0x7F5] =	sst s0  }
0x6b2: {  	s0 =	simm.s32 $0x1  }
0x6b3: {  	_ =	swait.ge [sflag:s0], $0x2800  }
0x6b4: {  	[sflag:s0] =	ssyncset.done $0x0  }
0x6b5: {  	s26 =	simm.s32 $0x3;
	[sflag:s0] =	ssyncadd.s32 $0xFFFFD800  }
0x6b6: {  	_ =	swait.ge [sflag:s26], $0x1400  }
0x6b7: {  	[sflag:s26] =	ssyncset.done $0x0  }
0x6b8: {  	s28 =	simm.s32 $0x2;
	[sflag:s26] =	ssyncadd.s32 $0xFFFFEC00  }
0x6b9: {  	_ =	swait.ge [sflag:s28], $0x2800  }
0x6ba: {  	[sflag:s28] =	ssyncset.done $0x0  }
0x6bb: {  	s29 =	simm.s32 $0x4;
	[sflag:s28] =	ssyncadd.s32 $0xFFFFD800  }
0x6bc: {  	_ =	swait.ge [sflag:s29], $0x1400  }
0x6bd: {  	[sflag:s29] =	ssyncset.done $0x0  }
0x6be: {  	[sflag:s29] =	ssyncadd.s32 $0xFFFFEC00  }
0x6bf: {  	[bflag:$0x0] =	sbarrier.arrive $0xFFFF  }
0x6c0: {  	s30 =	sld [smem:$0x7FA]  }
0x6c1: {  	s5 =	sld [smem:$0x7FC]  }
0x6c2: {  	s2 =	sld [smem:$0x7FD];
	_ =	sdelay $0x2  }
0x6c3: {  	[hbm:s30], [sflag:s5] =	dma.local [spmem:s2], $0x2780  }
0x6c4: {  	_ =	swait.ge [sflag:s3], $0x2780  }
0x6c5: {  	s1 =	sld [smem:$0x7F4]  }
0x6c6: {  	s31 =	sld [smem:$0x7FB];
	_ =	sdelay $0x1  }
0x6c7: {  	s1 =	sadd.s32 $0x1, s1  }
0x6c8: {  	p0 =	sne.s32 s1, s31  }
.Ltmp3:
0x6c9: {  	_ = 	snop;
	(pc) =	sbr.rel @p0 .LBB2_1-.Ltmp3, $3  }
0x6ca: {  	_ =	sdelay $0x1  }
0x6cb: {  	[sflag:s3] =	ssyncset.done $0x0  }
0x6cc: {  	[sflag:s3] =	ssyncadd.s32 $0xFFFFD880  }
0x6cd: {  	_ =	sfence.sel $0x180000  }
0x6ce: {  	[bflag:$0x0] =	sbarrier.arrive $0xFFFF  }
0x6cf: {  	_ =	strace $0x90000047  }
0x6d0: {  	s0 =	stileid.u32;
	[bflag:$0x2] =	sbarrier.arrive $0xFFFF  }
0x6d1: {  	p0 =	sne.s32 s0, $0x0;
	s0 =	rddreg [dreg:$0x4]  }
0x6d2: {  	s0 =	sadd.s32 @!p0 $0x100000, s0  }
0x6d3: {  	[sflag:s0] =	ssyncadd.tile.s32 @!p0 $0x1;
	_ =	shalt  }
.Lfunc_end2:
_tile_overlayer_lowered:
.L_overlay_start_2:
0x6d4: {  	(tag) =	ssettag $0x2  }
0x6d5: {  	s0 =	rddreg [dreg:$0x0];
	s2 =	stileid.u32  }
0x6d6: {  	s1 =	rddreg [dreg:$0x1];
	p0 =	sne.s32 s2, $0x0  }
0x6d7: {  	s3 =	rddreg [dreg:$0x2];
	[bflag:$0x3] =	sbarrier.arrive $0xFFFF;
	s2 =	simm.s32 @!p0 $0x1C05  }
0x6d8: {  	[timem:s3], [sflag:s2] =	dma.local @!p0 [hbm:s0], s1  }
0x6d9: {  	s0 =	simm.s32 @!p0 $0x5  }
0x6da: {  	_ =	swait.ge @!p0 [sflag:s0], s1  }
0x6db: {  	s1 =	ssub.s32 @!p0 $0x0, s1;
	[sflag:s0] =	ssyncset.done @!p0 $0x0  }
0x6dc: {  	[sflag:s0] =	ssyncadd.s32 @!p0 s1  }
0x6dd: {  	[bflag:$0x3] =	sbarrier.arrive $0xFFFF  }
0x6de: {  	_ =	shalt  }

</sc_bundles>
